<compile_context>
chip_gen: v7x
topology: tpu7x:2x2x1
jax: 0.10.2.dev20260603
libtpu: 0.0.44.dev20260713+nightly
codegen_flags: <defaults>
</compile_context>

<pallas_src>
import functools

import jax
import jax.numpy as jnp
from jax import lax
from jax.experimental import pallas as pl
from jax.experimental.pallas import tpu as pltpu
from jax.experimental.pallas import tpu_sc as plsc

_D = 64
_DP = 128
_SCALE = 10.0
_NW = 32
_G = 4
_NBUF = 8


def _build(B, S):
    b_per_w = B // _NW
    i_per_w = b_per_w * S
    gsz = _G * S
    n_groups = b_per_w // _G
    n_rounds = n_groups // _NBUF
    assert B % _NW == 0 and b_per_w % (_G * _NBUF) == 0 and gsz <= 128
    mesh = plsc.VectorSubcoreMesh(core_axis_name="c", subcore_axis_name="s")

    @functools.partial(
        pl.kernel,
        mesh=mesh,
        compiler_params=pltpu.CompilerParams(use_tc_tiling_on_sc=False),
        out_type=jax.ShapeDtypeStruct((B, (S + 7) // 8 * 8, _DP), jnp.float32),
        scratch_types=[
            pltpu.VMEM((i_per_w,), jnp.int32),
            pltpu.VMEM((_NBUF, gsz, _D), jnp.float32),
            pltpu.SemaphoreType.DMA,
        ]
        + [pltpu.SemaphoreType.DMA] * _NBUF
        + [pltpu.SemaphoreType.DMA] * _NBUF,
    )
    def embed(table_hbm, idx_hbm, out_hbm, idx_v, rows_v, isem, *bsems):
        gsem = bsems[:_NBUF]
        ssem = bsems[_NBUF:]
        wid = lax.axis_index("s") * 2 + lax.axis_index("c")
        base = wid * b_per_w
        pltpu.async_copy(idx_hbm.at[pl.ds(base * S, i_per_w)], idx_v, isem).wait()

        def start_gather(g, b):
            pltpu.async_copy(
                table_hbm.at[idx_v.at[pl.ds(g * gsz, gsz)]], rows_v.at[b], gsem[b]
            )

        def wait_gather(b):
            pltpu.make_async_copy(
                table_hbm.at[idx_v.at[pl.ds(0, gsz)]], rows_v.at[b], gsem[b]
            ).wait()

        def start_stores(g, b):
            for i in range(_G):
                pltpu.async_copy(
                    rows_v.at[b, pl.ds(i * S, S)],
                    out_hbm.at[base + g * _G + i, pl.ds(0, S), pl.ds(0, _D)],
                    ssem[b],
                )

        def wait_stores(b):
            for i in range(_G):
                pltpu.make_async_copy(
                    out_hbm.at[0, pl.ds(0, S), pl.ds(0, _D)],
                    rows_v.at[b, pl.ds(i * S, S)],
                    ssem[b],
                ).wait()

        def scale(b):
            def cbody(j0, _, b=b):
                j = j0 * 2
                for dj in range(2):
                    for c in range(_D // 16):
                        sl = pl.ds(c * 16, 16)
                        rows_v[b, j + dj, sl] = rows_v[b, j + dj, sl] * _SCALE
                return _

            lax.fori_loop(0, gsz // 2, cbody, None)

        for b in range(_NBUF):
            start_gather(b, b)

        def round_body(r, _):
            g0 = r * _NBUF
            for b in range(_NBUF):
                wait_gather(b)
                scale(b)
                start_stores(g0 + b, b)

            @pl.when(r < n_rounds - 1)
            def _refill():
                for b in range(_NBUF):
                    wait_stores(b)
                    start_gather(g0 + _NBUF + b, b)

            @pl.when(r == n_rounds - 1)
            def _drain():
                for b in range(_NBUF):
                    wait_stores(b)

            return _

        lax.fori_loop(0, n_rounds, round_body, None)

    return embed


def kernel(x, weight):
    B, S = x.shape
    out2 = _build(B, S)(weight, x.astype(jnp.int32).reshape(-1))
    return out2[:, :S, :_D]

# --- scband reference (transcript-rebuilt; emitter-appended) ---
"""Pipeline reference for scband-scaled-embedding-90494960927119 (READ-ONLY COPY).

The authoritative reference and input builder live on the scoring server;
editing this copy changes nothing except your own understanding.
"""

import jax, jax.numpy as jnp
import numpy as np

NUM_EMBEDDINGS = 1000000
EMBEDDING_DIM = 64
SCALE = 10.0


def setup_inputs(seed: int = 0) -> dict:
    key = jax.random.key(seed)
    k_idx, k_w = jax.random.split(key)
    x = jax.random.randint(k_idx, (16384, 26), 0, NUM_EMBEDDINGS, dtype=jnp.int64)
    # nn.Embedding init ~ N(0,1), then divided by scale in __init__ (smooth=False)
    weight = jax.random.normal(k_w, (NUM_EMBEDDINGS, EMBEDDING_DIM), dtype=jnp.float32) / SCALE
    return {"x": x, "weight": weight}


def reference(x, weight):
    # forward: embedding(x) * scale
    out = jnp.take(weight, x, axis=0) * SCALE
    return out

if __name__ == "__main__":
    import jax
    _d = setup_inputs()
    print(jax.jit(kernel)(*tuple(_d.values())))

</pallas_src>

<mosaic_0001>
#map = affine_map<(d0, d1) -> (0, 0)>
#map1 = affine_map<(d0, d1) -> (0)>
#map2 = affine_map<(d0, d1) -> (0, 0, 0)>
module attributes {stable_mosaic.version = 14 : i64} {
  func.func @embed(%arg0: i32, %arg1: i32, %arg2: memref<1000000x64xf32, #tpu.memory_space<hbm>>, %arg3: memref<425984xi32, #tpu.memory_space<hbm>>, %arg4: memref<16384x32x128xf32, #tpu.memory_space<hbm>>, %arg5: memref<13312xi32, #tpu.memory_space<vmem>>, %arg6: memref<8x104x64xf32, #tpu.memory_space<vmem>>, %arg7: memref<!tpu.dma_semaphore, #tpu.memory_space<semaphore_mem>>, %arg8: memref<!tpu.dma_semaphore, #tpu.memory_space<semaphore_mem>>, %arg9: memref<!tpu.dma_semaphore, #tpu.memory_space<semaphore_mem>>, %arg10: memref<!tpu.dma_semaphore, #tpu.memory_space<semaphore_mem>>, %arg11: memref<!tpu.dma_semaphore, #tpu.memory_space<semaphore_mem>>, %arg12: memref<!tpu.dma_semaphore, #tpu.memory_space<semaphore_mem>>, %arg13: memref<!tpu.dma_semaphore, #tpu.memory_space<semaphore_mem>>, %arg14: memref<!tpu.dma_semaphore, #tpu.memory_space<semaphore_mem>>, %arg15: memref<!tpu.dma_semaphore, #tpu.memory_space<semaphore_mem>>, %arg16: memref<!tpu.dma_semaphore, #tpu.memory_space<semaphore_mem>>, %arg17: memref<!tpu.dma_semaphore, #tpu.memory_space<semaphore_mem>>, %arg18: memref<!tpu.dma_semaphore, #tpu.memory_space<semaphore_mem>>, %arg19: memref<!tpu.dma_semaphore, #tpu.memory_space<semaphore_mem>>, %arg20: memref<!tpu.dma_semaphore, #tpu.memory_space<semaphore_mem>>, %arg21: memref<!tpu.dma_semaphore, #tpu.memory_space<semaphore_mem>>, %arg22: memref<!tpu.dma_semaphore, #tpu.memory_space<semaphore_mem>>, %arg23: memref<!tpu.dma_semaphore, #tpu.memory_space<semaphore_mem>>) attributes {dimension_semantics = [#tpu.dimension_semantics<core_parallel>, #tpu.dimension_semantics<subcore_parallel>], iteration_bounds = array<i64: 2, 16>, scalar_prefetch = 0 : i64, scratch_operands = 19 : i64, tpu.core_type = #tpu.core_type<sc_vector_subcore>, window_params = [{transform_indices = #map}, {transform_indices = #map1}, {transform_indices = #map2}]} {
    %mul3A = arith.constant 2 : i32
    %mul3A_0 = arith.muli %arg1, %mul3A : i32
    %add3A = arith.addi %mul3A_0, %arg0 : i32
    %mul3A_1 = arith.constant 512 : i32
    %mul3A_2 = arith.muli %add3A, %mul3A_1 : i32
    %mul3A_3 = arith.constant 26 : i32
    %mul3A_4 = arith.muli %mul3A_2, %mul3A_3 : i32
    %dma_start3A = tpu.memref_slice %arg3[%mul3A_4] : memref<425984xi32, #tpu.memory_space<hbm>> -> memref<13312xi32, #tpu.memory_space<hbm>>
    %dma_start3A_5 = tpu.memref_slice %arg3[%mul3A_4] : memref<425984xi32, #tpu.memory_space<hbm>> -> memref<13312xi32, #tpu.memory_space<hbm>>
    tpu.enqueue_dma source(%dma_start3A_5 : memref<13312xi32, #tpu.memory_space<hbm>>) target(%arg5 : memref<13312xi32, #tpu.memory_space<vmem>>) target_semaphore(%arg7 : memref<!tpu.dma_semaphore, #tpu.memory_space<semaphore_mem>>)
    %dma_wait3A = tpu.memref_slice %arg3[%mul3A_4] : memref<425984xi32, #tpu.memory_space<hbm>> -> memref<13312xi32, #tpu.memory_space<hbm>>
    %dma_wait3A_6 = tpu.memref_slice %arg3[%mul3A_4] : memref<425984xi32, #tpu.memory_space<hbm>> -> memref<13312xi32, #tpu.memory_space<hbm>>
    tpu.wait_dma2 semaphore(%arg7 : memref<!tpu.dma_semaphore, #tpu.memory_space<semaphore_mem>>) src(%dma_wait3A_6 : memref<13312xi32, #tpu.memory_space<hbm>>) dst(%arg5 : memref<13312xi32, #tpu.memory_space<vmem>>)
    %dma_start3A_7 = arith.constant 0 : i32
    %dma_start3A_8 = arith.constant 0 : i32
    %dma_start3A_9 = arith.constant 0 : i32
    %dma_start3A_10 = tpu.memref_slice %arg6[%dma_start3A_7, %dma_start3A_8, %dma_start3A_9] : memref<8x104x64xf32, #tpu.memory_space<vmem>> -> memref<1x104x64xf32, #tpu.memory_space<vmem>>
    %dma_start3A_11 = tpu.memref_squeeze %dma_start3A_10 : memref<1x104x64xf32, #tpu.memory_space<vmem>> -> memref<104x64xf32, #tpu.memory_space<vmem>>
    %dma_start3A_12 = arith.constant 0 : i32
    %dma_start3A_13 = tpu.memref_slice %arg5[%dma_start3A_12] : memref<13312xi32, #tpu.memory_space<vmem>> -> memref<104xi32, #tpu.memory_space<vmem>>
    %dma_start3A_14 = arith.constant 0 : i32
    %dma_start3A_15 = arith.constant 0 : i32
    %dma_start3A_16 = tpu.memref_slice %arg2[%dma_start3A_14, %dma_start3A_15] : memref<1000000x64xf32, #tpu.memory_space<hbm>> -> memref<1000000x64xf32, #tpu.memory_space<hbm>>
    tpu.enqueue_indirect_dma source(%dma_start3A_16 : memref<1000000x64xf32, #tpu.memory_space<hbm>>) target(%dma_start3A_11 : memref<104x64xf32, #tpu.memory_space<vmem>>) offsets(%dma_start3A_13 : memref<104xi32, #tpu.memory_space<vmem>>) semaphore(%arg8 : memref<!tpu.dma_semaphore, #tpu.memory_space<semaphore_mem>>)
    %dma_start3A_17 = arith.constant 1 : i32
    %dma_start3A_18 = arith.constant 0 : i32
    %dma_start3A_19 = arith.constant 0 : i32
    %dma_start3A_20 = tpu.memref_slice %arg6[%dma_start3A_17, %dma_start3A_18, %dma_start3A_19] : memref<8x104x64xf32, #tpu.memory_space<vmem>> -> memref<1x104x64xf32, #tpu.memory_space<vmem>>
    %dma_start3A_21 = tpu.memref_squeeze %dma_start3A_20 : memref<1x104x64xf32, #tpu.memory_space<vmem>> -> memref<104x64xf32, #tpu.memory_space<vmem>>
    %dma_start3A_22 = arith.constant 104 : i32
    %dma_start3A_23 = tpu.memref_slice %arg5[%dma_start3A_22] : memref<13312xi32, #tpu.memory_space<vmem>> -> memref<104xi32, #tpu.memory_space<vmem>>
    %dma_start3A_24 = arith.constant 0 : i32
    %dma_start3A_25 = arith.constant 0 : i32
    %dma_start3A_26 = tpu.memref_slice %arg2[%dma_start3A_24, %dma_start3A_25] : memref<1000000x64xf32, #tpu.memory_space<hbm>> -> memref<1000000x64xf32, #tpu.memory_space<hbm>>
    tpu.enqueue_indirect_dma source(%dma_start3A_26 : memref<1000000x64xf32, #tpu.memory_space<hbm>>) target(%dma_start3A_21 : memref<104x64xf32, #tpu.memory_space<vmem>>) offsets(%dma_start3A_23 : memref<104xi32, #tpu.memory_space<vmem>>) semaphore(%arg9 : memref<!tpu.dma_semaphore, #tpu.memory_space<semaphore_mem>>)
    %dma_start3A_27 = arith.constant 2 : i32
    %dma_start3A_28 = arith.constant 0 : i32
    %dma_start3A_29 = arith.constant 0 : i32
    %dma_start3A_30 = tpu.memref_slice %arg6[%dma_start3A_27, %dma_start3A_28, %dma_start3A_29] : memref<8x104x64xf32, #tpu.memory_space<vmem>> -> memref<1x104x64xf32, #tpu.memory_space<vmem>>
    %dma_start3A_31 = tpu.memref_squeeze %dma_start3A_30 : memref<1x104x64xf32, #tpu.memory_space<vmem>> -> memref<104x64xf32, #tpu.memory_space<vmem>>
    %dma_start3A_32 = arith.constant 208 : i32
    %dma_start3A_33 = tpu.memref_slice %arg5[%dma_start3A_32] : memref<13312xi32, #tpu.memory_space<vmem>> -> memref<104xi32, #tpu.memory_space<vmem>>
    %dma_start3A_34 = arith.constant 0 : i32
    %dma_start3A_35 = arith.constant 0 : i32
    %dma_start3A_36 = tpu.memref_slice %arg2[%dma_start3A_34, %dma_start3A_35] : memref<1000000x64xf32, #tpu.memory_space<hbm>> -> memref<1000000x64xf32, #tpu.memory_space<hbm>>
    tpu.enqueue_indirect_dma source(%dma_start3A_36 : memref<1000000x64xf32, #tpu.memory_space<hbm>>) target(%dma_start3A_31 : memref<104x64xf32, #tpu.memory_space<vmem>>) offsets(%dma_start3A_33 : memref<104xi32, #tpu.memory_space<vmem>>) semaphore(%arg10 : memref<!tpu.dma_semaphore, #tpu.memory_space<semaphore_mem>>)
    %dma_start3A_37 = arith.constant 3 : i32
    %dma_start3A_38 = arith.constant 0 : i32
    %dma_start3A_39 = arith.constant 0 : i32
    %dma_start3A_40 = tpu.memref_slice %arg6[%dma_start3A_37, %dma_start3A_38, %dma_start3A_39] : memref<8x104x64xf32, #tpu.memory_space<vmem>> -> memref<1x104x64xf32, #tpu.memory_space<vmem>>
    %dma_start3A_41 = tpu.memref_squeeze %dma_start3A_40 : memref<1x104x64xf32, #tpu.memory_space<vmem>> -> memref<104x64xf32, #tpu.memory_space<vmem>>
    %dma_start3A_42 = arith.constant 312 : i32
    %dma_start3A_43 = tpu.memref_slice %arg5[%dma_start3A_42] : memref<13312xi32, #tpu.memory_space<vmem>> -> memref<104xi32, #tpu.memory_space<vmem>>
    %dma_start3A_44 = arith.constant 0 : i32
    %dma_start3A_45 = arith.constant 0 : i32
    %dma_start3A_46 = tpu.memref_slice %arg2[%dma_start3A_44, %dma_start3A_45] : memref<1000000x64xf32, #tpu.memory_space<hbm>> -> memref<1000000x64xf32, #tpu.memory_space<hbm>>
    tpu.enqueue_indirect_dma source(%dma_start3A_46 : memref<1000000x64xf32, #tpu.memory_space<hbm>>) target(%dma_start3A_41 : memref<104x64xf32, #tpu.memory_space<vmem>>) offsets(%dma_start3A_43 : memref<104xi32, #tpu.memory_space<vmem>>) semaphore(%arg11 : memref<!tpu.dma_semaphore, #tpu.memory_space<semaphore_mem>>)
    %dma_start3A_47 = arith.constant 4 : i32
    %dma_start3A_48 = arith.constant 0 : i32
    %dma_start3A_49 = arith.constant 0 : i32
    %dma_start3A_50 = tpu.memref_slice %arg6[%dma_start3A_47, %dma_start3A_48, %dma_start3A_49] : memref<8x104x64xf32, #tpu.memory_space<vmem>> -> memref<1x104x64xf32, #tpu.memory_space<vmem>>
    %dma_start3A_51 = tpu.memref_squeeze %dma_start3A_50 : memref<1x104x64xf32, #tpu.memory_space<vmem>> -> memref<104x64xf32, #tpu.memory_space<vmem>>
    %dma_start3A_52 = arith.constant 416 : i32
    %dma_start3A_53 = tpu.memref_slice %arg5[%dma_start3A_52] : memref<13312xi32, #tpu.memory_space<vmem>> -> memref<104xi32, #tpu.memory_space<vmem>>
    %dma_start3A_54 = arith.constant 0 : i32
    %dma_start3A_55 = arith.constant 0 : i32
    %dma_start3A_56 = tpu.memref_slice %arg2[%dma_start3A_54, %dma_start3A_55] : memref<1000000x64xf32, #tpu.memory_space<hbm>> -> memref<1000000x64xf32, #tpu.memory_space<hbm>>
    tpu.enqueue_indirect_dma source(%dma_start3A_56 : memref<1000000x64xf32, #tpu.memory_space<hbm>>) target(%dma_start3A_51 : memref<104x64xf32, #tpu.memory_space<vmem>>) offsets(%dma_start3A_53 : memref<104xi32, #tpu.memory_space<vmem>>) semaphore(%arg12 : memref<!tpu.dma_semaphore, #tpu.memory_space<semaphore_mem>>)
    %dma_start3A_57 = arith.constant 5 : i32
    %dma_start3A_58 = arith.constant 0 : i32
    %dma_start3A_59 = arith.constant 0 : i32
    %dma_start3A_60 = tpu.memref_slice %arg6[%dma_start3A_57, %dma_start3A_58, %dma_start3A_59] : memref<8x104x64xf32, #tpu.memory_space<vmem>> -> memref<1x104x64xf32, #tpu.memory_space<vmem>>
    %dma_start3A_61 = tpu.memref_squeeze %dma_start3A_60 : memref<1x104x64xf32, #tpu.memory_space<vmem>> -> memref<104x64xf32, #tpu.memory_space<vmem>>
    %dma_start3A_62 = arith.constant 520 : i32
    %dma_start3A_63 = tpu.memref_slice %arg5[%dma_start3A_62] : memref<13312xi32, #tpu.memory_space<vmem>> -> memref<104xi32, #tpu.memory_space<vmem>>
    %dma_start3A_64 = arith.constant 0 : i32
    %dma_start3A_65 = arith.constant 0 : i32
    %dma_start3A_66 = tpu.memref_slice %arg2[%dma_start3A_64, %dma_start3A_65] : memref<1000000x64xf32, #tpu.memory_space<hbm>> -> memref<1000000x64xf32, #tpu.memory_space<hbm>>
    tpu.enqueue_indirect_dma source(%dma_start3A_66 : memref<1000000x64xf32, #tpu.memory_space<hbm>>) target(%dma_start3A_61 : memref<104x64xf32, #tpu.memory_space<vmem>>) offsets(%dma_start3A_63 : memref<104xi32, #tpu.memory_space<vmem>>) semaphore(%arg13 : memref<!tpu.dma_semaphore, #tpu.memory_space<semaphore_mem>>)
    %dma_start3A_67 = arith.constant 6 : i32
    %dma_start3A_68 = arith.constant 0 : i32
    %dma_start3A_69 = arith.constant 0 : i32
    %dma_start3A_70 = tpu.memref_slice %arg6[%dma_start3A_67, %dma_start3A_68, %dma_start3A_69] : memref<8x104x64xf32, #tpu.memory_space<vmem>> -> memref<1x104x64xf32, #tpu.memory_space<vmem>>
    %dma_start3A_71 = tpu.memref_squeeze %dma_start3A_70 : memref<1x104x64xf32, #tpu.memory_space<vmem>> -> memref<104x64xf32, #tpu.memory_space<vmem>>
    %dma_start3A_72 = arith.constant 624 : i32
    %dma_start3A_73 = tpu.memref_slice %arg5[%dma_start3A_72] : memref<13312xi32, #tpu.memory_space<vmem>> -> memref<104xi32, #tpu.memory_space<vmem>>
    %dma_start3A_74 = arith.constant 0 : i32
    %dma_start3A_75 = arith.constant 0 : i32
    %dma_start3A_76 = tpu.memref_slice %arg2[%dma_start3A_74, %dma_start3A_75] : memref<1000000x64xf32, #tpu.memory_space<hbm>> -> memref<1000000x64xf32, #tpu.memory_space<hbm>>
    tpu.enqueue_indirect_dma source(%dma_start3A_76 : memref<1000000x64xf32, #tpu.memory_space<hbm>>) target(%dma_start3A_71 : memref<104x64xf32, #tpu.memory_space<vmem>>) offsets(%dma_start3A_73 : memref<104xi32, #tpu.memory_space<vmem>>) semaphore(%arg14 : memref<!tpu.dma_semaphore, #tpu.memory_space<semaphore_mem>>)
    %dma_start3A_77 = arith.constant 7 : i32
    %dma_start3A_78 = arith.constant 0 : i32
    %dma_start3A_79 = arith.constant 0 : i32
    %dma_start3A_80 = tpu.memref_slice %arg6[%dma_start3A_77, %dma_start3A_78, %dma_start3A_79] : memref<8x104x64xf32, #tpu.memory_space<vmem>> -> memref<1x104x64xf32, #tpu.memory_space<vmem>>
    %dma_start3A_81 = tpu.memref_squeeze %dma_start3A_80 : memref<1x104x64xf32, #tpu.memory_space<vmem>> -> memref<104x64xf32, #tpu.memory_space<vmem>>
    %dma_start3A_82 = arith.constant 728 : i32
    %dma_start3A_83 = tpu.memref_slice %arg5[%dma_start3A_82] : memref<13312xi32, #tpu.memory_space<vmem>> -> memref<104xi32, #tpu.memory_space<vmem>>
    %dma_start3A_84 = arith.constant 0 : i32
    %dma_start3A_85 = arith.constant 0 : i32
    %dma_start3A_86 = tpu.memref_slice %arg2[%dma_start3A_84, %dma_start3A_85] : memref<1000000x64xf32, #tpu.memory_space<hbm>> -> memref<1000000x64xf32, #tpu.memory_space<hbm>>
    tpu.enqueue_indirect_dma source(%dma_start3A_86 : memref<1000000x64xf32, #tpu.memory_space<hbm>>) target(%dma_start3A_81 : memref<104x64xf32, #tpu.memory_space<vmem>>) offsets(%dma_start3A_83 : memref<104xi32, #tpu.memory_space<vmem>>) semaphore(%arg15 : memref<!tpu.dma_semaphore, #tpu.memory_space<semaphore_mem>>)
    %scan3A = arith.constant 0 : i32
    %scan3A_87 = arith.constant 16 : i32
    %scan3A_88 = arith.addi %scan3A, %scan3A_87 : i32
    %scan3A_89 = arith.constant 1 : i32
    scf.for %scan3A_91 = %scan3A to %scan3A_88 step %scan3A_89  : i32 {
      %mul3A_92 = arith.constant 8 : i32
      %mul3A_93 = arith.muli %scan3A_91, %mul3A_92 : i32
      %dma_wait3A_94 = arith.constant 0 : i32
      %dma_wait3A_95 = arith.constant 0 : i32
      %dma_wait3A_96 = arith.constant 0 : i32
      %dma_wait3A_97 = tpu.memref_slice %arg6[%dma_wait3A_94, %dma_wait3A_95, %dma_wait3A_96] : memref<8x104x64xf32, #tpu.memory_space<vmem>> -> memref<1x104x64xf32, #tpu.memory_space<vmem>>
      %dma_wait3A_98 = tpu.memref_squeeze %dma_wait3A_97 : memref<1x104x64xf32, #tpu.memory_space<vmem>> -> memref<104x64xf32, #tpu.memory_space<vmem>>
      %dma_wait3A_99 = arith.constant 0 : i32
      %dma_wait3A_100 = tpu.memref_slice %arg5[%dma_wait3A_99] : memref<13312xi32, #tpu.memory_space<vmem>> -> memref<104xi32, #tpu.memory_space<vmem>>
      %dma_wait3A_101 = arith.constant 0 : i32
      %dma_wait3A_102 = arith.constant 0 : i32
      %dma_wait3A_103 = tpu.memref_slice %arg2[%dma_wait3A_101, %dma_wait3A_102] : memref<1000000x64xf32, #tpu.memory_space<hbm>> -> memref<1000000x64xf32, #tpu.memory_space<hbm>>
      tpu.wait_indirect_dma semaphore(%arg8 : memref<!tpu.dma_semaphore, #tpu.memory_space<semaphore_mem>>) src(%dma_wait3A_103 : memref<1000000x64xf32, #tpu.memory_space<hbm>>) dst(%dma_wait3A_98 : memref<104x64xf32, #tpu.memory_space<vmem>>)
      %scan3A_104 = arith.constant 0 : i32
      %scan3A_105 = arith.constant 52 : i32
      %scan3A_106 = arith.addi %scan3A_104, %scan3A_105 : i32
      %scan3A_107 = arith.constant 1 : i32
      scf.for %scan3A_940 = %scan3A_104 to %scan3A_106 step %scan3A_107  : i32 {
        %mul3A_941 = arith.constant 2 : i32
        %mul3A_942 = arith.muli %scan3A_940, %mul3A_941 : i32
        %add3A_943 = arith.constant 0 : i32
        %add3A_944 = arith.addi %mul3A_942, %add3A_943 : i32
        %get3A = arith.constant 0 : i32
        %get3A_945 = arith.index_cast %get3A : i32 to index
        %get3A_946 = arith.index_cast %add3A_944 : i32 to index
        %get3A_947 = arith.constant 0 : index
        %get3A_948 = tpu.vector_load %arg6[%get3A_945, %get3A_946, %get3A_947] {strides = array<i32>} : memref<8x104x64xf32, #tpu.memory_space<vmem>>, vector<1x1x16xf32>,
        %get3A_949 = vector.shape_cast %get3A_948 : vector<1x1x16xf32> to vector<16xf32>
        %mul3A_950 = arith.constant 1.000000e+01 : f32
        %mul3A_951 = vector.broadcast %mul3A_950 : f32 to vector<16xf32>
        %mul3A_952 = arith.mulf %get3A_949, %mul3A_951 : vector<16xf32>
        %add3A_953 = arith.constant 0 : i32
        %add3A_954 = arith.addi %mul3A_942, %add3A_953 : i32
        %swap3A = arith.constant 0 : i32
        %swap3A_955 = arith.index_cast %swap3A : i32 to index
        %swap3A_956 = arith.index_cast %add3A_954 : i32 to index
        %swap3A_957 = arith.constant 0 : index
        %swap3A_958 = tpu.vector_load %arg6[%swap3A_955, %swap3A_956, %swap3A_957] {strides = array<i32>} : memref<8x104x64xf32, #tpu.memory_space<vmem>>, vector<1x1x16xf32>,
        %swap3A_959 = vector.shape_cast %swap3A_958 : vector<1x1x16xf32> to vector<16xf32>
        %swap3A_960 = vector.shape_cast %mul3A_952 : vector<16xf32> to vector<1x1x16xf32>
        tpu.vector_store %arg6[%swap3A_955, %swap3A_956, %swap3A_957], %swap3A_960 {strides = array<i32>} : memref<8x104x64xf32, #tpu.memory_space<vmem>>, vector<1x1x16xf32>,
        %add3A_961 = arith.constant 0 : i32
        %add3A_962 = arith.addi %mul3A_942, %add3A_961 : i32
        %get3A_963 = arith.constant 0 : i32
        %get3A_964 = arith.index_cast %get3A_963 : i32 to index
        %get3A_965 = arith.index_cast %add3A_962 : i32 to index
        %get3A_966 = arith.constant 16 : index
        %get3A_967 = tpu.vector_load %arg6[%get3A_964, %get3A_965, %get3A_966] {strides = array<i32>} : memref<8x104x64xf32, #tpu.memory_space<vmem>>, vector<1x1x16xf32>,
        %get3A_968 = vector.shape_cast %get3A_967 : vector<1x1x16xf32> to vector<16xf32>
        %mul3A_969 = arith.constant 1.000000e+01 : f32
        %mul3A_970 = vector.broadcast %mul3A_969 : f32 to vector<16xf32>
        %mul3A_971 = arith.mulf %get3A_968, %mul3A_970 : vector<16xf32>
        %add3A_972 = arith.constant 0 : i32
        %add3A_973 = arith.addi %mul3A_942, %add3A_972 : i32
        %swap3A_974 = arith.constant 0 : i32
        %swap3A_975 = arith.index_cast %swap3A_974 : i32 to index
        %swap3A_976 = arith.index_cast %add3A_973 : i32 to index
        %swap3A_977 = arith.constant 16 : index
        %swap3A_978 = tpu.vector_load %arg6[%swap3A_975, %swap3A_976, %swap3A_977] {strides = array<i32>} : memref<8x104x64xf32, #tpu.memory_space<vmem>>, vector<1x1x16xf32>,
        %swap3A_979 = vector.shape_cast %swap3A_978 : vector<1x1x16xf32> to vector<16xf32>
        %swap3A_980 = vector.shape_cast %mul3A_971 : vector<16xf32> to vector<1x1x16xf32>
        tpu.vector_store %arg6[%swap3A_975, %swap3A_976, %swap3A_977], %swap3A_980 {strides = array<i32>} : memref<8x104x64xf32, #tpu.memory_space<vmem>>, vector<1x1x16xf32>,
        %add3A_981 = arith.constant 0 : i32
        %add3A_982 = arith.addi %mul3A_942, %add3A_981 : i32
        %get3A_983 = arith.constant 0 : i32
        %get3A_984 = arith.index_cast %get3A_983 : i32 to index
        %get3A_985 = arith.index_cast %add3A_982 : i32 to index
        %get3A_986 = arith.constant 32 : index
        %get3A_987 = tpu.vector_load %arg6[%get3A_984, %get3A_985, %get3A_986] {strides = array<i32>} : memref<8x104x64xf32, #tpu.memory_space<vmem>>, vector<1x1x16xf32>,
        %get3A_988 = vector.shape_cast %get3A_987 : vector<1x1x16xf32> to vector<16xf32>
        %mul3A_989 = arith.constant 1.000000e+01 : f32
        %mul3A_990 = vector.broadcast %mul3A_989 : f32 to vector<16xf32>
        %mul3A_991 = arith.mulf %get3A_988, %mul3A_990 : vector<16xf32>
        %add3A_992 = arith.constant 0 : i32
        %add3A_993 = arith.addi %mul3A_942, %add3A_992 : i32
        %swap3A_994 = arith.constant 0 : i32
        %swap3A_995 = arith.index_cast %swap3A_994 : i32 to index
        %swap3A_996 = arith.index_cast %add3A_993 : i32 to index
        %swap3A_997 = arith.constant 32 : index
        %swap3A_998 = tpu.vector_load %arg6[%swap3A_995, %swap3A_996, %swap3A_997] {strides = array<i32>} : memref<8x104x64xf32, #tpu.memory_space<vmem>>, vector<1x1x16xf32>,
        %swap3A_999 = vector.shape_cast %swap3A_998 : vector<1x1x16xf32> to vector<16xf32>
        %swap3A_1000 = vector.shape_cast %mul3A_991 : vector<16xf32> to vector<1x1x16xf32>
        tpu.vector_store %arg6[%swap3A_995, %swap3A_996, %swap3A_997], %swap3A_1000 {strides = array<i32>} : memref<8x104x64xf32, #tpu.memory_space<vmem>>, vector<1x1x16xf32>,
        %add3A_1001 = arith.constant 0 : i32
        %add3A_1002 = arith.addi %mul3A_942, %add3A_1001 : i32
        %get3A_1003 = arith.constant 0 : i32
        %get3A_1004 = arith.index_cast %get3A_1003 : i32 to index
        %get3A_1005 = arith.index_cast %add3A_1002 : i32 to index
        %get3A_1006 = arith.constant 48 : index
        %get3A_1007 = tpu.vector_load %arg6[%get3A_1004, %get3A_1005, %get3A_1006] {strides = array<i32>} : memref<8x104x64xf32, #tpu.memory_space<vmem>>, vector<1x1x16xf32>,
        %get3A_1008 = vector.shape_cast %get3A_1007 : vector<1x1x16xf32> to vector<16xf32>
        %mul3A_1009 = arith.constant 1.000000e+01 : f32
        %mul3A_1010 = vector.broadcast %mul3A_1009 : f32 to vector<16xf32>
        %mul3A_1011 = arith.mulf %get3A_1008, %mul3A_1010 : vector<16xf32>
        %add3A_1012 = arith.constant 0 : i32
        %add3A_1013 = arith.addi %mul3A_942, %add3A_1012 : i32
        %swap3A_1014 = arith.constant 0 : i32
        %swap3A_1015 = arith.index_cast %swap3A_1014 : i32 to index
        %swap3A_1016 = arith.index_cast %add3A_1013 : i32 to index
        %swap3A_1017 = arith.constant 48 : index
        %swap3A_1018 = tpu.vector_load %arg6[%swap3A_1015, %swap3A_1016, %swap3A_1017] {strides = array<i32>} : memref<8x104x64xf32, #tpu.memory_space<vmem>>, vector<1x1x16xf32>,
        %swap3A_1019 = vector.shape_cast %swap3A_1018 : vector<1x1x16xf32> to vector<16xf32>
        %swap3A_1020 = vector.shape_cast %mul3A_1011 : vector<16xf32> to vector<1x1x16xf32>
        tpu.vector_store %arg6[%swap3A_1015, %swap3A_1016, %swap3A_1017], %swap3A_1020 {strides = array<i32>} : memref<8x104x64xf32, #tpu.memory_space<vmem>>, vector<1x1x16xf32>,
        %add3A_1021 = arith.constant 1 : i32
        %add3A_1022 = arith.addi %mul3A_942, %add3A_1021 : i32
        %get3A_1023 = arith.constant 0 : i32
        %get3A_1024 = arith.index_cast %get3A_1023 : i32 to index
        %get3A_1025 = arith.index_cast %add3A_1022 : i32 to index
        %get3A_1026 = arith.constant 0 : index
        %get3A_1027 = tpu.vector_load %arg6[%get3A_1024, %get3A_1025, %get3A_1026] {strides = array<i32>} : memref<8x104x64xf32, #tpu.memory_space<vmem>>, vector<1x1x16xf32>,
        %get3A_1028 = vector.shape_cast %get3A_1027 : vector<1x1x16xf32> to vector<16xf32>
        %mul3A_1029 = arith.constant 1.000000e+01 : f32
        %mul3A_1030 = vector.broadcast %mul3A_1029 : f32 to vector<16xf32>
        %mul3A_1031 = arith.mulf %get3A_1028, %mul3A_1030 : vector<16xf32>
        %add3A_1032 = arith.constant 1 : i32
        %add3A_1033 = arith.addi %mul3A_942, %add3A_1032 : i32
        %swap3A_1034 = arith.constant 0 : i32
        %swap3A_1035 = arith.index_cast %swap3A_1034 : i32 to index
        %swap3A_1036 = arith.index_cast %add3A_1033 : i32 to index
        %swap3A_1037 = arith.constant 0 : index
        %swap3A_1038 = tpu.vector_load %arg6[%swap3A_1035, %swap3A_1036, %swap3A_1037] {strides = array<i32>} : memref<8x104x64xf32, #tpu.memory_space<vmem>>, vector<1x1x16xf32>,
        %swap3A_1039 = vector.shape_cast %swap3A_1038 : vector<1x1x16xf32> to vector<16xf32>
        %swap3A_1040 = vector.shape_cast %mul3A_1031 : vector<16xf32> to vector<1x1x16xf32>
        tpu.vector_store %arg6[%swap3A_1035, %swap3A_1036, %swap3A_1037], %swap3A_1040 {strides = array<i32>} : memref<8x104x64xf32, #tpu.memory_space<vmem>>, vector<1x1x16xf32>,
        %add3A_1041 = arith.constant 1 : i32
        %add3A_1042 = arith.addi %mul3A_942, %add3A_1041 : i32
        %get3A_1043 = arith.constant 0 : i32
        %get3A_1044 = arith.index_cast %get3A_1043 : i32 to index
        %get3A_1045 = arith.index_cast %add3A_1042 : i32 to index
        %get3A_1046 = arith.constant 16 : index
        %get3A_1047 = tpu.vector_load %arg6[%get3A_1044, %get3A_1045, %get3A_1046] {strides = array<i32>} : memref<8x104x64xf32, #tpu.memory_space<vmem>>, vector<1x1x16xf32>,
        %get3A_1048 = vector.shape_cast %get3A_1047 : vector<1x1x16xf32> to vector<16xf32>
        %mul3A_1049 = arith.constant 1.000000e+01 : f32
        %mul3A_1050 = vector.broadcast %mul3A_1049 : f32 to vector<16xf32>
        %mul3A_1051 = arith.mulf %get3A_1048, %mul3A_1050 : vector<16xf32>
        %add3A_1052 = arith.constant 1 : i32
        %add3A_1053 = arith.addi %mul3A_942, %add3A_1052 : i32
        %swap3A_1054 = arith.constant 0 : i32
        %swap3A_1055 = arith.index_cast %swap3A_1054 : i32 to index
        %swap3A_1056 = arith.index_cast %add3A_1053 : i32 to index
        %swap3A_1057 = arith.constant 16 : index
        %swap3A_1058 = tpu.vector_load %arg6[%swap3A_1055, %swap3A_1056, %swap3A_1057] {strides = array<i32>} : memref<8x104x64xf32, #tpu.memory_space<vmem>>, vector<1x1x16xf32>,
        %swap3A_1059 = vector.shape_cast %swap3A_1058 : vector<1x1x16xf32> to vector<16xf32>
        %swap3A_1060 = vector.shape_cast %mul3A_1051 : vector<16xf32> to vector<1x1x16xf32>
        tpu.vector_store %arg6[%swap3A_1055, %swap3A_1056, %swap3A_1057], %swap3A_1060 {strides = array<i32>} : memref<8x104x64xf32, #tpu.memory_space<vmem>>, vector<1x1x16xf32>,
        %add3A_1061 = arith.constant 1 : i32
        %add3A_1062 = arith.addi %mul3A_942, %add3A_1061 : i32
        %get3A_1063 = arith.constant 0 : i32
        %get3A_1064 = arith.index_cast %get3A_1063 : i32 to index
        %get3A_1065 = arith.index_cast %add3A_1062 : i32 to index
        %get3A_1066 = arith.constant 32 : index
        %get3A_1067 = tpu.vector_load %arg6[%get3A_1064, %get3A_1065, %get3A_1066] {strides = array<i32>} : memref<8x104x64xf32, #tpu.memory_space<vmem>>, vector<1x1x16xf32>,
        %get3A_1068 = vector.shape_cast %get3A_1067 : vector<1x1x16xf32> to vector<16xf32>
        %mul3A_1069 = arith.constant 1.000000e+01 : f32
        %mul3A_1070 = vector.broadcast %mul3A_1069 : f32 to vector<16xf32>
        %mul3A_1071 = arith.mulf %get3A_1068, %mul3A_1070 : vector<16xf32>
        %add3A_1072 = arith.constant 1 : i32
        %add3A_1073 = arith.addi %mul3A_942, %add3A_1072 : i32
        %swap3A_1074 = arith.constant 0 : i32
        %swap3A_1075 = arith.index_cast %swap3A_1074 : i32 to index
        %swap3A_1076 = arith.index_cast %add3A_1073 : i32 to index
        %swap3A_1077 = arith.constant 32 : index
        %swap3A_1078 = tpu.vector_load %arg6[%swap3A_1075, %swap3A_1076, %swap3A_1077] {strides = array<i32>} : memref<8x104x64xf32, #tpu.memory_space<vmem>>, vector<1x1x16xf32>,
        %swap3A_1079 = vector.shape_cast %swap3A_1078 : vector<1x1x16xf32> to vector<16xf32>
        %swap3A_1080 = vector.shape_cast %mul3A_1071 : vector<16xf32> to vector<1x1x16xf32>
        tpu.vector_store %arg6[%swap3A_1075, %swap3A_1076, %swap3A_1077], %swap3A_1080 {strides = array<i32>} : memref<8x104x64xf32, #tpu.memory_space<vmem>>, vector<1x1x16xf32>,
        %add3A_1081 = arith.constant 1 : i32
        %add3A_1082 = arith.addi %mul3A_942, %add3A_1081 : i32
        %get3A_1083 = arith.constant 0 : i32
        %get3A_1084 = arith.index_cast %get3A_1083 : i32 to index
        %get3A_1085 = arith.index_cast %add3A_1082 : i32 to index
        %get3A_1086 = arith.constant 48 : index
        %get3A_1087 = tpu.vector_load %arg6[%get3A_1084, %get3A_1085, %get3A_1086] {strides = array<i32>} : memref<8x104x64xf32, #tpu.memory_space<vmem>>, vector<1x1x16xf32>,
        %get3A_1088 = vector.shape_cast %get3A_1087 : vector<1x1x16xf32> to vector<16xf32>
        %mul3A_1089 = arith.constant 1.000000e+01 : f32
        %mul3A_1090 = vector.broadcast %mul3A_1089 : f32 to vector<16xf32>
        %mul3A_1091 = arith.mulf %get3A_1088, %mul3A_1090 : vector<16xf32>
        %add3A_1092 = arith.constant 1 : i32
        %add3A_1093 = arith.addi %mul3A_942, %add3A_1092 : i32
        %swap3A_1094 = arith.constant 0 : i32
        %swap3A_1095 = arith.index_cast %swap3A_1094 : i32 to index
        %swap3A_1096 = arith.index_cast %add3A_1093 : i32 to index
        %swap3A_1097 = arith.constant 48 : index
        %swap3A_1098 = tpu.vector_load %arg6[%swap3A_1095, %swap3A_1096, %swap3A_1097] {strides = array<i32>} : memref<8x104x64xf32, #tpu.memory_space<vmem>>, vector<1x1x16xf32>,
        %swap3A_1099 = vector.shape_cast %swap3A_1098 : vector<1x1x16xf32> to vector<16xf32>
        %swap3A_1100 = vector.shape_cast %mul3A_1091 : vector<16xf32> to vector<1x1x16xf32>
        tpu.vector_store %arg6[%swap3A_1095, %swap3A_1096, %swap3A_1097], %swap3A_1100 {strides = array<i32>} : memref<8x104x64xf32, #tpu.memory_space<vmem>>, vector<1x1x16xf32>,
      }
      %scan3A_108 = arith.constant 52 : i32
      %add3A_109 = arith.constant 0 : i32
      %add3A_110 = arith.addi %mul3A_93, %add3A_109 : i32
      %mul3A_111 = arith.constant 4 : i32
      %mul3A_112 = arith.muli %add3A_110, %mul3A_111 : i32
      %add3A_113 = arith.addi %mul3A_2, %mul3A_112 : i32
      %add3A_114 = arith.constant 0 : i32
      %add3A_115 = arith.addi %add3A_113, %add3A_114 : i32
      %dma_start3A_116 = arith.constant 0 : i32
      %dma_start3A_117 = arith.constant 0 : i32
      %dma_start3A_118 = arith.constant 0 : i32
      %dma_start3A_119 = tpu.memref_slice %arg6[%dma_start3A_116, %dma_start3A_117, %dma_start3A_118] : memref<8x104x64xf32, #tpu.memory_space<vmem>> -> memref<1x26x64xf32, #tpu.memory_space<vmem>>
      %dma_start3A_120 = tpu.memref_squeeze %dma_start3A_119 : memref<1x26x64xf32, #tpu.memory_space<vmem>> -> memref<26x64xf32, #tpu.memory_space<vmem>>
      %dma_start3A_121 = arith.constant 0 : i32
      %dma_start3A_122 = arith.constant 0 : i32
      %dma_start3A_123 = tpu.memref_slice %arg4[%add3A_115, %dma_start3A_121, %dma_start3A_122] : memref<16384x32x128xf32, #tpu.memory_space<hbm>> -> memref<1x26x64xf32, #tpu.memory_space<hbm>>
      %dma_start3A_124 = tpu.memref_squeeze %dma_start3A_123 : memref<1x26x64xf32, #tpu.memory_space<hbm>> -> memref<26x64xf32, #tpu.memory_space<hbm>>
      %dma_start3A_125 = arith.constant 0 : i32
      %dma_start3A_126 = arith.constant 0 : i32
      %dma_start3A_127 = tpu.memref_slice %arg4[%add3A_115, %dma_start3A_125, %dma_start3A_126] : memref<16384x32x128xf32, #tpu.memory_space<hbm>> -> memref<1x26x64xf32, #tpu.memory_space<hbm>>
      %dma_start3A_128 = tpu.memref_squeeze %dma_start3A_127 : memref<1x26x64xf32, #tpu.memory_space<hbm>> -> memref<26x64xf32, #tpu.memory_space<hbm>>
      %dma_start3A_129 = arith.constant 0 : i32
      %dma_start3A_130 = arith.constant 0 : i32
      %dma_start3A_131 = tpu.memref_slice %arg6[%dma_start3A_116, %dma_start3A_129, %dma_start3A_130] : memref<8x104x64xf32, #tpu.memory_space<vmem>> -> memref<1x26x64xf32, #tpu.memory_space<vmem>>
      %dma_start3A_132 = tpu.memref_squeeze %dma_start3A_131 : memref<1x26x64xf32, #tpu.memory_space<vmem>> -> memref<26x64xf32, #tpu.memory_space<vmem>>
      tpu.enqueue_dma source(%dma_start3A_132 : memref<26x64xf32, #tpu.memory_space<vmem>>) target(%dma_start3A_128 : memref<26x64xf32, #tpu.memory_space<hbm>>) target_semaphore(%arg16 : memref<!tpu.dma_semaphore, #tpu.memory_space<semaphore_mem>>)
      %mul3A_133 = arith.constant 4 : i32
      %mul3A_134 = arith.muli %add3A_110, %mul3A_133 : i32
      %add3A_135 = arith.addi %mul3A_2, %mul3A_134 : i32
      %add3A_136 = arith.constant 1 : i32
      %add3A_137 = arith.addi %add3A_135, %add3A_136 : i32
      %dma_start3A_138 = arith.constant 0 : i32
      %dma_start3A_139 = arith.constant 26 : i32
      %dma_start3A_140 = arith.constant 0 : i32
      %dma_start3A_141 = tpu.memref_slice %arg6[%dma_start3A_138, %dma_start3A_139, %dma_start3A_140] : memref<8x104x64xf32, #tpu.memory_space<vmem>> -> memref<1x26x64xf32, #tpu.memory_space<vmem>>
      %dma_start3A_142 = tpu.memref_squeeze %dma_start3A_141 : memref<1x26x64xf32, #tpu.memory_space<vmem>> -> memref<26x64xf32, #tpu.memory_space<vmem>>
      %dma_start3A_143 = arith.constant 0 : i32
      %dma_start3A_144 = arith.constant 0 : i32
      %dma_start3A_145 = tpu.memref_slice %arg4[%add3A_137, %dma_start3A_143, %dma_start3A_144] : memref<16384x32x128xf32, #tpu.memory_space<hbm>> -> memref<1x26x64xf32, #tpu.memory_space<hbm>>
      %dma_start3A_146 = tpu.memref_squeeze %dma_start3A_145 : memref<1x26x64xf32, #tpu.memory_space<hbm>> -> memref<26x64xf32, #tpu.memory_space<hbm>>
      %dma_start3A_147 = arith.constant 0 : i32
      %dma_start3A_148 = arith.constant 0 : i32
      %dma_start3A_149 = tpu.memref_slice %arg4[%add3A_137, %dma_start3A_147, %dma_start3A_148] : memref<16384x32x128xf32, #tpu.memory_space<hbm>> -> memref<1x26x64xf32, #tpu.memory_space<hbm>>
      %dma_start3A_150 = tpu.memref_squeeze %dma_start3A_149 : memref<1x26x64xf32, #tpu.memory_space<hbm>> -> memref<26x64xf32, #tpu.memory_space<hbm>>
      %dma_start3A_151 = arith.constant 26 : i32
      %dma_start3A_152 = arith.constant 0 : i32
      %dma_start3A_153 = tpu.memref_slice %arg6[%dma_start3A_138, %dma_start3A_151, %dma_start3A_152] : memref<8x104x64xf32, #tpu.memory_space<vmem>> -> memref<1x26x64xf32, #tpu.memory_space<vmem>>
      %dma_start3A_154 = tpu.memref_squeeze %dma_start3A_153 : memref<1x26x64xf32, #tpu.memory_space<vmem>> -> memref<26x64xf32, #tpu.memory_space<vmem>>
      tpu.enqueue_dma source(%dma_start3A_154 : memref<26x64xf32, #tpu.memory_space<vmem>>) target(%dma_start3A_150 : memref<26x64xf32, #tpu.memory_space<hbm>>) target_semaphore(%arg16 : memref<!tpu.dma_semaphore, #tpu.memory_space<semaphore_mem>>)
      %mul3A_155 = arith.constant 4 : i32
      %mul3A_156 = arith.muli %add3A_110, %mul3A_155 : i32
      %add3A_157 = arith.addi %mul3A_2, %mul3A_156 : i32
      %add3A_158 = arith.constant 2 : i32
      %add3A_159 = arith.addi %add3A_157, %add3A_158 : i32
      %dma_start3A_160 = arith.constant 0 : i32
      %dma_start3A_161 = arith.constant 52 : i32
      %dma_start3A_162 = arith.constant 0 : i32
      %dma_start3A_163 = tpu.memref_slice %arg6[%dma_start3A_160, %dma_start3A_161, %dma_start3A_162] : memref<8x104x64xf32, #tpu.memory_space<vmem>> -> memref<1x26x64xf32, #tpu.memory_space<vmem>>
      %dma_start3A_164 = tpu.memref_squeeze %dma_start3A_163 : memref<1x26x64xf32, #tpu.memory_space<vmem>> -> memref<26x64xf32, #tpu.memory_space<vmem>>
      %dma_start3A_165 = arith.constant 0 : i32
      %dma_start3A_166 = arith.constant 0 : i32
      %dma_start3A_167 = tpu.memref_slice %arg4[%add3A_159, %dma_start3A_165, %dma_start3A_166] : memref<16384x32x128xf32, #tpu.memory_space<hbm>> -> memref<1x26x64xf32, #tpu.memory_space<hbm>>
      %dma_start3A_168 = tpu.memref_squeeze %dma_start3A_167 : memref<1x26x64xf32, #tpu.memory_space<hbm>> -> memref<26x64xf32, #tpu.memory_space<hbm>>
      %dma_start3A_169 = arith.constant 0 : i32
      %dma_start3A_170 = arith.constant 0 : i32
      %dma_start3A_171 = tpu.memref_slice %arg4[%add3A_159, %dma_start3A_169, %dma_start3A_170] : memref<16384x32x128xf32, #tpu.memory_space<hbm>> -> memref<1x26x64xf32, #tpu.memory_space<hbm>>
      %dma_start3A_172 = tpu.memref_squeeze %dma_start3A_171 : memref<1x26x64xf32, #tpu.memory_space<hbm>> -> memref<26x64xf32, #tpu.memory_space<hbm>>
      %dma_start3A_173 = arith.constant 52 : i32
      %dma_start3A_174 = arith.constant 0 : i32
      %dma_start3A_175 = tpu.memref_slice %arg6[%dma_start3A_160, %dma_start3A_173, %dma_start3A_174] : memref<8x104x64xf32, #tpu.memory_space<vmem>> -> memref<1x26x64xf32, #tpu.memory_space<vmem>>
      %dma_start3A_176 = tpu.memref_squeeze %dma_start3A_175 : memref<1x26x64xf32, #tpu.memory_space<vmem>> -> memref<26x64xf32, #tpu.memory_space<vmem>>
      tpu.enqueue_dma source(%dma_start3A_176 : memref<26x64xf32, #tpu.memory_space<vmem>>) target(%dma_start3A_172 : memref<26x64xf32, #tpu.memory_space<hbm>>) target_semaphore(%arg16 : memref<!tpu.dma_semaphore, #tpu.memory_space<semaphore_mem>>)
      %mul3A_177 = arith.constant 4 : i32
      %mul3A_178 = arith.muli %add3A_110, %mul3A_177 : i32
      %add3A_179 = arith.addi %mul3A_2, %mul3A_178 : i32
      %add3A_180 = arith.constant 3 : i32
      %add3A_181 = arith.addi %add3A_179, %add3A_180 : i32
      %dma_start3A_182 = arith.constant 0 : i32
      %dma_start3A_183 = arith.constant 78 : i32
      %dma_start3A_184 = arith.constant 0 : i32
      %dma_start3A_185 = tpu.memref_slice %arg6[%dma_start3A_182, %dma_start3A_183, %dma_start3A_184] : memref<8x104x64xf32, #tpu.memory_space<vmem>> -> memref<1x26x64xf32, #tpu.memory_space<vmem>>
      %dma_start3A_186 = tpu.memref_squeeze %dma_start3A_185 : memref<1x26x64xf32, #tpu.memory_space<vmem>> -> memref<26x64xf32, #tpu.memory_space<vmem>>
      %dma_start3A_187 = arith.constant 0 : i32
      %dma_start3A_188 = arith.constant 0 : i32
      %dma_start3A_189 = tpu.memref_slice %arg4[%add3A_181, %dma_start3A_187, %dma_start3A_188] : memref<16384x32x128xf32, #tpu.memory_space<hbm>> -> memref<1x26x64xf32, #tpu.memory_space<hbm>>
      %dma_start3A_190 = tpu.memref_squeeze %dma_start3A_189 : memref<1x26x64xf32, #tpu.memory_space<hbm>> -> memref<26x64xf32, #tpu.memory_space<hbm>>
      %dma_start3A_191 = arith.constant 0 : i32
      %dma_start3A_192 = arith.constant 0 : i32
      %dma_start3A_193 = tpu.memref_slice %arg4[%add3A_181, %dma_start3A_191, %dma_start3A_192] : memref<16384x32x128xf32, #tpu.memory_space<hbm>> -> memref<1x26x64xf32, #tpu.memory_space<hbm>>
      %dma_start3A_194 = tpu.memref_squeeze %dma_start3A_193 : memref<1x26x64xf32, #tpu.memory_space<hbm>> -> memref<26x64xf32, #tpu.memory_space<hbm>>
      %dma_start3A_195 = arith.constant 78 : i32
      %dma_start3A_196 = arith.constant 0 : i32
      %dma_start3A_197 = tpu.memref_slice %arg6[%dma_start3A_182, %dma_start3A_195, %dma_start3A_196] : memref<8x104x64xf32, #tpu.memory_space<vmem>> -> memref<1x26x64xf32, #tpu.memory_space<vmem>>
      %dma_start3A_198 = tpu.memref_squeeze %dma_start3A_197 : memref<1x26x64xf32, #tpu.memory_space<vmem>> -> memref<26x64xf32, #tpu.memory_space<vmem>>
      tpu.enqueue_dma source(%dma_start3A_198 : memref<26x64xf32, #tpu.memory_space<vmem>>) target(%dma_start3A_194 : memref<26x64xf32, #tpu.memory_space<hbm>>) target_semaphore(%arg16 : memref<!tpu.dma_semaphore, #tpu.memory_space<semaphore_mem>>)
      %dma_wait3A_199 = arith.constant 1 : i32
      %dma_wait3A_200 = arith.constant 0 : i32
      %dma_wait3A_201 = arith.constant 0 : i32
      %dma_wait3A_202 = tpu.memref_slice %arg6[%dma_wait3A_199, %dma_wait3A_200, %dma_wait3A_201] : memref<8x104x64xf32, #tpu.memory_space<vmem>> -> memref<1x104x64xf32, #tpu.memory_space<vmem>>
      %dma_wait3A_203 = tpu.memref_squeeze %dma_wait3A_202 : memref<1x104x64xf32, #tpu.memory_space<vmem>> -> memref<104x64xf32, #tpu.memory_space<vmem>>
      %dma_wait3A_204 = arith.constant 0 : i32
      %dma_wait3A_205 = tpu.memref_slice %arg5[%dma_wait3A_204] : memref<13312xi32, #tpu.memory_space<vmem>> -> memref<104xi32, #tpu.memory_space<vmem>>
      %dma_wait3A_206 = arith.constant 0 : i32
      %dma_wait3A_207 = arith.constant 0 : i32
      %dma_wait3A_208 = tpu.memref_slice %arg2[%dma_wait3A_206, %dma_wait3A_207] : memref<1000000x64xf32, #tpu.memory_space<hbm>> -> memref<1000000x64xf32, #tpu.memory_space<hbm>>
      tpu.wait_indirect_dma semaphore(%arg9 : memref<!tpu.dma_semaphore, #tpu.memory_space<semaphore_mem>>) src(%dma_wait3A_208 : memref<1000000x64xf32, #tpu.memory_space<hbm>>) dst(%dma_wait3A_203 : memref<104x64xf32, #tpu.memory_space<vmem>>)
      %scan3A_209 = arith.constant 0 : i32
      %scan3A_210 = arith.constant 52 : i32
      %scan3A_211 = arith.addi %scan3A_209, %scan3A_210 : i32
      %scan3A_212 = arith.constant 1 : i32
      scf.for %scan3A_940 = %scan3A_209 to %scan3A_211 step %scan3A_212  : i32 {
        %mul3A_941 = arith.constant 2 : i32
        %mul3A_942 = arith.muli %scan3A_940, %mul3A_941 : i32
        %add3A_943 = arith.constant 0 : i32
        %add3A_944 = arith.addi %mul3A_942, %add3A_943 : i32
        %get3A = arith.constant 1 : i32
        %get3A_945 = arith.index_cast %get3A : i32 to index
        %get3A_946 = arith.index_cast %add3A_944 : i32 to index
        %get3A_947 = arith.constant 0 : index
        %get3A_948 = tpu.vector_load %arg6[%get3A_945, %get3A_946, %get3A_947] {strides = array<i32>} : memref<8x104x64xf32, #tpu.memory_space<vmem>>, vector<1x1x16xf32>,
        %get3A_949 = vector.shape_cast %get3A_948 : vector<1x1x16xf32> to vector<16xf32>
        %mul3A_950 = arith.constant 1.000000e+01 : f32
        %mul3A_951 = vector.broadcast %mul3A_950 : f32 to vector<16xf32>
        %mul3A_952 = arith.mulf %get3A_949, %mul3A_951 : vector<16xf32>
        %add3A_953 = arith.constant 0 : i32
        %add3A_954 = arith.addi %mul3A_942, %add3A_953 : i32
        %swap3A = arith.constant 1 : i32
        %swap3A_955 = arith.index_cast %swap3A : i32 to index
        %swap3A_956 = arith.index_cast %add3A_954 : i32 to index
        %swap3A_957 = arith.constant 0 : index
        %swap3A_958 = tpu.vector_load %arg6[%swap3A_955, %swap3A_956, %swap3A_957] {strides = array<i32>} : memref<8x104x64xf32, #tpu.memory_space<vmem>>, vector<1x1x16xf32>,
        %swap3A_959 = vector.shape_cast %swap3A_958 : vector<1x1x16xf32> to vector<16xf32>
        %swap3A_960 = vector.shape_cast %mul3A_952 : vector<16xf32> to vector<1x1x16xf32>
        tpu.vector_store %arg6[%swap3A_955, %swap3A_956, %swap3A_957], %swap3A_960 {strides = array<i32>} : memref<8x104x64xf32, #tpu.memory_space<vmem>>, vector<1x1x16xf32>,
        %add3A_961 = arith.constant 0 : i32
        %add3A_962 = arith.addi %mul3A_942, %add3A_961 : i32
        %get3A_963 = arith.constant 1 : i32
        %get3A_964 = arith.index_cast %get3A_963 : i32 to index
        %get3A_965 = arith.index_cast %add3A_962 : i32 to index
        %get3A_966 = arith.constant 16 : index
        %get3A_967 = tpu.vector_load %arg6[%get3A_964, %get3A_965, %get3A_966] {strides = array<i32>} : memref<8x104x64xf32, #tpu.memory_space<vmem>>, vector<1x1x16xf32>,
        %get3A_968 = vector.shape_cast %get3A_967 : vector<1x1x16xf32> to vector<16xf32>
        %mul3A_969 = arith.constant 1.000000e+01 : f32
        %mul3A_970 = vector.broadcast %mul3A_969 : f32 to vector<16xf32>
        %mul3A_971 = arith.mulf %get3A_968, %mul3A_970 : vector<16xf32>
        %add3A_972 = arith.constant 0 : i32
        %add3A_973 = arith.addi %mul3A_942, %add3A_972 : i32
        %swap3A_974 = arith.constant 1 : i32
        %swap3A_975 = arith.index_cast %swap3A_974 : i32 to index
        %swap3A_976 = arith.index_cast %add3A_973 : i32 to index
        %swap3A_977 = arith.constant 16 : index
        %swap3A_978 = tpu.vector_load %arg6[%swap3A_975, %swap3A_976, %swap3A_977] {strides = array<i32>} : memref<8x104x64xf32, #tpu.memory_space<vmem>>, vector<1x1x16xf32>,
        %swap3A_979 = vector.shape_cast %swap3A_978 : vector<1x1x16xf32> to vector<16xf32>
        %swap3A_980 = vector.shape_cast %mul3A_971 : vector<16xf32> to vector<1x1x16xf32>
        tpu.vector_store %arg6[%swap3A_975, %swap3A_976, %swap3A_977], %swap3A_980 {strides = array<i32>} : memref<8x104x64xf32, #tpu.memory_space<vmem>>, vector<1x1x16xf32>,
        %add3A_981 = arith.constant 0 : i32
        %add3A_982 = arith.addi %mul3A_942, %add3A_981 : i32
        %get3A_983 = arith.constant 1 : i32
        %get3A_984 = arith.index_cast %get3A_983 : i32 to index
        %get3A_985 = arith.index_cast %add3A_982 : i32 to index
        %get3A_986 = arith.constant 32 : index
        %get3A_987 = tpu.vector_load %arg6[%get3A_984, %get3A_985, %get3A_986] {strides = array<i32>} : memref<8x104x64xf32, #tpu.memory_space<vmem>>, vector<1x1x16xf32>,
        %get3A_988 = vector.shape_cast %get3A_987 : vector<1x1x16xf32> to vector<16xf32>
        %mul3A_989 = arith.constant 1.000000e+01 : f32
        %mul3A_990 = vector.broadcast %mul3A_989 : f32 to vector<16xf32>
        %mul3A_991 = arith.mulf %get3A_988, %mul3A_990 : vector<16xf32>
        %add3A_992 = arith.constant 0 : i32
        %add3A_993 = arith.addi %mul3A_942, %add3A_992 : i32
        %swap3A_994 = arith.constant 1 : i32
        %swap3A_995 = arith.index_cast %swap3A_994 : i32 to index
        %swap3A_996 = arith.index_cast %add3A_993 : i32 to index
        %swap3A_997 = arith.constant 32 : index
        %swap3A_998 = tpu.vector_load %arg6[%swap3A_995, %swap3A_996, %swap3A_997] {strides = array<i32>} : memref<8x104x64xf32, #tpu.memory_space<vmem>>, vector<1x1x16xf32>,
        %swap3A_999 = vector.shape_cast %swap3A_998 : vector<1x1x16xf32> to vector<16xf32>
        %swap3A_1000 = vector.shape_cast %mul3A_991 : vector<16xf32> to vector<1x1x16xf32>
        tpu.vector_store %arg6[%swap3A_995, %swap3A_996, %swap3A_997], %swap3A_1000 {strides = array<i32>} : memref<8x104x64xf32, #tpu.memory_space<vmem>>, vector<1x1x16xf32>,
        %add3A_1001 = arith.constant 0 : i32
        %add3A_1002 = arith.addi %mul3A_942, %add3A_1001 : i32
        %get3A_1003 = arith.constant 1 : i32
        %get3A_1004 = arith.index_cast %get3A_1003 : i32 to index
        %get3A_1005 = arith.index_cast %add3A_1002 : i32 to index
        %get3A_1006 = arith.constant 48 : index
        %get3A_1007 = tpu.vector_load %arg6[%get3A_1004, %get3A_1005, %get3A_1006] {strides = array<i32>} : memref<8x104x64xf32, #tpu.memory_space<vmem>>, vector<1x1x16xf32>,
        %get3A_1008 = vector.shape_cast %get3A_1007 : vector<1x1x16xf32> to vector<16xf32>
        %mul3A_1009 = arith.constant 1.000000e+01 : f32
        %mul3A_1010 = vector.broadcast %mul3A_1009 : f32 to vector<16xf32>
        %mul3A_1011 = arith.mulf %get3A_1008, %mul3A_1010 : vector<16xf32>
        %add3A_1012 = arith.constant 0 : i32
        %add3A_1013 = arith.addi %mul3A_942, %add3A_1012 : i32
        %swap3A_1014 = arith.constant 1 : i32
        %swap3A_1015 = arith.index_cast %swap3A_1014 : i32 to index
        %swap3A_1016 = arith.index_cast %add3A_1013 : i32 to index
        %swap3A_1017 = arith.constant 48 : index
        %swap3A_1018 = tpu.vector_load %arg6[%swap3A_1015, %swap3A_1016, %swap3A_1017] {strides = array<i32>} : memref<8x104x64xf32, #tpu.memory_space<vmem>>, vector<1x1x16xf32>,
        %swap3A_1019 = vector.shape_cast %swap3A_1018 : vector<1x1x16xf32> to vector<16xf32>
        %swap3A_1020 = vector.shape_cast %mul3A_1011 : vector<16xf32> to vector<1x1x16xf32>
        tpu.vector_store %arg6[%swap3A_1015, %swap3A_1016, %swap3A_1017], %swap3A_1020 {strides = array<i32>} : memref<8x104x64xf32, #tpu.memory_space<vmem>>, vector<1x1x16xf32>,
        %add3A_1021 = arith.constant 1 : i32
        %add3A_1022 = arith.addi %mul3A_942, %add3A_1021 : i32
        %get3A_1023 = arith.constant 1 : i32
        %get3A_1024 = arith.index_cast %get3A_1023 : i32 to index
        %get3A_1025 = arith.index_cast %add3A_1022 : i32 to index
        %get3A_1026 = arith.constant 0 : index
        %get3A_1027 = tpu.vector_load %arg6[%get3A_1024, %get3A_1025, %get3A_1026] {strides = array<i32>} : memref<8x104x64xf32, #tpu.memory_space<vmem>>, vector<1x1x16xf32>,
        %get3A_1028 = vector.shape_cast %get3A_1027 : vector<1x1x16xf32> to vector<16xf32>
        %mul3A_1029 = arith.constant 1.000000e+01 : f32
        %mul3A_1030 = vector.broadcast %mul3A_1029 : f32 to vector<16xf32>
        %mul3A_1031 = arith.mulf %get3A_1028, %mul3A_1030 : vector<16xf32>
        %add3A_1032 = arith.constant 1 : i32
        %add3A_1033 = arith.addi %mul3A_942, %add3A_1032 : i32
        %swap3A_1034 = arith.constant 1 : i32
        %swap3A_1035 = arith.index_cast %swap3A_1034 : i32 to index
        %swap3A_1036 = arith.index_cast %add3A_1033 : i32 to index
        %swap3A_1037 = arith.constant 0 : index
        %swap3A_1038 = tpu.vector_load %arg6[%swap3A_1035, %swap3A_1036, %swap3A_1037] {strides = array<i32>} : memref<8x104x64xf32, #tpu.memory_space<vmem>>, vector<1x1x16xf32>,
        %swap3A_1039 = vector.shape_cast %swap3A_1038 : vector<1x1x16xf32> to vector<16xf32>
        %swap3A_1040 = vector.shape_cast %mul3A_1031 : vector<16xf32> to vector<1x1x16xf32>
        tpu.vector_store %arg6[%swap3A_1035, %swap3A_1036, %swap3A_1037], %swap3A_1040 {strides = array<i32>} : memref<8x104x64xf32, #tpu.memory_space<vmem>>, vector<1x1x16xf32>,
        %add3A_1041 = arith.constant 1 : i32
        %add3A_1042 = arith.addi %mul3A_942, %add3A_1041 : i32
        %get3A_1043 = arith.constant 1 : i32
        %get3A_1044 = arith.index_cast %get3A_1043 : i32 to index
        %get3A_1045 = arith.index_cast %add3A_1042 : i32 to index
        %get3A_1046 = arith.constant 16 : index
        %get3A_1047 = tpu.vector_load %arg6[%get3A_1044, %get3A_1045, %get3A_1046] {strides = array<i32>} : memref<8x104x64xf32, #tpu.memory_space<vmem>>, vector<1x1x16xf32>,
        %get3A_1048 = vector.shape_cast %get3A_1047 : vector<1x1x16xf32> to vector<16xf32>
        %mul3A_1049 = arith.constant 1.000000e+01 : f32
        %mul3A_1050 = vector.broadcast %mul3A_1049 : f32 to vector<16xf32>
        %mul3A_1051 = arith.mulf %get3A_1048, %mul3A_1050 : vector<16xf32>
        %add3A_1052 = arith.constant 1 : i32
        %add3A_1053 = arith.addi %mul3A_942, %add3A_1052 : i32
        %swap3A_1054 = arith.constant 1 : i32
        %swap3A_1055 = arith.index_cast %swap3A_1054 : i32 to index
        %swap3A_1056 = arith.index_cast %add3A_1053 : i32 to index
        %swap3A_1057 = arith.constant 16 : index
        %swap3A_1058 = tpu.vector_load %arg6[%swap3A_1055, %swap3A_1056, %swap3A_1057] {strides = array<i32>} : memref<8x104x64xf32, #tpu.memory_space<vmem>>, vector<1x1x16xf32>,
        %swap3A_1059 = vector.shape_cast %swap3A_1058 : vector<1x1x16xf32> to vector<16xf32>
        %swap3A_1060 = vector.shape_cast %mul3A_1051 : vector<16xf32> to vector<1x1x16xf32>
        tpu.vector_store %arg6[%swap3A_1055, %swap3A_1056, %swap3A_1057], %swap3A_1060 {strides = array<i32>} : memref<8x104x64xf32, #tpu.memory_space<vmem>>, vector<1x1x16xf32>,
        %add3A_1061 = arith.constant 1 : i32
        %add3A_1062 = arith.addi %mul3A_942, %add3A_1061 : i32
        %get3A_1063 = arith.constant 1 : i32
        %get3A_1064 = arith.index_cast %get3A_1063 : i32 to index
        %get3A_1065 = arith.index_cast %add3A_1062 : i32 to index
        %get3A_1066 = arith.constant 32 : index
        %get3A_1067 = tpu.vector_load %arg6[%get3A_1064, %get3A_1065, %get3A_1066] {strides = array<i32>} : memref<8x104x64xf32, #tpu.memory_space<vmem>>, vector<1x1x16xf32>,
        %get3A_1068 = vector.shape_cast %get3A_1067 : vector<1x1x16xf32> to vector<16xf32>
        %mul3A_1069 = arith.constant 1.000000e+01 : f32
        %mul3A_1070 = vector.broadcast %mul3A_1069 : f32 to vector<16xf32>
        %mul3A_1071 = arith.mulf %get3A_1068, %mul3A_1070 : vector<16xf32>
        %add3A_1072 = arith.constant 1 : i32
        %add3A_1073 = arith.addi %mul3A_942, %add3A_1072 : i32
        %swap3A_1074 = arith.constant 1 : i32
        %swap3A_1075 = arith.index_cast %swap3A_1074 : i32 to index
        %swap3A_1076 = arith.index_cast %add3A_1073 : i32 to index
        %swap3A_1077 = arith.constant 32 : index
        %swap3A_1078 = tpu.vector_load %arg6[%swap3A_1075, %swap3A_1076, %swap3A_1077] {strides = array<i32>} : memref<8x104x64xf32, #tpu.memory_space<vmem>>, vector<1x1x16xf32>,
        %swap3A_1079 = vector.shape_cast %swap3A_1078 : vector<1x1x16xf32> to vector<16xf32>
        %swap3A_1080 = vector.shape_cast %mul3A_1071 : vector<16xf32> to vector<1x1x16xf32>
        tpu.vector_store %arg6[%swap3A_1075, %swap3A_1076, %swap3A_1077], %swap3A_1080 {strides = array<i32>} : memref<8x104x64xf32, #tpu.memory_space<vmem>>, vector<1x1x16xf32>,
        %add3A_1081 = arith.constant 1 : i32
        %add3A_1082 = arith.addi %mul3A_942, %add3A_1081 : i32
        %get3A_1083 = arith.constant 1 : i32
        %get3A_1084 = arith.index_cast %get3A_1083 : i32 to index
        %get3A_1085 = arith.index_cast %add3A_1082 : i32 to index
        %get3A_1086 = arith.constant 48 : index
        %get3A_1087 = tpu.vector_load %arg6[%get3A_1084, %get3A_1085, %get3A_1086] {strides = array<i32>} : memref<8x104x64xf32, #tpu.memory_space<vmem>>, vector<1x1x16xf32>,
        %get3A_1088 = vector.shape_cast %get3A_1087 : vector<1x1x16xf32> to vector<16xf32>
        %mul3A_1089 = arith.constant 1.000000e+01 : f32
        %mul3A_1090 = vector.broadcast %mul3A_1089 : f32 to vector<16xf32>
        %mul3A_1091 = arith.mulf %get3A_1088, %mul3A_1090 : vector<16xf32>
        %add3A_1092 = arith.constant 1 : i32
        %add3A_1093 = arith.addi %mul3A_942, %add3A_1092 : i32
        %swap3A_1094 = arith.constant 1 : i32
        %swap3A_1095 = arith.index_cast %swap3A_1094 : i32 to index
        %swap3A_1096 = arith.index_cast %add3A_1093 : i32 to index
        %swap3A_1097 = arith.constant 48 : index
        %swap3A_1098 = tpu.vector_load %arg6[%swap3A_1095, %swap3A_1096, %swap3A_1097] {strides = array<i32>} : memref<8x104x64xf32, #tpu.memory_space<vmem>>, vector<1x1x16xf32>,
        %swap3A_1099 = vector.shape_cast %swap3A_1098 : vector<1x1x16xf32> to vector<16xf32>
        %swap3A_1100 = vector.shape_cast %mul3A_1091 : vector<16xf32> to vector<1x1x16xf32>
        tpu.vector_store %arg6[%swap3A_1095, %swap3A_1096, %swap3A_1097], %swap3A_1100 {strides = array<i32>} : memref<8x104x64xf32, #tpu.memory_space<vmem>>, vector<1x1x16xf32>,
      }
      %scan3A_213 = arith.constant 52 : i32
      %add3A_214 = arith.constant 1 : i32
      %add3A_215 = arith.addi %mul3A_93, %add3A_214 : i32
      %mul3A_216 = arith.constant 4 : i32
      %mul3A_217 = arith.muli %add3A_215, %mul3A_216 : i32
      %add3A_218 = arith.addi %mul3A_2, %mul3A_217 : i32
      %add3A_219 = arith.constant 0 : i32
      %add3A_220 = arith.addi %add3A_218, %add3A_219 : i32
      %dma_start3A_221 = arith.constant 1 : i32
      %dma_start3A_222 = arith.constant 0 : i32
      %dma_start3A_223 = arith.constant 0 : i32
      %dma_start3A_224 = tpu.memref_slice %arg6[%dma_start3A_221, %dma_start3A_222, %dma_start3A_223] : memref<8x104x64xf32, #tpu.memory_space<vmem>> -> memref<1x26x64xf32, #tpu.memory_space<vmem>>
      %dma_start3A_225 = tpu.memref_squeeze %dma_start3A_224 : memref<1x26x64xf32, #tpu.memory_space<vmem>> -> memref<26x64xf32, #tpu.memory_space<vmem>>
      %dma_start3A_226 = arith.constant 0 : i32
      %dma_start3A_227 = arith.constant 0 : i32
      %dma_start3A_228 = tpu.memref_slice %arg4[%add3A_220, %dma_start3A_226, %dma_start3A_227] : memref<16384x32x128xf32, #tpu.memory_space<hbm>> -> memref<1x26x64xf32, #tpu.memory_space<hbm>>
      %dma_start3A_229 = tpu.memref_squeeze %dma_start3A_228 : memref<1x26x64xf32, #tpu.memory_space<hbm>> -> memref<26x64xf32, #tpu.memory_space<hbm>>
      %dma_start3A_230 = arith.constant 0 : i32
      %dma_start3A_231 = arith.constant 0 : i32
      %dma_start3A_232 = tpu.memref_slice %arg4[%add3A_220, %dma_start3A_230, %dma_start3A_231] : memref<16384x32x128xf32, #tpu.memory_space<hbm>> -> memref<1x26x64xf32, #tpu.memory_space<hbm>>
      %dma_start3A_233 = tpu.memref_squeeze %dma_start3A_232 : memref<1x26x64xf32, #tpu.memory_space<hbm>> -> memref<26x64xf32, #tpu.memory_space<hbm>>
      %dma_start3A_234 = arith.constant 0 : i32
      %dma_start3A_235 = arith.constant 0 : i32
      %dma_start3A_236 = tpu.memref_slice %arg6[%dma_start3A_221, %dma_start3A_234, %dma_start3A_235] : memref<8x104x64xf32, #tpu.memory_space<vmem>> -> memref<1x26x64xf32, #tpu.memory_space<vmem>>
      %dma_start3A_237 = tpu.memref_squeeze %dma_start3A_236 : memref<1x26x64xf32, #tpu.memory_space<vmem>> -> memref<26x64xf32, #tpu.memory_space<vmem>>
      tpu.enqueue_dma source(%dma_start3A_237 : memref<26x64xf32, #tpu.memory_space<vmem>>) target(%dma_start3A_233 : memref<26x64xf32, #tpu.memory_space<hbm>>) target_semaphore(%arg17 : memref<!tpu.dma_semaphore, #tpu.memory_space<semaphore_mem>>)
      %mul3A_238 = arith.constant 4 : i32
      %mul3A_239 = arith.muli %add3A_215, %mul3A_238 : i32
      %add3A_240 = arith.addi %mul3A_2, %mul3A_239 : i32
      %add3A_241 = arith.constant 1 : i32
      %add3A_242 = arith.addi %add3A_240, %add3A_241 : i32
      %dma_start3A_243 = arith.constant 1 : i32
      %dma_start3A_244 = arith.constant 26 : i32
      %dma_start3A_245 = arith.constant 0 : i32
      %dma_start3A_246 = tpu.memref_slice %arg6[%dma_start3A_243, %dma_start3A_244, %dma_start3A_245] : memref<8x104x64xf32, #tpu.memory_space<vmem>> -> memref<1x26x64xf32, #tpu.memory_space<vmem>>
      %dma_start3A_247 = tpu.memref_squeeze %dma_start3A_246 : memref<1x26x64xf32, #tpu.memory_space<vmem>> -> memref<26x64xf32, #tpu.memory_space<vmem>>
      %dma_start3A_248 = arith.constant 0 : i32
      %dma_start3A_249 = arith.constant 0 : i32
      %dma_start3A_250 = tpu.memref_slice %arg4[%add3A_242, %dma_start3A_248, %dma_start3A_249] : memref<16384x32x128xf32, #tpu.memory_space<hbm>> -> memref<1x26x64xf32, #tpu.memory_space<hbm>>
      %dma_start3A_251 = tpu.memref_squeeze %dma_start3A_250 : memref<1x26x64xf32, #tpu.memory_space<hbm>> -> memref<26x64xf32, #tpu.memory_space<hbm>>
      %dma_start3A_252 = arith.constant 0 : i32
      %dma_start3A_253 = arith.constant 0 : i32
      %dma_start3A_254 = tpu.memref_slice %arg4[%add3A_242, %dma_start3A_252, %dma_start3A_253] : memref<16384x32x128xf32, #tpu.memory_space<hbm>> -> memref<1x26x64xf32, #tpu.memory_space<hbm>>
      %dma_start3A_255 = tpu.memref_squeeze %dma_start3A_254 : memref<1x26x64xf32, #tpu.memory_space<hbm>> -> memref<26x64xf32, #tpu.memory_space<hbm>>
      %dma_start3A_256 = arith.constant 26 : i32
      %dma_start3A_257 = arith.constant 0 : i32
      %dma_start3A_258 = tpu.memref_slice %arg6[%dma_start3A_243, %dma_start3A_256, %dma_start3A_257] : memref<8x104x64xf32, #tpu.memory_space<vmem>> -> memref<1x26x64xf32, #tpu.memory_space<vmem>>
      %dma_start3A_259 = tpu.memref_squeeze %dma_start3A_258 : memref<1x26x64xf32, #tpu.memory_space<vmem>> -> memref<26x64xf32, #tpu.memory_space<vmem>>
      tpu.enqueue_dma source(%dma_start3A_259 : memref<26x64xf32, #tpu.memory_space<vmem>>) target(%dma_start3A_255 : memref<26x64xf32, #tpu.memory_space<hbm>>) target_semaphore(%arg17 : memref<!tpu.dma_semaphore, #tpu.memory_space<semaphore_mem>>)
      %mul3A_260 = arith.constant 4 : i32
      %mul3A_261 = arith.muli %add3A_215, %mul3A_260 : i32
      %add3A_262 = arith.addi %mul3A_2, %mul3A_261 : i32
      %add3A_263 = arith.constant 2 : i32
      %add3A_264 = arith.addi %add3A_262, %add3A_263 : i32
      %dma_start3A_265 = arith.constant 1 : i32
      %dma_start3A_266 = arith.constant 52 : i32
      %dma_start3A_267 = arith.constant 0 : i32
      %dma_start3A_268 = tpu.memref_slice %arg6[%dma_start3A_265, %dma_start3A_266, %dma_start3A_267] : memref<8x104x64xf32, #tpu.memory_space<vmem>> -> memref<1x26x64xf32, #tpu.memory_space<vmem>>
      %dma_start3A_269 = tpu.memref_squeeze %dma_start3A_268 : memref<1x26x64xf32, #tpu.memory_space<vmem>> -> memref<26x64xf32, #tpu.memory_space<vmem>>
      %dma_start3A_270 = arith.constant 0 : i32
      %dma_start3A_271 = arith.constant 0 : i32
      %dma_start3A_272 = tpu.memref_slice %arg4[%add3A_264, %dma_start3A_270, %dma_start3A_271] : memref<16384x32x128xf32, #tpu.memory_space<hbm>> -> memref<1x26x64xf32, #tpu.memory_space<hbm>>
      %dma_start3A_273 = tpu.memref_squeeze %dma_start3A_272 : memref<1x26x64xf32, #tpu.memory_space<hbm>> -> memref<26x64xf32, #tpu.memory_space<hbm>>
      %dma_start3A_274 = arith.constant 0 : i32
      %dma_start3A_275 = arith.constant 0 : i32
      %dma_start3A_276 = tpu.memref_slice %arg4[%add3A_264, %dma_start3A_274, %dma_start3A_275] : memref<16384x32x128xf32, #tpu.memory_space<hbm>> -> memref<1x26x64xf32, #tpu.memory_space<hbm>>
      %dma_start3A_277 = tpu.memref_squeeze %dma_start3A_276 : memref<1x26x64xf32, #tpu.memory_space<hbm>> -> memref<26x64xf32, #tpu.memory_space<hbm>>
      %dma_start3A_278 = arith.constant 52 : i32
      %dma_start3A_279 = arith.constant 0 : i32
      %dma_start3A_280 = tpu.memref_slice %arg6[%dma_start3A_265, %dma_start3A_278, %dma_start3A_279] : memref<8x104x64xf32, #tpu.memory_space<vmem>> -> memref<1x26x64xf32, #tpu.memory_space<vmem>>
      %dma_start3A_281 = tpu.memref_squeeze %dma_start3A_280 : memref<1x26x64xf32, #tpu.memory_space<vmem>> -> memref<26x64xf32, #tpu.memory_space<vmem>>
      tpu.enqueue_dma source(%dma_start3A_281 : memref<26x64xf32, #tpu.memory_space<vmem>>) target(%dma_start3A_277 : memref<26x64xf32, #tpu.memory_space<hbm>>) target_semaphore(%arg17 : memref<!tpu.dma_semaphore, #tpu.memory_space<semaphore_mem>>)
      %mul3A_282 = arith.constant 4 : i32
      %mul3A_283 = arith.muli %add3A_215, %mul3A_282 : i32
      %add3A_284 = arith.addi %mul3A_2, %mul3A_283 : i32
      %add3A_285 = arith.constant 3 : i32
      %add3A_286 = arith.addi %add3A_284, %add3A_285 : i32
      %dma_start3A_287 = arith.constant 1 : i32
      %dma_start3A_288 = arith.constant 78 : i32
      %dma_start3A_289 = arith.constant 0 : i32
      %dma_start3A_290 = tpu.memref_slice %arg6[%dma_start3A_287, %dma_start3A_288, %dma_start3A_289] : memref<8x104x64xf32, #tpu.memory_space<vmem>> -> memref<1x26x64xf32, #tpu.memory_space<vmem>>
      %dma_start3A_291 = tpu.memref_squeeze %dma_start3A_290 : memref<1x26x64xf32, #tpu.memory_space<vmem>> -> memref<26x64xf32, #tpu.memory_space<vmem>>
      %dma_start3A_292 = arith.constant 0 : i32
      %dma_start3A_293 = arith.constant 0 : i32
      %dma_start3A_294 = tpu.memref_slice %arg4[%add3A_286, %dma_start3A_292, %dma_start3A_293] : memref<16384x32x128xf32, #tpu.memory_space<hbm>> -> memref<1x26x64xf32, #tpu.memory_space<hbm>>
      %dma_start3A_295 = tpu.memref_squeeze %dma_start3A_294 : memref<1x26x64xf32, #tpu.memory_space<hbm>> -> memref<26x64xf32, #tpu.memory_space<hbm>>
      %dma_start3A_296 = arith.constant 0 : i32
      %dma_start3A_297 = arith.constant 0 : i32
      %dma_start3A_298 = tpu.memref_slice %arg4[%add3A_286, %dma_start3A_296, %dma_start3A_297] : memref<16384x32x128xf32, #tpu.memory_space<hbm>> -> memref<1x26x64xf32, #tpu.memory_space<hbm>>
      %dma_start3A_299 = tpu.memref_squeeze %dma_start3A_298 : memref<1x26x64xf32, #tpu.memory_space<hbm>> -> memref<26x64xf32, #tpu.memory_space<hbm>>
      %dma_start3A_300 = arith.constant 78 : i32
      %dma_start3A_301 = arith.constant 0 : i32
      %dma_start3A_302 = tpu.memref_slice %arg6[%dma_start3A_287, %dma_start3A_300, %dma_start3A_301] : memref<8x104x64xf32, #tpu.memory_space<vmem>> -> memref<1x26x64xf32, #tpu.memory_space<vmem>>
      %dma_start3A_303 = tpu.memref_squeeze %dma_start3A_302 : memref<1x26x64xf32, #tpu.memory_space<vmem>> -> memref<26x64xf32, #tpu.memory_space<vmem>>
      tpu.enqueue_dma source(%dma_start3A_303 : memref<26x64xf32, #tpu.memory_space<vmem>>) target(%dma_start3A_299 : memref<26x64xf32, #tpu.memory_space<hbm>>) target_semaphore(%arg17 : memref<!tpu.dma_semaphore, #tpu.memory_space<semaphore_mem>>)
      %dma_wait3A_304 = arith.constant 2 : i32
      %dma_wait3A_305 = arith.constant 0 : i32
      %dma_wait3A_306 = arith.constant 0 : i32
      %dma_wait3A_307 = tpu.memref_slice %arg6[%dma_wait3A_304, %dma_wait3A_305, %dma_wait3A_306] : memref<8x104x64xf32, #tpu.memory_space<vmem>> -> memref<1x104x64xf32, #tpu.memory_space<vmem>>
      %dma_wait3A_308 = tpu.memref_squeeze %dma_wait3A_307 : memref<1x104x64xf32, #tpu.memory_space<vmem>> -> memref<104x64xf32, #tpu.memory_space<vmem>>
      %dma_wait3A_309 = arith.constant 0 : i32
      %dma_wait3A_310 = tpu.memref_slice %arg5[%dma_wait3A_309] : memref<13312xi32, #tpu.memory_space<vmem>> -> memref<104xi32, #tpu.memory_space<vmem>>
      %dma_wait3A_311 = arith.constant 0 : i32
      %dma_wait3A_312 = arith.constant 0 : i32
      %dma_wait3A_313 = tpu.memref_slice %arg2[%dma_wait3A_311, %dma_wait3A_312] : memref<1000000x64xf32, #tpu.memory_space<hbm>> -> memref<1000000x64xf32, #tpu.memory_space<hbm>>
      tpu.wait_indirect_dma semaphore(%arg10 : memref<!tpu.dma_semaphore, #tpu.memory_space<semaphore_mem>>) src(%dma_wait3A_313 : memref<1000000x64xf32, #tpu.memory_space<hbm>>) dst(%dma_wait3A_308 : memref<104x64xf32, #tpu.memory_space<vmem>>)
      %scan3A_314 = arith.constant 0 : i32
      %scan3A_315 = arith.constant 52 : i32
      %scan3A_316 = arith.addi %scan3A_314, %scan3A_315 : i32
      %scan3A_317 = arith.constant 1 : i32
      scf.for %scan3A_940 = %scan3A_314 to %scan3A_316 step %scan3A_317  : i32 {
        %mul3A_941 = arith.constant 2 : i32
        %mul3A_942 = arith.muli %scan3A_940, %mul3A_941 : i32
        %add3A_943 = arith.constant 0 : i32
        %add3A_944 = arith.addi %mul3A_942, %add3A_943 : i32
        %get3A = arith.constant 2 : i32
        %get3A_945 = arith.index_cast %get3A : i32 to index
        %get3A_946 = arith.index_cast %add3A_944 : i32 to index
        %get3A_947 = arith.constant 0 : index
        %get3A_948 = tpu.vector_load %arg6[%get3A_945, %get3A_946, %get3A_947] {strides = array<i32>} : memref<8x104x64xf32, #tpu.memory_space<vmem>>, vector<1x1x16xf32>,
        %get3A_949 = vector.shape_cast %get3A_948 : vector<1x1x16xf32> to vector<16xf32>
        %mul3A_950 = arith.constant 1.000000e+01 : f32
        %mul3A_951 = vector.broadcast %mul3A_950 : f32 to vector<16xf32>
        %mul3A_952 = arith.mulf %get3A_949, %mul3A_951 : vector<16xf32>
        %add3A_953 = arith.constant 0 : i32
        %add3A_954 = arith.addi %mul3A_942, %add3A_953 : i32
        %swap3A = arith.constant 2 : i32
        %swap3A_955 = arith.index_cast %swap3A : i32 to index
        %swap3A_956 = arith.index_cast %add3A_954 : i32 to index
        %swap3A_957 = arith.constant 0 : index
        %swap3A_958 = tpu.vector_load %arg6[%swap3A_955, %swap3A_956, %swap3A_957] {strides = array<i32>} : memref<8x104x64xf32, #tpu.memory_space<vmem>>, vector<1x1x16xf32>,
        %swap3A_959 = vector.shape_cast %swap3A_958 : vector<1x1x16xf32> to vector<16xf32>
        %swap3A_960 = vector.shape_cast %mul3A_952 : vector<16xf32> to vector<1x1x16xf32>
        tpu.vector_store %arg6[%swap3A_955, %swap3A_956, %swap3A_957], %swap3A_960 {strides = array<i32>} : memref<8x104x64xf32, #tpu.memory_space<vmem>>, vector<1x1x16xf32>,
        %add3A_961 = arith.constant 0 : i32
        %add3A_962 = arith.addi %mul3A_942, %add3A_961 : i32
        %get3A_963 = arith.constant 2 : i32
        %get3A_964 = arith.index_cast %get3A_963 : i32 to index
        %get3A_965 = arith.index_cast %add3A_962 : i32 to index
        %get3A_966 = arith.constant 16 : index
        %get3A_967 = tpu.vector_load %arg6[%get3A_964, %get3A_965, %get3A_966] {strides = array<i32>} : memref<8x104x64xf32, #tpu.memory_space<vmem>>, vector<1x1x16xf32>,
        %get3A_968 = vector.shape_cast %get3A_967 : vector<1x1x16xf32> to vector<16xf32>
        %mul3A_969 = arith.constant 1.000000e+01 : f32
        %mul3A_970 = vector.broadcast %mul3A_969 : f32 to vector<16xf32>
        %mul3A_971 = arith.mulf %get3A_968, %mul3A_970 : vector<16xf32>
        %add3A_972 = arith.constant 0 : i32
        %add3A_973 = arith.addi %mul3A_942, %add3A_972 : i32
        %swap3A_974 = arith.constant 2 : i32
        %swap3A_975 = arith.index_cast %swap3A_974 : i32 to index
        %swap3A_976 = arith.index_cast %add3A_973 : i32 to index
        %swap3A_977 = arith.constant 16 : index
        %swap3A_978 = tpu.vector_load %arg6[%swap3A_975, %swap3A_976, %swap3A_977] {strides = array<i32>} : memref<8x104x64xf32, #tpu.memory_space<vmem>>, vector<1x1x16xf32>,
        %swap3A_979 = vector.shape_cast %swap3A_978 : vector<1x1x16xf32> to vector<16xf32>
        %swap3A_980 = vector.shape_cast %mul3A_971 : vector<16xf32> to vector<1x1x16xf32>
        tpu.vector_store %arg6[%swap3A_975, %swap3A_976, %swap3A_977], %swap3A_980 {strides = array<i32>} : memref<8x104x64xf32, #tpu.memory_space<vmem>>, vector<1x1x16xf32>,
        %add3A_981 = arith.constant 0 : i32
        %add3A_982 = arith.addi %mul3A_942, %add3A_981 : i32
        %get3A_983 = arith.constant 2 : i32
        %get3A_984 = arith.index_cast %get3A_983 : i32 to index
        %get3A_985 = arith.index_cast %add3A_982 : i32 to index
        %get3A_986 = arith.constant 32 : index
        %get3A_987 = tpu.vector_load %arg6[%get3A_984, %get3A_985, %get3A_986] {strides = array<i32>} : memref<8x104x64xf32, #tpu.memory_space<vmem>>, vector<1x1x16xf32>,
        %get3A_988 = vector.shape_cast %get3A_987 : vector<1x1x16xf32> to vector<16xf32>
        %mul3A_989 = arith.constant 1.000000e+01 : f32
        %mul3A_990 = vector.broadcast %mul3A_989 : f32 to vector<16xf32>
        %mul3A_991 = arith.mulf %get3A_988, %mul3A_990 : vector<16xf32>
        %add3A_992 = arith.constant 0 : i32
        %add3A_993 = arith.addi %mul3A_942, %add3A_992 : i32
        %swap3A_994 = arith.constant 2 : i32
        %swap3A_995 = arith.index_cast %swap3A_994 : i32 to index
        %swap3A_996 = arith.index_cast %add3A_993 : i32 to index
        %swap3A_997 = arith.constant 32 : index
        %swap3A_998 = tpu.vector_load %arg6[%swap3A_995, %swap3A_996, %swap3A_997] {strides = array<i32>} : memref<8x104x64xf32, #tpu.memory_space<vmem>>, vector<1x1x16xf32>,
        %swap3A_999 = vector.shape_cast %swap3A_998 : vector<1x1x16xf32> to vector<16xf32>
        %swap3A_1000 = vector.shape_cast %mul3A_991 : vector<16xf32> to vector<1x1x16xf32>
        tpu.vector_store %arg6[%swap3A_995, %swap3A_996, %swap3A_997], %swap3A_1000 {strides = array<i32>} : memref<8x104x64xf32, #tpu.memory_space<vmem>>, vector<1x1x16xf32>,
        %add3A_1001 = arith.constant 0 : i32
        %add3A_1002 = arith.addi %mul3A_942, %add3A_1001 : i32
        %get3A_1003 = arith.constant 2 : i32
        %get3A_1004 = arith.index_cast %get3A_1003 : i32 to index
        %get3A_1005 = arith.index_cast %add3A_1002 : i32 to index
        %get3A_1006 = arith.constant 48 : index
        %get3A_1007 = tpu.vector_load %arg6[%get3A_1004, %get3A_1005, %get3A_1006] {strides = array<i32>} : memref<8x104x64xf32, #tpu.memory_space<vmem>>, vector<1x1x16xf32>,
        %get3A_1008 = vector.shape_cast %get3A_1007 : vector<1x1x16xf32> to vector<16xf32>
        %mul3A_1009 = arith.constant 1.000000e+01 : f32
        %mul3A_1010 = vector.broadcast %mul3A_1009 : f32 to vector<16xf32>
        %mul3A_1011 = arith.mulf %get3A_1008, %mul3A_1010 : vector<16xf32>
        %add3A_1012 = arith.constant 0 : i32
        %add3A_1013 = arith.addi %mul3A_942, %add3A_1012 : i32
        %swap3A_1014 = arith.constant 2 : i32
        %swap3A_1015 = arith.index_cast %swap3A_1014 : i32 to index
        %swap3A_1016 = arith.index_cast %add3A_1013 : i32 to index
        %swap3A_1017 = arith.constant 48 : index
        %swap3A_1018 = tpu.vector_load %arg6[%swap3A_1015, %swap3A_1016, %swap3A_1017] {strides = array<i32>} : memref<8x104x64xf32, #tpu.memory_space<vmem>>, vector<1x1x16xf32>,
        %swap3A_1019 = vector.shape_cast %swap3A_1018 : vector<1x1x16xf32> to vector<16xf32>
        %swap3A_1020 = vector.shape_cast %mul3A_1011 : vector<16xf32> to vector<1x1x16xf32>
        tpu.vector_store %arg6[%swap3A_1015, %swap3A_1016, %swap3A_1017], %swap3A_1020 {strides = array<i32>} : memref<8x104x64xf32, #tpu.memory_space<vmem>>, vector<1x1x16xf32>,
        %add3A_1021 = arith.constant 1 : i32
        %add3A_1022 = arith.addi %mul3A_942, %add3A_1021 : i32
        %get3A_1023 = arith.constant 2 : i32
        %get3A_1024 = arith.index_cast %get3A_1023 : i32 to index
        %get3A_1025 = arith.index_cast %add3A_1022 : i32 to index
        %get3A_1026 = arith.constant 0 : index
        %get3A_1027 = tpu.vector_load %arg6[%get3A_1024, %get3A_1025, %get3A_1026] {strides = array<i32>} : memref<8x104x64xf32, #tpu.memory_space<vmem>>, vector<1x1x16xf32>,
        %get3A_1028 = vector.shape_cast %get3A_1027 : vector<1x1x16xf32> to vector<16xf32>
        %mul3A_1029 = arith.constant 1.000000e+01 : f32
        %mul3A_1030 = vector.broadcast %mul3A_1029 : f32 to vector<16xf32>
        %mul3A_1031 = arith.mulf %get3A_1028, %mul3A_1030 : vector<16xf32>
        %add3A_1032 = arith.constant 1 : i32
        %add3A_1033 = arith.addi %mul3A_942, %add3A_1032 : i32
        %swap3A_1034 = arith.constant 2 : i32
        %swap3A_1035 = arith.index_cast %swap3A_1034 : i32 to index
        %swap3A_1036 = arith.index_cast %add3A_1033 : i32 to index
        %swap3A_1037 = arith.constant 0 : index
        %swap3A_1038 = tpu.vector_load %arg6[%swap3A_1035, %swap3A_1036, %swap3A_1037] {strides = array<i32>} : memref<8x104x64xf32, #tpu.memory_space<vmem>>, vector<1x1x16xf32>,
        %swap3A_1039 = vector.shape_cast %swap3A_1038 : vector<1x1x16xf32> to vector<16xf32>
        %swap3A_1040 = vector.shape_cast %mul3A_1031 : vector<16xf32> to vector<1x1x16xf32>
        tpu.vector_store %arg6[%swap3A_1035, %swap3A_1036, %swap3A_1037], %swap3A_1040 {strides = array<i32>} : memref<8x104x64xf32, #tpu.memory_space<vmem>>, vector<1x1x16xf32>,
        %add3A_1041 = arith.constant 1 : i32
        %add3A_1042 = arith.addi %mul3A_942, %add3A_1041 : i32
        %get3A_1043 = arith.constant 2 : i32
        %get3A_1044 = arith.index_cast %get3A_1043 : i32 to index
        %get3A_1045 = arith.index_cast %add3A_1042 : i32 to index
        %get3A_1046 = arith.constant 16 : index
        %get3A_1047 = tpu.vector_load %arg6[%get3A_1044, %get3A_1045, %get3A_1046] {strides = array<i32>} : memref<8x104x64xf32, #tpu.memory_space<vmem>>, vector<1x1x16xf32>,
        %get3A_1048 = vector.shape_cast %get3A_1047 : vector<1x1x16xf32> to vector<16xf32>
        %mul3A_1049 = arith.constant 1.000000e+01 : f32
        %mul3A_1050 = vector.broadcast %mul3A_1049 : f32 to vector<16xf32>
        %mul3A_1051 = arith.mulf %get3A_1048, %mul3A_1050 : vector<16xf32>
        %add3A_1052 = arith.constant 1 : i32
        %add3A_1053 = arith.addi %mul3A_942, %add3A_1052 : i32
        %swap3A_1054 = arith.constant 2 : i32
        %swap3A_1055 = arith.index_cast %swap3A_1054 : i32 to index
        %swap3A_1056 = arith.index_cast %add3A_1053 : i32 to index
        %swap3A_1057 = arith.constant 16 : index
        %swap3A_1058 = tpu.vector_load %arg6[%swap3A_1055, %swap3A_1056, %swap3A_1057] {strides = array<i32>} : memref<8x104x64xf32, #tpu.memory_space<vmem>>, vector<1x1x16xf32>,
        %swap3A_1059 = vector.shape_cast %swap3A_1058 : vector<1x1x16xf32> to vector<16xf32>
        %swap3A_1060 = vector.shape_cast %mul3A_1051 : vector<16xf32> to vector<1x1x16xf32>
        tpu.vector_store %arg6[%swap3A_1055, %swap3A_1056, %swap3A_1057], %swap3A_1060 {strides = array<i32>} : memref<8x104x64xf32, #tpu.memory_space<vmem>>, vector<1x1x16xf32>,
        %add3A_1061 = arith.constant 1 : i32
        %add3A_1062 = arith.addi %mul3A_942, %add3A_1061 : i32
        %get3A_1063 = arith.constant 2 : i32
        %get3A_1064 = arith.index_cast %get3A_1063 : i32 to index
        %get3A_1065 = arith.index_cast %add3A_1062 : i32 to index
        %get3A_1066 = arith.constant 32 : index
        %get3A_1067 = tpu.vector_load %arg6[%get3A_1064, %get3A_1065, %get3A_1066] {strides = array<i32>} : memref<8x104x64xf32, #tpu.memory_space<vmem>>, vector<1x1x16xf32>,
        %get3A_1068 = vector.shape_cast %get3A_1067 : vector<1x1x16xf32> to vector<16xf32>
        %mul3A_1069 = arith.constant 1.000000e+01 : f32
        %mul3A_1070 = vector.broadcast %mul3A_1069 : f32 to vector<16xf32>
        %mul3A_1071 = arith.mulf %get3A_1068, %mul3A_1070 : vector<16xf32>
        %add3A_1072 = arith.constant 1 : i32
        %add3A_1073 = arith.addi %mul3A_942, %add3A_1072 : i32
        %swap3A_1074 = arith.constant 2 : i32
        %swap3A_1075 = arith.index_cast %swap3A_1074 : i32 to index
        %swap3A_1076 = arith.index_cast %add3A_1073 : i32 to index
        %swap3A_1077 = arith.constant 32 : index
        %swap3A_1078 = tpu.vector_load %arg6[%swap3A_1075, %swap3A_1076, %swap3A_1077] {strides = array<i32>} : memref<8x104x64xf32, #tpu.memory_space<vmem>>, vector<1x1x16xf32>,
        %swap3A_1079 = vector.shape_cast %swap3A_1078 : vector<1x1x16xf32> to vector<16xf32>
        %swap3A_1080 = vector.shape_cast %mul3A_1071 : vector<16xf32> to vector<1x1x16xf32>
        tpu.vector_store %arg6[%swap3A_1075, %swap3A_1076, %swap3A_1077], %swap3A_1080 {strides = array<i32>} : memref<8x104x64xf32, #tpu.memory_space<vmem>>, vector<1x1x16xf32>,
        %add3A_1081 = arith.constant 1 : i32
        %add3A_1082 = arith.addi %mul3A_942, %add3A_1081 : i32
        %get3A_1083 = arith.constant 2 : i32
        %get3A_1084 = arith.index_cast %get3A_1083 : i32 to index
        %get3A_1085 = arith.index_cast %add3A_1082 : i32 to index
        %get3A_1086 = arith.constant 48 : index
        %get3A_1087 = tpu.vector_load %arg6[%get3A_1084, %get3A_1085, %get3A_1086] {strides = array<i32>} : memref<8x104x64xf32, #tpu.memory_space<vmem>>, vector<1x1x16xf32>,
        %get3A_1088 = vector.shape_cast %get3A_1087 : vector<1x1x16xf32> to vector<16xf32>
        %mul3A_1089 = arith.constant 1.000000e+01 : f32
        %mul3A_1090 = vector.broadcast %mul3A_1089 : f32 to vector<16xf32>
        %mul3A_1091 = arith.mulf %get3A_1088, %mul3A_1090 : vector<16xf32>
        %add3A_1092 = arith.constant 1 : i32
        %add3A_1093 = arith.addi %mul3A_942, %add3A_1092 : i32
        %swap3A_1094 = arith.constant 2 : i32
        %swap3A_1095 = arith.index_cast %swap3A_1094 : i32 to index
        %swap3A_1096 = arith.index_cast %add3A_1093 : i32 to index
        %swap3A_1097 = arith.constant 48 : index
        %swap3A_1098 = tpu.vector_load %arg6[%swap3A_1095, %swap3A_1096, %swap3A_1097] {strides = array<i32>} : memref<8x104x64xf32, #tpu.memory_space<vmem>>, vector<1x1x16xf32>,
        %swap3A_1099 = vector.shape_cast %swap3A_1098 : vector<1x1x16xf32> to vector<16xf32>
        %swap3A_1100 = vector.shape_cast %mul3A_1091 : vector<16xf32> to vector<1x1x16xf32>
        tpu.vector_store %arg6[%swap3A_1095, %swap3A_1096, %swap3A_1097], %swap3A_1100 {strides = array<i32>} : memref<8x104x64xf32, #tpu.memory_space<vmem>>, vector<1x1x16xf32>,
      }
      %scan3A_318 = arith.constant 52 : i32
      %add3A_319 = arith.constant 2 : i32
      %add3A_320 = arith.addi %mul3A_93, %add3A_319 : i32
      %mul3A_321 = arith.constant 4 : i32
      %mul3A_322 = arith.muli %add3A_320, %mul3A_321 : i32
      %add3A_323 = arith.addi %mul3A_2, %mul3A_322 : i32
      %add3A_324 = arith.constant 0 : i32
      %add3A_325 = arith.addi %add3A_323, %add3A_324 : i32
      %dma_start3A_326 = arith.constant 2 : i32
      %dma_start3A_327 = arith.constant 0 : i32
      %dma_start3A_328 = arith.constant 0 : i32
      %dma_start3A_329 = tpu.memref_slice %arg6[%dma_start3A_326, %dma_start3A_327, %dma_start3A_328] : memref<8x104x64xf32, #tpu.memory_space<vmem>> -> memref<1x26x64xf32, #tpu.memory_space<vmem>>
      %dma_start3A_330 = tpu.memref_squeeze %dma_start3A_329 : memref<1x26x64xf32, #tpu.memory_space<vmem>> -> memref<26x64xf32, #tpu.memory_space<vmem>>
      %dma_start3A_331 = arith.constant 0 : i32
      %dma_start3A_332 = arith.constant 0 : i32
      %dma_start3A_333 = tpu.memref_slice %arg4[%add3A_325, %dma_start3A_331, %dma_start3A_332] : memref<16384x32x128xf32, #tpu.memory_space<hbm>> -> memref<1x26x64xf32, #tpu.memory_space<hbm>>
      %dma_start3A_334 = tpu.memref_squeeze %dma_start3A_333 : memref<1x26x64xf32, #tpu.memory_space<hbm>> -> memref<26x64xf32, #tpu.memory_space<hbm>>
      %dma_start3A_335 = arith.constant 0 : i32
      %dma_start3A_336 = arith.constant 0 : i32
      %dma_start3A_337 = tpu.memref_slice %arg4[%add3A_325, %dma_start3A_335, %dma_start3A_336] : memref<16384x32x128xf32, #tpu.memory_space<hbm>> -> memref<1x26x64xf32, #tpu.memory_space<hbm>>
      %dma_start3A_338 = tpu.memref_squeeze %dma_start3A_337 : memref<1x26x64xf32, #tpu.memory_space<hbm>> -> memref<26x64xf32, #tpu.memory_space<hbm>>
      %dma_start3A_339 = arith.constant 0 : i32
      %dma_start3A_340 = arith.constant 0 : i32
      %dma_start3A_341 = tpu.memref_slice %arg6[%dma_start3A_326, %dma_start3A_339, %dma_start3A_340] : memref<8x104x64xf32, #tpu.memory_space<vmem>> -> memref<1x26x64xf32, #tpu.memory_space<vmem>>
      %dma_start3A_342 = tpu.memref_squeeze %dma_start3A_341 : memref<1x26x64xf32, #tpu.memory_space<vmem>> -> memref<26x64xf32, #tpu.memory_space<vmem>>
      tpu.enqueue_dma source(%dma_start3A_342 : memref<26x64xf32, #tpu.memory_space<vmem>>) target(%dma_start3A_338 : memref<26x64xf32, #tpu.memory_space<hbm>>) target_semaphore(%arg18 : memref<!tpu.dma_semaphore, #tpu.memory_space<semaphore_mem>>)
      %mul3A_343 = arith.constant 4 : i32
      %mul3A_344 = arith.muli %add3A_320, %mul3A_343 : i32
      %add3A_345 = arith.addi %mul3A_2, %mul3A_344 : i32
      %add3A_346 = arith.constant 1 : i32
      %add3A_347 = arith.addi %add3A_345, %add3A_346 : i32
      %dma_start3A_348 = arith.constant 2 : i32
      %dma_start3A_349 = arith.constant 26 : i32
      %dma_start3A_350 = arith.constant 0 : i32
      %dma_start3A_351 = tpu.memref_slice %arg6[%dma_start3A_348, %dma_start3A_349, %dma_start3A_350] : memref<8x104x64xf32, #tpu.memory_space<vmem>> -> memref<1x26x64xf32, #tpu.memory_space<vmem>>
      %dma_start3A_352 = tpu.memref_squeeze %dma_start3A_351 : memref<1x26x64xf32, #tpu.memory_space<vmem>> -> memref<26x64xf32, #tpu.memory_space<vmem>>
      %dma_start3A_353 = arith.constant 0 : i32
      %dma_start3A_354 = arith.constant 0 : i32
      %dma_start3A_355 = tpu.memref_slice %arg4[%add3A_347, %dma_start3A_353, %dma_start3A_354] : memref<16384x32x128xf32, #tpu.memory_space<hbm>> -> memref<1x26x64xf32, #tpu.memory_space<hbm>>
      %dma_start3A_356 = tpu.memref_squeeze %dma_start3A_355 : memref<1x26x64xf32, #tpu.memory_space<hbm>> -> memref<26x64xf32, #tpu.memory_space<hbm>>
      %dma_start3A_357 = arith.constant 0 : i32
      %dma_start3A_358 = arith.constant 0 : i32
      %dma_start3A_359 = tpu.memref_slice %arg4[%add3A_347, %dma_start3A_357, %dma_start3A_358] : memref<16384x32x128xf32, #tpu.memory_space<hbm>> -> memref<1x26x64xf32, #tpu.memory_space<hbm>>
      %dma_start3A_360 = tpu.memref_squeeze %dma_start3A_359 : memref<1x26x64xf32, #tpu.memory_space<hbm>> -> memref<26x64xf32, #tpu.memory_space<hbm>>
      %dma_start3A_361 = arith.constant 26 : i32
      %dma_start3A_362 = arith.constant 0 : i32
      %dma_start3A_363 = tpu.memref_slice %arg6[%dma_start3A_348, %dma_start3A_361, %dma_start3A_362] : memref<8x104x64xf32, #tpu.memory_space<vmem>> -> memref<1x26x64xf32, #tpu.memory_space<vmem>>
      %dma_start3A_364 = tpu.memref_squeeze %dma_start3A_363 : memref<1x26x64xf32, #tpu.memory_space<vmem>> -> memref<26x64xf32, #tpu.memory_space<vmem>>
      tpu.enqueue_dma source(%dma_start3A_364 : memref<26x64xf32, #tpu.memory_space<vmem>>) target(%dma_start3A_360 : memref<26x64xf32, #tpu.memory_space<hbm>>) target_semaphore(%arg18 : memref<!tpu.dma_semaphore, #tpu.memory_space<semaphore_mem>>)
      %mul3A_365 = arith.constant 4 : i32
      %mul3A_366 = arith.muli %add3A_320, %mul3A_365 : i32
      %add3A_367 = arith.addi %mul3A_2, %mul3A_366 : i32
      %add3A_368 = arith.constant 2 : i32
      %add3A_369 = arith.addi %add3A_367, %add3A_368 : i32
      %dma_start3A_370 = arith.constant 2 : i32
      %dma_start3A_371 = arith.constant 52 : i32
      %dma_start3A_372 = arith.constant 0 : i32
      %dma_start3A_373 = tpu.memref_slice %arg6[%dma_start3A_370, %dma_start3A_371, %dma_start3A_372] : memref<8x104x64xf32, #tpu.memory_space<vmem>> -> memref<1x26x64xf32, #tpu.memory_space<vmem>>
      %dma_start3A_374 = tpu.memref_squeeze %dma_start3A_373 : memref<1x26x64xf32, #tpu.memory_space<vmem>> -> memref<26x64xf32, #tpu.memory_space<vmem>>
      %dma_start3A_375 = arith.constant 0 : i32
      %dma_start3A_376 = arith.constant 0 : i32
      %dma_start3A_377 = tpu.memref_slice %arg4[%add3A_369, %dma_start3A_375, %dma_start3A_376] : memref<16384x32x128xf32, #tpu.memory_space<hbm>> -> memref<1x26x64xf32, #tpu.memory_space<hbm>>
      %dma_start3A_378 = tpu.memref_squeeze %dma_start3A_377 : memref<1x26x64xf32, #tpu.memory_space<hbm>> -> memref<26x64xf32, #tpu.memory_space<hbm>>
      %dma_start3A_379 = arith.constant 0 : i32
      %dma_start3A_380 = arith.constant 0 : i32
      %dma_start3A_381 = tpu.memref_slice %arg4[%add3A_369, %dma_start3A_379, %dma_start3A_380] : memref<16384x32x128xf32, #tpu.memory_space<hbm>> -> memref<1x26x64xf32, #tpu.memory_space<hbm>>
      %dma_start3A_382 = tpu.memref_squeeze %dma_start3A_381 : memref<1x26x64xf32, #tpu.memory_space<hbm>> -> memref<26x64xf32, #tpu.memory_space<hbm>>
      %dma_start3A_383 = arith.constant 52 : i32
      %dma_start3A_384 = arith.constant 0 : i32
      %dma_start3A_385 = tpu.memref_slice %arg6[%dma_start3A_370, %dma_start3A_383, %dma_start3A_384] : memref<8x104x64xf32, #tpu.memory_space<vmem>> -> memref<1x26x64xf32, #tpu.memory_space<vmem>>
      %dma_start3A_386 = tpu.memref_squeeze %dma_start3A_385 : memref<1x26x64xf32, #tpu.memory_space<vmem>> -> memref<26x64xf32, #tpu.memory_space<vmem>>
      tpu.enqueue_dma source(%dma_start3A_386 : memref<26x64xf32, #tpu.memory_space<vmem>>) target(%dma_start3A_382 : memref<26x64xf32, #tpu.memory_space<hbm>>) target_semaphore(%arg18 : memref<!tpu.dma_semaphore, #tpu.memory_space<semaphore_mem>>)
      %mul3A_387 = arith.constant 4 : i32
      %mul3A_388 = arith.muli %add3A_320, %mul3A_387 : i32
      %add3A_389 = arith.addi %mul3A_2, %mul3A_388 : i32
      %add3A_390 = arith.constant 3 : i32
      %add3A_391 = arith.addi %add3A_389, %add3A_390 : i32
      %dma_start3A_392 = arith.constant 2 : i32
      %dma_start3A_393 = arith.constant 78 : i32
      %dma_start3A_394 = arith.constant 0 : i32
      %dma_start3A_395 = tpu.memref_slice %arg6[%dma_start3A_392, %dma_start3A_393, %dma_start3A_394] : memref<8x104x64xf32, #tpu.memory_space<vmem>> -> memref<1x26x64xf32, #tpu.memory_space<vmem>>
      %dma_start3A_396 = tpu.memref_squeeze %dma_start3A_395 : memref<1x26x64xf32, #tpu.memory_space<vmem>> -> memref<26x64xf32, #tpu.memory_space<vmem>>
      %dma_start3A_397 = arith.constant 0 : i32
      %dma_start3A_398 = arith.constant 0 : i32
      %dma_start3A_399 = tpu.memref_slice %arg4[%add3A_391, %dma_start3A_397, %dma_start3A_398] : memref<16384x32x128xf32, #tpu.memory_space<hbm>> -> memref<1x26x64xf32, #tpu.memory_space<hbm>>
      %dma_start3A_400 = tpu.memref_squeeze %dma_start3A_399 : memref<1x26x64xf32, #tpu.memory_space<hbm>> -> memref<26x64xf32, #tpu.memory_space<hbm>>
      %dma_start3A_401 = arith.constant 0 : i32
      %dma_start3A_402 = arith.constant 0 : i32
      %dma_start3A_403 = tpu.memref_slice %arg4[%add3A_391, %dma_start3A_401, %dma_start3A_402] : memref<16384x32x128xf32, #tpu.memory_space<hbm>> -> memref<1x26x64xf32, #tpu.memory_space<hbm>>
      %dma_start3A_404 = tpu.memref_squeeze %dma_start3A_403 : memref<1x26x64xf32, #tpu.memory_space<hbm>> -> memref<26x64xf32, #tpu.memory_space<hbm>>
      %dma_start3A_405 = arith.constant 78 : i32
      %dma_start3A_406 = arith.constant 0 : i32
      %dma_start3A_407 = tpu.memref_slice %arg6[%dma_start3A_392, %dma_start3A_405, %dma_start3A_406] : memref<8x104x64xf32, #tpu.memory_space<vmem>> -> memref<1x26x64xf32, #tpu.memory_space<vmem>>
      %dma_start3A_408 = tpu.memref_squeeze %dma_start3A_407 : memref<1x26x64xf32, #tpu.memory_space<vmem>> -> memref<26x64xf32, #tpu.memory_space<vmem>>
      tpu.enqueue_dma source(%dma_start3A_408 : memref<26x64xf32, #tpu.memory_space<vmem>>) target(%dma_start3A_404 : memref<26x64xf32, #tpu.memory_space<hbm>>) target_semaphore(%arg18 : memref<!tpu.dma_semaphore, #tpu.memory_space<semaphore_mem>>)
      %dma_wait3A_409 = arith.constant 3 : i32
      %dma_wait3A_410 = arith.constant 0 : i32
      %dma_wait3A_411 = arith.constant 0 : i32
      %dma_wait3A_412 = tpu.memref_slice %arg6[%dma_wait3A_409, %dma_wait3A_410, %dma_wait3A_411] : memref<8x104x64xf32, #tpu.memory_space<vmem>> -> memref<1x104x64xf32, #tpu.memory_space<vmem>>
      %dma_wait3A_413 = tpu.memref_squeeze %dma_wait3A_412 : memref<1x104x64xf32, #tpu.memory_space<vmem>> -> memref<104x64xf32, #tpu.memory_space<vmem>>
      %dma_wait3A_414 = arith.constant 0 : i32
      %dma_wait3A_415 = tpu.memref_slice %arg5[%dma_wait3A_414] : memref<13312xi32, #tpu.memory_space<vmem>> -> memref<104xi32, #tpu.memory_space<vmem>>
      %dma_wait3A_416 = arith.constant 0 : i32
      %dma_wait3A_417 = arith.constant 0 : i32
      %dma_wait3A_418 = tpu.memref_slice %arg2[%dma_wait3A_416, %dma_wait3A_417] : memref<1000000x64xf32, #tpu.memory_space<hbm>> -> memref<1000000x64xf32, #tpu.memory_space<hbm>>
      tpu.wait_indirect_dma semaphore(%arg11 : memref<!tpu.dma_semaphore, #tpu.memory_space<semaphore_mem>>) src(%dma_wait3A_418 : memref<1000000x64xf32, #tpu.memory_space<hbm>>) dst(%dma_wait3A_413 : memref<104x64xf32, #tpu.memory_space<vmem>>)
      %scan3A_419 = arith.constant 0 : i32
      %scan3A_420 = arith.constant 52 : i32
      %scan3A_421 = arith.addi %scan3A_419, %scan3A_420 : i32
      %scan3A_422 = arith.constant 1 : i32
      scf.for %scan3A_940 = %scan3A_419 to %scan3A_421 step %scan3A_422  : i32 {
        %mul3A_941 = arith.constant 2 : i32
        %mul3A_942 = arith.muli %scan3A_940, %mul3A_941 : i32
        %add3A_943 = arith.constant 0 : i32
        %add3A_944 = arith.addi %mul3A_942, %add3A_943 : i32
        %get3A = arith.constant 3 : i32
        %get3A_945 = arith.index_cast %get3A : i32 to index
        %get3A_946 = arith.index_cast %add3A_944 : i32 to index
        %get3A_947 = arith.constant 0 : index
        %get3A_948 = tpu.vector_load %arg6[%get3A_945, %get3A_946, %get3A_947] {strides = array<i32>} : memref<8x104x64xf32, #tpu.memory_space<vmem>>, vector<1x1x16xf32>,
        %get3A_949 = vector.shape_cast %get3A_948 : vector<1x1x16xf32> to vector<16xf32>
        %mul3A_950 = arith.constant 1.000000e+01 : f32
        %mul3A_951 = vector.broadcast %mul3A_950 : f32 to vector<16xf32>
        %mul3A_952 = arith.mulf %get3A_949, %mul3A_951 : vector<16xf32>
        %add3A_953 = arith.constant 0 : i32
        %add3A_954 = arith.addi %mul3A_942, %add3A_953 : i32
        %swap3A = arith.constant 3 : i32
        %swap3A_955 = arith.index_cast %swap3A : i32 to index
        %swap3A_956 = arith.index_cast %add3A_954 : i32 to index
        %swap3A_957 = arith.constant 0 : index
        %swap3A_958 = tpu.vector_load %arg6[%swap3A_955, %swap3A_956, %swap3A_957] {strides = array<i32>} : memref<8x104x64xf32, #tpu.memory_space<vmem>>, vector<1x1x16xf32>,
        %swap3A_959 = vector.shape_cast %swap3A_958 : vector<1x1x16xf32> to vector<16xf32>
        %swap3A_960 = vector.shape_cast %mul3A_952 : vector<16xf32> to vector<1x1x16xf32>
        tpu.vector_store %arg6[%swap3A_955, %swap3A_956, %swap3A_957], %swap3A_960 {strides = array<i32>} : memref<8x104x64xf32, #tpu.memory_space<vmem>>, vector<1x1x16xf32>,
        %add3A_961 = arith.constant 0 : i32
        %add3A_962 = arith.addi %mul3A_942, %add3A_961 : i32
        %get3A_963 = arith.constant 3 : i32
        %get3A_964 = arith.index_cast %get3A_963 : i32 to index
        %get3A_965 = arith.index_cast %add3A_962 : i32 to index
        %get3A_966 = arith.constant 16 : index
        %get3A_967 = tpu.vector_load %arg6[%get3A_964, %get3A_965, %get3A_966] {strides = array<i32>} : memref<8x104x64xf32, #tpu.memory_space<vmem>>, vector<1x1x16xf32>,
        %get3A_968 = vector.shape_cast %get3A_967 : vector<1x1x16xf32> to vector<16xf32>
        %mul3A_969 = arith.constant 1.000000e+01 : f32
        %mul3A_970 = vector.broadcast %mul3A_969 : f32 to vector<16xf32>
        %mul3A_971 = arith.mulf %get3A_968, %mul3A_970 : vector<16xf32>
        %add3A_972 = arith.constant 0 : i32
        %add3A_973 = arith.addi %mul3A_942, %add3A_972 : i32
        %swap3A_974 = arith.constant 3 : i32
        %swap3A_975 = arith.index_cast %swap3A_974 : i32 to index
        %swap3A_976 = arith.index_cast %add3A_973 : i32 to index
        %swap3A_977 = arith.constant 16 : index
        %swap3A_978 = tpu.vector_load %arg6[%swap3A_975, %swap3A_976, %swap3A_977] {strides = array<i32>} : memref<8x104x64xf32, #tpu.memory_space<vmem>>, vector<1x1x16xf32>,
        %swap3A_979 = vector.shape_cast %swap3A_978 : vector<1x1x16xf32> to vector<16xf32>
        %swap3A_980 = vector.shape_cast %mul3A_971 : vector<16xf32> to vector<1x1x16xf32>
        tpu.vector_store %arg6[%swap3A_975, %swap3A_976, %swap3A_977], %swap3A_980 {strides = array<i32>} : memref<8x104x64xf32, #tpu.memory_space<vmem>>, vector<1x1x16xf32>,
        %add3A_981 = arith.constant 0 : i32
        %add3A_982 = arith.addi %mul3A_942, %add3A_981 : i32
        %get3A_983 = arith.constant 3 : i32
        %get3A_984 = arith.index_cast %get3A_983 : i32 to index
        %get3A_985 = arith.index_cast %add3A_982 : i32 to index
        %get3A_986 = arith.constant 32 : index
        %get3A_987 = tpu.vector_load %arg6[%get3A_984, %get3A_985, %get3A_986] {strides = array<i32>} : memref<8x104x64xf32, #tpu.memory_space<vmem>>, vector<1x1x16xf32>,
        %get3A_988 = vector.shape_cast %get3A_987 : vector<1x1x16xf32> to vector<16xf32>
        %mul3A_989 = arith.constant 1.000000e+01 : f32
        %mul3A_990 = vector.broadcast %mul3A_989 : f32 to vector<16xf32>
        %mul3A_991 = arith.mulf %get3A_988, %mul3A_990 : vector<16xf32>
        %add3A_992 = arith.constant 0 : i32
        %add3A_993 = arith.addi %mul3A_942, %add3A_992 : i32
        %swap3A_994 = arith.constant 3 : i32
        %swap3A_995 = arith.index_cast %swap3A_994 : i32 to index
        %swap3A_996 = arith.index_cast %add3A_993 : i32 to index
        %swap3A_997 = arith.constant 32 : index
        %swap3A_998 = tpu.vector_load %arg6[%swap3A_995, %swap3A_996, %swap3A_997] {strides = array<i32>} : memref<8x104x64xf32, #tpu.memory_space<vmem>>, vector<1x1x16xf32>,
        %swap3A_999 = vector.shape_cast %swap3A_998 : vector<1x1x16xf32> to vector<16xf32>
        %swap3A_1000 = vector.shape_cast %mul3A_991 : vector<16xf32> to vector<1x1x16xf32>
        tpu.vector_store %arg6[%swap3A_995, %swap3A_996, %swap3A_997], %swap3A_1000 {strides = array<i32>} : memref<8x104x64xf32, #tpu.memory_space<vmem>>, vector<1x1x16xf32>,
        %add3A_1001 = arith.constant 0 : i32
        %add3A_1002 = arith.addi %mul3A_942, %add3A_1001 : i32
        %get3A_1003 = arith.constant 3 : i32
        %get3A_1004 = arith.index_cast %get3A_1003 : i32 to index
        %get3A_1005 = arith.index_cast %add3A_1002 : i32 to index
        %get3A_1006 = arith.constant 48 : index
        %get3A_1007 = tpu.vector_load %arg6[%get3A_1004, %get3A_1005, %get3A_1006] {strides = array<i32>} : memref<8x104x64xf32, #tpu.memory_space<vmem>>, vector<1x1x16xf32>,
        %get3A_1008 = vector.shape_cast %get3A_1007 : vector<1x1x16xf32> to vector<16xf32>
        %mul3A_1009 = arith.constant 1.000000e+01 : f32
        %mul3A_1010 = vector.broadcast %mul3A_1009 : f32 to vector<16xf32>
        %mul3A_1011 = arith.mulf %get3A_1008, %mul3A_1010 : vector<16xf32>
        %add3A_1012 = arith.constant 0 : i32
        %add3A_1013 = arith.addi %mul3A_942, %add3A_1012 : i32
        %swap3A_1014 = arith.constant 3 : i32
        %swap3A_1015 = arith.index_cast %swap3A_1014 : i32 to index
        %swap3A_1016 = arith.index_cast %add3A_1013 : i32 to index
        %swap3A_1017 = arith.constant 48 : index
        %swap3A_1018 = tpu.vector_load %arg6[%swap3A_1015, %swap3A_1016, %swap3A_1017] {strides = array<i32>} : memref<8x104x64xf32, #tpu.memory_space<vmem>>, vector<1x1x16xf32>,
        %swap3A_1019 = vector.shape_cast %swap3A_1018 : vector<1x1x16xf32> to vector<16xf32>
        %swap3A_1020 = vector.shape_cast %mul3A_1011 : vector<16xf32> to vector<1x1x16xf32>
        tpu.vector_store %arg6[%swap3A_1015, %swap3A_1016, %swap3A_1017], %swap3A_1020 {strides = array<i32>} : memref<8x104x64xf32, #tpu.memory_space<vmem>>, vector<1x1x16xf32>,
        %add3A_1021 = arith.constant 1 : i32
        %add3A_1022 = arith.addi %mul3A_942, %add3A_1021 : i32
        %get3A_1023 = arith.constant 3 : i32
        %get3A_1024 = arith.index_cast %get3A_1023 : i32 to index
        %get3A_1025 = arith.index_cast %add3A_1022 : i32 to index
        %get3A_1026 = arith.constant 0 : index
        %get3A_1027 = tpu.vector_load %arg6[%get3A_1024, %get3A_1025, %get3A_1026] {strides = array<i32>} : memref<8x104x64xf32, #tpu.memory_space<vmem>>, vector<1x1x16xf32>,
        %get3A_1028 = vector.shape_cast %get3A_1027 : vector<1x1x16xf32> to vector<16xf32>
        %mul3A_1029 = arith.constant 1.000000e+01 : f32
        %mul3A_1030 = vector.broadcast %mul3A_1029 : f32 to vector<16xf32>
        %mul3A_1031 = arith.mulf %get3A_1028, %mul3A_1030 : vector<16xf32>
        %add3A_1032 = arith.constant 1 : i32
        %add3A_1033 = arith.addi %mul3A_942, %add3A_1032 : i32
        %swap3A_1034 = arith.constant 3 : i32
        %swap3A_1035 = arith.index_cast %swap3A_1034 : i32 to index
        %swap3A_1036 = arith.index_cast %add3A_1033 : i32 to index
        %swap3A_1037 = arith.constant 0 : index
        %swap3A_1038 = tpu.vector_load %arg6[%swap3A_1035, %swap3A_1036, %swap3A_1037] {strides = array<i32>} : memref<8x104x64xf32, #tpu.memory_space<vmem>>, vector<1x1x16xf32>,
        %swap3A_1039 = vector.shape_cast %swap3A_1038 : vector<1x1x16xf32> to vector<16xf32>
        %swap3A_1040 = vector.shape_cast %mul3A_1031 : vector<16xf32> to vector<1x1x16xf32>
        tpu.vector_store %arg6[%swap3A_1035, %swap3A_1036, %swap3A_1037], %swap3A_1040 {strides = array<i32>} : memref<8x104x64xf32, #tpu.memory_space<vmem>>, vector<1x1x16xf32>,
        %add3A_1041 = arith.constant 1 : i32
        %add3A_1042 = arith.addi %mul3A_942, %add3A_1041 : i32
        %get3A_1043 = arith.constant 3 : i32
        %get3A_1044 = arith.index_cast %get3A_1043 : i32 to index
        %get3A_1045 = arith.index_cast %add3A_1042 : i32 to index
        %get3A_1046 = arith.constant 16 : index
        %get3A_1047 = tpu.vector_load %arg6[%get3A_1044, %get3A_1045, %get3A_1046] {strides = array<i32>} : memref<8x104x64xf32, #tpu.memory_space<vmem>>, vector<1x1x16xf32>,
        %get3A_1048 = vector.shape_cast %get3A_1047 : vector<1x1x16xf32> to vector<16xf32>
        %mul3A_1049 = arith.constant 1.000000e+01 : f32
        %mul3A_1050 = vector.broadcast %mul3A_1049 : f32 to vector<16xf32>
        %mul3A_1051 = arith.mulf %get3A_1048, %mul3A_1050 : vector<16xf32>
        %add3A_1052 = arith.constant 1 : i32
        %add3A_1053 = arith.addi %mul3A_942, %add3A_1052 : i32
        %swap3A_1054 = arith.constant 3 : i32
        %swap3A_1055 = arith.index_cast %swap3A_1054 : i32 to index
        %swap3A_1056 = arith.index_cast %add3A_1053 : i32 to index
        %swap3A_1057 = arith.constant 16 : index
        %swap3A_1058 = tpu.vector_load %arg6[%swap3A_1055, %swap3A_1056, %swap3A_1057] {strides = array<i32>} : memref<8x104x64xf32, #tpu.memory_space<vmem>>, vector<1x1x16xf32>,
        %swap3A_1059 = vector.shape_cast %swap3A_1058 : vector<1x1x16xf32> to vector<16xf32>
        %swap3A_1060 = vector.shape_cast %mul3A_1051 : vector<16xf32> to vector<1x1x16xf32>
        tpu.vector_store %arg6[%swap3A_1055, %swap3A_1056, %swap3A_1057], %swap3A_1060 {strides = array<i32>} : memref<8x104x64xf32, #tpu.memory_space<vmem>>, vector<1x1x16xf32>,
        %add3A_1061 = arith.constant 1 : i32
        %add3A_1062 = arith.addi %mul3A_942, %add3A_1061 : i32
        %get3A_1063 = arith.constant 3 : i32
        %get3A_1064 = arith.index_cast %get3A_1063 : i32 to index
        %get3A_1065 = arith.index_cast %add3A_1062 : i32 to index
        %get3A_1066 = arith.constant 32 : index
        %get3A_1067 = tpu.vector_load %arg6[%get3A_1064, %get3A_1065, %get3A_1066] {strides = array<i32>} : memref<8x104x64xf32, #tpu.memory_space<vmem>>, vector<1x1x16xf32>,
        %get3A_1068 = vector.shape_cast %get3A_1067 : vector<1x1x16xf32> to vector<16xf32>
        %mul3A_1069 = arith.constant 1.000000e+01 : f32
        %mul3A_1070 = vector.broadcast %mul3A_1069 : f32 to vector<16xf32>
        %mul3A_1071 = arith.mulf %get3A_1068, %mul3A_1070 : vector<16xf32>
        %add3A_1072 = arith.constant 1 : i32
        %add3A_1073 = arith.addi %mul3A_942, %add3A_1072 : i32
        %swap3A_1074 = arith.constant 3 : i32
        %swap3A_1075 = arith.index_cast %swap3A_1074 : i32 to index
        %swap3A_1076 = arith.index_cast %add3A_1073 : i32 to index
        %swap3A_1077 = arith.constant 32 : index
        %swap3A_1078 = tpu.vector_load %arg6[%swap3A_1075, %swap3A_1076, %swap3A_1077] {strides = array<i32>} : memref<8x104x64xf32, #tpu.memory_space<vmem>>, vector<1x1x16xf32>,
        %swap3A_1079 = vector.shape_cast %swap3A_1078 : vector<1x1x16xf32> to vector<16xf32>
        %swap3A_1080 = vector.shape_cast %mul3A_1071 : vector<16xf32> to vector<1x1x16xf32>
        tpu.vector_store %arg6[%swap3A_1075, %swap3A_1076, %swap3A_1077], %swap3A_1080 {strides = array<i32>} : memref<8x104x64xf32, #tpu.memory_space<vmem>>, vector<1x1x16xf32>,
        %add3A_1081 = arith.constant 1 : i32
        %add3A_1082 = arith.addi %mul3A_942, %add3A_1081 : i32
        %get3A_1083 = arith.constant 3 : i32
        %get3A_1084 = arith.index_cast %get3A_1083 : i32 to index
        %get3A_1085 = arith.index_cast %add3A_1082 : i32 to index
        %get3A_1086 = arith.constant 48 : index
        %get3A_1087 = tpu.vector_load %arg6[%get3A_1084, %get3A_1085, %get3A_1086] {strides = array<i32>} : memref<8x104x64xf32, #tpu.memory_space<vmem>>, vector<1x1x16xf32>,
        %get3A_1088 = vector.shape_cast %get3A_1087 : vector<1x1x16xf32> to vector<16xf32>
        %mul3A_1089 = arith.constant 1.000000e+01 : f32
        %mul3A_1090 = vector.broadcast %mul3A_1089 : f32 to vector<16xf32>
        %mul3A_1091 = arith.mulf %get3A_1088, %mul3A_1090 : vector<16xf32>
        %add3A_1092 = arith.constant 1 : i32
        %add3A_1093 = arith.addi %mul3A_942, %add3A_1092 : i32
        %swap3A_1094 = arith.constant 3 : i32
        %swap3A_1095 = arith.index_cast %swap3A_1094 : i32 to index
        %swap3A_1096 = arith.index_cast %add3A_1093 : i32 to index
        %swap3A_1097 = arith.constant 48 : index
        %swap3A_1098 = tpu.vector_load %arg6[%swap3A_1095, %swap3A_1096, %swap3A_1097] {strides = array<i32>} : memref<8x104x64xf32, #tpu.memory_space<vmem>>, vector<1x1x16xf32>,
        %swap3A_1099 = vector.shape_cast %swap3A_1098 : vector<1x1x16xf32> to vector<16xf32>
        %swap3A_1100 = vector.shape_cast %mul3A_1091 : vector<16xf32> to vector<1x1x16xf32>
        tpu.vector_store %arg6[%swap3A_1095, %swap3A_1096, %swap3A_1097], %swap3A_1100 {strides = array<i32>} : memref<8x104x64xf32, #tpu.memory_space<vmem>>, vector<1x1x16xf32>,
      }
      %scan3A_423 = arith.constant 52 : i32
      %add3A_424 = arith.constant 3 : i32
      %add3A_425 = arith.addi %mul3A_93, %add3A_424 : i32
      %mul3A_426 = arith.constant 4 : i32
      %mul3A_427 = arith.muli %add3A_425, %mul3A_426 : i32
      %add3A_428 = arith.addi %mul3A_2, %mul3A_427 : i32
      %add3A_429 = arith.constant 0 : i32
      %add3A_430 = arith.addi %add3A_428, %add3A_429 : i32
      %dma_start3A_431 = arith.constant 3 : i32
      %dma_start3A_432 = arith.constant 0 : i32
      %dma_start3A_433 = arith.constant 0 : i32
      %dma_start3A_434 = tpu.memref_slice %arg6[%dma_start3A_431, %dma_start3A_432, %dma_start3A_433] : memref<8x104x64xf32, #tpu.memory_space<vmem>> -> memref<1x26x64xf32, #tpu.memory_space<vmem>>
      %dma_start3A_435 = tpu.memref_squeeze %dma_start3A_434 : memref<1x26x64xf32, #tpu.memory_space<vmem>> -> memref<26x64xf32, #tpu.memory_space<vmem>>
      %dma_start3A_436 = arith.constant 0 : i32
      %dma_start3A_437 = arith.constant 0 : i32
      %dma_start3A_438 = tpu.memref_slice %arg4[%add3A_430, %dma_start3A_436, %dma_start3A_437] : memref<16384x32x128xf32, #tpu.memory_space<hbm>> -> memref<1x26x64xf32, #tpu.memory_space<hbm>>
      %dma_start3A_439 = tpu.memref_squeeze %dma_start3A_438 : memref<1x26x64xf32, #tpu.memory_space<hbm>> -> memref<26x64xf32, #tpu.memory_space<hbm>>
      %dma_start3A_440 = arith.constant 0 : i32
      %dma_start3A_441 = arith.constant 0 : i32
      %dma_start3A_442 = tpu.memref_slice %arg4[%add3A_430, %dma_start3A_440, %dma_start3A_441] : memref<16384x32x128xf32, #tpu.memory_space<hbm>> -> memref<1x26x64xf32, #tpu.memory_space<hbm>>
      %dma_start3A_443 = tpu.memref_squeeze %dma_start3A_442 : memref<1x26x64xf32, #tpu.memory_space<hbm>> -> memref<26x64xf32, #tpu.memory_space<hbm>>
      %dma_start3A_444 = arith.constant 0 : i32
      %dma_start3A_445 = arith.constant 0 : i32
      %dma_start3A_446 = tpu.memref_slice %arg6[%dma_start3A_431, %dma_start3A_444, %dma_start3A_445] : memref<8x104x64xf32, #tpu.memory_space<vmem>> -> memref<1x26x64xf32, #tpu.memory_space<vmem>>
      %dma_start3A_447 = tpu.memref_squeeze %dma_start3A_446 : memref<1x26x64xf32, #tpu.memory_space<vmem>> -> memref<26x64xf32, #tpu.memory_space<vmem>>
      tpu.enqueue_dma source(%dma_start3A_447 : memref<26x64xf32, #tpu.memory_space<vmem>>) target(%dma_start3A_443 : memref<26x64xf32, #tpu.memory_space<hbm>>) target_semaphore(%arg19 : memref<!tpu.dma_semaphore, #tpu.memory_space<semaphore_mem>>)
      %mul3A_448 = arith.constant 4 : i32
      %mul3A_449 = arith.muli %add3A_425, %mul3A_448 : i32
      %add3A_450 = arith.addi %mul3A_2, %mul3A_449 : i32
      %add3A_451 = arith.constant 1 : i32
      %add3A_452 = arith.addi %add3A_450, %add3A_451 : i32
      %dma_start3A_453 = arith.constant 3 : i32
      %dma_start3A_454 = arith.constant 26 : i32
      %dma_start3A_455 = arith.constant 0 : i32
      %dma_start3A_456 = tpu.memref_slice %arg6[%dma_start3A_453, %dma_start3A_454, %dma_start3A_455] : memref<8x104x64xf32, #tpu.memory_space<vmem>> -> memref<1x26x64xf32, #tpu.memory_space<vmem>>
      %dma_start3A_457 = tpu.memref_squeeze %dma_start3A_456 : memref<1x26x64xf32, #tpu.memory_space<vmem>> -> memref<26x64xf32, #tpu.memory_space<vmem>>
      %dma_start3A_458 = arith.constant 0 : i32
      %dma_start3A_459 = arith.constant 0 : i32
      %dma_start3A_460 = tpu.memref_slice %arg4[%add3A_452, %dma_start3A_458, %dma_start3A_459] : memref<16384x32x128xf32, #tpu.memory_space<hbm>> -> memref<1x26x64xf32, #tpu.memory_space<hbm>>
      %dma_start3A_461 = tpu.memref_squeeze %dma_start3A_460 : memref<1x26x64xf32, #tpu.memory_space<hbm>> -> memref<26x64xf32, #tpu.memory_space<hbm>>
      %dma_start3A_462 = arith.constant 0 : i32
      %dma_start3A_463 = arith.constant 0 : i32
      %dma_start3A_464 = tpu.memref_slice %arg4[%add3A_452, %dma_start3A_462, %dma_start3A_463] : memref<16384x32x128xf32, #tpu.memory_space<hbm>> -> memref<1x26x64xf32, #tpu.memory_space<hbm>>
      %dma_start3A_465 = tpu.memref_squeeze %dma_start3A_464 : memref<1x26x64xf32, #tpu.memory_space<hbm>> -> memref<26x64xf32, #tpu.memory_space<hbm>>
      %dma_start3A_466 = arith.constant 26 : i32
      %dma_start3A_467 = arith.constant 0 : i32
      %dma_start3A_468 = tpu.memref_slice %arg6[%dma_start3A_453, %dma_start3A_466, %dma_start3A_467] : memref<8x104x64xf32, #tpu.memory_space<vmem>> -> memref<1x26x64xf32, #tpu.memory_space<vmem>>
      %dma_start3A_469 = tpu.memref_squeeze %dma_start3A_468 : memref<1x26x64xf32, #tpu.memory_space<vmem>> -> memref<26x64xf32, #tpu.memory_space<vmem>>
      tpu.enqueue_dma source(%dma_start3A_469 : memref<26x64xf32, #tpu.memory_space<vmem>>) target(%dma_start3A_465 : memref<26x64xf32, #tpu.memory_space<hbm>>) target_semaphore(%arg19 : memref<!tpu.dma_semaphore, #tpu.memory_space<semaphore_mem>>)
      %mul3A_470 = arith.constant 4 : i32
      %mul3A_471 = arith.muli %add3A_425, %mul3A_470 : i32
      %add3A_472 = arith.addi %mul3A_2, %mul3A_471 : i32
      %add3A_473 = arith.constant 2 : i32
      %add3A_474 = arith.addi %add3A_472, %add3A_473 : i32
      %dma_start3A_475 = arith.constant 3 : i32
      %dma_start3A_476 = arith.constant 52 : i32
      %dma_start3A_477 = arith.constant 0 : i32
      %dma_start3A_478 = tpu.memref_slice %arg6[%dma_start3A_475, %dma_start3A_476, %dma_start3A_477] : memref<8x104x64xf32, #tpu.memory_space<vmem>> -> memref<1x26x64xf32, #tpu.memory_space<vmem>>
      %dma_start3A_479 = tpu.memref_squeeze %dma_start3A_478 : memref<1x26x64xf32, #tpu.memory_space<vmem>> -> memref<26x64xf32, #tpu.memory_space<vmem>>
      %dma_start3A_480 = arith.constant 0 : i32
      %dma_start3A_481 = arith.constant 0 : i32
      %dma_start3A_482 = tpu.memref_slice %arg4[%add3A_474, %dma_start3A_480, %dma_start3A_481] : memref<16384x32x128xf32, #tpu.memory_space<hbm>> -> memref<1x26x64xf32, #tpu.memory_space<hbm>>
      %dma_start3A_483 = tpu.memref_squeeze %dma_start3A_482 : memref<1x26x64xf32, #tpu.memory_space<hbm>> -> memref<26x64xf32, #tpu.memory_space<hbm>>
      %dma_start3A_484 = arith.constant 0 : i32
      %dma_start3A_485 = arith.constant 0 : i32
      %dma_start3A_486 = tpu.memref_slice %arg4[%add3A_474, %dma_start3A_484, %dma_start3A_485] : memref<16384x32x128xf32, #tpu.memory_space<hbm>> -> memref<1x26x64xf32, #tpu.memory_space<hbm>>
      %dma_start3A_487 = tpu.memref_squeeze %dma_start3A_486 : memref<1x26x64xf32, #tpu.memory_space<hbm>> -> memref<26x64xf32, #tpu.memory_space<hbm>>
      %dma_start3A_488 = arith.constant 52 : i32
      %dma_start3A_489 = arith.constant 0 : i32
      %dma_start3A_490 = tpu.memref_slice %arg6[%dma_start3A_475, %dma_start3A_488, %dma_start3A_489] : memref<8x104x64xf32, #tpu.memory_space<vmem>> -> memref<1x26x64xf32, #tpu.memory_space<vmem>>
      %dma_start3A_491 = tpu.memref_squeeze %dma_start3A_490 : memref<1x26x64xf32, #tpu.memory_space<vmem>> -> memref<26x64xf32, #tpu.memory_space<vmem>>
      tpu.enqueue_dma source(%dma_start3A_491 : memref<26x64xf32, #tpu.memory_space<vmem>>) target(%dma_start3A_487 : memref<26x64xf32, #tpu.memory_space<hbm>>) target_semaphore(%arg19 : memref<!tpu.dma_semaphore, #tpu.memory_space<semaphore_mem>>)
      %mul3A_492 = arith.constant 4 : i32
      %mul3A_493 = arith.muli %add3A_425, %mul3A_492 : i32
      %add3A_494 = arith.addi %mul3A_2, %mul3A_493 : i32
      %add3A_495 = arith.constant 3 : i32
      %add3A_496 = arith.addi %add3A_494, %add3A_495 : i32
      %dma_start3A_497 = arith.constant 3 : i32
      %dma_start3A_498 = arith.constant 78 : i32
      %dma_start3A_499 = arith.constant 0 : i32
      %dma_start3A_500 = tpu.memref_slice %arg6[%dma_start3A_497, %dma_start3A_498, %dma_start3A_499] : memref<8x104x64xf32, #tpu.memory_space<vmem>> -> memref<1x26x64xf32, #tpu.memory_space<vmem>>
      %dma_start3A_501 = tpu.memref_squeeze %dma_start3A_500 : memref<1x26x64xf32, #tpu.memory_space<vmem>> -> memref<26x64xf32, #tpu.memory_space<vmem>>
      %dma_start3A_502 = arith.constant 0 : i32
      %dma_start3A_503 = arith.constant 0 : i32
      %dma_start3A_504 = tpu.memref_slice %arg4[%add3A_496, %dma_start3A_502, %dma_start3A_503] : memref<16384x32x128xf32, #tpu.memory_space<hbm>> -> memref<1x26x64xf32, #tpu.memory_space<hbm>>
      %dma_start3A_505 = tpu.memref_squeeze %dma_start3A_504 : memref<1x26x64xf32, #tpu.memory_space<hbm>> -> memref<26x64xf32, #tpu.memory_space<hbm>>
      %dma_start3A_506 = arith.constant 0 : i32
      %dma_start3A_507 = arith.constant 0 : i32
      %dma_start3A_508 = tpu.memref_slice %arg4[%add3A_496, %dma_start3A_506, %dma_start3A_507] : memref<16384x32x128xf32, #tpu.memory_space<hbm>> -> memref<1x26x64xf32, #tpu.memory_space<hbm>>
      %dma_start3A_509 = tpu.memref_squeeze %dma_start3A_508 : memref<1x26x64xf32, #tpu.memory_space<hbm>> -> memref<26x64xf32, #tpu.memory_space<hbm>>
      %dma_start3A_510 = arith.constant 78 : i32
      %dma_start3A_511 = arith.constant 0 : i32
      %dma_start3A_512 = tpu.memref_slice %arg6[%dma_start3A_497, %dma_start3A_510, %dma_start3A_511] : memref<8x104x64xf32, #tpu.memory_space<vmem>> -> memref<1x26x64xf32, #tpu.memory_space<vmem>>
      %dma_start3A_513 = tpu.memref_squeeze %dma_start3A_512 : memref<1x26x64xf32, #tpu.memory_space<vmem>> -> memref<26x64xf32, #tpu.memory_space<vmem>>
      tpu.enqueue_dma source(%dma_start3A_513 : memref<26x64xf32, #tpu.memory_space<vmem>>) target(%dma_start3A_509 : memref<26x64xf32, #tpu.memory_space<hbm>>) target_semaphore(%arg19 : memref<!tpu.dma_semaphore, #tpu.memory_space<semaphore_mem>>)
      %dma_wait3A_514 = arith.constant 4 : i32
      %dma_wait3A_515 = arith.constant 0 : i32
      %dma_wait3A_516 = arith.constant 0 : i32
      %dma_wait3A_517 = tpu.memref_slice %arg6[%dma_wait3A_514, %dma_wait3A_515, %dma_wait3A_516] : memref<8x104x64xf32, #tpu.memory_space<vmem>> -> memref<1x104x64xf32, #tpu.memory_space<vmem>>
      %dma_wait3A_518 = tpu.memref_squeeze %dma_wait3A_517 : memref<1x104x64xf32, #tpu.memory_space<vmem>> -> memref<104x64xf32, #tpu.memory_space<vmem>>
      %dma_wait3A_519 = arith.constant 0 : i32
      %dma_wait3A_520 = tpu.memref_slice %arg5[%dma_wait3A_519] : memref<13312xi32, #tpu.memory_space<vmem>> -> memref<104xi32, #tpu.memory_space<vmem>>
      %dma_wait3A_521 = arith.constant 0 : i32
      %dma_wait3A_522 = arith.constant 0 : i32
      %dma_wait3A_523 = tpu.memref_slice %arg2[%dma_wait3A_521, %dma_wait3A_522] : memref<1000000x64xf32, #tpu.memory_space<hbm>> -> memref<1000000x64xf32, #tpu.memory_space<hbm>>
      tpu.wait_indirect_dma semaphore(%arg12 : memref<!tpu.dma_semaphore, #tpu.memory_space<semaphore_mem>>) src(%dma_wait3A_523 : memref<1000000x64xf32, #tpu.memory_space<hbm>>) dst(%dma_wait3A_518 : memref<104x64xf32, #tpu.memory_space<vmem>>)
      %scan3A_524 = arith.constant 0 : i32
      %scan3A_525 = arith.constant 52 : i32
      %scan3A_526 = arith.addi %scan3A_524, %scan3A_525 : i32
      %scan3A_527 = arith.constant 1 : i32
      scf.for %scan3A_940 = %scan3A_524 to %scan3A_526 step %scan3A_527  : i32 {
        %mul3A_941 = arith.constant 2 : i32
        %mul3A_942 = arith.muli %scan3A_940, %mul3A_941 : i32
        %add3A_943 = arith.constant 0 : i32
        %add3A_944 = arith.addi %mul3A_942, %add3A_943 : i32
        %get3A = arith.constant 4 : i32
        %get3A_945 = arith.index_cast %get3A : i32 to index
        %get3A_946 = arith.index_cast %add3A_944 : i32 to index
        %get3A_947 = arith.constant 0 : index
        %get3A_948 = tpu.vector_load %arg6[%get3A_945, %get3A_946, %get3A_947] {strides = array<i32>} : memref<8x104x64xf32, #tpu.memory_space<vmem>>, vector<1x1x16xf32>,
        %get3A_949 = vector.shape_cast %get3A_948 : vector<1x1x16xf32> to vector<16xf32>
        %mul3A_950 = arith.constant 1.000000e+01 : f32
        %mul3A_951 = vector.broadcast %mul3A_950 : f32 to vector<16xf32>
        %mul3A_952 = arith.mulf %get3A_949, %mul3A_951 : vector<16xf32>
        %add3A_953 = arith.constant 0 : i32
        %add3A_954 = arith.addi %mul3A_942, %add3A_953 : i32
        %swap3A = arith.constant 4 : i32
        %swap3A_955 = arith.index_cast %swap3A : i32 to index
        %swap3A_956 = arith.index_cast %add3A_954 : i32 to index
        %swap3A_957 = arith.constant 0 : index
        %swap3A_958 = tpu.vector_load %arg6[%swap3A_955, %swap3A_956, %swap3A_957] {strides = array<i32>} : memref<8x104x64xf32, #tpu.memory_space<vmem>>, vector<1x1x16xf32>,
        %swap3A_959 = vector.shape_cast %swap3A_958 : vector<1x1x16xf32> to vector<16xf32>
        %swap3A_960 = vector.shape_cast %mul3A_952 : vector<16xf32> to vector<1x1x16xf32>
        tpu.vector_store %arg6[%swap3A_955, %swap3A_956, %swap3A_957], %swap3A_960 {strides = array<i32>} : memref<8x104x64xf32, #tpu.memory_space<vmem>>, vector<1x1x16xf32>,
        %add3A_961 = arith.constant 0 : i32
        %add3A_962 = arith.addi %mul3A_942, %add3A_961 : i32
        %get3A_963 = arith.constant 4 : i32
        %get3A_964 = arith.index_cast %get3A_963 : i32 to index
        %get3A_965 = arith.index_cast %add3A_962 : i32 to index
        %get3A_966 = arith.constant 16 : index
        %get3A_967 = tpu.vector_load %arg6[%get3A_964, %get3A_965, %get3A_966] {strides = array<i32>} : memref<8x104x64xf32, #tpu.memory_space<vmem>>, vector<1x1x16xf32>,
        %get3A_968 = vector.shape_cast %get3A_967 : vector<1x1x16xf32> to vector<16xf32>
        %mul3A_969 = arith.constant 1.000000e+01 : f32
        %mul3A_970 = vector.broadcast %mul3A_969 : f32 to vector<16xf32>
        %mul3A_971 = arith.mulf %get3A_968, %mul3A_970 : vector<16xf32>
        %add3A_972 = arith.constant 0 : i32
        %add3A_973 = arith.addi %mul3A_942, %add3A_972 : i32
        %swap3A_974 = arith.constant 4 : i32
        %swap3A_975 = arith.index_cast %swap3A_974 : i32 to index
        %swap3A_976 = arith.index_cast %add3A_973 : i32 to index
        %swap3A_977 = arith.constant 16 : index
        %swap3A_978 = tpu.vector_load %arg6[%swap3A_975, %swap3A_976, %swap3A_977] {strides = array<i32>} : memref<8x104x64xf32, #tpu.memory_space<vmem>>, vector<1x1x16xf32>,
        %swap3A_979 = vector.shape_cast %swap3A_978 : vector<1x1x16xf32> to vector<16xf32>
        %swap3A_980 = vector.shape_cast %mul3A_971 : vector<16xf32> to vector<1x1x16xf32>
        tpu.vector_store %arg6[%swap3A_975, %swap3A_976, %swap3A_977], %swap3A_980 {strides = array<i32>} : memref<8x104x64xf32, #tpu.memory_space<vmem>>, vector<1x1x16xf32>,
        %add3A_981 = arith.constant 0 : i32
        %add3A_982 = arith.addi %mul3A_942, %add3A_981 : i32
        %get3A_983 = arith.constant 4 : i32
        %get3A_984 = arith.index_cast %get3A_983 : i32 to index
        %get3A_985 = arith.index_cast %add3A_982 : i32 to index
        %get3A_986 = arith.constant 32 : index
        %get3A_987 = tpu.vector_load %arg6[%get3A_984, %get3A_985, %get3A_986] {strides = array<i32>} : memref<8x104x64xf32, #tpu.memory_space<vmem>>, vector<1x1x16xf32>,
        %get3A_988 = vector.shape_cast %get3A_987 : vector<1x1x16xf32> to vector<16xf32>
        %mul3A_989 = arith.constant 1.000000e+01 : f32
        %mul3A_990 = vector.broadcast %mul3A_989 : f32 to vector<16xf32>
        %mul3A_991 = arith.mulf %get3A_988, %mul3A_990 : vector<16xf32>
        %add3A_992 = arith.constant 0 : i32
        %add3A_993 = arith.addi %mul3A_942, %add3A_992 : i32
        %swap3A_994 = arith.constant 4 : i32
        %swap3A_995 = arith.index_cast %swap3A_994 : i32 to index
        %swap3A_996 = arith.index_cast %add3A_993 : i32 to index
        %swap3A_997 = arith.constant 32 : index
        %swap3A_998 = tpu.vector_load %arg6[%swap3A_995, %swap3A_996, %swap3A_997] {strides = array<i32>} : memref<8x104x64xf32, #tpu.memory_space<vmem>>, vector<1x1x16xf32>,
        %swap3A_999 = vector.shape_cast %swap3A_998 : vector<1x1x16xf32> to vector<16xf32>
        %swap3A_1000 = vector.shape_cast %mul3A_991 : vector<16xf32> to vector<1x1x16xf32>
        tpu.vector_store %arg6[%swap3A_995, %swap3A_996, %swap3A_997], %swap3A_1000 {strides = array<i32>} : memref<8x104x64xf32, #tpu.memory_space<vmem>>, vector<1x1x16xf32>,
        %add3A_1001 = arith.constant 0 : i32
        %add3A_1002 = arith.addi %mul3A_942, %add3A_1001 : i32
        %get3A_1003 = arith.constant 4 : i32
        %get3A_1004 = arith.index_cast %get3A_1003 : i32 to index
        %get3A_1005 = arith.index_cast %add3A_1002 : i32 to index
        %get3A_1006 = arith.constant 48 : index
        %get3A_1007 = tpu.vector_load %arg6[%get3A_1004, %get3A_1005, %get3A_1006] {strides = array<i32>} : memref<8x104x64xf32, #tpu.memory_space<vmem>>, vector<1x1x16xf32>,
        %get3A_1008 = vector.shape_cast %get3A_1007 : vector<1x1x16xf32> to vector<16xf32>
        %mul3A_1009 = arith.constant 1.000000e+01 : f32
        %mul3A_1010 = vector.broadcast %mul3A_1009 : f32 to vector<16xf32>
        %mul3A_1011 = arith.mulf %get3A_1008, %mul3A_1010 : vector<16xf32>
        %add3A_1012 = arith.constant 0 : i32
        %add3A_1013 = arith.addi %mul3A_942, %add3A_1012 : i32
        %swap3A_1014 = arith.constant 4 : i32
        %swap3A_1015 = arith.index_cast %swap3A_1014 : i32 to index
        %swap3A_1016 = arith.index_cast %add3A_1013 : i32 to index
        %swap3A_1017 = arith.constant 48 : index
        %swap3A_1018 = tpu.vector_load %arg6[%swap3A_1015, %swap3A_1016, %swap3A_1017] {strides = array<i32>} : memref<8x104x64xf32, #tpu.memory_space<vmem>>, vector<1x1x16xf32>,
        %swap3A_1019 = vector.shape_cast %swap3A_1018 : vector<1x1x16xf32> to vector<16xf32>
        %swap3A_1020 = vector.shape_cast %mul3A_1011 : vector<16xf32> to vector<1x1x16xf32>
        tpu.vector_store %arg6[%swap3A_1015, %swap3A_1016, %swap3A_1017], %swap3A_1020 {strides = array<i32>} : memref<8x104x64xf32, #tpu.memory_space<vmem>>, vector<1x1x16xf32>,
        %add3A_1021 = arith.constant 1 : i32
        %add3A_1022 = arith.addi %mul3A_942, %add3A_1021 : i32
        %get3A_1023 = arith.constant 4 : i32
        %get3A_1024 = arith.index_cast %get3A_1023 : i32 to index
        %get3A_1025 = arith.index_cast %add3A_1022 : i32 to index
        %get3A_1026 = arith.constant 0 : index
        %get3A_1027 = tpu.vector_load %arg6[%get3A_1024, %get3A_1025, %get3A_1026] {strides = array<i32>} : memref<8x104x64xf32, #tpu.memory_space<vmem>>, vector<1x1x16xf32>,
        %get3A_1028 = vector.shape_cast %get3A_1027 : vector<1x1x16xf32> to vector<16xf32>
        %mul3A_1029 = arith.constant 1.000000e+01 : f32
        %mul3A_1030 = vector.broadcast %mul3A_1029 : f32 to vector<16xf32>
        %mul3A_1031 = arith.mulf %get3A_1028, %mul3A_1030 : vector<16xf32>
        %add3A_1032 = arith.constant 1 : i32
        %add3A_1033 = arith.addi %mul3A_942, %add3A_1032 : i32
        %swap3A_1034 = arith.constant 4 : i32
        %swap3A_1035 = arith.index_cast %swap3A_1034 : i32 to index
        %swap3A_1036 = arith.index_cast %add3A_1033 : i32 to index
        %swap3A_1037 = arith.constant 0 : index
        %swap3A_1038 = tpu.vector_load %arg6[%swap3A_1035, %swap3A_1036, %swap3A_1037] {strides = array<i32>} : memref<8x104x64xf32, #tpu.memory_space<vmem>>, vector<1x1x16xf32>,
        %swap3A_1039 = vector.shape_cast %swap3A_1038 : vector<1x1x16xf32> to vector<16xf32>
        %swap3A_1040 = vector.shape_cast %mul3A_1031 : vector<16xf32> to vector<1x1x16xf32>
        tpu.vector_store %arg6[%swap3A_1035, %swap3A_1036, %swap3A_1037], %swap3A_1040 {strides = array<i32>} : memref<8x104x64xf32, #tpu.memory_space<vmem>>, vector<1x1x16xf32>,
        %add3A_1041 = arith.constant 1 : i32
        %add3A_1042 = arith.addi %mul3A_942, %add3A_1041 : i32
        %get3A_1043 = arith.constant 4 : i32
        %get3A_1044 = arith.index_cast %get3A_1043 : i32 to index
        %get3A_1045 = arith.index_cast %add3A_1042 : i32 to index
        %get3A_1046 = arith.constant 16 : index
        %get3A_1047 = tpu.vector_load %arg6[%get3A_1044, %get3A_1045, %get3A_1046] {strides = array<i32>} : memref<8x104x64xf32, #tpu.memory_space<vmem>>, vector<1x1x16xf32>,
        %get3A_1048 = vector.shape_cast %get3A_1047 : vector<1x1x16xf32> to vector<16xf32>
        %mul3A_1049 = arith.constant 1.000000e+01 : f32
        %mul3A_1050 = vector.broadcast %mul3A_1049 : f32 to vector<16xf32>
        %mul3A_1051 = arith.mulf %get3A_1048, %mul3A_1050 : vector<16xf32>
        %add3A_1052 = arith.constant 1 : i32
        %add3A_1053 = arith.addi %mul3A_942, %add3A_1052 : i32
        %swap3A_1054 = arith.constant 4 : i32
        %swap3A_1055 = arith.index_cast %swap3A_1054 : i32 to index
        %swap3A_1056 = arith.index_cast %add3A_1053 : i32 to index
        %swap3A_1057 = arith.constant 16 : index
        %swap3A_1058 = tpu.vector_load %arg6[%swap3A_1055, %swap3A_1056, %swap3A_1057] {strides = array<i32>} : memref<8x104x64xf32, #tpu.memory_space<vmem>>, vector<1x1x16xf32>,
        %swap3A_1059 = vector.shape_cast %swap3A_1058 : vector<1x1x16xf32> to vector<16xf32>
        %swap3A_1060 = vector.shape_cast %mul3A_1051 : vector<16xf32> to vector<1x1x16xf32>
        tpu.vector_store %arg6[%swap3A_1055, %swap3A_1056, %swap3A_1057], %swap3A_1060 {strides = array<i32>} : memref<8x104x64xf32, #tpu.memory_space<vmem>>, vector<1x1x16xf32>,
        %add3A_1061 = arith.constant 1 : i32
        %add3A_1062 = arith.addi %mul3A_942, %add3A_1061 : i32
        %get3A_1063 = arith.constant 4 : i32
        %get3A_1064 = arith.index_cast %get3A_1063 : i32 to index
        %get3A_1065 = arith.index_cast %add3A_1062 : i32 to index
        %get3A_1066 = arith.constant 32 : index
        %get3A_1067 = tpu.vector_load %arg6[%get3A_1064, %get3A_1065, %get3A_1066] {strides = array<i32>} : memref<8x104x64xf32, #tpu.memory_space<vmem>>, vector<1x1x16xf32>,
        %get3A_1068 = vector.shape_cast %get3A_1067 : vector<1x1x16xf32> to vector<16xf32>
        %mul3A_1069 = arith.constant 1.000000e+01 : f32
        %mul3A_1070 = vector.broadcast %mul3A_1069 : f32 to vector<16xf32>
        %mul3A_1071 = arith.mulf %get3A_1068, %mul3A_1070 : vector<16xf32>
        %add3A_1072 = arith.constant 1 : i32
        %add3A_1073 = arith.addi %mul3A_942, %add3A_1072 : i32
        %swap3A_1074 = arith.constant 4 : i32
        %swap3A_1075 = arith.index_cast %swap3A_1074 : i32 to index
        %swap3A_1076 = arith.index_cast %add3A_1073 : i32 to index
        %swap3A_1077 = arith.constant 32 : index
        %swap3A_1078 = tpu.vector_load %arg6[%swap3A_1075, %swap3A_1076, %swap3A_1077] {strides = array<i32>} : memref<8x104x64xf32, #tpu.memory_space<vmem>>, vector<1x1x16xf32>,
        %swap3A_1079 = vector.shape_cast %swap3A_1078 : vector<1x1x16xf32> to vector<16xf32>
        %swap3A_1080 = vector.shape_cast %mul3A_1071 : vector<16xf32> to vector<1x1x16xf32>
        tpu.vector_store %arg6[%swap3A_1075, %swap3A_1076, %swap3A_1077], %swap3A_1080 {strides = array<i32>} : memref<8x104x64xf32, #tpu.memory_space<vmem>>, vector<1x1x16xf32>,
        %add3A_1081 = arith.constant 1 : i32
        %add3A_1082 = arith.addi %mul3A_942, %add3A_1081 : i32
        %get3A_1083 = arith.constant 4 : i32
        %get3A_1084 = arith.index_cast %get3A_1083 : i32 to index
        %get3A_1085 = arith.index_cast %add3A_1082 : i32 to index
        %get3A_1086 = arith.constant 48 : index
        %get3A_1087 = tpu.vector_load %arg6[%get3A_1084, %get3A_1085, %get3A_1086] {strides = array<i32>} : memref<8x104x64xf32, #tpu.memory_space<vmem>>, vector<1x1x16xf32>,
        %get3A_1088 = vector.shape_cast %get3A_1087 : vector<1x1x16xf32> to vector<16xf32>
        %mul3A_1089 = arith.constant 1.000000e+01 : f32
        %mul3A_1090 = vector.broadcast %mul3A_1089 : f32 to vector<16xf32>
        %mul3A_1091 = arith.mulf %get3A_1088, %mul3A_1090 : vector<16xf32>
        %add3A_1092 = arith.constant 1 : i32
        %add3A_1093 = arith.addi %mul3A_942, %add3A_1092 : i32
        %swap3A_1094 = arith.constant 4 : i32
        %swap3A_1095 = arith.index_cast %swap3A_1094 : i32 to index
        %swap3A_1096 = arith.index_cast %add3A_1093 : i32 to index
        %swap3A_1097 = arith.constant 48 : index
        %swap3A_1098 = tpu.vector_load %arg6[%swap3A_1095, %swap3A_1096, %swap3A_1097] {strides = array<i32>} : memref<8x104x64xf32, #tpu.memory_space<vmem>>, vector<1x1x16xf32>,
        %swap3A_1099 = vector.shape_cast %swap3A_1098 : vector<1x1x16xf32> to vector<16xf32>
        %swap3A_1100 = vector.shape_cast %mul3A_1091 : vector<16xf32> to vector<1x1x16xf32>
        tpu.vector_store %arg6[%swap3A_1095, %swap3A_1096, %swap3A_1097], %swap3A_1100 {strides = array<i32>} : memref<8x104x64xf32, #tpu.memory_space<vmem>>, vector<1x1x16xf32>,
      }
      %scan3A_528 = arith.constant 52 : i32
      %add3A_529 = arith.constant 4 : i32
      %add3A_530 = arith.addi %mul3A_93, %add3A_529 : i32
      %mul3A_531 = arith.constant 4 : i32
      %mul3A_532 = arith.muli %add3A_530, %mul3A_531 : i32
      %add3A_533 = arith.addi %mul3A_2, %mul3A_532 : i32
      %add3A_534 = arith.constant 0 : i32
      %add3A_535 = arith.addi %add3A_533, %add3A_534 : i32
      %dma_start3A_536 = arith.constant 4 : i32
      %dma_start3A_537 = arith.constant 0 : i32
      %dma_start3A_538 = arith.constant 0 : i32
      %dma_start3A_539 = tpu.memref_slice %arg6[%dma_start3A_536, %dma_start3A_537, %dma_start3A_538] : memref<8x104x64xf32, #tpu.memory_space<vmem>> -> memref<1x26x64xf32, #tpu.memory_space<vmem>>
      %dma_start3A_540 = tpu.memref_squeeze %dma_start3A_539 : memref<1x26x64xf32, #tpu.memory_space<vmem>> -> memref<26x64xf32, #tpu.memory_space<vmem>>
      %dma_start3A_541 = arith.constant 0 : i32
      %dma_start3A_542 = arith.constant 0 : i32
      %dma_start3A_543 = tpu.memref_slice %arg4[%add3A_535, %dma_start3A_541, %dma_start3A_542] : memref<16384x32x128xf32, #tpu.memory_space<hbm>> -> memref<1x26x64xf32, #tpu.memory_space<hbm>>
      %dma_start3A_544 = tpu.memref_squeeze %dma_start3A_543 : memref<1x26x64xf32, #tpu.memory_space<hbm>> -> memref<26x64xf32, #tpu.memory_space<hbm>>
      %dma_start3A_545 = arith.constant 0 : i32
      %dma_start3A_546 = arith.constant 0 : i32
      %dma_start3A_547 = tpu.memref_slice %arg4[%add3A_535, %dma_start3A_545, %dma_start3A_546] : memref<16384x32x128xf32, #tpu.memory_space<hbm>> -> memref<1x26x64xf32, #tpu.memory_space<hbm>>
      %dma_start3A_548 = tpu.memref_squeeze %dma_start3A_547 : memref<1x26x64xf32, #tpu.memory_space<hbm>> -> memref<26x64xf32, #tpu.memory_space<hbm>>
      %dma_start3A_549 = arith.constant 0 : i32
      %dma_start3A_550 = arith.constant 0 : i32
      %dma_start3A_551 = tpu.memref_slice %arg6[%dma_start3A_536, %dma_start3A_549, %dma_start3A_550] : memref<8x104x64xf32, #tpu.memory_space<vmem>> -> memref<1x26x64xf32, #tpu.memory_space<vmem>>
      %dma_start3A_552 = tpu.memref_squeeze %dma_start3A_551 : memref<1x26x64xf32, #tpu.memory_space<vmem>> -> memref<26x64xf32, #tpu.memory_space<vmem>>
      tpu.enqueue_dma source(%dma_start3A_552 : memref<26x64xf32, #tpu.memory_space<vmem>>) target(%dma_start3A_548 : memref<26x64xf32, #tpu.memory_space<hbm>>) target_semaphore(%arg20 : memref<!tpu.dma_semaphore, #tpu.memory_space<semaphore_mem>>)
      %mul3A_553 = arith.constant 4 : i32
      %mul3A_554 = arith.muli %add3A_530, %mul3A_553 : i32
      %add3A_555 = arith.addi %mul3A_2, %mul3A_554 : i32
      %add3A_556 = arith.constant 1 : i32
      %add3A_557 = arith.addi %add3A_555, %add3A_556 : i32
      %dma_start3A_558 = arith.constant 4 : i32
      %dma_start3A_559 = arith.constant 26 : i32
      %dma_start3A_560 = arith.constant 0 : i32
      %dma_start3A_561 = tpu.memref_slice %arg6[%dma_start3A_558, %dma_start3A_559, %dma_start3A_560] : memref<8x104x64xf32, #tpu.memory_space<vmem>> -> memref<1x26x64xf32, #tpu.memory_space<vmem>>
      %dma_start3A_562 = tpu.memref_squeeze %dma_start3A_561 : memref<1x26x64xf32, #tpu.memory_space<vmem>> -> memref<26x64xf32, #tpu.memory_space<vmem>>
      %dma_start3A_563 = arith.constant 0 : i32
      %dma_start3A_564 = arith.constant 0 : i32
      %dma_start3A_565 = tpu.memref_slice %arg4[%add3A_557, %dma_start3A_563, %dma_start3A_564] : memref<16384x32x128xf32, #tpu.memory_space<hbm>> -> memref<1x26x64xf32, #tpu.memory_space<hbm>>
      %dma_start3A_566 = tpu.memref_squeeze %dma_start3A_565 : memref<1x26x64xf32, #tpu.memory_space<hbm>> -> memref<26x64xf32, #tpu.memory_space<hbm>>
      %dma_start3A_567 = arith.constant 0 : i32
      %dma_start3A_568 = arith.constant 0 : i32
      %dma_start3A_569 = tpu.memref_slice %arg4[%add3A_557, %dma_start3A_567, %dma_start3A_568] : memref<16384x32x128xf32, #tpu.memory_space<hbm>> -> memref<1x26x64xf32, #tpu.memory_space<hbm>>
      %dma_start3A_570 = tpu.memref_squeeze %dma_start3A_569 : memref<1x26x64xf32, #tpu.memory_space<hbm>> -> memref<26x64xf32, #tpu.memory_space<hbm>>
      %dma_start3A_571 = arith.constant 26 : i32
      %dma_start3A_572 = arith.constant 0 : i32
      %dma_start3A_573 = tpu.memref_slice %arg6[%dma_start3A_558, %dma_start3A_571, %dma_start3A_572] : memref<8x104x64xf32, #tpu.memory_space<vmem>> -> memref<1x26x64xf32, #tpu.memory_space<vmem>>
      %dma_start3A_574 = tpu.memref_squeeze %dma_start3A_573 : memref<1x26x64xf32, #tpu.memory_space<vmem>> -> memref<26x64xf32, #tpu.memory_space<vmem>>
      tpu.enqueue_dma source(%dma_start3A_574 : memref<26x64xf32, #tpu.memory_space<vmem>>) target(%dma_start3A_570 : memref<26x64xf32, #tpu.memory_space<hbm>>) target_semaphore(%arg20 : memref<!tpu.dma_semaphore, #tpu.memory_space<semaphore_mem>>)
      %mul3A_575 = arith.constant 4 : i32
      %mul3A_576 = arith.muli %add3A_530, %mul3A_575 : i32
      %add3A_577 = arith.addi %mul3A_2, %mul3A_576 : i32
      %add3A_578 = arith.constant 2 : i32
      %add3A_579 = arith.addi %add3A_577, %add3A_578 : i32
      %dma_start3A_580 = arith.constant 4 : i32
      %dma_start3A_581 = arith.constant 52 : i32
      %dma_start3A_582 = arith.constant 0 : i32
      %dma_start3A_583 = tpu.memref_slice %arg6[%dma_start3A_580, %dma_start3A_581, %dma_start3A_582] : memref<8x104x64xf32, #tpu.memory_space<vmem>> -> memref<1x26x64xf32, #tpu.memory_space<vmem>>
      %dma_start3A_584 = tpu.memref_squeeze %dma_start3A_583 : memref<1x26x64xf32, #tpu.memory_space<vmem>> -> memref<26x64xf32, #tpu.memory_space<vmem>>
      %dma_start3A_585 = arith.constant 0 : i32
      %dma_start3A_586 = arith.constant 0 : i32
      %dma_start3A_587 = tpu.memref_slice %arg4[%add3A_579, %dma_start3A_585, %dma_start3A_586] : memref<16384x32x128xf32, #tpu.memory_space<hbm>> -> memref<1x26x64xf32, #tpu.memory_space<hbm>>
      %dma_start3A_588 = tpu.memref_squeeze %dma_start3A_587 : memref<1x26x64xf32, #tpu.memory_space<hbm>> -> memref<26x64xf32, #tpu.memory_space<hbm>>
      %dma_start3A_589 = arith.constant 0 : i32
      %dma_start3A_590 = arith.constant 0 : i32
      %dma_start3A_591 = tpu.memref_slice %arg4[%add3A_579, %dma_start3A_589, %dma_start3A_590] : memref<16384x32x128xf32, #tpu.memory_space<hbm>> -> memref<1x26x64xf32, #tpu.memory_space<hbm>>
      %dma_start3A_592 = tpu.memref_squeeze %dma_start3A_591 : memref<1x26x64xf32, #tpu.memory_space<hbm>> -> memref<26x64xf32, #tpu.memory_space<hbm>>
      %dma_start3A_593 = arith.constant 52 : i32
      %dma_start3A_594 = arith.constant 0 : i32
      %dma_start3A_595 = tpu.memref_slice %arg6[%dma_start3A_580, %dma_start3A_593, %dma_start3A_594] : memref<8x104x64xf32, #tpu.memory_space<vmem>> -> memref<1x26x64xf32, #tpu.memory_space<vmem>>
      %dma_start3A_596 = tpu.memref_squeeze %dma_start3A_595 : memref<1x26x64xf32, #tpu.memory_space<vmem>> -> memref<26x64xf32, #tpu.memory_space<vmem>>
      tpu.enqueue_dma source(%dma_start3A_596 : memref<26x64xf32, #tpu.memory_space<vmem>>) target(%dma_start3A_592 : memref<26x64xf32, #tpu.memory_space<hbm>>) target_semaphore(%arg20 : memref<!tpu.dma_semaphore, #tpu.memory_space<semaphore_mem>>)
      %mul3A_597 = arith.constant 4 : i32
      %mul3A_598 = arith.muli %add3A_530, %mul3A_597 : i32
      %add3A_599 = arith.addi %mul3A_2, %mul3A_598 : i32
      %add3A_600 = arith.constant 3 : i32
      %add3A_601 = arith.addi %add3A_599, %add3A_600 : i32
      %dma_start3A_602 = arith.constant 4 : i32
      %dma_start3A_603 = arith.constant 78 : i32
      %dma_start3A_604 = arith.constant 0 : i32
      %dma_start3A_605 = tpu.memref_slice %arg6[%dma_start3A_602, %dma_start3A_603, %dma_start3A_604] : memref<8x104x64xf32, #tpu.memory_space<vmem>> -> memref<1x26x64xf32, #tpu.memory_space<vmem>>
      %dma_start3A_606 = tpu.memref_squeeze %dma_start3A_605 : memref<1x26x64xf32, #tpu.memory_space<vmem>> -> memref<26x64xf32, #tpu.memory_space<vmem>>
      %dma_start3A_607 = arith.constant 0 : i32
      %dma_start3A_608 = arith.constant 0 : i32
      %dma_start3A_609 = tpu.memref_slice %arg4[%add3A_601, %dma_start3A_607, %dma_start3A_608] : memref<16384x32x128xf32, #tpu.memory_space<hbm>> -> memref<1x26x64xf32, #tpu.memory_space<hbm>>
      %dma_start3A_610 = tpu.memref_squeeze %dma_start3A_609 : memref<1x26x64xf32, #tpu.memory_space<hbm>> -> memref<26x64xf32, #tpu.memory_space<hbm>>
      %dma_start3A_611 = arith.constant 0 : i32
      %dma_start3A_612 = arith.constant 0 : i32
      %dma_start3A_613 = tpu.memref_slice %arg4[%add3A_601, %dma_start3A_611, %dma_start3A_612] : memref<16384x32x128xf32, #tpu.memory_space<hbm>> -> memref<1x26x64xf32, #tpu.memory_space<hbm>>
      %dma_start3A_614 = tpu.memref_squeeze %dma_start3A_613 : memref<1x26x64xf32, #tpu.memory_space<hbm>> -> memref<26x64xf32, #tpu.memory_space<hbm>>
      %dma_start3A_615 = arith.constant 78 : i32
      %dma_start3A_616 = arith.constant 0 : i32
      %dma_start3A_617 = tpu.memref_slice %arg6[%dma_start3A_602, %dma_start3A_615, %dma_start3A_616] : memref<8x104x64xf32, #tpu.memory_space<vmem>> -> memref<1x26x64xf32, #tpu.memory_space<vmem>>
      %dma_start3A_618 = tpu.memref_squeeze %dma_start3A_617 : memref<1x26x64xf32, #tpu.memory_space<vmem>> -> memref<26x64xf32, #tpu.memory_space<vmem>>
      tpu.enqueue_dma source(%dma_start3A_618 : memref<26x64xf32, #tpu.memory_space<vmem>>) target(%dma_start3A_614 : memref<26x64xf32, #tpu.memory_space<hbm>>) target_semaphore(%arg20 : memref<!tpu.dma_semaphore, #tpu.memory_space<semaphore_mem>>)
      %dma_wait3A_619 = arith.constant 5 : i32
      %dma_wait3A_620 = arith.constant 0 : i32
      %dma_wait3A_621 = arith.constant 0 : i32
      %dma_wait3A_622 = tpu.memref_slice %arg6[%dma_wait3A_619, %dma_wait3A_620, %dma_wait3A_621] : memref<8x104x64xf32, #tpu.memory_space<vmem>> -> memref<1x104x64xf32, #tpu.memory_space<vmem>>
      %dma_wait3A_623 = tpu.memref_squeeze %dma_wait3A_622 : memref<1x104x64xf32, #tpu.memory_space<vmem>> -> memref<104x64xf32, #tpu.memory_space<vmem>>
      %dma_wait3A_624 = arith.constant 0 : i32
      %dma_wait3A_625 = tpu.memref_slice %arg5[%dma_wait3A_624] : memref<13312xi32, #tpu.memory_space<vmem>> -> memref<104xi32, #tpu.memory_space<vmem>>
      %dma_wait3A_626 = arith.constant 0 : i32
      %dma_wait3A_627 = arith.constant 0 : i32
      %dma_wait3A_628 = tpu.memref_slice %arg2[%dma_wait3A_626, %dma_wait3A_627] : memref<1000000x64xf32, #tpu.memory_space<hbm>> -> memref<1000000x64xf32, #tpu.memory_space<hbm>>
      tpu.wait_indirect_dma semaphore(%arg13 : memref<!tpu.dma_semaphore, #tpu.memory_space<semaphore_mem>>) src(%dma_wait3A_628 : memref<1000000x64xf32, #tpu.memory_space<hbm>>) dst(%dma_wait3A_623 : memref<104x64xf32, #tpu.memory_space<vmem>>)
      %scan3A_629 = arith.constant 0 : i32
      %scan3A_630 = arith.constant 52 : i32
      %scan3A_631 = arith.addi %scan3A_629, %scan3A_630 : i32
      %scan3A_632 = arith.constant 1 : i32
      scf.for %scan3A_940 = %scan3A_629 to %scan3A_631 step %scan3A_632  : i32 {
        %mul3A_941 = arith.constant 2 : i32
        %mul3A_942 = arith.muli %scan3A_940, %mul3A_941 : i32
        %add3A_943 = arith.constant 0 : i32
        %add3A_944 = arith.addi %mul3A_942, %add3A_943 : i32
        %get3A = arith.constant 5 : i32
        %get3A_945 = arith.index_cast %get3A : i32 to index
        %get3A_946 = arith.index_cast %add3A_944 : i32 to index
        %get3A_947 = arith.constant 0 : index
        %get3A_948 = tpu.vector_load %arg6[%get3A_945, %get3A_946, %get3A_947] {strides = array<i32>} : memref<8x104x64xf32, #tpu.memory_space<vmem>>, vector<1x1x16xf32>,
        %get3A_949 = vector.shape_cast %get3A_948 : vector<1x1x16xf32> to vector<16xf32>
        %mul3A_950 = arith.constant 1.000000e+01 : f32
        %mul3A_951 = vector.broadcast %mul3A_950 : f32 to vector<16xf32>
        %mul3A_952 = arith.mulf %get3A_949, %mul3A_951 : vector<16xf32>
        %add3A_953 = arith.constant 0 : i32
        %add3A_954 = arith.addi %mul3A_942, %add3A_953 : i32
        %swap3A = arith.constant 5 : i32
        %swap3A_955 = arith.index_cast %swap3A : i32 to index
        %swap3A_956 = arith.index_cast %add3A_954 : i32 to index
        %swap3A_957 = arith.constant 0 : index
        %swap3A_958 = tpu.vector_load %arg6[%swap3A_955, %swap3A_956, %swap3A_957] {strides = array<i32>} : memref<8x104x64xf32, #tpu.memory_space<vmem>>, vector<1x1x16xf32>,
        %swap3A_959 = vector.shape_cast %swap3A_958 : vector<1x1x16xf32> to vector<16xf32>
        %swap3A_960 = vector.shape_cast %mul3A_952 : vector<16xf32> to vector<1x1x16xf32>
        tpu.vector_store %arg6[%swap3A_955, %swap3A_956, %swap3A_957], %swap3A_960 {strides = array<i32>} : memref<8x104x64xf32, #tpu.memory_space<vmem>>, vector<1x1x16xf32>,
        %add3A_961 = arith.constant 0 : i32
        %add3A_962 = arith.addi %mul3A_942, %add3A_961 : i32
        %get3A_963 = arith.constant 5 : i32
        %get3A_964 = arith.index_cast %get3A_963 : i32 to index
        %get3A_965 = arith.index_cast %add3A_962 : i32 to index
        %get3A_966 = arith.constant 16 : index
        %get3A_967 = tpu.vector_load %arg6[%get3A_964, %get3A_965, %get3A_966] {strides = array<i32>} : memref<8x104x64xf32, #tpu.memory_space<vmem>>, vector<1x1x16xf32>,
        %get3A_968 = vector.shape_cast %get3A_967 : vector<1x1x16xf32> to vector<16xf32>
        %mul3A_969 = arith.constant 1.000000e+01 : f32
        %mul3A_970 = vector.broadcast %mul3A_969 : f32 to vector<16xf32>
        %mul3A_971 = arith.mulf %get3A_968, %mul3A_970 : vector<16xf32>
        %add3A_972 = arith.constant 0 : i32
        %add3A_973 = arith.addi %mul3A_942, %add3A_972 : i32
        %swap3A_974 = arith.constant 5 : i32
        %swap3A_975 = arith.index_cast %swap3A_974 : i32 to index
        %swap3A_976 = arith.index_cast %add3A_973 : i32 to index
        %swap3A_977 = arith.constant 16 : index
        %swap3A_978 = tpu.vector_load %arg6[%swap3A_975, %swap3A_976, %swap3A_977] {strides = array<i32>} : memref<8x104x64xf32, #tpu.memory_space<vmem>>, vector<1x1x16xf32>,
        %swap3A_979 = vector.shape_cast %swap3A_978 : vector<1x1x16xf32> to vector<16xf32>
        %swap3A_980 = vector.shape_cast %mul3A_971 : vector<16xf32> to vector<1x1x16xf32>
        tpu.vector_store %arg6[%swap3A_975, %swap3A_976, %swap3A_977], %swap3A_980 {strides = array<i32>} : memref<8x104x64xf32, #tpu.memory_space<vmem>>, vector<1x1x16xf32>,
        %add3A_981 = arith.constant 0 : i32
        %add3A_982 = arith.addi %mul3A_942, %add3A_981 : i32
        %get3A_983 = arith.constant 5 : i32
        %get3A_984 = arith.index_cast %get3A_983 : i32 to index
        %get3A_985 = arith.index_cast %add3A_982 : i32 to index
        %get3A_986 = arith.constant 32 : index
        %get3A_987 = tpu.vector_load %arg6[%get3A_984, %get3A_985, %get3A_986] {strides = array<i32>} : memref<8x104x64xf32, #tpu.memory_space<vmem>>, vector<1x1x16xf32>,
        %get3A_988 = vector.shape_cast %get3A_987 : vector<1x1x16xf32> to vector<16xf32>
        %mul3A_989 = arith.constant 1.000000e+01 : f32
        %mul3A_990 = vector.broadcast %mul3A_989 : f32 to vector<16xf32>
        %mul3A_991 = arith.mulf %get3A_988, %mul3A_990 : vector<16xf32>
        %add3A_992 = arith.constant 0 : i32
        %add3A_993 = arith.addi %mul3A_942, %add3A_992 : i32
        %swap3A_994 = arith.constant 5 : i32
        %swap3A_995 = arith.index_cast %swap3A_994 : i32 to index
        %swap3A_996 = arith.index_cast %add3A_993 : i32 to index
        %swap3A_997 = arith.constant 32 : index
        %swap3A_998 = tpu.vector_load %arg6[%swap3A_995, %swap3A_996, %swap3A_997] {strides = array<i32>} : memref<8x104x64xf32, #tpu.memory_space<vmem>>, vector<1x1x16xf32>,
        %swap3A_999 = vector.shape_cast %swap3A_998 : vector<1x1x16xf32> to vector<16xf32>
        %swap3A_1000 = vector.shape_cast %mul3A_991 : vector<16xf32> to vector<1x1x16xf32>
        tpu.vector_store %arg6[%swap3A_995, %swap3A_996, %swap3A_997], %swap3A_1000 {strides = array<i32>} : memref<8x104x64xf32, #tpu.memory_space<vmem>>, vector<1x1x16xf32>,
        %add3A_1001 = arith.constant 0 : i32
        %add3A_1002 = arith.addi %mul3A_942, %add3A_1001 : i32
        %get3A_1003 = arith.constant 5 : i32
        %get3A_1004 = arith.index_cast %get3A_1003 : i32 to index
        %get3A_1005 = arith.index_cast %add3A_1002 : i32 to index
        %get3A_1006 = arith.constant 48 : index
        %get3A_1007 = tpu.vector_load %arg6[%get3A_1004, %get3A_1005, %get3A_1006] {strides = array<i32>} : memref<8x104x64xf32, #tpu.memory_space<vmem>>, vector<1x1x16xf32>,
        %get3A_1008 = vector.shape_cast %get3A_1007 : vector<1x1x16xf32> to vector<16xf32>
        %mul3A_1009 = arith.constant 1.000000e+01 : f32
        %mul3A_1010 = vector.broadcast %mul3A_1009 : f32 to vector<16xf32>
        %mul3A_1011 = arith.mulf %get3A_1008, %mul3A_1010 : vector<16xf32>
        %add3A_1012 = arith.constant 0 : i32
        %add3A_1013 = arith.addi %mul3A_942, %add3A_1012 : i32
        %swap3A_1014 = arith.constant 5 : i32
        %swap3A_1015 = arith.index_cast %swap3A_1014 : i32 to index
        %swap3A_1016 = arith.index_cast %add3A_1013 : i32 to index
        %swap3A_1017 = arith.constant 48 : index
        %swap3A_1018 = tpu.vector_load %arg6[%swap3A_1015, %swap3A_1016, %swap3A_1017] {strides = array<i32>} : memref<8x104x64xf32, #tpu.memory_space<vmem>>, vector<1x1x16xf32>,
        %swap3A_1019 = vector.shape_cast %swap3A_1018 : vector<1x1x16xf32> to vector<16xf32>
        %swap3A_1020 = vector.shape_cast %mul3A_1011 : vector<16xf32> to vector<1x1x16xf32>
        tpu.vector_store %arg6[%swap3A_1015, %swap3A_1016, %swap3A_1017], %swap3A_1020 {strides = array<i32>} : memref<8x104x64xf32, #tpu.memory_space<vmem>>, vector<1x1x16xf32>,
        %add3A_1021 = arith.constant 1 : i32
        %add3A_1022 = arith.addi %mul3A_942, %add3A_1021 : i32
        %get3A_1023 = arith.constant 5 : i32
        %get3A_1024 = arith.index_cast %get3A_1023 : i32 to index
        %get3A_1025 = arith.index_cast %add3A_1022 : i32 to index
        %get3A_1026 = arith.constant 0 : index
        %get3A_1027 = tpu.vector_load %arg6[%get3A_1024, %get3A_1025, %get3A_1026] {strides = array<i32>} : memref<8x104x64xf32, #tpu.memory_space<vmem>>, vector<1x1x16xf32>,
        %get3A_1028 = vector.shape_cast %get3A_1027 : vector<1x1x16xf32> to vector<16xf32>
        %mul3A_1029 = arith.constant 1.000000e+01 : f32
        %mul3A_1030 = vector.broadcast %mul3A_1029 : f32 to vector<16xf32>
        %mul3A_1031 = arith.mulf %get3A_1028, %mul3A_1030 : vector<16xf32>
        %add3A_1032 = arith.constant 1 : i32
        %add3A_1033 = arith.addi %mul3A_942, %add3A_1032 : i32
        %swap3A_1034 = arith.constant 5 : i32
        %swap3A_1035 = arith.index_cast %swap3A_1034 : i32 to index
        %swap3A_1036 = arith.index_cast %add3A_1033 : i32 to index
        %swap3A_1037 = arith.constant 0 : index
        %swap3A_1038 = tpu.vector_load %arg6[%swap3A_1035, %swap3A_1036, %swap3A_1037] {strides = array<i32>} : memref<8x104x64xf32, #tpu.memory_space<vmem>>, vector<1x1x16xf32>,
        %swap3A_1039 = vector.shape_cast %swap3A_1038 : vector<1x1x16xf32> to vector<16xf32>
        %swap3A_1040 = vector.shape_cast %mul3A_1031 : vector<16xf32> to vector<1x1x16xf32>
        tpu.vector_store %arg6[%swap3A_1035, %swap3A_1036, %swap3A_1037], %swap3A_1040 {strides = array<i32>} : memref<8x104x64xf32, #tpu.memory_space<vmem>>, vector<1x1x16xf32>,
        %add3A_1041 = arith.constant 1 : i32
        %add3A_1042 = arith.addi %mul3A_942, %add3A_1041 : i32
        %get3A_1043 = arith.constant 5 : i32
        %get3A_1044 = arith.index_cast %get3A_1043 : i32 to index
        %get3A_1045 = arith.index_cast %add3A_1042 : i32 to index
        %get3A_1046 = arith.constant 16 : index
        %get3A_1047 = tpu.vector_load %arg6[%get3A_1044, %get3A_1045, %get3A_1046] {strides = array<i32>} : memref<8x104x64xf32, #tpu.memory_space<vmem>>, vector<1x1x16xf32>,
        %get3A_1048 = vector.shape_cast %get3A_1047 : vector<1x1x16xf32> to vector<16xf32>
        %mul3A_1049 = arith.constant 1.000000e+01 : f32
        %mul3A_1050 = vector.broadcast %mul3A_1049 : f32 to vector<16xf32>
        %mul3A_1051 = arith.mulf %get3A_1048, %mul3A_1050 : vector<16xf32>
        %add3A_1052 = arith.constant 1 : i32
        %add3A_1053 = arith.addi %mul3A_942, %add3A_1052 : i32
        %swap3A_1054 = arith.constant 5 : i32
        %swap3A_1055 = arith.index_cast %swap3A_1054 : i32 to index
        %swap3A_1056 = arith.index_cast %add3A_1053 : i32 to index
        %swap3A_1057 = arith.constant 16 : index
        %swap3A_1058 = tpu.vector_load %arg6[%swap3A_1055, %swap3A_1056, %swap3A_1057] {strides = array<i32>} : memref<8x104x64xf32, #tpu.memory_space<vmem>>, vector<1x1x16xf32>,
        %swap3A_1059 = vector.shape_cast %swap3A_1058 : vector<1x1x16xf32> to vector<16xf32>
        %swap3A_1060 = vector.shape_cast %mul3A_1051 : vector<16xf32> to vector<1x1x16xf32>
        tpu.vector_store %arg6[%swap3A_1055, %swap3A_1056, %swap3A_1057], %swap3A_1060 {strides = array<i32>} : memref<8x104x64xf32, #tpu.memory_space<vmem>>, vector<1x1x16xf32>,
        %add3A_1061 = arith.constant 1 : i32
        %add3A_1062 = arith.addi %mul3A_942, %add3A_1061 : i32
        %get3A_1063 = arith.constant 5 : i32
        %get3A_1064 = arith.index_cast %get3A_1063 : i32 to index
        %get3A_1065 = arith.index_cast %add3A_1062 : i32 to index
        %get3A_1066 = arith.constant 32 : index
        %get3A_1067 = tpu.vector_load %arg6[%get3A_1064, %get3A_1065, %get3A_1066] {strides = array<i32>} : memref<8x104x64xf32, #tpu.memory_space<vmem>>, vector<1x1x16xf32>,
        %get3A_1068 = vector.shape_cast %get3A_1067 : vector<1x1x16xf32> to vector<16xf32>
        %mul3A_1069 = arith.constant 1.000000e+01 : f32
        %mul3A_1070 = vector.broadcast %mul3A_1069 : f32 to vector<16xf32>
        %mul3A_1071 = arith.mulf %get3A_1068, %mul3A_1070 : vector<16xf32>
        %add3A_1072 = arith.constant 1 : i32
        %add3A_1073 = arith.addi %mul3A_942, %add3A_1072 : i32
        %swap3A_1074 = arith.constant 5 : i32
        %swap3A_1075 = arith.index_cast %swap3A_1074 : i32 to index
        %swap3A_1076 = arith.index_cast %add3A_1073 : i32 to index
        %swap3A_1077 = arith.constant 32 : index
        %swap3A_1078 = tpu.vector_load %arg6[%swap3A_1075, %swap3A_1076, %swap3A_1077] {strides = array<i32>} : memref<8x104x64xf32, #tpu.memory_space<vmem>>, vector<1x1x16xf32>,
        %swap3A_1079 = vector.shape_cast %swap3A_1078 : vector<1x1x16xf32> to vector<16xf32>
        %swap3A_1080 = vector.shape_cast %mul3A_1071 : vector<16xf32> to vector<1x1x16xf32>
        tpu.vector_store %arg6[%swap3A_1075, %swap3A_1076, %swap3A_1077], %swap3A_1080 {strides = array<i32>} : memref<8x104x64xf32, #tpu.memory_space<vmem>>, vector<1x1x16xf32>,
        %add3A_1081 = arith.constant 1 : i32
        %add3A_1082 = arith.addi %mul3A_942, %add3A_1081 : i32
        %get3A_1083 = arith.constant 5 : i32
        %get3A_1084 = arith.index_cast %get3A_1083 : i32 to index
        %get3A_1085 = arith.index_cast %add3A_1082 : i32 to index
        %get3A_1086 = arith.constant 48 : index
        %get3A_1087 = tpu.vector_load %arg6[%get3A_1084, %get3A_1085, %get3A_1086] {strides = array<i32>} : memref<8x104x64xf32, #tpu.memory_space<vmem>>, vector<1x1x16xf32>,
        %get3A_1088 = vector.shape_cast %get3A_1087 : vector<1x1x16xf32> to vector<16xf32>
        %mul3A_1089 = arith.constant 1.000000e+01 : f32
        %mul3A_1090 = vector.broadcast %mul3A_1089 : f32 to vector<16xf32>
        %mul3A_1091 = arith.mulf %get3A_1088, %mul3A_1090 : vector<16xf32>
        %add3A_1092 = arith.constant 1 : i32
        %add3A_1093 = arith.addi %mul3A_942, %add3A_1092 : i32
        %swap3A_1094 = arith.constant 5 : i32
        %swap3A_1095 = arith.index_cast %swap3A_1094 : i32 to index
        %swap3A_1096 = arith.index_cast %add3A_1093 : i32 to index
        %swap3A_1097 = arith.constant 48 : index
        %swap3A_1098 = tpu.vector_load %arg6[%swap3A_1095, %swap3A_1096, %swap3A_1097] {strides = array<i32>} : memref<8x104x64xf32, #tpu.memory_space<vmem>>, vector<1x1x16xf32>,
        %swap3A_1099 = vector.shape_cast %swap3A_1098 : vector<1x1x16xf32> to vector<16xf32>
        %swap3A_1100 = vector.shape_cast %mul3A_1091 : vector<16xf32> to vector<1x1x16xf32>
        tpu.vector_store %arg6[%swap3A_1095, %swap3A_1096, %swap3A_1097], %swap3A_1100 {strides = array<i32>} : memref<8x104x64xf32, #tpu.memory_space<vmem>>, vector<1x1x16xf32>,
      }
      %scan3A_633 = arith.constant 52 : i32
      %add3A_634 = arith.constant 5 : i32
      %add3A_635 = arith.addi %mul3A_93, %add3A_634 : i32
      %mul3A_636 = arith.constant 4 : i32
      %mul3A_637 = arith.muli %add3A_635, %mul3A_636 : i32
      %add3A_638 = arith.addi %mul3A_2, %mul3A_637 : i32
      %add3A_639 = arith.constant 0 : i32
      %add3A_640 = arith.addi %add3A_638, %add3A_639 : i32
      %dma_start3A_641 = arith.constant 5 : i32
      %dma_start3A_642 = arith.constant 0 : i32
      %dma_start3A_643 = arith.constant 0 : i32
      %dma_start3A_644 = tpu.memref_slice %arg6[%dma_start3A_641, %dma_start3A_642, %dma_start3A_643] : memref<8x104x64xf32, #tpu.memory_space<vmem>> -> memref<1x26x64xf32, #tpu.memory_space<vmem>>
      %dma_start3A_645 = tpu.memref_squeeze %dma_start3A_644 : memref<1x26x64xf32, #tpu.memory_space<vmem>> -> memref<26x64xf32, #tpu.memory_space<vmem>>
      %dma_start3A_646 = arith.constant 0 : i32
      %dma_start3A_647 = arith.constant 0 : i32
      %dma_start3A_648 = tpu.memref_slice %arg4[%add3A_640, %dma_start3A_646, %dma_start3A_647] : memref<16384x32x128xf32, #tpu.memory_space<hbm>> -> memref<1x26x64xf32, #tpu.memory_space<hbm>>
      %dma_start3A_649 = tpu.memref_squeeze %dma_start3A_648 : memref<1x26x64xf32, #tpu.memory_space<hbm>> -> memref<26x64xf32, #tpu.memory_space<hbm>>
      %dma_start3A_650 = arith.constant 0 : i32
      %dma_start3A_651 = arith.constant 0 : i32
      %dma_start3A_652 = tpu.memref_slice %arg4[%add3A_640, %dma_start3A_650, %dma_start3A_651] : memref<16384x32x128xf32, #tpu.memory_space<hbm>> -> memref<1x26x64xf32, #tpu.memory_space<hbm>>
      %dma_start3A_653 = tpu.memref_squeeze %dma_start3A_652 : memref<1x26x64xf32, #tpu.memory_space<hbm>> -> memref<26x64xf32, #tpu.memory_space<hbm>>
      %dma_start3A_654 = arith.constant 0 : i32
      %dma_start3A_655 = arith.constant 0 : i32
      %dma_start3A_656 = tpu.memref_slice %arg6[%dma_start3A_641, %dma_start3A_654, %dma_start3A_655] : memref<8x104x64xf32, #tpu.memory_space<vmem>> -> memref<1x26x64xf32, #tpu.memory_space<vmem>>
      %dma_start3A_657 = tpu.memref_squeeze %dma_start3A_656 : memref<1x26x64xf32, #tpu.memory_space<vmem>> -> memref<26x64xf32, #tpu.memory_space<vmem>>
      tpu.enqueue_dma source(%dma_start3A_657 : memref<26x64xf32, #tpu.memory_space<vmem>>) target(%dma_start3A_653 : memref<26x64xf32, #tpu.memory_space<hbm>>) target_semaphore(%arg21 : memref<!tpu.dma_semaphore, #tpu.memory_space<semaphore_mem>>)
      %mul3A_658 = arith.constant 4 : i32
      %mul3A_659 = arith.muli %add3A_635, %mul3A_658 : i32
      %add3A_660 = arith.addi %mul3A_2, %mul3A_659 : i32
      %add3A_661 = arith.constant 1 : i32
      %add3A_662 = arith.addi %add3A_660, %add3A_661 : i32
      %dma_start3A_663 = arith.constant 5 : i32
      %dma_start3A_664 = arith.constant 26 : i32
      %dma_start3A_665 = arith.constant 0 : i32
      %dma_start3A_666 = tpu.memref_slice %arg6[%dma_start3A_663, %dma_start3A_664, %dma_start3A_665] : memref<8x104x64xf32, #tpu.memory_space<vmem>> -> memref<1x26x64xf32, #tpu.memory_space<vmem>>
      %dma_start3A_667 = tpu.memref_squeeze %dma_start3A_666 : memref<1x26x64xf32, #tpu.memory_space<vmem>> -> memref<26x64xf32, #tpu.memory_space<vmem>>
      %dma_start3A_668 = arith.constant 0 : i32
      %dma_start3A_669 = arith.constant 0 : i32
      %dma_start3A_670 = tpu.memref_slice %arg4[%add3A_662, %dma_start3A_668, %dma_start3A_669] : memref<16384x32x128xf32, #tpu.memory_space<hbm>> -> memref<1x26x64xf32, #tpu.memory_space<hbm>>
      %dma_start3A_671 = tpu.memref_squeeze %dma_start3A_670 : memref<1x26x64xf32, #tpu.memory_space<hbm>> -> memref<26x64xf32, #tpu.memory_space<hbm>>
      %dma_start3A_672 = arith.constant 0 : i32
      %dma_start3A_673 = arith.constant 0 : i32
      %dma_start3A_674 = tpu.memref_slice %arg4[%add3A_662, %dma_start3A_672, %dma_start3A_673] : memref<16384x32x128xf32, #tpu.memory_space<hbm>> -> memref<1x26x64xf32, #tpu.memory_space<hbm>>
      %dma_start3A_675 = tpu.memref_squeeze %dma_start3A_674 : memref<1x26x64xf32, #tpu.memory_space<hbm>> -> memref<26x64xf32, #tpu.memory_space<hbm>>
      %dma_start3A_676 = arith.constant 26 : i32
      %dma_start3A_677 = arith.constant 0 : i32
      %dma_start3A_678 = tpu.memref_slice %arg6[%dma_start3A_663, %dma_start3A_676, %dma_start3A_677] : memref<8x104x64xf32, #tpu.memory_space<vmem>> -> memref<1x26x64xf32, #tpu.memory_space<vmem>>
      %dma_start3A_679 = tpu.memref_squeeze %dma_start3A_678 : memref<1x26x64xf32, #tpu.memory_space<vmem>> -> memref<26x64xf32, #tpu.memory_space<vmem>>
      tpu.enqueue_dma source(%dma_start3A_679 : memref<26x64xf32, #tpu.memory_space<vmem>>) target(%dma_start3A_675 : memref<26x64xf32, #tpu.memory_space<hbm>>) target_semaphore(%arg21 : memref<!tpu.dma_semaphore, #tpu.memory_space<semaphore_mem>>)
      %mul3A_680 = arith.constant 4 : i32
      %mul3A_681 = arith.muli %add3A_635, %mul3A_680 : i32
      %add3A_682 = arith.addi %mul3A_2, %mul3A_681 : i32
      %add3A_683 = arith.constant 2 : i32
      %add3A_684 = arith.addi %add3A_682, %add3A_683 : i32
      %dma_start3A_685 = arith.constant 5 : i32
      %dma_start3A_686 = arith.constant 52 : i32
      %dma_start3A_687 = arith.constant 0 : i32
      %dma_start3A_688 = tpu.memref_slice %arg6[%dma_start3A_685, %dma_start3A_686, %dma_start3A_687] : memref<8x104x64xf32, #tpu.memory_space<vmem>> -> memref<1x26x64xf32, #tpu.memory_space<vmem>>
      %dma_start3A_689 = tpu.memref_squeeze %dma_start3A_688 : memref<1x26x64xf32, #tpu.memory_space<vmem>> -> memref<26x64xf32, #tpu.memory_space<vmem>>
      %dma_start3A_690 = arith.constant 0 : i32
      %dma_start3A_691 = arith.constant 0 : i32
      %dma_start3A_692 = tpu.memref_slice %arg4[%add3A_684, %dma_start3A_690, %dma_start3A_691] : memref<16384x32x128xf32, #tpu.memory_space<hbm>> -> memref<1x26x64xf32, #tpu.memory_space<hbm>>
      %dma_start3A_693 = tpu.memref_squeeze %dma_start3A_692 : memref<1x26x64xf32, #tpu.memory_space<hbm>> -> memref<26x64xf32, #tpu.memory_space<hbm>>
      %dma_start3A_694 = arith.constant 0 : i32
      %dma_start3A_695 = arith.constant 0 : i32
      %dma_start3A_696 = tpu.memref_slice %arg4[%add3A_684, %dma_start3A_694, %dma_start3A_695] : memref<16384x32x128xf32, #tpu.memory_space<hbm>> -> memref<1x26x64xf32, #tpu.memory_space<hbm>>
      %dma_start3A_697 = tpu.memref_squeeze %dma_start3A_696 : memref<1x26x64xf32, #tpu.memory_space<hbm>> -> memref<26x64xf32, #tpu.memory_space<hbm>>
      %dma_start3A_698 = arith.constant 52 : i32
      %dma_start3A_699 = arith.constant 0 : i32
      %dma_start3A_700 = tpu.memref_slice %arg6[%dma_start3A_685, %dma_start3A_698, %dma_start3A_699] : memref<8x104x64xf32, #tpu.memory_space<vmem>> -> memref<1x26x64xf32, #tpu.memory_space<vmem>>
      %dma_start3A_701 = tpu.memref_squeeze %dma_start3A_700 : memref<1x26x64xf32, #tpu.memory_space<vmem>> -> memref<26x64xf32, #tpu.memory_space<vmem>>
      tpu.enqueue_dma source(%dma_start3A_701 : memref<26x64xf32, #tpu.memory_space<vmem>>) target(%dma_start3A_697 : memref<26x64xf32, #tpu.memory_space<hbm>>) target_semaphore(%arg21 : memref<!tpu.dma_semaphore, #tpu.memory_space<semaphore_mem>>)
      %mul3A_702 = arith.constant 4 : i32
      %mul3A_703 = arith.muli %add3A_635, %mul3A_702 : i32
      %add3A_704 = arith.addi %mul3A_2, %mul3A_703 : i32
      %add3A_705 = arith.constant 3 : i32
      %add3A_706 = arith.addi %add3A_704, %add3A_705 : i32
      %dma_start3A_707 = arith.constant 5 : i32
      %dma_start3A_708 = arith.constant 78 : i32
      %dma_start3A_709 = arith.constant 0 : i32
      %dma_start3A_710 = tpu.memref_slice %arg6[%dma_start3A_707, %dma_start3A_708, %dma_start3A_709] : memref<8x104x64xf32, #tpu.memory_space<vmem>> -> memref<1x26x64xf32, #tpu.memory_space<vmem>>
      %dma_start3A_711 = tpu.memref_squeeze %dma_start3A_710 : memref<1x26x64xf32, #tpu.memory_space<vmem>> -> memref<26x64xf32, #tpu.memory_space<vmem>>
      %dma_start3A_712 = arith.constant 0 : i32
      %dma_start3A_713 = arith.constant 0 : i32
      %dma_start3A_714 = tpu.memref_slice %arg4[%add3A_706, %dma_start3A_712, %dma_start3A_713] : memref<16384x32x128xf32, #tpu.memory_space<hbm>> -> memref<1x26x64xf32, #tpu.memory_space<hbm>>
      %dma_start3A_715 = tpu.memref_squeeze %dma_start3A_714 : memref<1x26x64xf32, #tpu.memory_space<hbm>> -> memref<26x64xf32, #tpu.memory_space<hbm>>
      %dma_start3A_716 = arith.constant 0 : i32
      %dma_start3A_717 = arith.constant 0 : i32
      %dma_start3A_718 = tpu.memref_slice %arg4[%add3A_706, %dma_start3A_716, %dma_start3A_717] : memref<16384x32x128xf32, #tpu.memory_space<hbm>> -> memref<1x26x64xf32, #tpu.memory_space<hbm>>
      %dma_start3A_719 = tpu.memref_squeeze %dma_start3A_718 : memref<1x26x64xf32, #tpu.memory_space<hbm>> -> memref<26x64xf32, #tpu.memory_space<hbm>>
      %dma_start3A_720 = arith.constant 78 : i32
      %dma_start3A_721 = arith.constant 0 : i32
      %dma_start3A_722 = tpu.memref_slice %arg6[%dma_start3A_707, %dma_start3A_720, %dma_start3A_721] : memref<8x104x64xf32, #tpu.memory_space<vmem>> -> memref<1x26x64xf32, #tpu.memory_space<vmem>>
      %dma_start3A_723 = tpu.memref_squeeze %dma_start3A_722 : memref<1x26x64xf32, #tpu.memory_space<vmem>> -> memref<26x64xf32, #tpu.memory_space<vmem>>
      tpu.enqueue_dma source(%dma_start3A_723 : memref<26x64xf32, #tpu.memory_space<vmem>>) target(%dma_start3A_719 : memref<26x64xf32, #tpu.memory_space<hbm>>) target_semaphore(%arg21 : memref<!tpu.dma_semaphore, #tpu.memory_space<semaphore_mem>>)
      %dma_wait3A_724 = arith.constant 6 : i32
      %dma_wait3A_725 = arith.constant 0 : i32
      %dma_wait3A_726 = arith.constant 0 : i32
      %dma_wait3A_727 = tpu.memref_slice %arg6[%dma_wait3A_724, %dma_wait3A_725, %dma_wait3A_726] : memref<8x104x64xf32, #tpu.memory_space<vmem>> -> memref<1x104x64xf32, #tpu.memory_space<vmem>>
      %dma_wait3A_728 = tpu.memref_squeeze %dma_wait3A_727 : memref<1x104x64xf32, #tpu.memory_space<vmem>> -> memref<104x64xf32, #tpu.memory_space<vmem>>
      %dma_wait3A_729 = arith.constant 0 : i32
      %dma_wait3A_730 = tpu.memref_slice %arg5[%dma_wait3A_729] : memref<13312xi32, #tpu.memory_space<vmem>> -> memref<104xi32, #tpu.memory_space<vmem>>
      %dma_wait3A_731 = arith.constant 0 : i32
      %dma_wait3A_732 = arith.constant 0 : i32
      %dma_wait3A_733 = tpu.memref_slice %arg2[%dma_wait3A_731, %dma_wait3A_732] : memref<1000000x64xf32, #tpu.memory_space<hbm>> -> memref<1000000x64xf32, #tpu.memory_space<hbm>>
      tpu.wait_indirect_dma semaphore(%arg14 : memref<!tpu.dma_semaphore, #tpu.memory_space<semaphore_mem>>) src(%dma_wait3A_733 : memref<1000000x64xf32, #tpu.memory_space<hbm>>) dst(%dma_wait3A_728 : memref<104x64xf32, #tpu.memory_space<vmem>>)
      %scan3A_734 = arith.constant 0 : i32
      %scan3A_735 = arith.constant 52 : i32
      %scan3A_736 = arith.addi %scan3A_734, %scan3A_735 : i32
      %scan3A_737 = arith.constant 1 : i32
      scf.for %scan3A_940 = %scan3A_734 to %scan3A_736 step %scan3A_737  : i32 {
        %mul3A_941 = arith.constant 2 : i32
        %mul3A_942 = arith.muli %scan3A_940, %mul3A_941 : i32
        %add3A_943 = arith.constant 0 : i32
        %add3A_944 = arith.addi %mul3A_942, %add3A_943 : i32
        %get3A = arith.constant 6 : i32
        %get3A_945 = arith.index_cast %get3A : i32 to index
        %get3A_946 = arith.index_cast %add3A_944 : i32 to index
        %get3A_947 = arith.constant 0 : index
        %get3A_948 = tpu.vector_load %arg6[%get3A_945, %get3A_946, %get3A_947] {strides = array<i32>} : memref<8x104x64xf32, #tpu.memory_space<vmem>>, vector<1x1x16xf32>,
        %get3A_949 = vector.shape_cast %get3A_948 : vector<1x1x16xf32> to vector<16xf32>
        %mul3A_950 = arith.constant 1.000000e+01 : f32
        %mul3A_951 = vector.broadcast %mul3A_950 : f32 to vector<16xf32>
        %mul3A_952 = arith.mulf %get3A_949, %mul3A_951 : vector<16xf32>
        %add3A_953 = arith.constant 0 : i32
        %add3A_954 = arith.addi %mul3A_942, %add3A_953 : i32
        %swap3A = arith.constant 6 : i32
        %swap3A_955 = arith.index_cast %swap3A : i32 to index
        %swap3A_956 = arith.index_cast %add3A_954 : i32 to index
        %swap3A_957 = arith.constant 0 : index
        %swap3A_958 = tpu.vector_load %arg6[%swap3A_955, %swap3A_956, %swap3A_957] {strides = array<i32>} : memref<8x104x64xf32, #tpu.memory_space<vmem>>, vector<1x1x16xf32>,
        %swap3A_959 = vector.shape_cast %swap3A_958 : vector<1x1x16xf32> to vector<16xf32>
        %swap3A_960 = vector.shape_cast %mul3A_952 : vector<16xf32> to vector<1x1x16xf32>
        tpu.vector_store %arg6[%swap3A_955, %swap3A_956, %swap3A_957], %swap3A_960 {strides = array<i32>} : memref<8x104x64xf32, #tpu.memory_space<vmem>>, vector<1x1x16xf32>,
        %add3A_961 = arith.constant 0 : i32
        %add3A_962 = arith.addi %mul3A_942, %add3A_961 : i32
        %get3A_963 = arith.constant 6 : i32
        %get3A_964 = arith.index_cast %get3A_963 : i32 to index
        %get3A_965 = arith.index_cast %add3A_962 : i32 to index
        %get3A_966 = arith.constant 16 : index
        %get3A_967 = tpu.vector_load %arg6[%get3A_964, %get3A_965, %get3A_966] {strides = array<i32>} : memref<8x104x64xf32, #tpu.memory_space<vmem>>, vector<1x1x16xf32>,
        %get3A_968 = vector.shape_cast %get3A_967 : vector<1x1x16xf32> to vector<16xf32>
        %mul3A_969 = arith.constant 1.000000e+01 : f32
        %mul3A_970 = vector.broadcast %mul3A_969 : f32 to vector<16xf32>
        %mul3A_971 = arith.mulf %get3A_968, %mul3A_970 : vector<16xf32>
        %add3A_972 = arith.constant 0 : i32
        %add3A_973 = arith.addi %mul3A_942, %add3A_972 : i32
        %swap3A_974 = arith.constant 6 : i32
        %swap3A_975 = arith.index_cast %swap3A_974 : i32 to index
        %swap3A_976 = arith.index_cast %add3A_973 : i32 to index
        %swap3A_977 = arith.constant 16 : index
        %swap3A_978 = tpu.vector_load %arg6[%swap3A_975, %swap3A_976, %swap3A_977] {strides = array<i32>} : memref<8x104x64xf32, #tpu.memory_space<vmem>>, vector<1x1x16xf32>,
        %swap3A_979 = vector.shape_cast %swap3A_978 : vector<1x1x16xf32> to vector<16xf32>
        %swap3A_980 = vector.shape_cast %mul3A_971 : vector<16xf32> to vector<1x1x16xf32>
        tpu.vector_store %arg6[%swap3A_975, %swap3A_976, %swap3A_977], %swap3A_980 {strides = array<i32>} : memref<8x104x64xf32, #tpu.memory_space<vmem>>, vector<1x1x16xf32>,
        %add3A_981 = arith.constant 0 : i32
        %add3A_982 = arith.addi %mul3A_942, %add3A_981 : i32
        %get3A_983 = arith.constant 6 : i32
        %get3A_984 = arith.index_cast %get3A_983 : i32 to index
        %get3A_985 = arith.index_cast %add3A_982 : i32 to index
        %get3A_986 = arith.constant 32 : index
        %get3A_987 = tpu.vector_load %arg6[%get3A_984, %get3A_985, %get3A_986] {strides = array<i32>} : memref<8x104x64xf32, #tpu.memory_space<vmem>>, vector<1x1x16xf32>,
        %get3A_988 = vector.shape_cast %get3A_987 : vector<1x1x16xf32> to vector<16xf32>
        %mul3A_989 = arith.constant 1.000000e+01 : f32
        %mul3A_990 = vector.broadcast %mul3A_989 : f32 to vector<16xf32>
        %mul3A_991 = arith.mulf %get3A_988, %mul3A_990 : vector<16xf32>
        %add3A_992 = arith.constant 0 : i32
        %add3A_993 = arith.addi %mul3A_942, %add3A_992 : i32
        %swap3A_994 = arith.constant 6 : i32
        %swap3A_995 = arith.index_cast %swap3A_994 : i32 to index
        %swap3A_996 = arith.index_cast %add3A_993 : i32 to index
        %swap3A_997 = arith.constant 32 : index
        %swap3A_998 = tpu.vector_load %arg6[%swap3A_995, %swap3A_996, %swap3A_997] {strides = array<i32>} : memref<8x104x64xf32, #tpu.memory_space<vmem>>, vector<1x1x16xf32>,
        %swap3A_999 = vector.shape_cast %swap3A_998 : vector<1x1x16xf32> to vector<16xf32>
        %swap3A_1000 = vector.shape_cast %mul3A_991 : vector<16xf32> to vector<1x1x16xf32>
        tpu.vector_store %arg6[%swap3A_995, %swap3A_996, %swap3A_997], %swap3A_1000 {strides = array<i32>} : memref<8x104x64xf32, #tpu.memory_space<vmem>>, vector<1x1x16xf32>,
        %add3A_1001 = arith.constant 0 : i32
        %add3A_1002 = arith.addi %mul3A_942, %add3A_1001 : i32
        %get3A_1003 = arith.constant 6 : i32
        %get3A_1004 = arith.index_cast %get3A_1003 : i32 to index
        %get3A_1005 = arith.index_cast %add3A_1002 : i32 to index
        %get3A_1006 = arith.constant 48 : index
        %get3A_1007 = tpu.vector_load %arg6[%get3A_1004, %get3A_1005, %get3A_1006] {strides = array<i32>} : memref<8x104x64xf32, #tpu.memory_space<vmem>>, vector<1x1x16xf32>,
        %get3A_1008 = vector.shape_cast %get3A_1007 : vector<1x1x16xf32> to vector<16xf32>
        %mul3A_1009 = arith.constant 1.000000e+01 : f32
        %mul3A_1010 = vector.broadcast %mul3A_1009 : f32 to vector<16xf32>
        %mul3A_1011 = arith.mulf %get3A_1008, %mul3A_1010 : vector<16xf32>
        %add3A_1012 = arith.constant 0 : i32
        %add3A_1013 = arith.addi %mul3A_942, %add3A_1012 : i32
        %swap3A_1014 = arith.constant 6 : i32
        %swap3A_1015 = arith.index_cast %swap3A_1014 : i32 to index
        %swap3A_1016 = arith.index_cast %add3A_1013 : i32 to index
        %swap3A_1017 = arith.constant 48 : index
        %swap3A_1018 = tpu.vector_load %arg6[%swap3A_1015, %swap3A_1016, %swap3A_1017] {strides = array<i32>} : memref<8x104x64xf32, #tpu.memory_space<vmem>>, vector<1x1x16xf32>,
        %swap3A_1019 = vector.shape_cast %swap3A_1018 : vector<1x1x16xf32> to vector<16xf32>
        %swap3A_1020 = vector.shape_cast %mul3A_1011 : vector<16xf32> to vector<1x1x16xf32>
        tpu.vector_store %arg6[%swap3A_1015, %swap3A_1016, %swap3A_1017], %swap3A_1020 {strides = array<i32>} : memref<8x104x64xf32, #tpu.memory_space<vmem>>, vector<1x1x16xf32>,
        %add3A_1021 = arith.constant 1 : i32
        %add3A_1022 = arith.addi %mul3A_942, %add3A_1021 : i32
        %get3A_1023 = arith.constant 6 : i32
        %get3A_1024 = arith.index_cast %get3A_1023 : i32 to index
        %get3A_1025 = arith.index_cast %add3A_1022 : i32 to index
        %get3A_1026 = arith.constant 0 : index
        %get3A_1027 = tpu.vector_load %arg6[%get3A_1024, %get3A_1025, %get3A_1026] {strides = array<i32>} : memref<8x104x64xf32, #tpu.memory_space<vmem>>, vector<1x1x16xf32>,
        %get3A_1028 = vector.shape_cast %get3A_1027 : vector<1x1x16xf32> to vector<16xf32>
        %mul3A_1029 = arith.constant 1.000000e+01 : f32
        %mul3A_1030 = vector.broadcast %mul3A_1029 : f32 to vector<16xf32>
        %mul3A_1031 = arith.mulf %get3A_1028, %mul3A_1030 : vector<16xf32>
        %add3A_1032 = arith.constant 1 : i32
        %add3A_1033 = arith.addi %mul3A_942, %add3A_1032 : i32
        %swap3A_1034 = arith.constant 6 : i32
        %swap3A_1035 = arith.index_cast %swap3A_1034 : i32 to index
        %swap3A_1036 = arith.index_cast %add3A_1033 : i32 to index
        %swap3A_1037 = arith.constant 0 : index
        %swap3A_1038 = tpu.vector_load %arg6[%swap3A_1035, %swap3A_1036, %swap3A_1037] {strides = array<i32>} : memref<8x104x64xf32, #tpu.memory_space<vmem>>, vector<1x1x16xf32>,
        %swap3A_1039 = vector.shape_cast %swap3A_1038 : vector<1x1x16xf32> to vector<16xf32>
        %swap3A_1040 = vector.shape_cast %mul3A_1031 : vector<16xf32> to vector<1x1x16xf32>
        tpu.vector_store %arg6[%swap3A_1035, %swap3A_1036, %swap3A_1037], %swap3A_1040 {strides = array<i32>} : memref<8x104x64xf32, #tpu.memory_space<vmem>>, vector<1x1x16xf32>,
        %add3A_1041 = arith.constant 1 : i32
        %add3A_1042 = arith.addi %mul3A_942, %add3A_1041 : i32
        %get3A_1043 = arith.constant 6 : i32
        %get3A_1044 = arith.index_cast %get3A_1043 : i32 to index
        %get3A_1045 = arith.index_cast %add3A_1042 : i32 to index
        %get3A_1046 = arith.constant 16 : index
        %get3A_1047 = tpu.vector_load %arg6[%get3A_1044, %get3A_1045, %get3A_1046] {strides = array<i32>} : memref<8x104x64xf32, #tpu.memory_space<vmem>>, vector<1x1x16xf32>,
        %get3A_1048 = vector.shape_cast %get3A_1047 : vector<1x1x16xf32> to vector<16xf32>
        %mul3A_1049 = arith.constant 1.000000e+01 : f32
        %mul3A_1050 = vector.broadcast %mul3A_1049 : f32 to vector<16xf32>
        %mul3A_1051 = arith.mulf %get3A_1048, %mul3A_1050 : vector<16xf32>
        %add3A_1052 = arith.constant 1 : i32
        %add3A_1053 = arith.addi %mul3A_942, %add3A_1052 : i32
        %swap3A_1054 = arith.constant 6 : i32
        %swap3A_1055 = arith.index_cast %swap3A_1054 : i32 to index
        %swap3A_1056 = arith.index_cast %add3A_1053 : i32 to index
        %swap3A_1057 = arith.constant 16 : index
        %swap3A_1058 = tpu.vector_load %arg6[%swap3A_1055, %swap3A_1056, %swap3A_1057] {strides = array<i32>} : memref<8x104x64xf32, #tpu.memory_space<vmem>>, vector<1x1x16xf32>,
        %swap3A_1059 = vector.shape_cast %swap3A_1058 : vector<1x1x16xf32> to vector<16xf32>
        %swap3A_1060 = vector.shape_cast %mul3A_1051 : vector<16xf32> to vector<1x1x16xf32>
        tpu.vector_store %arg6[%swap3A_1055, %swap3A_1056, %swap3A_1057], %swap3A_1060 {strides = array<i32>} : memref<8x104x64xf32, #tpu.memory_space<vmem>>, vector<1x1x16xf32>,
        %add3A_1061 = arith.constant 1 : i32
        %add3A_1062 = arith.addi %mul3A_942, %add3A_1061 : i32
        %get3A_1063 = arith.constant 6 : i32
        %get3A_1064 = arith.index_cast %get3A_1063 : i32 to index
        %get3A_1065 = arith.index_cast %add3A_1062 : i32 to index
        %get3A_1066 = arith.constant 32 : index
        %get3A_1067 = tpu.vector_load %arg6[%get3A_1064, %get3A_1065, %get3A_1066] {strides = array<i32>} : memref<8x104x64xf32, #tpu.memory_space<vmem>>, vector<1x1x16xf32>,
        %get3A_1068 = vector.shape_cast %get3A_1067 : vector<1x1x16xf32> to vector<16xf32>
        %mul3A_1069 = arith.constant 1.000000e+01 : f32
        %mul3A_1070 = vector.broadcast %mul3A_1069 : f32 to vector<16xf32>
        %mul3A_1071 = arith.mulf %get3A_1068, %mul3A_1070 : vector<16xf32>
        %add3A_1072 = arith.constant 1 : i32
        %add3A_1073 = arith.addi %mul3A_942, %add3A_1072 : i32
        %swap3A_1074 = arith.constant 6 : i32
        %swap3A_1075 = arith.index_cast %swap3A_1074 : i32 to index
        %swap3A_1076 = arith.index_cast %add3A_1073 : i32 to index
        %swap3A_1077 = arith.constant 32 : index
        %swap3A_1078 = tpu.vector_load %arg6[%swap3A_1075, %swap3A_1076, %swap3A_1077] {strides = array<i32>} : memref<8x104x64xf32, #tpu.memory_space<vmem>>, vector<1x1x16xf32>,
        %swap3A_1079 = vector.shape_cast %swap3A_1078 : vector<1x1x16xf32> to vector<16xf32>
        %swap3A_1080 = vector.shape_cast %mul3A_1071 : vector<16xf32> to vector<1x1x16xf32>
        tpu.vector_store %arg6[%swap3A_1075, %swap3A_1076, %swap3A_1077], %swap3A_1080 {strides = array<i32>} : memref<8x104x64xf32, #tpu.memory_space<vmem>>, vector<1x1x16xf32>,
        %add3A_1081 = arith.constant 1 : i32
        %add3A_1082 = arith.addi %mul3A_942, %add3A_1081 : i32
        %get3A_1083 = arith.constant 6 : i32
        %get3A_1084 = arith.index_cast %get3A_1083 : i32 to index
        %get3A_1085 = arith.index_cast %add3A_1082 : i32 to index
        %get3A_1086 = arith.constant 48 : index
        %get3A_1087 = tpu.vector_load %arg6[%get3A_1084, %get3A_1085, %get3A_1086] {strides = array<i32>} : memref<8x104x64xf32, #tpu.memory_space<vmem>>, vector<1x1x16xf32>,
        %get3A_1088 = vector.shape_cast %get3A_1087 : vector<1x1x16xf32> to vector<16xf32>
        %mul3A_1089 = arith.constant 1.000000e+01 : f32
        %mul3A_1090 = vector.broadcast %mul3A_1089 : f32 to vector<16xf32>
        %mul3A_1091 = arith.mulf %get3A_1088, %mul3A_1090 : vector<16xf32>
        %add3A_1092 = arith.constant 1 : i32
        %add3A_1093 = arith.addi %mul3A_942, %add3A_1092 : i32
        %swap3A_1094 = arith.constant 6 : i32
        %swap3A_1095 = arith.index_cast %swap3A_1094 : i32 to index
        %swap3A_1096 = arith.index_cast %add3A_1093 : i32 to index
        %swap3A_1097 = arith.constant 48 : index
        %swap3A_1098 = tpu.vector_load %arg6[%swap3A_1095, %swap3A_1096, %swap3A_1097] {strides = array<i32>} : memref<8x104x64xf32, #tpu.memory_space<vmem>>, vector<1x1x16xf32>,
        %swap3A_1099 = vector.shape_cast %swap3A_1098 : vector<1x1x16xf32> to vector<16xf32>
        %swap3A_1100 = vector.shape_cast %mul3A_1091 : vector<16xf32> to vector<1x1x16xf32>
        tpu.vector_store %arg6[%swap3A_1095, %swap3A_1096, %swap3A_1097], %swap3A_1100 {strides = array<i32>} : memref<8x104x64xf32, #tpu.memory_space<vmem>>, vector<1x1x16xf32>,
      }
      %scan3A_738 = arith.constant 52 : i32
      %add3A_739 = arith.constant 6 : i32
      %add3A_740 = arith.addi %mul3A_93, %add3A_739 : i32
      %mul3A_741 = arith.constant 4 : i32
      %mul3A_742 = arith.muli %add3A_740, %mul3A_741 : i32
      %add3A_743 = arith.addi %mul3A_2, %mul3A_742 : i32
      %add3A_744 = arith.constant 0 : i32
      %add3A_745 = arith.addi %add3A_743, %add3A_744 : i32
      %dma_start3A_746 = arith.constant 6 : i32
      %dma_start3A_747 = arith.constant 0 : i32
      %dma_start3A_748 = arith.constant 0 : i32
      %dma_start3A_749 = tpu.memref_slice %arg6[%dma_start3A_746, %dma_start3A_747, %dma_start3A_748] : memref<8x104x64xf32, #tpu.memory_space<vmem>> -> memref<1x26x64xf32, #tpu.memory_space<vmem>>
      %dma_start3A_750 = tpu.memref_squeeze %dma_start3A_749 : memref<1x26x64xf32, #tpu.memory_space<vmem>> -> memref<26x64xf32, #tpu.memory_space<vmem>>
      %dma_start3A_751 = arith.constant 0 : i32
      %dma_start3A_752 = arith.constant 0 : i32
      %dma_start3A_753 = tpu.memref_slice %arg4[%add3A_745, %dma_start3A_751, %dma_start3A_752] : memref<16384x32x128xf32, #tpu.memory_space<hbm>> -> memref<1x26x64xf32, #tpu.memory_space<hbm>>
      %dma_start3A_754 = tpu.memref_squeeze %dma_start3A_753 : memref<1x26x64xf32, #tpu.memory_space<hbm>> -> memref<26x64xf32, #tpu.memory_space<hbm>>
      %dma_start3A_755 = arith.constant 0 : i32
      %dma_start3A_756 = arith.constant 0 : i32
      %dma_start3A_757 = tpu.memref_slice %arg4[%add3A_745, %dma_start3A_755, %dma_start3A_756] : memref<16384x32x128xf32, #tpu.memory_space<hbm>> -> memref<1x26x64xf32, #tpu.memory_space<hbm>>
      %dma_start3A_758 = tpu.memref_squeeze %dma_start3A_757 : memref<1x26x64xf32, #tpu.memory_space<hbm>> -> memref<26x64xf32, #tpu.memory_space<hbm>>
      %dma_start3A_759 = arith.constant 0 : i32
      %dma_start3A_760 = arith.constant 0 : i32
      %dma_start3A_761 = tpu.memref_slice %arg6[%dma_start3A_746, %dma_start3A_759, %dma_start3A_760] : memref<8x104x64xf32, #tpu.memory_space<vmem>> -> memref<1x26x64xf32, #tpu.memory_space<vmem>>
      %dma_start3A_762 = tpu.memref_squeeze %dma_start3A_761 : memref<1x26x64xf32, #tpu.memory_space<vmem>> -> memref<26x64xf32, #tpu.memory_space<vmem>>
      tpu.enqueue_dma source(%dma_start3A_762 : memref<26x64xf32, #tpu.memory_space<vmem>>) target(%dma_start3A_758 : memref<26x64xf32, #tpu.memory_space<hbm>>) target_semaphore(%arg22 : memref<!tpu.dma_semaphore, #tpu.memory_space<semaphore_mem>>)
      %mul3A_763 = arith.constant 4 : i32
      %mul3A_764 = arith.muli %add3A_740, %mul3A_763 : i32
      %add3A_765 = arith.addi %mul3A_2, %mul3A_764 : i32
      %add3A_766 = arith.constant 1 : i32
      %add3A_767 = arith.addi %add3A_765, %add3A_766 : i32
      %dma_start3A_768 = arith.constant 6 : i32
      %dma_start3A_769 = arith.constant 26 : i32
      %dma_start3A_770 = arith.constant 0 : i32
      %dma_start3A_771 = tpu.memref_slice %arg6[%dma_start3A_768, %dma_start3A_769, %dma_start3A_770] : memref<8x104x64xf32, #tpu.memory_space<vmem>> -> memref<1x26x64xf32, #tpu.memory_space<vmem>>
      %dma_start3A_772 = tpu.memref_squeeze %dma_start3A_771 : memref<1x26x64xf32, #tpu.memory_space<vmem>> -> memref<26x64xf32, #tpu.memory_space<vmem>>
      %dma_start3A_773 = arith.constant 0 : i32
      %dma_start3A_774 = arith.constant 0 : i32
      %dma_start3A_775 = tpu.memref_slice %arg4[%add3A_767, %dma_start3A_773, %dma_start3A_774] : memref<16384x32x128xf32, #tpu.memory_space<hbm>> -> memref<1x26x64xf32, #tpu.memory_space<hbm>>
      %dma_start3A_776 = tpu.memref_squeeze %dma_start3A_775 : memref<1x26x64xf32, #tpu.memory_space<hbm>> -> memref<26x64xf32, #tpu.memory_space<hbm>>
      %dma_start3A_777 = arith.constant 0 : i32
      %dma_start3A_778 = arith.constant 0 : i32
      %dma_start3A_779 = tpu.memref_slice %arg4[%add3A_767, %dma_start3A_777, %dma_start3A_778] : memref<16384x32x128xf32, #tpu.memory_space<hbm>> -> memref<1x26x64xf32, #tpu.memory_space<hbm>>
      %dma_start3A_780 = tpu.memref_squeeze %dma_start3A_779 : memref<1x26x64xf32, #tpu.memory_space<hbm>> -> memref<26x64xf32, #tpu.memory_space<hbm>>
      %dma_start3A_781 = arith.constant 26 : i32
      %dma_start3A_782 = arith.constant 0 : i32
      %dma_start3A_783 = tpu.memref_slice %arg6[%dma_start3A_768, %dma_start3A_781, %dma_start3A_782] : memref<8x104x64xf32, #tpu.memory_space<vmem>> -> memref<1x26x64xf32, #tpu.memory_space<vmem>>
      %dma_start3A_784 = tpu.memref_squeeze %dma_start3A_783 : memref<1x26x64xf32, #tpu.memory_space<vmem>> -> memref<26x64xf32, #tpu.memory_space<vmem>>
      tpu.enqueue_dma source(%dma_start3A_784 : memref<26x64xf32, #tpu.memory_space<vmem>>) target(%dma_start3A_780 : memref<26x64xf32, #tpu.memory_space<hbm>>) target_semaphore(%arg22 : memref<!tpu.dma_semaphore, #tpu.memory_space<semaphore_mem>>)
      %mul3A_785 = arith.constant 4 : i32
      %mul3A_786 = arith.muli %add3A_740, %mul3A_785 : i32
      %add3A_787 = arith.addi %mul3A_2, %mul3A_786 : i32
      %add3A_788 = arith.constant 2 : i32
      %add3A_789 = arith.addi %add3A_787, %add3A_788 : i32
      %dma_start3A_790 = arith.constant 6 : i32
      %dma_start3A_791 = arith.constant 52 : i32
      %dma_start3A_792 = arith.constant 0 : i32
      %dma_start3A_793 = tpu.memref_slice %arg6[%dma_start3A_790, %dma_start3A_791, %dma_start3A_792] : memref<8x104x64xf32, #tpu.memory_space<vmem>> -> memref<1x26x64xf32, #tpu.memory_space<vmem>>
      %dma_start3A_794 = tpu.memref_squeeze %dma_start3A_793 : memref<1x26x64xf32, #tpu.memory_space<vmem>> -> memref<26x64xf32, #tpu.memory_space<vmem>>
      %dma_start3A_795 = arith.constant 0 : i32
      %dma_start3A_796 = arith.constant 0 : i32
      %dma_start3A_797 = tpu.memref_slice %arg4[%add3A_789, %dma_start3A_795, %dma_start3A_796] : memref<16384x32x128xf32, #tpu.memory_space<hbm>> -> memref<1x26x64xf32, #tpu.memory_space<hbm>>
      %dma_start3A_798 = tpu.memref_squeeze %dma_start3A_797 : memref<1x26x64xf32, #tpu.memory_space<hbm>> -> memref<26x64xf32, #tpu.memory_space<hbm>>
      %dma_start3A_799 = arith.constant 0 : i32
      %dma_start3A_800 = arith.constant 0 : i32
      %dma_start3A_801 = tpu.memref_slice %arg4[%add3A_789, %dma_start3A_799, %dma_start3A_800] : memref<16384x32x128xf32, #tpu.memory_space<hbm>> -> memref<1x26x64xf32, #tpu.memory_space<hbm>>
      %dma_start3A_802 = tpu.memref_squeeze %dma_start3A_801 : memref<1x26x64xf32, #tpu.memory_space<hbm>> -> memref<26x64xf32, #tpu.memory_space<hbm>>
      %dma_start3A_803 = arith.constant 52 : i32
      %dma_start3A_804 = arith.constant 0 : i32
      %dma_start3A_805 = tpu.memref_slice %arg6[%dma_start3A_790, %dma_start3A_803, %dma_start3A_804] : memref<8x104x64xf32, #tpu.memory_space<vmem>> -> memref<1x26x64xf32, #tpu.memory_space<vmem>>
      %dma_start3A_806 = tpu.memref_squeeze %dma_start3A_805 : memref<1x26x64xf32, #tpu.memory_space<vmem>> -> memref<26x64xf32, #tpu.memory_space<vmem>>
      tpu.enqueue_dma source(%dma_start3A_806 : memref<26x64xf32, #tpu.memory_space<vmem>>) target(%dma_start3A_802 : memref<26x64xf32, #tpu.memory_space<hbm>>) target_semaphore(%arg22 : memref<!tpu.dma_semaphore, #tpu.memory_space<semaphore_mem>>)
      %mul3A_807 = arith.constant 4 : i32
      %mul3A_808 = arith.muli %add3A_740, %mul3A_807 : i32
      %add3A_809 = arith.addi %mul3A_2, %mul3A_808 : i32
      %add3A_810 = arith.constant 3 : i32
      %add3A_811 = arith.addi %add3A_809, %add3A_810 : i32
      %dma_start3A_812 = arith.constant 6 : i32
      %dma_start3A_813 = arith.constant 78 : i32
      %dma_start3A_814 = arith.constant 0 : i32
      %dma_start3A_815 = tpu.memref_slice %arg6[%dma_start3A_812, %dma_start3A_813, %dma_start3A_814] : memref<8x104x64xf32, #tpu.memory_space<vmem>> -> memref<1x26x64xf32, #tpu.memory_space<vmem>>
      %dma_start3A_816 = tpu.memref_squeeze %dma_start3A_815 : memref<1x26x64xf32, #tpu.memory_space<vmem>> -> memref<26x64xf32, #tpu.memory_space<vmem>>
      %dma_start3A_817 = arith.constant 0 : i32
      %dma_start3A_818 = arith.constant 0 : i32
      %dma_start3A_819 = tpu.memref_slice %arg4[%add3A_811, %dma_start3A_817, %dma_start3A_818] : memref<16384x32x128xf32, #tpu.memory_space<hbm>> -> memref<1x26x64xf32, #tpu.memory_space<hbm>>
      %dma_start3A_820 = tpu.memref_squeeze %dma_start3A_819 : memref<1x26x64xf32, #tpu.memory_space<hbm>> -> memref<26x64xf32, #tpu.memory_space<hbm>>
      %dma_start3A_821 = arith.constant 0 : i32
      %dma_start3A_822 = arith.constant 0 : i32
      %dma_start3A_823 = tpu.memref_slice %arg4[%add3A_811, %dma_start3A_821, %dma_start3A_822] : memref<16384x32x128xf32, #tpu.memory_space<hbm>> -> memref<1x26x64xf32, #tpu.memory_space<hbm>>
      %dma_start3A_824 = tpu.memref_squeeze %dma_start3A_823 : memref<1x26x64xf32, #tpu.memory_space<hbm>> -> memref<26x64xf32, #tpu.memory_space<hbm>>
      %dma_start3A_825 = arith.constant 78 : i32
      %dma_start3A_826 = arith.constant 0 : i32
      %dma_start3A_827 = tpu.memref_slice %arg6[%dma_start3A_812, %dma_start3A_825, %dma_start3A_826] : memref<8x104x64xf32, #tpu.memory_space<vmem>> -> memref<1x26x64xf32, #tpu.memory_space<vmem>>
      %dma_start3A_828 = tpu.memref_squeeze %dma_start3A_827 : memref<1x26x64xf32, #tpu.memory_space<vmem>> -> memref<26x64xf32, #tpu.memory_space<vmem>>
      tpu.enqueue_dma source(%dma_start3A_828 : memref<26x64xf32, #tpu.memory_space<vmem>>) target(%dma_start3A_824 : memref<26x64xf32, #tpu.memory_space<hbm>>) target_semaphore(%arg22 : memref<!tpu.dma_semaphore, #tpu.memory_space<semaphore_mem>>)
      %dma_wait3A_829 = arith.constant 7 : i32
      %dma_wait3A_830 = arith.constant 0 : i32
      %dma_wait3A_831 = arith.constant 0 : i32
      %dma_wait3A_832 = tpu.memref_slice %arg6[%dma_wait3A_829, %dma_wait3A_830, %dma_wait3A_831] : memref<8x104x64xf32, #tpu.memory_space<vmem>> -> memref<1x104x64xf32, #tpu.memory_space<vmem>>
      %dma_wait3A_833 = tpu.memref_squeeze %dma_wait3A_832 : memref<1x104x64xf32, #tpu.memory_space<vmem>> -> memref<104x64xf32, #tpu.memory_space<vmem>>
      %dma_wait3A_834 = arith.constant 0 : i32
      %dma_wait3A_835 = tpu.memref_slice %arg5[%dma_wait3A_834] : memref<13312xi32, #tpu.memory_space<vmem>> -> memref<104xi32, #tpu.memory_space<vmem>>
      %dma_wait3A_836 = arith.constant 0 : i32
      %dma_wait3A_837 = arith.constant 0 : i32
      %dma_wait3A_838 = tpu.memref_slice %arg2[%dma_wait3A_836, %dma_wait3A_837] : memref<1000000x64xf32, #tpu.memory_space<hbm>> -> memref<1000000x64xf32, #tpu.memory_space<hbm>>
      tpu.wait_indirect_dma semaphore(%arg15 : memref<!tpu.dma_semaphore, #tpu.memory_space<semaphore_mem>>) src(%dma_wait3A_838 : memref<1000000x64xf32, #tpu.memory_space<hbm>>) dst(%dma_wait3A_833 : memref<104x64xf32, #tpu.memory_space<vmem>>)
      %scan3A_839 = arith.constant 0 : i32
      %scan3A_840 = arith.constant 52 : i32
      %scan3A_841 = arith.addi %scan3A_839, %scan3A_840 : i32
      %scan3A_842 = arith.constant 1 : i32
      scf.for %scan3A_940 = %scan3A_839 to %scan3A_841 step %scan3A_842  : i32 {
        %mul3A_941 = arith.constant 2 : i32
        %mul3A_942 = arith.muli %scan3A_940, %mul3A_941 : i32
        %add3A_943 = arith.constant 0 : i32
        %add3A_944 = arith.addi %mul3A_942, %add3A_943 : i32
        %get3A = arith.constant 7 : i32
        %get3A_945 = arith.index_cast %get3A : i32 to index
        %get3A_946 = arith.index_cast %add3A_944 : i32 to index
        %get3A_947 = arith.constant 0 : index
        %get3A_948 = tpu.vector_load %arg6[%get3A_945, %get3A_946, %get3A_947] {strides = array<i32>} : memref<8x104x64xf32, #tpu.memory_space<vmem>>, vector<1x1x16xf32>,
        %get3A_949 = vector.shape_cast %get3A_948 : vector<1x1x16xf32> to vector<16xf32>
        %mul3A_950 = arith.constant 1.000000e+01 : f32
        %mul3A_951 = vector.broadcast %mul3A_950 : f32 to vector<16xf32>
        %mul3A_952 = arith.mulf %get3A_949, %mul3A_951 : vector<16xf32>
        %add3A_953 = arith.constant 0 : i32
        %add3A_954 = arith.addi %mul3A_942, %add3A_953 : i32
        %swap3A = arith.constant 7 : i32
        %swap3A_955 = arith.index_cast %swap3A : i32 to index
        %swap3A_956 = arith.index_cast %add3A_954 : i32 to index
        %swap3A_957 = arith.constant 0 : index
        %swap3A_958 = tpu.vector_load %arg6[%swap3A_955, %swap3A_956, %swap3A_957] {strides = array<i32>} : memref<8x104x64xf32, #tpu.memory_space<vmem>>, vector<1x1x16xf32>,
        %swap3A_959 = vector.shape_cast %swap3A_958 : vector<1x1x16xf32> to vector<16xf32>
        %swap3A_960 = vector.shape_cast %mul3A_952 : vector<16xf32> to vector<1x1x16xf32>
        tpu.vector_store %arg6[%swap3A_955, %swap3A_956, %swap3A_957], %swap3A_960 {strides = array<i32>} : memref<8x104x64xf32, #tpu.memory_space<vmem>>, vector<1x1x16xf32>,
        %add3A_961 = arith.constant 0 : i32
        %add3A_962 = arith.addi %mul3A_942, %add3A_961 : i32
        %get3A_963 = arith.constant 7 : i32
        %get3A_964 = arith.index_cast %get3A_963 : i32 to index
        %get3A_965 = arith.index_cast %add3A_962 : i32 to index
        %get3A_966 = arith.constant 16 : index
        %get3A_967 = tpu.vector_load %arg6[%get3A_964, %get3A_965, %get3A_966] {strides = array<i32>} : memref<8x104x64xf32, #tpu.memory_space<vmem>>, vector<1x1x16xf32>,
        %get3A_968 = vector.shape_cast %get3A_967 : vector<1x1x16xf32> to vector<16xf32>
        %mul3A_969 = arith.constant 1.000000e+01 : f32
        %mul3A_970 = vector.broadcast %mul3A_969 : f32 to vector<16xf32>
        %mul3A_971 = arith.mulf %get3A_968, %mul3A_970 : vector<16xf32>
        %add3A_972 = arith.constant 0 : i32
        %add3A_973 = arith.addi %mul3A_942, %add3A_972 : i32
        %swap3A_974 = arith.constant 7 : i32
        %swap3A_975 = arith.index_cast %swap3A_974 : i32 to index
        %swap3A_976 = arith.index_cast %add3A_973 : i32 to index
        %swap3A_977 = arith.constant 16 : index
        %swap3A_978 = tpu.vector_load %arg6[%swap3A_975, %swap3A_976, %swap3A_977] {strides = array<i32>} : memref<8x104x64xf32, #tpu.memory_space<vmem>>, vector<1x1x16xf32>,
        %swap3A_979 = vector.shape_cast %swap3A_978 : vector<1x1x16xf32> to vector<16xf32>
        %swap3A_980 = vector.shape_cast %mul3A_971 : vector<16xf32> to vector<1x1x16xf32>
        tpu.vector_store %arg6[%swap3A_975, %swap3A_976, %swap3A_977], %swap3A_980 {strides = array<i32>} : memref<8x104x64xf32, #tpu.memory_space<vmem>>, vector<1x1x16xf32>,
        %add3A_981 = arith.constant 0 : i32
        %add3A_982 = arith.addi %mul3A_942, %add3A_981 : i32
        %get3A_983 = arith.constant 7 : i32
        %get3A_984 = arith.index_cast %get3A_983 : i32 to index
        %get3A_985 = arith.index_cast %add3A_982 : i32 to index
        %get3A_986 = arith.constant 32 : index
        %get3A_987 = tpu.vector_load %arg6[%get3A_984, %get3A_985, %get3A_986] {strides = array<i32>} : memref<8x104x64xf32, #tpu.memory_space<vmem>>, vector<1x1x16xf32>,
        %get3A_988 = vector.shape_cast %get3A_987 : vector<1x1x16xf32> to vector<16xf32>
        %mul3A_989 = arith.constant 1.000000e+01 : f32
        %mul3A_990 = vector.broadcast %mul3A_989 : f32 to vector<16xf32>
        %mul3A_991 = arith.mulf %get3A_988, %mul3A_990 : vector<16xf32>
        %add3A_992 = arith.constant 0 : i32
        %add3A_993 = arith.addi %mul3A_942, %add3A_992 : i32
        %swap3A_994 = arith.constant 7 : i32
        %swap3A_995 = arith.index_cast %swap3A_994 : i32 to index
        %swap3A_996 = arith.index_cast %add3A_993 : i32 to index
        %swap3A_997 = arith.constant 32 : index
        %swap3A_998 = tpu.vector_load %arg6[%swap3A_995, %swap3A_996, %swap3A_997] {strides = array<i32>} : memref<8x104x64xf32, #tpu.memory_space<vmem>>, vector<1x1x16xf32>,
        %swap3A_999 = vector.shape_cast %swap3A_998 : vector<1x1x16xf32> to vector<16xf32>
        %swap3A_1000 = vector.shape_cast %mul3A_991 : vector<16xf32> to vector<1x1x16xf32>
        tpu.vector_store %arg6[%swap3A_995, %swap3A_996, %swap3A_997], %swap3A_1000 {strides = array<i32>} : memref<8x104x64xf32, #tpu.memory_space<vmem>>, vector<1x1x16xf32>,
        %add3A_1001 = arith.constant 0 : i32
        %add3A_1002 = arith.addi %mul3A_942, %add3A_1001 : i32
        %get3A_1003 = arith.constant 7 : i32
        %get3A_1004 = arith.index_cast %get3A_1003 : i32 to index
        %get3A_1005 = arith.index_cast %add3A_1002 : i32 to index
        %get3A_1006 = arith.constant 48 : index
        %get3A_1007 = tpu.vector_load %arg6[%get3A_1004, %get3A_1005, %get3A_1006] {strides = array<i32>} : memref<8x104x64xf32, #tpu.memory_space<vmem>>, vector<1x1x16xf32>,
        %get3A_1008 = vector.shape_cast %get3A_1007 : vector<1x1x16xf32> to vector<16xf32>
        %mul3A_1009 = arith.constant 1.000000e+01 : f32
        %mul3A_1010 = vector.broadcast %mul3A_1009 : f32 to vector<16xf32>
        %mul3A_1011 = arith.mulf %get3A_1008, %mul3A_1010 : vector<16xf32>
        %add3A_1012 = arith.constant 0 : i32
        %add3A_1013 = arith.addi %mul3A_942, %add3A_1012 : i32
        %swap3A_1014 = arith.constant 7 : i32
        %swap3A_1015 = arith.index_cast %swap3A_1014 : i32 to index
        %swap3A_1016 = arith.index_cast %add3A_1013 : i32 to index
        %swap3A_1017 = arith.constant 48 : index
        %swap3A_1018 = tpu.vector_load %arg6[%swap3A_1015, %swap3A_1016, %swap3A_1017] {strides = array<i32>} : memref<8x104x64xf32, #tpu.memory_space<vmem>>, vector<1x1x16xf32>,
        %swap3A_1019 = vector.shape_cast %swap3A_1018 : vector<1x1x16xf32> to vector<16xf32>
        %swap3A_1020 = vector.shape_cast %mul3A_1011 : vector<16xf32> to vector<1x1x16xf32>
        tpu.vector_store %arg6[%swap3A_1015, %swap3A_1016, %swap3A_1017], %swap3A_1020 {strides = array<i32>} : memref<8x104x64xf32, #tpu.memory_space<vmem>>, vector<1x1x16xf32>,
        %add3A_1021 = arith.constant 1 : i32
        %add3A_1022 = arith.addi %mul3A_942, %add3A_1021 : i32
        %get3A_1023 = arith.constant 7 : i32
        %get3A_1024 = arith.index_cast %get3A_1023 : i32 to index
        %get3A_1025 = arith.index_cast %add3A_1022 : i32 to index
        %get3A_1026 = arith.constant 0 : index
        %get3A_1027 = tpu.vector_load %arg6[%get3A_1024, %get3A_1025, %get3A_1026] {strides = array<i32>} : memref<8x104x64xf32, #tpu.memory_space<vmem>>, vector<1x1x16xf32>,
        %get3A_1028 = vector.shape_cast %get3A_1027 : vector<1x1x16xf32> to vector<16xf32>
        %mul3A_1029 = arith.constant 1.000000e+01 : f32
        %mul3A_1030 = vector.broadcast %mul3A_1029 : f32 to vector<16xf32>
        %mul3A_1031 = arith.mulf %get3A_1028, %mul3A_1030 : vector<16xf32>
        %add3A_1032 = arith.constant 1 : i32
        %add3A_1033 = arith.addi %mul3A_942, %add3A_1032 : i32
        %swap3A_1034 = arith.constant 7 : i32
        %swap3A_1035 = arith.index_cast %swap3A_1034 : i32 to index
        %swap3A_1036 = arith.index_cast %add3A_1033 : i32 to index
        %swap3A_1037 = arith.constant 0 : index
        %swap3A_1038 = tpu.vector_load %arg6[%swap3A_1035, %swap3A_1036, %swap3A_1037] {strides = array<i32>} : memref<8x104x64xf32, #tpu.memory_space<vmem>>, vector<1x1x16xf32>,
        %swap3A_1039 = vector.shape_cast %swap3A_1038 : vector<1x1x16xf32> to vector<16xf32>
        %swap3A_1040 = vector.shape_cast %mul3A_1031 : vector<16xf32> to vector<1x1x16xf32>
        tpu.vector_store %arg6[%swap3A_1035, %swap3A_1036, %swap3A_1037], %swap3A_1040 {strides = array<i32>} : memref<8x104x64xf32, #tpu.memory_space<vmem>>, vector<1x1x16xf32>,
        %add3A_1041 = arith.constant 1 : i32
        %add3A_1042 = arith.addi %mul3A_942, %add3A_1041 : i32
        %get3A_1043 = arith.constant 7 : i32
        %get3A_1044 = arith.index_cast %get3A_1043 : i32 to index
        %get3A_1045 = arith.index_cast %add3A_1042 : i32 to index
        %get3A_1046 = arith.constant 16 : index
        %get3A_1047 = tpu.vector_load %arg6[%get3A_1044, %get3A_1045, %get3A_1046] {strides = array<i32>} : memref<8x104x64xf32, #tpu.memory_space<vmem>>, vector<1x1x16xf32>,
        %get3A_1048 = vector.shape_cast %get3A_1047 : vector<1x1x16xf32> to vector<16xf32>
        %mul3A_1049 = arith.constant 1.000000e+01 : f32
        %mul3A_1050 = vector.broadcast %mul3A_1049 : f32 to vector<16xf32>
        %mul3A_1051 = arith.mulf %get3A_1048, %mul3A_1050 : vector<16xf32>
        %add3A_1052 = arith.constant 1 : i32
        %add3A_1053 = arith.addi %mul3A_942, %add3A_1052 : i32
        %swap3A_1054 = arith.constant 7 : i32
        %swap3A_1055 = arith.index_cast %swap3A_1054 : i32 to index
        %swap3A_1056 = arith.index_cast %add3A_1053 : i32 to index
        %swap3A_1057 = arith.constant 16 : index
        %swap3A_1058 = tpu.vector_load %arg6[%swap3A_1055, %swap3A_1056, %swap3A_1057] {strides = array<i32>} : memref<8x104x64xf32, #tpu.memory_space<vmem>>, vector<1x1x16xf32>,
        %swap3A_1059 = vector.shape_cast %swap3A_1058 : vector<1x1x16xf32> to vector<16xf32>
        %swap3A_1060 = vector.shape_cast %mul3A_1051 : vector<16xf32> to vector<1x1x16xf32>
        tpu.vector_store %arg6[%swap3A_1055, %swap3A_1056, %swap3A_1057], %swap3A_1060 {strides = array<i32>} : memref<8x104x64xf32, #tpu.memory_space<vmem>>, vector<1x1x16xf32>,
        %add3A_1061 = arith.constant 1 : i32
        %add3A_1062 = arith.addi %mul3A_942, %add3A_1061 : i32
        %get3A_1063 = arith.constant 7 : i32
        %get3A_1064 = arith.index_cast %get3A_1063 : i32 to index
        %get3A_1065 = arith.index_cast %add3A_1062 : i32 to index
        %get3A_1066 = arith.constant 32 : index
        %get3A_1067 = tpu.vector_load %arg6[%get3A_1064, %get3A_1065, %get3A_1066] {strides = array<i32>} : memref<8x104x64xf32, #tpu.memory_space<vmem>>, vector<1x1x16xf32>,
        %get3A_1068 = vector.shape_cast %get3A_1067 : vector<1x1x16xf32> to vector<16xf32>
        %mul3A_1069 = arith.constant 1.000000e+01 : f32
        %mul3A_1070 = vector.broadcast %mul3A_1069 : f32 to vector<16xf32>
        %mul3A_1071 = arith.mulf %get3A_1068, %mul3A_1070 : vector<16xf32>
        %add3A_1072 = arith.constant 1 : i32
        %add3A_1073 = arith.addi %mul3A_942, %add3A_1072 : i32
        %swap3A_1074 = arith.constant 7 : i32
        %swap3A_1075 = arith.index_cast %swap3A_1074 : i32 to index
        %swap3A_1076 = arith.index_cast %add3A_1073 : i32 to index
        %swap3A_1077 = arith.constant 32 : index
        %swap3A_1078 = tpu.vector_load %arg6[%swap3A_1075, %swap3A_1076, %swap3A_1077] {strides = array<i32>} : memref<8x104x64xf32, #tpu.memory_space<vmem>>, vector<1x1x16xf32>,
        %swap3A_1079 = vector.shape_cast %swap3A_1078 : vector<1x1x16xf32> to vector<16xf32>
        %swap3A_1080 = vector.shape_cast %mul3A_1071 : vector<16xf32> to vector<1x1x16xf32>
        tpu.vector_store %arg6[%swap3A_1075, %swap3A_1076, %swap3A_1077], %swap3A_1080 {strides = array<i32>} : memref<8x104x64xf32, #tpu.memory_space<vmem>>, vector<1x1x16xf32>,
        %add3A_1081 = arith.constant 1 : i32
        %add3A_1082 = arith.addi %mul3A_942, %add3A_1081 : i32
        %get3A_1083 = arith.constant 7 : i32
        %get3A_1084 = arith.index_cast %get3A_1083 : i32 to index
        %get3A_1085 = arith.index_cast %add3A_1082 : i32 to index
        %get3A_1086 = arith.constant 48 : index
        %get3A_1087 = tpu.vector_load %arg6[%get3A_1084, %get3A_1085, %get3A_1086] {strides = array<i32>} : memref<8x104x64xf32, #tpu.memory_space<vmem>>, vector<1x1x16xf32>,
        %get3A_1088 = vector.shape_cast %get3A_1087 : vector<1x1x16xf32> to vector<16xf32>
        %mul3A_1089 = arith.constant 1.000000e+01 : f32
        %mul3A_1090 = vector.broadcast %mul3A_1089 : f32 to vector<16xf32>
        %mul3A_1091 = arith.mulf %get3A_1088, %mul3A_1090 : vector<16xf32>
        %add3A_1092 = arith.constant 1 : i32
        %add3A_1093 = arith.addi %mul3A_942, %add3A_1092 : i32
        %swap3A_1094 = arith.constant 7 : i32
        %swap3A_1095 = arith.index_cast %swap3A_1094 : i32 to index
        %swap3A_1096 = arith.index_cast %add3A_1093 : i32 to index
        %swap3A_1097 = arith.constant 48 : index
        %swap3A_1098 = tpu.vector_load %arg6[%swap3A_1095, %swap3A_1096, %swap3A_1097] {strides = array<i32>} : memref<8x104x64xf32, #tpu.memory_space<vmem>>, vector<1x1x16xf32>,
        %swap3A_1099 = vector.shape_cast %swap3A_1098 : vector<1x1x16xf32> to vector<16xf32>
        %swap3A_1100 = vector.shape_cast %mul3A_1091 : vector<16xf32> to vector<1x1x16xf32>
        tpu.vector_store %arg6[%swap3A_1095, %swap3A_1096, %swap3A_1097], %swap3A_1100 {strides = array<i32>} : memref<8x104x64xf32, #tpu.memory_space<vmem>>, vector<1x1x16xf32>,
      }
      %scan3A_843 = arith.constant 52 : i32
      %add3A_844 = arith.constant 7 : i32
      %add3A_845 = arith.addi %mul3A_93, %add3A_844 : i32
      %mul3A_846 = arith.constant 4 : i32
      %mul3A_847 = arith.muli %add3A_845, %mul3A_846 : i32
      %add3A_848 = arith.addi %mul3A_2, %mul3A_847 : i32
      %add3A_849 = arith.constant 0 : i32
      %add3A_850 = arith.addi %add3A_848, %add3A_849 : i32
      %dma_start3A_851 = arith.constant 7 : i32
      %dma_start3A_852 = arith.constant 0 : i32
      %dma_start3A_853 = arith.constant 0 : i32
      %dma_start3A_854 = tpu.memref_slice %arg6[%dma_start3A_851, %dma_start3A_852, %dma_start3A_853] : memref<8x104x64xf32, #tpu.memory_space<vmem>> -> memref<1x26x64xf32, #tpu.memory_space<vmem>>
      %dma_start3A_855 = tpu.memref_squeeze %dma_start3A_854 : memref<1x26x64xf32, #tpu.memory_space<vmem>> -> memref<26x64xf32, #tpu.memory_space<vmem>>
      %dma_start3A_856 = arith.constant 0 : i32
      %dma_start3A_857 = arith.constant 0 : i32
      %dma_start3A_858 = tpu.memref_slice %arg4[%add3A_850, %dma_start3A_856, %dma_start3A_857] : memref<16384x32x128xf32, #tpu.memory_space<hbm>> -> memref<1x26x64xf32, #tpu.memory_space<hbm>>
      %dma_start3A_859 = tpu.memref_squeeze %dma_start3A_858 : memref<1x26x64xf32, #tpu.memory_space<hbm>> -> memref<26x64xf32, #tpu.memory_space<hbm>>
      %dma_start3A_860 = arith.constant 0 : i32
      %dma_start3A_861 = arith.constant 0 : i32
      %dma_start3A_862 = tpu.memref_slice %arg4[%add3A_850, %dma_start3A_860, %dma_start3A_861] : memref<16384x32x128xf32, #tpu.memory_space<hbm>> -> memref<1x26x64xf32, #tpu.memory_space<hbm>>
      %dma_start3A_863 = tpu.memref_squeeze %dma_start3A_862 : memref<1x26x64xf32, #tpu.memory_space<hbm>> -> memref<26x64xf32, #tpu.memory_space<hbm>>
      %dma_start3A_864 = arith.constant 0 : i32
      %dma_start3A_865 = arith.constant 0 : i32
      %dma_start3A_866 = tpu.memref_slice %arg6[%dma_start3A_851, %dma_start3A_864, %dma_start3A_865] : memref<8x104x64xf32, #tpu.memory_space<vmem>> -> memref<1x26x64xf32, #tpu.memory_space<vmem>>
      %dma_start3A_867 = tpu.memref_squeeze %dma_start3A_866 : memref<1x26x64xf32, #tpu.memory_space<vmem>> -> memref<26x64xf32, #tpu.memory_space<vmem>>
      tpu.enqueue_dma source(%dma_start3A_867 : memref<26x64xf32, #tpu.memory_space<vmem>>) target(%dma_start3A_863 : memref<26x64xf32, #tpu.memory_space<hbm>>) target_semaphore(%arg23 : memref<!tpu.dma_semaphore, #tpu.memory_space<semaphore_mem>>)
      %mul3A_868 = arith.constant 4 : i32
      %mul3A_869 = arith.muli %add3A_845, %mul3A_868 : i32
      %add3A_870 = arith.addi %mul3A_2, %mul3A_869 : i32
      %add3A_871 = arith.constant 1 : i32
      %add3A_872 = arith.addi %add3A_870, %add3A_871 : i32
      %dma_start3A_873 = arith.constant 7 : i32
      %dma_start3A_874 = arith.constant 26 : i32
      %dma_start3A_875 = arith.constant 0 : i32
      %dma_start3A_876 = tpu.memref_slice %arg6[%dma_start3A_873, %dma_start3A_874, %dma_start3A_875] : memref<8x104x64xf32, #tpu.memory_space<vmem>> -> memref<1x26x64xf32, #tpu.memory_space<vmem>>
      %dma_start3A_877 = tpu.memref_squeeze %dma_start3A_876 : memref<1x26x64xf32, #tpu.memory_space<vmem>> -> memref<26x64xf32, #tpu.memory_space<vmem>>
      %dma_start3A_878 = arith.constant 0 : i32
      %dma_start3A_879 = arith.constant 0 : i32
      %dma_start3A_880 = tpu.memref_slice %arg4[%add3A_872, %dma_start3A_878, %dma_start3A_879] : memref<16384x32x128xf32, #tpu.memory_space<hbm>> -> memref<1x26x64xf32, #tpu.memory_space<hbm>>
      %dma_start3A_881 = tpu.memref_squeeze %dma_start3A_880 : memref<1x26x64xf32, #tpu.memory_space<hbm>> -> memref<26x64xf32, #tpu.memory_space<hbm>>
      %dma_start3A_882 = arith.constant 0 : i32
      %dma_start3A_883 = arith.constant 0 : i32
      %dma_start3A_884 = tpu.memref_slice %arg4[%add3A_872, %dma_start3A_882, %dma_start3A_883] : memref<16384x32x128xf32, #tpu.memory_space<hbm>> -> memref<1x26x64xf32, #tpu.memory_space<hbm>>
      %dma_start3A_885 = tpu.memref_squeeze %dma_start3A_884 : memref<1x26x64xf32, #tpu.memory_space<hbm>> -> memref<26x64xf32, #tpu.memory_space<hbm>>
      %dma_start3A_886 = arith.constant 26 : i32
      %dma_start3A_887 = arith.constant 0 : i32
      %dma_start3A_888 = tpu.memref_slice %arg6[%dma_start3A_873, %dma_start3A_886, %dma_start3A_887] : memref<8x104x64xf32, #tpu.memory_space<vmem>> -> memref<1x26x64xf32, #tpu.memory_space<vmem>>
      %dma_start3A_889 = tpu.memref_squeeze %dma_start3A_888 : memref<1x26x64xf32, #tpu.memory_space<vmem>> -> memref<26x64xf32, #tpu.memory_space<vmem>>
      tpu.enqueue_dma source(%dma_start3A_889 : memref<26x64xf32, #tpu.memory_space<vmem>>) target(%dma_start3A_885 : memref<26x64xf32, #tpu.memory_space<hbm>>) target_semaphore(%arg23 : memref<!tpu.dma_semaphore, #tpu.memory_space<semaphore_mem>>)
      %mul3A_890 = arith.constant 4 : i32
      %mul3A_891 = arith.muli %add3A_845, %mul3A_890 : i32
      %add3A_892 = arith.addi %mul3A_2, %mul3A_891 : i32
      %add3A_893 = arith.constant 2 : i32
      %add3A_894 = arith.addi %add3A_892, %add3A_893 : i32
      %dma_start3A_895 = arith.constant 7 : i32
      %dma_start3A_896 = arith.constant 52 : i32
      %dma_start3A_897 = arith.constant 0 : i32
      %dma_start3A_898 = tpu.memref_slice %arg6[%dma_start3A_895, %dma_start3A_896, %dma_start3A_897] : memref<8x104x64xf32, #tpu.memory_space<vmem>> -> memref<1x26x64xf32, #tpu.memory_space<vmem>>
      %dma_start3A_899 = tpu.memref_squeeze %dma_start3A_898 : memref<1x26x64xf32, #tpu.memory_space<vmem>> -> memref<26x64xf32, #tpu.memory_space<vmem>>
      %dma_start3A_900 = arith.constant 0 : i32
      %dma_start3A_901 = arith.constant 0 : i32
      %dma_start3A_902 = tpu.memref_slice %arg4[%add3A_894, %dma_start3A_900, %dma_start3A_901] : memref<16384x32x128xf32, #tpu.memory_space<hbm>> -> memref<1x26x64xf32, #tpu.memory_space<hbm>>
      %dma_start3A_903 = tpu.memref_squeeze %dma_start3A_902 : memref<1x26x64xf32, #tpu.memory_space<hbm>> -> memref<26x64xf32, #tpu.memory_space<hbm>>
      %dma_start3A_904 = arith.constant 0 : i32
      %dma_start3A_905 = arith.constant 0 : i32
      %dma_start3A_906 = tpu.memref_slice %arg4[%add3A_894, %dma_start3A_904, %dma_start3A_905] : memref<16384x32x128xf32, #tpu.memory_space<hbm>> -> memref<1x26x64xf32, #tpu.memory_space<hbm>>
      %dma_start3A_907 = tpu.memref_squeeze %dma_start3A_906 : memref<1x26x64xf32, #tpu.memory_space<hbm>> -> memref<26x64xf32, #tpu.memory_space<hbm>>
      %dma_start3A_908 = arith.constant 52 : i32
      %dma_start3A_909 = arith.constant 0 : i32
      %dma_start3A_910 = tpu.memref_slice %arg6[%dma_start3A_895, %dma_start3A_908, %dma_start3A_909] : memref<8x104x64xf32, #tpu.memory_space<vmem>> -> memref<1x26x64xf32, #tpu.memory_space<vmem>>
      %dma_start3A_911 = tpu.memref_squeeze %dma_start3A_910 : memref<1x26x64xf32, #tpu.memory_space<vmem>> -> memref<26x64xf32, #tpu.memory_space<vmem>>
      tpu.enqueue_dma source(%dma_start3A_911 : memref<26x64xf32, #tpu.memory_space<vmem>>) target(%dma_start3A_907 : memref<26x64xf32, #tpu.memory_space<hbm>>) target_semaphore(%arg23 : memref<!tpu.dma_semaphore, #tpu.memory_space<semaphore_mem>>)
      %mul3A_912 = arith.constant 4 : i32
      %mul3A_913 = arith.muli %add3A_845, %mul3A_912 : i32
      %add3A_914 = arith.addi %mul3A_2, %mul3A_913 : i32
      %add3A_915 = arith.constant 3 : i32
      %add3A_916 = arith.addi %add3A_914, %add3A_915 : i32
      %dma_start3A_917 = arith.constant 7 : i32
      %dma_start3A_918 = arith.constant 78 : i32
      %dma_start3A_919 = arith.constant 0 : i32
      %dma_start3A_920 = tpu.memref_slice %arg6[%dma_start3A_917, %dma_start3A_918, %dma_start3A_919] : memref<8x104x64xf32, #tpu.memory_space<vmem>> -> memref<1x26x64xf32, #tpu.memory_space<vmem>>
      %dma_start3A_921 = tpu.memref_squeeze %dma_start3A_920 : memref<1x26x64xf32, #tpu.memory_space<vmem>> -> memref<26x64xf32, #tpu.memory_space<vmem>>
      %dma_start3A_922 = arith.constant 0 : i32
      %dma_start3A_923 = arith.constant 0 : i32
      %dma_start3A_924 = tpu.memref_slice %arg4[%add3A_916, %dma_start3A_922, %dma_start3A_923] : memref<16384x32x128xf32, #tpu.memory_space<hbm>> -> memref<1x26x64xf32, #tpu.memory_space<hbm>>
      %dma_start3A_925 = tpu.memref_squeeze %dma_start3A_924 : memref<1x26x64xf32, #tpu.memory_space<hbm>> -> memref<26x64xf32, #tpu.memory_space<hbm>>
      %dma_start3A_926 = arith.constant 0 : i32
      %dma_start3A_927 = arith.constant 0 : i32
      %dma_start3A_928 = tpu.memref_slice %arg4[%add3A_916, %dma_start3A_926, %dma_start3A_927] : memref<16384x32x128xf32, #tpu.memory_space<hbm>> -> memref<1x26x64xf32, #tpu.memory_space<hbm>>
      %dma_start3A_929 = tpu.memref_squeeze %dma_start3A_928 : memref<1x26x64xf32, #tpu.memory_space<hbm>> -> memref<26x64xf32, #tpu.memory_space<hbm>>
      %dma_start3A_930 = arith.constant 78 : i32
      %dma_start3A_931 = arith.constant 0 : i32
      %dma_start3A_932 = tpu.memref_slice %arg6[%dma_start3A_917, %dma_start3A_930, %dma_start3A_931] : memref<8x104x64xf32, #tpu.memory_space<vmem>> -> memref<1x26x64xf32, #tpu.memory_space<vmem>>
      %dma_start3A_933 = tpu.memref_squeeze %dma_start3A_932 : memref<1x26x64xf32, #tpu.memory_space<vmem>> -> memref<26x64xf32, #tpu.memory_space<vmem>>
      tpu.enqueue_dma source(%dma_start3A_933 : memref<26x64xf32, #tpu.memory_space<vmem>>) target(%dma_start3A_929 : memref<26x64xf32, #tpu.memory_space<hbm>>) target_semaphore(%arg23 : memref<!tpu.dma_semaphore, #tpu.memory_space<semaphore_mem>>)
      %lt3A = arith.constant 15 : i32
      %lt3A_934 = arith.cmpi slt, %scan3A_91, %lt3A : i32
      %convert_element_type3A = arith.extui %lt3A_934 : i1 to i32
      %cond3A = arith.constant 0 : i32
      %cond3A_935 = arith.cmpi ne, %convert_element_type3A, %cond3A : i32
      scf.if %cond3A_935 {
        %dma_wait3A_940 = arith.constant 0 : i32
        %dma_wait3A_941 = arith.constant 0 : i32
        %dma_wait3A_942 = arith.constant 0 : i32
        %dma_wait3A_943 = arith.constant 0 : i32
        %dma_wait3A_944 = tpu.memref_slice %arg6[%dma_wait3A_941, %dma_wait3A_942, %dma_wait3A_943] : memref<8x104x64xf32, #tpu.memory_space<vmem>> -> memref<1x26x64xf32, #tpu.memory_space<vmem>>
        %dma_wait3A_945 = tpu.memref_squeeze %dma_wait3A_944 : memref<1x26x64xf32, #tpu.memory_space<vmem>> -> memref<26x64xf32, #tpu.memory_space<vmem>>
        %dma_wait3A_946 = arith.constant 0 : i32
        %dma_wait3A_947 = arith.constant 0 : i32
        %dma_wait3A_948 = tpu.memref_slice %arg4[%dma_wait3A_940, %dma_wait3A_946, %dma_wait3A_947] : memref<16384x32x128xf32, #tpu.memory_space<hbm>> -> memref<1x26x64xf32, #tpu.memory_space<hbm>>
        %dma_wait3A_949 = tpu.memref_squeeze %dma_wait3A_948 : memref<1x26x64xf32, #tpu.memory_space<hbm>> -> memref<26x64xf32, #tpu.memory_space<hbm>>
        %dma_wait3A_950 = arith.constant 0 : i32
        %dma_wait3A_951 = arith.constant 0 : i32
        %dma_wait3A_952 = tpu.memref_slice %arg6[%dma_wait3A_941, %dma_wait3A_950, %dma_wait3A_951] : memref<8x104x64xf32, #tpu.memory_space<vmem>> -> memref<1x26x64xf32, #tpu.memory_space<vmem>>
        %dma_wait3A_953 = tpu.memref_squeeze %dma_wait3A_952 : memref<1x26x64xf32, #tpu.memory_space<vmem>> -> memref<26x64xf32, #tpu.memory_space<vmem>>
        %dma_wait3A_954 = arith.constant 0 : i32
        %dma_wait3A_955 = arith.constant 0 : i32
        %dma_wait3A_956 = tpu.memref_slice %arg4[%dma_wait3A_940, %dma_wait3A_954, %dma_wait3A_955] : memref<16384x32x128xf32, #tpu.memory_space<hbm>> -> memref<1x26x64xf32, #tpu.memory_space<hbm>>
        %dma_wait3A_957 = tpu.memref_squeeze %dma_wait3A_956 : memref<1x26x64xf32, #tpu.memory_space<hbm>> -> memref<26x64xf32, #tpu.memory_space<hbm>>
        tpu.wait_dma2 semaphore(%arg16 : memref<!tpu.dma_semaphore, #tpu.memory_space<semaphore_mem>>) src(%dma_wait3A_957 : memref<26x64xf32, #tpu.memory_space<hbm>>) dst(%dma_wait3A_953 : memref<26x64xf32, #tpu.memory_space<vmem>>)
        %dma_wait3A_958 = arith.constant 0 : i32
        %dma_wait3A_959 = arith.constant 0 : i32
        %dma_wait3A_960 = arith.constant 26 : i32
        %dma_wait3A_961 = arith.constant 0 : i32
        %dma_wait3A_962 = tpu.memref_slice %arg6[%dma_wait3A_959, %dma_wait3A_960, %dma_wait3A_961] : memref<8x104x64xf32, #tpu.memory_space<vmem>> -> memref<1x26x64xf32, #tpu.memory_space<vmem>>
        %dma_wait3A_963 = tpu.memref_squeeze %dma_wait3A_962 : memref<1x26x64xf32, #tpu.memory_space<vmem>> -> memref<26x64xf32, #tpu.memory_space<vmem>>
        %dma_wait3A_964 = arith.constant 0 : i32
        %dma_wait3A_965 = arith.constant 0 : i32
        %dma_wait3A_966 = tpu.memref_slice %arg4[%dma_wait3A_958, %dma_wait3A_964, %dma_wait3A_965] : memref<16384x32x128xf32, #tpu.memory_space<hbm>> -> memref<1x26x64xf32, #tpu.memory_space<hbm>>
        %dma_wait3A_967 = tpu.memref_squeeze %dma_wait3A_966 : memref<1x26x64xf32, #tpu.memory_space<hbm>> -> memref<26x64xf32, #tpu.memory_space<hbm>>
        %dma_wait3A_968 = arith.constant 26 : i32
        %dma_wait3A_969 = arith.constant 0 : i32
        %dma_wait3A_970 = tpu.memref_slice %arg6[%dma_wait3A_959, %dma_wait3A_968, %dma_wait3A_969] : memref<8x104x64xf32, #tpu.memory_space<vmem>> -> memref<1x26x64xf32, #tpu.memory_space<vmem>>
        %dma_wait3A_971 = tpu.memref_squeeze %dma_wait3A_970 : memref<1x26x64xf32, #tpu.memory_space<vmem>> -> memref<26x64xf32, #tpu.memory_space<vmem>>
        %dma_wait3A_972 = arith.constant 0 : i32
        %dma_wait3A_973 = arith.constant 0 : i32
        %dma_wait3A_974 = tpu.memref_slice %arg4[%dma_wait3A_958, %dma_wait3A_972, %dma_wait3A_973] : memref<16384x32x128xf32, #tpu.memory_space<hbm>> -> memref<1x26x64xf32, #tpu.memory_space<hbm>>
        %dma_wait3A_975 = tpu.memref_squeeze %dma_wait3A_974 : memref<1x26x64xf32, #tpu.memory_space<hbm>> -> memref<26x64xf32, #tpu.memory_space<hbm>>
        tpu.wait_dma2 semaphore(%arg16 : memref<!tpu.dma_semaphore, #tpu.memory_space<semaphore_mem>>) src(%dma_wait3A_975 : memref<26x64xf32, #tpu.memory_space<hbm>>) dst(%dma_wait3A_971 : memref<26x64xf32, #tpu.memory_space<vmem>>)
        %dma_wait3A_976 = arith.constant 0 : i32
        %dma_wait3A_977 = arith.constant 0 : i32
        %dma_wait3A_978 = arith.constant 52 : i32
        %dma_wait3A_979 = arith.constant 0 : i32
        %dma_wait3A_980 = tpu.memref_slice %arg6[%dma_wait3A_977, %dma_wait3A_978, %dma_wait3A_979] : memref<8x104x64xf32, #tpu.memory_space<vmem>> -> memref<1x26x64xf32, #tpu.memory_space<vmem>>
        %dma_wait3A_981 = tpu.memref_squeeze %dma_wait3A_980 : memref<1x26x64xf32, #tpu.memory_space<vmem>> -> memref<26x64xf32, #tpu.memory_space<vmem>>
        %dma_wait3A_982 = arith.constant 0 : i32
        %dma_wait3A_983 = arith.constant 0 : i32
        %dma_wait3A_984 = tpu.memref_slice %arg4[%dma_wait3A_976, %dma_wait3A_982, %dma_wait3A_983] : memref<16384x32x128xf32, #tpu.memory_space<hbm>> -> memref<1x26x64xf32, #tpu.memory_space<hbm>>
        %dma_wait3A_985 = tpu.memref_squeeze %dma_wait3A_984 : memref<1x26x64xf32, #tpu.memory_space<hbm>> -> memref<26x64xf32, #tpu.memory_space<hbm>>
        %dma_wait3A_986 = arith.constant 52 : i32
        %dma_wait3A_987 = arith.constant 0 : i32
        %dma_wait3A_988 = tpu.memref_slice %arg6[%dma_wait3A_977, %dma_wait3A_986, %dma_wait3A_987] : memref<8x104x64xf32, #tpu.memory_space<vmem>> -> memref<1x26x64xf32, #tpu.memory_space<vmem>>
        %dma_wait3A_989 = tpu.memref_squeeze %dma_wait3A_988 : memref<1x26x64xf32, #tpu.memory_space<vmem>> -> memref<26x64xf32, #tpu.memory_space<vmem>>
        %dma_wait3A_990 = arith.constant 0 : i32
        %dma_wait3A_991 = arith.constant 0 : i32
        %dma_wait3A_992 = tpu.memref_slice %arg4[%dma_wait3A_976, %dma_wait3A_990, %dma_wait3A_991] : memref<16384x32x128xf32, #tpu.memory_space<hbm>> -> memref<1x26x64xf32, #tpu.memory_space<hbm>>
        %dma_wait3A_993 = tpu.memref_squeeze %dma_wait3A_992 : memref<1x26x64xf32, #tpu.memory_space<hbm>> -> memref<26x64xf32, #tpu.memory_space<hbm>>
        tpu.wait_dma2 semaphore(%arg16 : memref<!tpu.dma_semaphore, #tpu.memory_space<semaphore_mem>>) src(%dma_wait3A_993 : memref<26x64xf32, #tpu.memory_space<hbm>>) dst(%dma_wait3A_989 : memref<26x64xf32, #tpu.memory_space<vmem>>)
        %dma_wait3A_994 = arith.constant 0 : i32
        %dma_wait3A_995 = arith.constant 0 : i32
        %dma_wait3A_996 = arith.constant 78 : i32
        %dma_wait3A_997 = arith.constant 0 : i32
        %dma_wait3A_998 = tpu.memref_slice %arg6[%dma_wait3A_995, %dma_wait3A_996, %dma_wait3A_997] : memref<8x104x64xf32, #tpu.memory_space<vmem>> -> memref<1x26x64xf32, #tpu.memory_space<vmem>>
        %dma_wait3A_999 = tpu.memref_squeeze %dma_wait3A_998 : memref<1x26x64xf32, #tpu.memory_space<vmem>> -> memref<26x64xf32, #tpu.memory_space<vmem>>
        %dma_wait3A_1000 = arith.constant 0 : i32
        %dma_wait3A_1001 = arith.constant 0 : i32
        %dma_wait3A_1002 = tpu.memref_slice %arg4[%dma_wait3A_994, %dma_wait3A_1000, %dma_wait3A_1001] : memref<16384x32x128xf32, #tpu.memory_space<hbm>> -> memref<1x26x64xf32, #tpu.memory_space<hbm>>
        %dma_wait3A_1003 = tpu.memref_squeeze %dma_wait3A_1002 : memref<1x26x64xf32, #tpu.memory_space<hbm>> -> memref<26x64xf32, #tpu.memory_space<hbm>>
        %dma_wait3A_1004 = arith.constant 78 : i32
        %dma_wait3A_1005 = arith.constant 0 : i32
        %dma_wait3A_1006 = tpu.memref_slice %arg6[%dma_wait3A_995, %dma_wait3A_1004, %dma_wait3A_1005] : memref<8x104x64xf32, #tpu.memory_space<vmem>> -> memref<1x26x64xf32, #tpu.memory_space<vmem>>
        %dma_wait3A_1007 = tpu.memref_squeeze %dma_wait3A_1006 : memref<1x26x64xf32, #tpu.memory_space<vmem>> -> memref<26x64xf32, #tpu.memory_space<vmem>>
        %dma_wait3A_1008 = arith.constant 0 : i32
        %dma_wait3A_1009 = arith.constant 0 : i32
        %dma_wait3A_1010 = tpu.memref_slice %arg4[%dma_wait3A_994, %dma_wait3A_1008, %dma_wait3A_1009] : memref<16384x32x128xf32, #tpu.memory_space<hbm>> -> memref<1x26x64xf32, #tpu.memory_space<hbm>>
        %dma_wait3A_1011 = tpu.memref_squeeze %dma_wait3A_1010 : memref<1x26x64xf32, #tpu.memory_space<hbm>> -> memref<26x64xf32, #tpu.memory_space<hbm>>
        tpu.wait_dma2 semaphore(%arg16 : memref<!tpu.dma_semaphore, #tpu.memory_space<semaphore_mem>>) src(%dma_wait3A_1011 : memref<26x64xf32, #tpu.memory_space<hbm>>) dst(%dma_wait3A_1007 : memref<26x64xf32, #tpu.memory_space<vmem>>)
        %add3A_1012 = arith.constant 8 : i32
        %add3A_1013 = arith.addi %mul3A_93, %add3A_1012 : i32
        %add3A_1014 = arith.constant 0 : i32
        %add3A_1015 = arith.addi %add3A_1013, %add3A_1014 : i32
        %mul3A_1016 = arith.constant 104 : i32
        %mul3A_1017 = arith.muli %add3A_1015, %mul3A_1016 : i32
        %dma_start3A_1018 = arith.constant 0 : i32
        %dma_start3A_1019 = arith.constant 0 : i32
        %dma_start3A_1020 = arith.constant 0 : i32
        %dma_start3A_1021 = tpu.memref_slice %arg6[%dma_start3A_1018, %dma_start3A_1019, %dma_start3A_1020] : memref<8x104x64xf32, #tpu.memory_space<vmem>> -> memref<1x104x64xf32, #tpu.memory_space<vmem>>
        %dma_start3A_1022 = tpu.memref_squeeze %dma_start3A_1021 : memref<1x104x64xf32, #tpu.memory_space<vmem>> -> memref<104x64xf32, #tpu.memory_space<vmem>>
        %dma_start3A_1023 = tpu.memref_slice %arg5[%mul3A_1017] : memref<13312xi32, #tpu.memory_space<vmem>> -> memref<104xi32, #tpu.memory_space<vmem>>
        %dma_start3A_1024 = arith.constant 0 : i32
        %dma_start3A_1025 = arith.constant 0 : i32
        %dma_start3A_1026 = tpu.memref_slice %arg2[%dma_start3A_1024, %dma_start3A_1025] : memref<1000000x64xf32, #tpu.memory_space<hbm>> -> memref<1000000x64xf32, #tpu.memory_space<hbm>>
        tpu.enqueue_indirect_dma source(%dma_start3A_1026 : memref<1000000x64xf32, #tpu.memory_space<hbm>>) target(%dma_start3A_1022 : memref<104x64xf32, #tpu.memory_space<vmem>>) offsets(%dma_start3A_1023 : memref<104xi32, #tpu.memory_space<vmem>>) semaphore(%arg8 : memref<!tpu.dma_semaphore, #tpu.memory_space<semaphore_mem>>)
        %dma_wait3A_1027 = arith.constant 0 : i32
        %dma_wait3A_1028 = arith.constant 1 : i32
        %dma_wait3A_1029 = arith.constant 0 : i32
        %dma_wait3A_1030 = arith.constant 0 : i32
        %dma_wait3A_1031 = tpu.memref_slice %arg6[%dma_wait3A_1028, %dma_wait3A_1029, %dma_wait3A_1030] : memref<8x104x64xf32, #tpu.memory_space<vmem>> -> memref<1x26x64xf32, #tpu.memory_space<vmem>>
        %dma_wait3A_1032 = tpu.memref_squeeze %dma_wait3A_1031 : memref<1x26x64xf32, #tpu.memory_space<vmem>> -> memref<26x64xf32, #tpu.memory_space<vmem>>
        %dma_wait3A_1033 = arith.constant 0 : i32
        %dma_wait3A_1034 = arith.constant 0 : i32
        %dma_wait3A_1035 = tpu.memref_slice %arg4[%dma_wait3A_1027, %dma_wait3A_1033, %dma_wait3A_1034] : memref<16384x32x128xf32, #tpu.memory_space<hbm>> -> memref<1x26x64xf32, #tpu.memory_space<hbm>>
        %dma_wait3A_1036 = tpu.memref_squeeze %dma_wait3A_1035 : memref<1x26x64xf32, #tpu.memory_space<hbm>> -> memref<26x64xf32, #tpu.memory_space<hbm>>
        %dma_wait3A_1037 = arith.constant 0 : i32
        %dma_wait3A_1038 = arith.constant 0 : i32
        %dma_wait3A_1039 = tpu.memref_slice %arg6[%dma_wait3A_1028, %dma_wait3A_1037, %dma_wait3A_1038] : memref<8x104x64xf32, #tpu.memory_space<vmem>> -> memref<1x26x64xf32, #tpu.memory_space<vmem>>
        %dma_wait3A_1040 = tpu.memref_squeeze %dma_wait3A_1039 : memref<1x26x64xf32, #tpu.memory_space<vmem>> -> memref<26x64xf32, #tpu.memory_space<vmem>>
        %dma_wait3A_1041 = arith.constant 0 : i32
        %dma_wait3A_1042 = arith.constant 0 : i32
        %dma_wait3A_1043 = tpu.memref_slice %arg4[%dma_wait3A_1027, %dma_wait3A_1041, %dma_wait3A_1042] : memref<16384x32x128xf32, #tpu.memory_space<hbm>> -> memref<1x26x64xf32, #tpu.memory_space<hbm>>
        %dma_wait3A_1044 = tpu.memref_squeeze %dma_wait3A_1043 : memref<1x26x64xf32, #tpu.memory_space<hbm>> -> memref<26x64xf32, #tpu.memory_space<hbm>>
        tpu.wait_dma2 semaphore(%arg17 : memref<!tpu.dma_semaphore, #tpu.memory_space<semaphore_mem>>) src(%dma_wait3A_1044 : memref<26x64xf32, #tpu.memory_space<hbm>>) dst(%dma_wait3A_1040 : memref<26x64xf32, #tpu.memory_space<vmem>>)
        %dma_wait3A_1045 = arith.constant 0 : i32
        %dma_wait3A_1046 = arith.constant 1 : i32
        %dma_wait3A_1047 = arith.constant 26 : i32
        %dma_wait3A_1048 = arith.constant 0 : i32
        %dma_wait3A_1049 = tpu.memref_slice %arg6[%dma_wait3A_1046, %dma_wait3A_1047, %dma_wait3A_1048] : memref<8x104x64xf32, #tpu.memory_space<vmem>> -> memref<1x26x64xf32, #tpu.memory_space<vmem>>
        %dma_wait3A_1050 = tpu.memref_squeeze %dma_wait3A_1049 : memref<1x26x64xf32, #tpu.memory_space<vmem>> -> memref<26x64xf32, #tpu.memory_space<vmem>>
        %dma_wait3A_1051 = arith.constant 0 : i32
        %dma_wait3A_1052 = arith.constant 0 : i32
        %dma_wait3A_1053 = tpu.memref_slice %arg4[%dma_wait3A_1045, %dma_wait3A_1051, %dma_wait3A_1052] : memref<16384x32x128xf32, #tpu.memory_space<hbm>> -> memref<1x26x64xf32, #tpu.memory_space<hbm>>
        %dma_wait3A_1054 = tpu.memref_squeeze %dma_wait3A_1053 : memref<1x26x64xf32, #tpu.memory_space<hbm>> -> memref<26x64xf32, #tpu.memory_space<hbm>>
        %dma_wait3A_1055 = arith.constant 26 : i32
        %dma_wait3A_1056 = arith.constant 0 : i32
        %dma_wait3A_1057 = tpu.memref_slice %arg6[%dma_wait3A_1046, %dma_wait3A_1055, %dma_wait3A_1056] : memref<8x104x64xf32, #tpu.memory_space<vmem>> -> memref<1x26x64xf32, #tpu.memory_space<vmem>>
        %dma_wait3A_1058 = tpu.memref_squeeze %dma_wait3A_1057 : memref<1x26x64xf32, #tpu.memory_space<vmem>> -> memref<26x64xf32, #tpu.memory_space<vmem>>
        %dma_wait3A_1059 = arith.constant 0 : i32
        %dma_wait3A_1060 = arith.constant 0 : i32
        %dma_wait3A_1061 = tpu.memref_slice %arg4[%dma_wait3A_1045, %dma_wait3A_1059, %dma_wait3A_1060] : memref<16384x32x128xf32, #tpu.memory_space<hbm>> -> memref<1x26x64xf32, #tpu.memory_space<hbm>>
        %dma_wait3A_1062 = tpu.memref_squeeze %dma_wait3A_1061 : memref<1x26x64xf32, #tpu.memory_space<hbm>> -> memref<26x64xf32, #tpu.memory_space<hbm>>
        tpu.wait_dma2 semaphore(%arg17 : memref<!tpu.dma_semaphore, #tpu.memory_space<semaphore_mem>>) src(%dma_wait3A_1062 : memref<26x64xf32, #tpu.memory_space<hbm>>) dst(%dma_wait3A_1058 : memref<26x64xf32, #tpu.memory_space<vmem>>)
        %dma_wait3A_1063 = arith.constant 0 : i32
        %dma_wait3A_1064 = arith.constant 1 : i32
        %dma_wait3A_1065 = arith.constant 52 : i32
        %dma_wait3A_1066 = arith.constant 0 : i32
        %dma_wait3A_1067 = tpu.memref_slice %arg6[%dma_wait3A_1064, %dma_wait3A_1065, %dma_wait3A_1066] : memref<8x104x64xf32, #tpu.memory_space<vmem>> -> memref<1x26x64xf32, #tpu.memory_space<vmem>>
        %dma_wait3A_1068 = tpu.memref_squeeze %dma_wait3A_1067 : memref<1x26x64xf32, #tpu.memory_space<vmem>> -> memref<26x64xf32, #tpu.memory_space<vmem>>
        %dma_wait3A_1069 = arith.constant 0 : i32
        %dma_wait3A_1070 = arith.constant 0 : i32
        %dma_wait3A_1071 = tpu.memref_slice %arg4[%dma_wait3A_1063, %dma_wait3A_1069, %dma_wait3A_1070] : memref<16384x32x128xf32, #tpu.memory_space<hbm>> -> memref<1x26x64xf32, #tpu.memory_space<hbm>>
        %dma_wait3A_1072 = tpu.memref_squeeze %dma_wait3A_1071 : memref<1x26x64xf32, #tpu.memory_space<hbm>> -> memref<26x64xf32, #tpu.memory_space<hbm>>
        %dma_wait3A_1073 = arith.constant 52 : i32
        %dma_wait3A_1074 = arith.constant 0 : i32
        %dma_wait3A_1075 = tpu.memref_slice %arg6[%dma_wait3A_1064, %dma_wait3A_1073, %dma_wait3A_1074] : memref<8x104x64xf32, #tpu.memory_space<vmem>> -> memref<1x26x64xf32, #tpu.memory_space<vmem>>
        %dma_wait3A_1076 = tpu.memref_squeeze %dma_wait3A_1075 : memref<1x26x64xf32, #tpu.memory_space<vmem>> -> memref<26x64xf32, #tpu.memory_space<vmem>>
        %dma_wait3A_1077 = arith.constant 0 : i32
        %dma_wait3A_1078 = arith.constant 0 : i32
        %dma_wait3A_1079 = tpu.memref_slice %arg4[%dma_wait3A_1063, %dma_wait3A_1077, %dma_wait3A_1078] : memref<16384x32x128xf32, #tpu.memory_space<hbm>> -> memref<1x26x64xf32, #tpu.memory_space<hbm>>
        %dma_wait3A_1080 = tpu.memref_squeeze %dma_wait3A_1079 : memref<1x26x64xf32, #tpu.memory_space<hbm>> -> memref<26x64xf32, #tpu.memory_space<hbm>>
        tpu.wait_dma2 semaphore(%arg17 : memref<!tpu.dma_semaphore, #tpu.memory_space<semaphore_mem>>) src(%dma_wait3A_1080 : memref<26x64xf32, #tpu.memory_space<hbm>>) dst(%dma_wait3A_1076 : memref<26x64xf32, #tpu.memory_space<vmem>>)
        %dma_wait3A_1081 = arith.constant 0 : i32
        %dma_wait3A_1082 = arith.constant 1 : i32
        %dma_wait3A_1083 = arith.constant 78 : i32
        %dma_wait3A_1084 = arith.constant 0 : i32
        %dma_wait3A_1085 = tpu.memref_slice %arg6[%dma_wait3A_1082, %dma_wait3A_1083, %dma_wait3A_1084] : memref<8x104x64xf32, #tpu.memory_space<vmem>> -> memref<1x26x64xf32, #tpu.memory_space<vmem>>
        %dma_wait3A_1086 = tpu.memref_squeeze %dma_wait3A_1085 : memref<1x26x64xf32, #tpu.memory_space<vmem>> -> memref<26x64xf32, #tpu.memory_space<vmem>>
        %dma_wait3A_1087 = arith.constant 0 : i32
        %dma_wait3A_1088 = arith.constant 0 : i32
        %dma_wait3A_1089 = tpu.memref_slice %arg4[%dma_wait3A_1081, %dma_wait3A_1087, %dma_wait3A_1088] : memref<16384x32x128xf32, #tpu.memory_space<hbm>> -> memref<1x26x64xf32, #tpu.memory_space<hbm>>
        %dma_wait3A_1090 = tpu.memref_squeeze %dma_wait3A_1089 : memref<1x26x64xf32, #tpu.memory_space<hbm>> -> memref<26x64xf32, #tpu.memory_space<hbm>>
        %dma_wait3A_1091 = arith.constant 78 : i32
        %dma_wait3A_1092 = arith.constant 0 : i32
        %dma_wait3A_1093 = tpu.memref_slice %arg6[%dma_wait3A_1082, %dma_wait3A_1091, %dma_wait3A_1092] : memref<8x104x64xf32, #tpu.memory_space<vmem>> -> memref<1x26x64xf32, #tpu.memory_space<vmem>>
        %dma_wait3A_1094 = tpu.memref_squeeze %dma_wait3A_1093 : memref<1x26x64xf32, #tpu.memory_space<vmem>> -> memref<26x64xf32, #tpu.memory_space<vmem>>
        %dma_wait3A_1095 = arith.constant 0 : i32
        %dma_wait3A_1096 = arith.constant 0 : i32
        %dma_wait3A_1097 = tpu.memref_slice %arg4[%dma_wait3A_1081, %dma_wait3A_1095, %dma_wait3A_1096] : memref<16384x32x128xf32, #tpu.memory_space<hbm>> -> memref<1x26x64xf32, #tpu.memory_space<hbm>>
        %dma_wait3A_1098 = tpu.memref_squeeze %dma_wait3A_1097 : memref<1x26x64xf32, #tpu.memory_space<hbm>> -> memref<26x64xf32, #tpu.memory_space<hbm>>
        tpu.wait_dma2 semaphore(%arg17 : memref<!tpu.dma_semaphore, #tpu.memory_space<semaphore_mem>>) src(%dma_wait3A_1098 : memref<26x64xf32, #tpu.memory_space<hbm>>) dst(%dma_wait3A_1094 : memref<26x64xf32, #tpu.memory_space<vmem>>)
        %add3A_1099 = arith.constant 8 : i32
        %add3A_1100 = arith.addi %mul3A_93, %add3A_1099 : i32
        %add3A_1101 = arith.constant 1 : i32
        %add3A_1102 = arith.addi %add3A_1100, %add3A_1101 : i32
        %mul3A_1103 = arith.constant 104 : i32
        %mul3A_1104 = arith.muli %add3A_1102, %mul3A_1103 : i32
        %dma_start3A_1105 = arith.constant 1 : i32
        %dma_start3A_1106 = arith.constant 0 : i32
        %dma_start3A_1107 = arith.constant 0 : i32
        %dma_start3A_1108 = tpu.memref_slice %arg6[%dma_start3A_1105, %dma_start3A_1106, %dma_start3A_1107] : memref<8x104x64xf32, #tpu.memory_space<vmem>> -> memref<1x104x64xf32, #tpu.memory_space<vmem>>
        %dma_start3A_1109 = tpu.memref_squeeze %dma_start3A_1108 : memref<1x104x64xf32, #tpu.memory_space<vmem>> -> memref<104x64xf32, #tpu.memory_space<vmem>>
        %dma_start3A_1110 = tpu.memref_slice %arg5[%mul3A_1104] : memref<13312xi32, #tpu.memory_space<vmem>> -> memref<104xi32, #tpu.memory_space<vmem>>
        %dma_start3A_1111 = arith.constant 0 : i32
        %dma_start3A_1112 = arith.constant 0 : i32
        %dma_start3A_1113 = tpu.memref_slice %arg2[%dma_start3A_1111, %dma_start3A_1112] : memref<1000000x64xf32, #tpu.memory_space<hbm>> -> memref<1000000x64xf32, #tpu.memory_space<hbm>>
        tpu.enqueue_indirect_dma source(%dma_start3A_1113 : memref<1000000x64xf32, #tpu.memory_space<hbm>>) target(%dma_start3A_1109 : memref<104x64xf32, #tpu.memory_space<vmem>>) offsets(%dma_start3A_1110 : memref<104xi32, #tpu.memory_space<vmem>>) semaphore(%arg9 : memref<!tpu.dma_semaphore, #tpu.memory_space<semaphore_mem>>)
        %dma_wait3A_1114 = arith.constant 0 : i32
        %dma_wait3A_1115 = arith.constant 2 : i32
        %dma_wait3A_1116 = arith.constant 0 : i32
        %dma_wait3A_1117 = arith.constant 0 : i32
        %dma_wait3A_1118 = tpu.memref_slice %arg6[%dma_wait3A_1115, %dma_wait3A_1116, %dma_wait3A_1117] : memref<8x104x64xf32, #tpu.memory_space<vmem>> -> memref<1x26x64xf32, #tpu.memory_space<vmem>>
        %dma_wait3A_1119 = tpu.memref_squeeze %dma_wait3A_1118 : memref<1x26x64xf32, #tpu.memory_space<vmem>> -> memref<26x64xf32, #tpu.memory_space<vmem>>
        %dma_wait3A_1120 = arith.constant 0 : i32
        %dma_wait3A_1121 = arith.constant 0 : i32
        %dma_wait3A_1122 = tpu.memref_slice %arg4[%dma_wait3A_1114, %dma_wait3A_1120, %dma_wait3A_1121] : memref<16384x32x128xf32, #tpu.memory_space<hbm>> -> memref<1x26x64xf32, #tpu.memory_space<hbm>>
        %dma_wait3A_1123 = tpu.memref_squeeze %dma_wait3A_1122 : memref<1x26x64xf32, #tpu.memory_space<hbm>> -> memref<26x64xf32, #tpu.memory_space<hbm>>
        %dma_wait3A_1124 = arith.constant 0 : i32
        %dma_wait3A_1125 = arith.constant 0 : i32
        %dma_wait3A_1126 = tpu.memref_slice %arg6[%dma_wait3A_1115, %dma_wait3A_1124, %dma_wait3A_1125] : memref<8x104x64xf32, #tpu.memory_space<vmem>> -> memref<1x26x64xf32, #tpu.memory_space<vmem>>
        %dma_wait3A_1127 = tpu.memref_squeeze %dma_wait3A_1126 : memref<1x26x64xf32, #tpu.memory_space<vmem>> -> memref<26x64xf32, #tpu.memory_space<vmem>>
        %dma_wait3A_1128 = arith.constant 0 : i32
        %dma_wait3A_1129 = arith.constant 0 : i32
        %dma_wait3A_1130 = tpu.memref_slice %arg4[%dma_wait3A_1114, %dma_wait3A_1128, %dma_wait3A_1129] : memref<16384x32x128xf32, #tpu.memory_space<hbm>> -> memref<1x26x64xf32, #tpu.memory_space<hbm>>
        %dma_wait3A_1131 = tpu.memref_squeeze %dma_wait3A_1130 : memref<1x26x64xf32, #tpu.memory_space<hbm>> -> memref<26x64xf32, #tpu.memory_space<hbm>>
        tpu.wait_dma2 semaphore(%arg18 : memref<!tpu.dma_semaphore, #tpu.memory_space<semaphore_mem>>) src(%dma_wait3A_1131 : memref<26x64xf32, #tpu.memory_space<hbm>>) dst(%dma_wait3A_1127 : memref<26x64xf32, #tpu.memory_space<vmem>>)
        %dma_wait3A_1132 = arith.constant 0 : i32
        %dma_wait3A_1133 = arith.constant 2 : i32
        %dma_wait3A_1134 = arith.constant 26 : i32
        %dma_wait3A_1135 = arith.constant 0 : i32
        %dma_wait3A_1136 = tpu.memref_slice %arg6[%dma_wait3A_1133, %dma_wait3A_1134, %dma_wait3A_1135] : memref<8x104x64xf32, #tpu.memory_space<vmem>> -> memref<1x26x64xf32, #tpu.memory_space<vmem>>
        %dma_wait3A_1137 = tpu.memref_squeeze %dma_wait3A_1136 : memref<1x26x64xf32, #tpu.memory_space<vmem>> -> memref<26x64xf32, #tpu.memory_space<vmem>>
        %dma_wait3A_1138 = arith.constant 0 : i32
        %dma_wait3A_1139 = arith.constant 0 : i32
        %dma_wait3A_1140 = tpu.memref_slice %arg4[%dma_wait3A_1132, %dma_wait3A_1138, %dma_wait3A_1139] : memref<16384x32x128xf32, #tpu.memory_space<hbm>> -> memref<1x26x64xf32, #tpu.memory_space<hbm>>
        %dma_wait3A_1141 = tpu.memref_squeeze %dma_wait3A_1140 : memref<1x26x64xf32, #tpu.memory_space<hbm>> -> memref<26x64xf32, #tpu.memory_space<hbm>>
        %dma_wait3A_1142 = arith.constant 26 : i32
        %dma_wait3A_1143 = arith.constant 0 : i32
        %dma_wait3A_1144 = tpu.memref_slice %arg6[%dma_wait3A_1133, %dma_wait3A_1142, %dma_wait3A_1143] : memref<8x104x64xf32, #tpu.memory_space<vmem>> -> memref<1x26x64xf32, #tpu.memory_space<vmem>>
        %dma_wait3A_1145 = tpu.memref_squeeze %dma_wait3A_1144 : memref<1x26x64xf32, #tpu.memory_space<vmem>> -> memref<26x64xf32, #tpu.memory_space<vmem>>
        %dma_wait3A_1146 = arith.constant 0 : i32
        %dma_wait3A_1147 = arith.constant 0 : i32
        %dma_wait3A_1148 = tpu.memref_slice %arg4[%dma_wait3A_1132, %dma_wait3A_1146, %dma_wait3A_1147] : memref<16384x32x128xf32, #tpu.memory_space<hbm>> -> memref<1x26x64xf32, #tpu.memory_space<hbm>>
        %dma_wait3A_1149 = tpu.memref_squeeze %dma_wait3A_1148 : memref<1x26x64xf32, #tpu.memory_space<hbm>> -> memref<26x64xf32, #tpu.memory_space<hbm>>
        tpu.wait_dma2 semaphore(%arg18 : memref<!tpu.dma_semaphore, #tpu.memory_space<semaphore_mem>>) src(%dma_wait3A_1149 : memref<26x64xf32, #tpu.memory_space<hbm>>) dst(%dma_wait3A_1145 : memref<26x64xf32, #tpu.memory_space<vmem>>)
        %dma_wait3A_1150 = arith.constant 0 : i32
        %dma_wait3A_1151 = arith.constant 2 : i32
        %dma_wait3A_1152 = arith.constant 52 : i32
        %dma_wait3A_1153 = arith.constant 0 : i32
        %dma_wait3A_1154 = tpu.memref_slice %arg6[%dma_wait3A_1151, %dma_wait3A_1152, %dma_wait3A_1153] : memref<8x104x64xf32, #tpu.memory_space<vmem>> -> memref<1x26x64xf32, #tpu.memory_space<vmem>>
        %dma_wait3A_1155 = tpu.memref_squeeze %dma_wait3A_1154 : memref<1x26x64xf32, #tpu.memory_space<vmem>> -> memref<26x64xf32, #tpu.memory_space<vmem>>
        %dma_wait3A_1156 = arith.constant 0 : i32
        %dma_wait3A_1157 = arith.constant 0 : i32
        %dma_wait3A_1158 = tpu.memref_slice %arg4[%dma_wait3A_1150, %dma_wait3A_1156, %dma_wait3A_1157] : memref<16384x32x128xf32, #tpu.memory_space<hbm>> -> memref<1x26x64xf32, #tpu.memory_space<hbm>>
        %dma_wait3A_1159 = tpu.memref_squeeze %dma_wait3A_1158 : memref<1x26x64xf32, #tpu.memory_space<hbm>> -> memref<26x64xf32, #tpu.memory_space<hbm>>
        %dma_wait3A_1160 = arith.constant 52 : i32
        %dma_wait3A_1161 = arith.constant 0 : i32
        %dma_wait3A_1162 = tpu.memref_slice %arg6[%dma_wait3A_1151, %dma_wait3A_1160, %dma_wait3A_1161] : memref<8x104x64xf32, #tpu.memory_space<vmem>> -> memref<1x26x64xf32, #tpu.memory_space<vmem>>
        %dma_wait3A_1163 = tpu.memref_squeeze %dma_wait3A_1162 : memref<1x26x64xf32, #tpu.memory_space<vmem>> -> memref<26x64xf32, #tpu.memory_space<vmem>>
        %dma_wait3A_1164 = arith.constant 0 : i32
        %dma_wait3A_1165 = arith.constant 0 : i32
        %dma_wait3A_1166 = tpu.memref_slice %arg4[%dma_wait3A_1150, %dma_wait3A_1164, %dma_wait3A_1165] : memref<16384x32x128xf32, #tpu.memory_space<hbm>> -> memref<1x26x64xf32, #tpu.memory_space<hbm>>
        %dma_wait3A_1167 = tpu.memref_squeeze %dma_wait3A_1166 : memref<1x26x64xf32, #tpu.memory_space<hbm>> -> memref<26x64xf32, #tpu.memory_space<hbm>>
        tpu.wait_dma2 semaphore(%arg18 : memref<!tpu.dma_semaphore, #tpu.memory_space<semaphore_mem>>) src(%dma_wait3A_1167 : memref<26x64xf32, #tpu.memory_space<hbm>>) dst(%dma_wait3A_1163 : memref<26x64xf32, #tpu.memory_space<vmem>>)
        %dma_wait3A_1168 = arith.constant 0 : i32
        %dma_wait3A_1169 = arith.constant 2 : i32
        %dma_wait3A_1170 = arith.constant 78 : i32
        %dma_wait3A_1171 = arith.constant 0 : i32
        %dma_wait3A_1172 = tpu.memref_slice %arg6[%dma_wait3A_1169, %dma_wait3A_1170, %dma_wait3A_1171] : memref<8x104x64xf32, #tpu.memory_space<vmem>> -> memref<1x26x64xf32, #tpu.memory_space<vmem>>
        %dma_wait3A_1173 = tpu.memref_squeeze %dma_wait3A_1172 : memref<1x26x64xf32, #tpu.memory_space<vmem>> -> memref<26x64xf32, #tpu.memory_space<vmem>>
        %dma_wait3A_1174 = arith.constant 0 : i32
        %dma_wait3A_1175 = arith.constant 0 : i32
        %dma_wait3A_1176 = tpu.memref_slice %arg4[%dma_wait3A_1168, %dma_wait3A_1174, %dma_wait3A_1175] : memref<16384x32x128xf32, #tpu.memory_space<hbm>> -> memref<1x26x64xf32, #tpu.memory_space<hbm>>
        %dma_wait3A_1177 = tpu.memref_squeeze %dma_wait3A_1176 : memref<1x26x64xf32, #tpu.memory_space<hbm>> -> memref<26x64xf32, #tpu.memory_space<hbm>>
        %dma_wait3A_1178 = arith.constant 78 : i32
        %dma_wait3A_1179 = arith.constant 0 : i32
        %dma_wait3A_1180 = tpu.memref_slice %arg6[%dma_wait3A_1169, %dma_wait3A_1178, %dma_wait3A_1179] : memref<8x104x64xf32, #tpu.memory_space<vmem>> -> memref<1x26x64xf32, #tpu.memory_space<vmem>>
        %dma_wait3A_1181 = tpu.memref_squeeze %dma_wait3A_1180 : memref<1x26x64xf32, #tpu.memory_space<vmem>> -> memref<26x64xf32, #tpu.memory_space<vmem>>
        %dma_wait3A_1182 = arith.constant 0 : i32
        %dma_wait3A_1183 = arith.constant 0 : i32
        %dma_wait3A_1184 = tpu.memref_slice %arg4[%dma_wait3A_1168, %dma_wait3A_1182, %dma_wait3A_1183] : memref<16384x32x128xf32, #tpu.memory_space<hbm>> -> memref<1x26x64xf32, #tpu.memory_space<hbm>>
        %dma_wait3A_1185 = tpu.memref_squeeze %dma_wait3A_1184 : memref<1x26x64xf32, #tpu.memory_space<hbm>> -> memref<26x64xf32, #tpu.memory_space<hbm>>
        tpu.wait_dma2 semaphore(%arg18 : memref<!tpu.dma_semaphore, #tpu.memory_space<semaphore_mem>>) src(%dma_wait3A_1185 : memref<26x64xf32, #tpu.memory_space<hbm>>) dst(%dma_wait3A_1181 : memref<26x64xf32, #tpu.memory_space<vmem>>)
        %add3A_1186 = arith.constant 8 : i32
        %add3A_1187 = arith.addi %mul3A_93, %add3A_1186 : i32
        %add3A_1188 = arith.constant 2 : i32
        %add3A_1189 = arith.addi %add3A_1187, %add3A_1188 : i32
        %mul3A_1190 = arith.constant 104 : i32
        %mul3A_1191 = arith.muli %add3A_1189, %mul3A_1190 : i32
        %dma_start3A_1192 = arith.constant 2 : i32
        %dma_start3A_1193 = arith.constant 0 : i32
        %dma_start3A_1194 = arith.constant 0 : i32
        %dma_start3A_1195 = tpu.memref_slice %arg6[%dma_start3A_1192, %dma_start3A_1193, %dma_start3A_1194] : memref<8x104x64xf32, #tpu.memory_space<vmem>> -> memref<1x104x64xf32, #tpu.memory_space<vmem>>
        %dma_start3A_1196 = tpu.memref_squeeze %dma_start3A_1195 : memref<1x104x64xf32, #tpu.memory_space<vmem>> -> memref<104x64xf32, #tpu.memory_space<vmem>>
        %dma_start3A_1197 = tpu.memref_slice %arg5[%mul3A_1191] : memref<13312xi32, #tpu.memory_space<vmem>> -> memref<104xi32, #tpu.memory_space<vmem>>
        %dma_start3A_1198 = arith.constant 0 : i32
        %dma_start3A_1199 = arith.constant 0 : i32
        %dma_start3A_1200 = tpu.memref_slice %arg2[%dma_start3A_1198, %dma_start3A_1199] : memref<1000000x64xf32, #tpu.memory_space<hbm>> -> memref<1000000x64xf32, #tpu.memory_space<hbm>>
        tpu.enqueue_indirect_dma source(%dma_start3A_1200 : memref<1000000x64xf32, #tpu.memory_space<hbm>>) target(%dma_start3A_1196 : memref<104x64xf32, #tpu.memory_space<vmem>>) offsets(%dma_start3A_1197 : memref<104xi32, #tpu.memory_space<vmem>>) semaphore(%arg10 : memref<!tpu.dma_semaphore, #tpu.memory_space<semaphore_mem>>)
        %dma_wait3A_1201 = arith.constant 0 : i32
        %dma_wait3A_1202 = arith.constant 3 : i32
        %dma_wait3A_1203 = arith.constant 0 : i32
        %dma_wait3A_1204 = arith.constant 0 : i32
        %dma_wait3A_1205 = tpu.memref_slice %arg6[%dma_wait3A_1202, %dma_wait3A_1203, %dma_wait3A_1204] : memref<8x104x64xf32, #tpu.memory_space<vmem>> -> memref<1x26x64xf32, #tpu.memory_space<vmem>>
        %dma_wait3A_1206 = tpu.memref_squeeze %dma_wait3A_1205 : memref<1x26x64xf32, #tpu.memory_space<vmem>> -> memref<26x64xf32, #tpu.memory_space<vmem>>
        %dma_wait3A_1207 = arith.constant 0 : i32
        %dma_wait3A_1208 = arith.constant 0 : i32
        %dma_wait3A_1209 = tpu.memref_slice %arg4[%dma_wait3A_1201, %dma_wait3A_1207, %dma_wait3A_1208] : memref<16384x32x128xf32, #tpu.memory_space<hbm>> -> memref<1x26x64xf32, #tpu.memory_space<hbm>>
        %dma_wait3A_1210 = tpu.memref_squeeze %dma_wait3A_1209 : memref<1x26x64xf32, #tpu.memory_space<hbm>> -> memref<26x64xf32, #tpu.memory_space<hbm>>
        %dma_wait3A_1211 = arith.constant 0 : i32
        %dma_wait3A_1212 = arith.constant 0 : i32
        %dma_wait3A_1213 = tpu.memref_slice %arg6[%dma_wait3A_1202, %dma_wait3A_1211, %dma_wait3A_1212] : memref<8x104x64xf32, #tpu.memory_space<vmem>> -> memref<1x26x64xf32, #tpu.memory_space<vmem>>
        %dma_wait3A_1214 = tpu.memref_squeeze %dma_wait3A_1213 : memref<1x26x64xf32, #tpu.memory_space<vmem>> -> memref<26x64xf32, #tpu.memory_space<vmem>>
        %dma_wait3A_1215 = arith.constant 0 : i32
        %dma_wait3A_1216 = arith.constant 0 : i32
        %dma_wait3A_1217 = tpu.memref_slice %arg4[%dma_wait3A_1201, %dma_wait3A_1215, %dma_wait3A_1216] : memref<16384x32x128xf32, #tpu.memory_space<hbm>> -> memref<1x26x64xf32, #tpu.memory_space<hbm>>
        %dma_wait3A_1218 = tpu.memref_squeeze %dma_wait3A_1217 : memref<1x26x64xf32, #tpu.memory_space<hbm>> -> memref<26x64xf32, #tpu.memory_space<hbm>>
        tpu.wait_dma2 semaphore(%arg19 : memref<!tpu.dma_semaphore, #tpu.memory_space<semaphore_mem>>) src(%dma_wait3A_1218 : memref<26x64xf32, #tpu.memory_space<hbm>>) dst(%dma_wait3A_1214 : memref<26x64xf32, #tpu.memory_space<vmem>>)
        %dma_wait3A_1219 = arith.constant 0 : i32
        %dma_wait3A_1220 = arith.constant 3 : i32
        %dma_wait3A_1221 = arith.constant 26 : i32
        %dma_wait3A_1222 = arith.constant 0 : i32
        %dma_wait3A_1223 = tpu.memref_slice %arg6[%dma_wait3A_1220, %dma_wait3A_1221, %dma_wait3A_1222] : memref<8x104x64xf32, #tpu.memory_space<vmem>> -> memref<1x26x64xf32, #tpu.memory_space<vmem>>
        %dma_wait3A_1224 = tpu.memref_squeeze %dma_wait3A_1223 : memref<1x26x64xf32, #tpu.memory_space<vmem>> -> memref<26x64xf32, #tpu.memory_space<vmem>>
        %dma_wait3A_1225 = arith.constant 0 : i32
        %dma_wait3A_1226 = arith.constant 0 : i32
        %dma_wait3A_1227 = tpu.memref_slice %arg4[%dma_wait3A_1219, %dma_wait3A_1225, %dma_wait3A_1226] : memref<16384x32x128xf32, #tpu.memory_space<hbm>> -> memref<1x26x64xf32, #tpu.memory_space<hbm>>
        %dma_wait3A_1228 = tpu.memref_squeeze %dma_wait3A_1227 : memref<1x26x64xf32, #tpu.memory_space<hbm>> -> memref<26x64xf32, #tpu.memory_space<hbm>>
        %dma_wait3A_1229 = arith.constant 26 : i32
        %dma_wait3A_1230 = arith.constant 0 : i32
        %dma_wait3A_1231 = tpu.memref_slice %arg6[%dma_wait3A_1220, %dma_wait3A_1229, %dma_wait3A_1230] : memref<8x104x64xf32, #tpu.memory_space<vmem>> -> memref<1x26x64xf32, #tpu.memory_space<vmem>>
        %dma_wait3A_1232 = tpu.memref_squeeze %dma_wait3A_1231 : memref<1x26x64xf32, #tpu.memory_space<vmem>> -> memref<26x64xf32, #tpu.memory_space<vmem>>
        %dma_wait3A_1233 = arith.constant 0 : i32
        %dma_wait3A_1234 = arith.constant 0 : i32
        %dma_wait3A_1235 = tpu.memref_slice %arg4[%dma_wait3A_1219, %dma_wait3A_1233, %dma_wait3A_1234] : memref<16384x32x128xf32, #tpu.memory_space<hbm>> -> memref<1x26x64xf32, #tpu.memory_space<hbm>>
        %dma_wait3A_1236 = tpu.memref_squeeze %dma_wait3A_1235 : memref<1x26x64xf32, #tpu.memory_space<hbm>> -> memref<26x64xf32, #tpu.memory_space<hbm>>
        tpu.wait_dma2 semaphore(%arg19 : memref<!tpu.dma_semaphore, #tpu.memory_space<semaphore_mem>>) src(%dma_wait3A_1236 : memref<26x64xf32, #tpu.memory_space<hbm>>) dst(%dma_wait3A_1232 : memref<26x64xf32, #tpu.memory_space<vmem>>)
        %dma_wait3A_1237 = arith.constant 0 : i32
        %dma_wait3A_1238 = arith.constant 3 : i32
        %dma_wait3A_1239 = arith.constant 52 : i32
        %dma_wait3A_1240 = arith.constant 0 : i32
        %dma_wait3A_1241 = tpu.memref_slice %arg6[%dma_wait3A_1238, %dma_wait3A_1239, %dma_wait3A_1240] : memref<8x104x64xf32, #tpu.memory_space<vmem>> -> memref<1x26x64xf32, #tpu.memory_space<vmem>>
        %dma_wait3A_1242 = tpu.memref_squeeze %dma_wait3A_1241 : memref<1x26x64xf32, #tpu.memory_space<vmem>> -> memref<26x64xf32, #tpu.memory_space<vmem>>
        %dma_wait3A_1243 = arith.constant 0 : i32
        %dma_wait3A_1244 = arith.constant 0 : i32
        %dma_wait3A_1245 = tpu.memref_slice %arg4[%dma_wait3A_1237, %dma_wait3A_1243, %dma_wait3A_1244] : memref<16384x32x128xf32, #tpu.memory_space<hbm>> -> memref<1x26x64xf32, #tpu.memory_space<hbm>>
        %dma_wait3A_1246 = tpu.memref_squeeze %dma_wait3A_1245 : memref<1x26x64xf32, #tpu.memory_space<hbm>> -> memref<26x64xf32, #tpu.memory_space<hbm>>
        %dma_wait3A_1247 = arith.constant 52 : i32
        %dma_wait3A_1248 = arith.constant 0 : i32
        %dma_wait3A_1249 = tpu.memref_slice %arg6[%dma_wait3A_1238, %dma_wait3A_1247, %dma_wait3A_1248] : memref<8x104x64xf32, #tpu.memory_space<vmem>> -> memref<1x26x64xf32, #tpu.memory_space<vmem>>
        %dma_wait3A_1250 = tpu.memref_squeeze %dma_wait3A_1249 : memref<1x26x64xf32, #tpu.memory_space<vmem>> -> memref<26x64xf32, #tpu.memory_space<vmem>>
        %dma_wait3A_1251 = arith.constant 0 : i32
        %dma_wait3A_1252 = arith.constant 0 : i32
        %dma_wait3A_1253 = tpu.memref_slice %arg4[%dma_wait3A_1237, %dma_wait3A_1251, %dma_wait3A_1252] : memref<16384x32x128xf32, #tpu.memory_space<hbm>> -> memref<1x26x64xf32, #tpu.memory_space<hbm>>
        %dma_wait3A_1254 = tpu.memref_squeeze %dma_wait3A_1253 : memref<1x26x64xf32, #tpu.memory_space<hbm>> -> memref<26x64xf32, #tpu.memory_space<hbm>>
        tpu.wait_dma2 semaphore(%arg19 : memref<!tpu.dma_semaphore, #tpu.memory_space<semaphore_mem>>) src(%dma_wait3A_1254 : memref<26x64xf32, #tpu.memory_space<hbm>>) dst(%dma_wait3A_1250 : memref<26x64xf32, #tpu.memory_space<vmem>>)
        %dma_wait3A_1255 = arith.constant 0 : i32
        %dma_wait3A_1256 = arith.constant 3 : i32
        %dma_wait3A_1257 = arith.constant 78 : i32
        %dma_wait3A_1258 = arith.constant 0 : i32
        %dma_wait3A_1259 = tpu.memref_slice %arg6[%dma_wait3A_1256, %dma_wait3A_1257, %dma_wait3A_1258] : memref<8x104x64xf32, #tpu.memory_space<vmem>> -> memref<1x26x64xf32, #tpu.memory_space<vmem>>
        %dma_wait3A_1260 = tpu.memref_squeeze %dma_wait3A_1259 : memref<1x26x64xf32, #tpu.memory_space<vmem>> -> memref<26x64xf32, #tpu.memory_space<vmem>>
        %dma_wait3A_1261 = arith.constant 0 : i32
        %dma_wait3A_1262 = arith.constant 0 : i32
        %dma_wait3A_1263 = tpu.memref_slice %arg4[%dma_wait3A_1255, %dma_wait3A_1261, %dma_wait3A_1262] : memref<16384x32x128xf32, #tpu.memory_space<hbm>> -> memref<1x26x64xf32, #tpu.memory_space<hbm>>
        %dma_wait3A_1264 = tpu.memref_squeeze %dma_wait3A_1263 : memref<1x26x64xf32, #tpu.memory_space<hbm>> -> memref<26x64xf32, #tpu.memory_space<hbm>>
        %dma_wait3A_1265 = arith.constant 78 : i32
        %dma_wait3A_1266 = arith.constant 0 : i32
        %dma_wait3A_1267 = tpu.memref_slice %arg6[%dma_wait3A_1256, %dma_wait3A_1265, %dma_wait3A_1266] : memref<8x104x64xf32, #tpu.memory_space<vmem>> -> memref<1x26x64xf32, #tpu.memory_space<vmem>>
        %dma_wait3A_1268 = tpu.memref_squeeze %dma_wait3A_1267 : memref<1x26x64xf32, #tpu.memory_space<vmem>> -> memref<26x64xf32, #tpu.memory_space<vmem>>
        %dma_wait3A_1269 = arith.constant 0 : i32
        %dma_wait3A_1270 = arith.constant 0 : i32
        %dma_wait3A_1271 = tpu.memref_slice %arg4[%dma_wait3A_1255, %dma_wait3A_1269, %dma_wait3A_1270] : memref<16384x32x128xf32, #tpu.memory_space<hbm>> -> memref<1x26x64xf32, #tpu.memory_space<hbm>>
        %dma_wait3A_1272 = tpu.memref_squeeze %dma_wait3A_1271 : memref<1x26x64xf32, #tpu.memory_space<hbm>> -> memref<26x64xf32, #tpu.memory_space<hbm>>
        tpu.wait_dma2 semaphore(%arg19 : memref<!tpu.dma_semaphore, #tpu.memory_space<semaphore_mem>>) src(%dma_wait3A_1272 : memref<26x64xf32, #tpu.memory_space<hbm>>) dst(%dma_wait3A_1268 : memref<26x64xf32, #tpu.memory_space<vmem>>)
        %add3A_1273 = arith.constant 8 : i32
        %add3A_1274 = arith.addi %mul3A_93, %add3A_1273 : i32
        %add3A_1275 = arith.constant 3 : i32
        %add3A_1276 = arith.addi %add3A_1274, %add3A_1275 : i32
        %mul3A_1277 = arith.constant 104 : i32
        %mul3A_1278 = arith.muli %add3A_1276, %mul3A_1277 : i32
        %dma_start3A_1279 = arith.constant 3 : i32
        %dma_start3A_1280 = arith.constant 0 : i32
        %dma_start3A_1281 = arith.constant 0 : i32
        %dma_start3A_1282 = tpu.memref_slice %arg6[%dma_start3A_1279, %dma_start3A_1280, %dma_start3A_1281] : memref<8x104x64xf32, #tpu.memory_space<vmem>> -> memref<1x104x64xf32, #tpu.memory_space<vmem>>
        %dma_start3A_1283 = tpu.memref_squeeze %dma_start3A_1282 : memref<1x104x64xf32, #tpu.memory_space<vmem>> -> memref<104x64xf32, #tpu.memory_space<vmem>>
        %dma_start3A_1284 = tpu.memref_slice %arg5[%mul3A_1278] : memref<13312xi32, #tpu.memory_space<vmem>> -> memref<104xi32, #tpu.memory_space<vmem>>
        %dma_start3A_1285 = arith.constant 0 : i32
        %dma_start3A_1286 = arith.constant 0 : i32
        %dma_start3A_1287 = tpu.memref_slice %arg2[%dma_start3A_1285, %dma_start3A_1286] : memref<1000000x64xf32, #tpu.memory_space<hbm>> -> memref<1000000x64xf32, #tpu.memory_space<hbm>>
        tpu.enqueue_indirect_dma source(%dma_start3A_1287 : memref<1000000x64xf32, #tpu.memory_space<hbm>>) target(%dma_start3A_1283 : memref<104x64xf32, #tpu.memory_space<vmem>>) offsets(%dma_start3A_1284 : memref<104xi32, #tpu.memory_space<vmem>>) semaphore(%arg11 : memref<!tpu.dma_semaphore, #tpu.memory_space<semaphore_mem>>)
        %dma_wait3A_1288 = arith.constant 0 : i32
        %dma_wait3A_1289 = arith.constant 4 : i32
        %dma_wait3A_1290 = arith.constant 0 : i32
        %dma_wait3A_1291 = arith.constant 0 : i32
        %dma_wait3A_1292 = tpu.memref_slice %arg6[%dma_wait3A_1289, %dma_wait3A_1290, %dma_wait3A_1291] : memref<8x104x64xf32, #tpu.memory_space<vmem>> -> memref<1x26x64xf32, #tpu.memory_space<vmem>>
        %dma_wait3A_1293 = tpu.memref_squeeze %dma_wait3A_1292 : memref<1x26x64xf32, #tpu.memory_space<vmem>> -> memref<26x64xf32, #tpu.memory_space<vmem>>
        %dma_wait3A_1294 = arith.constant 0 : i32
        %dma_wait3A_1295 = arith.constant 0 : i32
        %dma_wait3A_1296 = tpu.memref_slice %arg4[%dma_wait3A_1288, %dma_wait3A_1294, %dma_wait3A_1295] : memref<16384x32x128xf32, #tpu.memory_space<hbm>> -> memref<1x26x64xf32, #tpu.memory_space<hbm>>
        %dma_wait3A_1297 = tpu.memref_squeeze %dma_wait3A_1296 : memref<1x26x64xf32, #tpu.memory_space<hbm>> -> memref<26x64xf32, #tpu.memory_space<hbm>>
        %dma_wait3A_1298 = arith.constant 0 : i32
        %dma_wait3A_1299 = arith.constant 0 : i32
        %dma_wait3A_1300 = tpu.memref_slice %arg6[%dma_wait3A_1289, %dma_wait3A_1298, %dma_wait3A_1299] : memref<8x104x64xf32, #tpu.memory_space<vmem>> -> memref<1x26x64xf32, #tpu.memory_space<vmem>>
        %dma_wait3A_1301 = tpu.memref_squeeze %dma_wait3A_1300 : memref<1x26x64xf32, #tpu.memory_space<vmem>> -> memref<26x64xf32, #tpu.memory_space<vmem>>
        %dma_wait3A_1302 = arith.constant 0 : i32
        %dma_wait3A_1303 = arith.constant 0 : i32
        %dma_wait3A_1304 = tpu.memref_slice %arg4[%dma_wait3A_1288, %dma_wait3A_1302, %dma_wait3A_1303] : memref<16384x32x128xf32, #tpu.memory_space<hbm>> -> memref<1x26x64xf32, #tpu.memory_space<hbm>>
        %dma_wait3A_1305 = tpu.memref_squeeze %dma_wait3A_1304 : memref<1x26x64xf32, #tpu.memory_space<hbm>> -> memref<26x64xf32, #tpu.memory_space<hbm>>
        tpu.wait_dma2 semaphore(%arg20 : memref<!tpu.dma_semaphore, #tpu.memory_space<semaphore_mem>>) src(%dma_wait3A_1305 : memref<26x64xf32, #tpu.memory_space<hbm>>) dst(%dma_wait3A_1301 : memref<26x64xf32, #tpu.memory_space<vmem>>)
        %dma_wait3A_1306 = arith.constant 0 : i32
        %dma_wait3A_1307 = arith.constant 4 : i32
        %dma_wait3A_1308 = arith.constant 26 : i32
        %dma_wait3A_1309 = arith.constant 0 : i32
        %dma_wait3A_1310 = tpu.memref_slice %arg6[%dma_wait3A_1307, %dma_wait3A_1308, %dma_wait3A_1309] : memref<8x104x64xf32, #tpu.memory_space<vmem>> -> memref<1x26x64xf32, #tpu.memory_space<vmem>>
        %dma_wait3A_1311 = tpu.memref_squeeze %dma_wait3A_1310 : memref<1x26x64xf32, #tpu.memory_space<vmem>> -> memref<26x64xf32, #tpu.memory_space<vmem>>
        %dma_wait3A_1312 = arith.constant 0 : i32
        %dma_wait3A_1313 = arith.constant 0 : i32
        %dma_wait3A_1314 = tpu.memref_slice %arg4[%dma_wait3A_1306, %dma_wait3A_1312, %dma_wait3A_1313] : memref<16384x32x128xf32, #tpu.memory_space<hbm>> -> memref<1x26x64xf32, #tpu.memory_space<hbm>>
        %dma_wait3A_1315 = tpu.memref_squeeze %dma_wait3A_1314 : memref<1x26x64xf32, #tpu.memory_space<hbm>> -> memref<26x64xf32, #tpu.memory_space<hbm>>
        %dma_wait3A_1316 = arith.constant 26 : i32
        %dma_wait3A_1317 = arith.constant 0 : i32
        %dma_wait3A_1318 = tpu.memref_slice %arg6[%dma_wait3A_1307, %dma_wait3A_1316, %dma_wait3A_1317] : memref<8x104x64xf32, #tpu.memory_space<vmem>> -> memref<1x26x64xf32, #tpu.memory_space<vmem>>
        %dma_wait3A_1319 = tpu.memref_squeeze %dma_wait3A_1318 : memref<1x26x64xf32, #tpu.memory_space<vmem>> -> memref<26x64xf32, #tpu.memory_space<vmem>>
        %dma_wait3A_1320 = arith.constant 0 : i32
        %dma_wait3A_1321 = arith.constant 0 : i32
        %dma_wait3A_1322 = tpu.memref_slice %arg4[%dma_wait3A_1306, %dma_wait3A_1320, %dma_wait3A_1321] : memref<16384x32x128xf32, #tpu.memory_space<hbm>> -> memref<1x26x64xf32, #tpu.memory_space<hbm>>
        %dma_wait3A_1323 = tpu.memref_squeeze %dma_wait3A_1322 : memref<1x26x64xf32, #tpu.memory_space<hbm>> -> memref<26x64xf32, #tpu.memory_space<hbm>>
        tpu.wait_dma2 semaphore(%arg20 : memref<!tpu.dma_semaphore, #tpu.memory_space<semaphore_mem>>) src(%dma_wait3A_1323 : memref<26x64xf32, #tpu.memory_space<hbm>>) dst(%dma_wait3A_1319 : memref<26x64xf32, #tpu.memory_space<vmem>>)
        %dma_wait3A_1324 = arith.constant 0 : i32
        %dma_wait3A_1325 = arith.constant 4 : i32
        %dma_wait3A_1326 = arith.constant 52 : i32
        %dma_wait3A_1327 = arith.constant 0 : i32
        %dma_wait3A_1328 = tpu.memref_slice %arg6[%dma_wait3A_1325, %dma_wait3A_1326, %dma_wait3A_1327] : memref<8x104x64xf32, #tpu.memory_space<vmem>> -> memref<1x26x64xf32, #tpu.memory_space<vmem>>
        %dma_wait3A_1329 = tpu.memref_squeeze %dma_wait3A_1328 : memref<1x26x64xf32, #tpu.memory_space<vmem>> -> memref<26x64xf32, #tpu.memory_space<vmem>>
        %dma_wait3A_1330 = arith.constant 0 : i32
        %dma_wait3A_1331 = arith.constant 0 : i32
        %dma_wait3A_1332 = tpu.memref_slice %arg4[%dma_wait3A_1324, %dma_wait3A_1330, %dma_wait3A_1331] : memref<16384x32x128xf32, #tpu.memory_space<hbm>> -> memref<1x26x64xf32, #tpu.memory_space<hbm>>
        %dma_wait3A_1333 = tpu.memref_squeeze %dma_wait3A_1332 : memref<1x26x64xf32, #tpu.memory_space<hbm>> -> memref<26x64xf32, #tpu.memory_space<hbm>>
        %dma_wait3A_1334 = arith.constant 52 : i32
        %dma_wait3A_1335 = arith.constant 0 : i32
        %dma_wait3A_1336 = tpu.memref_slice %arg6[%dma_wait3A_1325, %dma_wait3A_1334, %dma_wait3A_1335] : memref<8x104x64xf32, #tpu.memory_space<vmem>> -> memref<1x26x64xf32, #tpu.memory_space<vmem>>
        %dma_wait3A_1337 = tpu.memref_squeeze %dma_wait3A_1336 : memref<1x26x64xf32, #tpu.memory_space<vmem>> -> memref<26x64xf32, #tpu.memory_space<vmem>>
        %dma_wait3A_1338 = arith.constant 0 : i32
        %dma_wait3A_1339 = arith.constant 0 : i32
        %dma_wait3A_1340 = tpu.memref_slice %arg4[%dma_wait3A_1324, %dma_wait3A_1338, %dma_wait3A_1339] : memref<16384x32x128xf32, #tpu.memory_space<hbm>> -> memref<1x26x64xf32, #tpu.memory_space<hbm>>
        %dma_wait3A_1341 = tpu.memref_squeeze %dma_wait3A_1340 : memref<1x26x64xf32, #tpu.memory_space<hbm>> -> memref<26x64xf32, #tpu.memory_space<hbm>>
        tpu.wait_dma2 semaphore(%arg20 : memref<!tpu.dma_semaphore, #tpu.memory_space<semaphore_mem>>) src(%dma_wait3A_1341 : memref<26x64xf32, #tpu.memory_space<hbm>>) dst(%dma_wait3A_1337 : memref<26x64xf32, #tpu.memory_space<vmem>>)
        %dma_wait3A_1342 = arith.constant 0 : i32
        %dma_wait3A_1343 = arith.constant 4 : i32
        %dma_wait3A_1344 = arith.constant 78 : i32
        %dma_wait3A_1345 = arith.constant 0 : i32
        %dma_wait3A_1346 = tpu.memref_slice %arg6[%dma_wait3A_1343, %dma_wait3A_1344, %dma_wait3A_1345] : memref<8x104x64xf32, #tpu.memory_space<vmem>> -> memref<1x26x64xf32, #tpu.memory_space<vmem>>
        %dma_wait3A_1347 = tpu.memref_squeeze %dma_wait3A_1346 : memref<1x26x64xf32, #tpu.memory_space<vmem>> -> memref<26x64xf32, #tpu.memory_space<vmem>>
        %dma_wait3A_1348 = arith.constant 0 : i32
        %dma_wait3A_1349 = arith.constant 0 : i32
        %dma_wait3A_1350 = tpu.memref_slice %arg4[%dma_wait3A_1342, %dma_wait3A_1348, %dma_wait3A_1349] : memref<16384x32x128xf32, #tpu.memory_space<hbm>> -> memref<1x26x64xf32, #tpu.memory_space<hbm>>
        %dma_wait3A_1351 = tpu.memref_squeeze %dma_wait3A_1350 : memref<1x26x64xf32, #tpu.memory_space<hbm>> -> memref<26x64xf32, #tpu.memory_space<hbm>>
        %dma_wait3A_1352 = arith.constant 78 : i32
        %dma_wait3A_1353 = arith.constant 0 : i32
        %dma_wait3A_1354 = tpu.memref_slice %arg6[%dma_wait3A_1343, %dma_wait3A_1352, %dma_wait3A_1353] : memref<8x104x64xf32, #tpu.memory_space<vmem>> -> memref<1x26x64xf32, #tpu.memory_space<vmem>>
        %dma_wait3A_1355 = tpu.memref_squeeze %dma_wait3A_1354 : memref<1x26x64xf32, #tpu.memory_space<vmem>> -> memref<26x64xf32, #tpu.memory_space<vmem>>
        %dma_wait3A_1356 = arith.constant 0 : i32
        %dma_wait3A_1357 = arith.constant 0 : i32
        %dma_wait3A_1358 = tpu.memref_slice %arg4[%dma_wait3A_1342, %dma_wait3A_1356, %dma_wait3A_1357] : memref<16384x32x128xf32, #tpu.memory_space<hbm>> -> memref<1x26x64xf32, #tpu.memory_space<hbm>>
        %dma_wait3A_1359 = tpu.memref_squeeze %dma_wait3A_1358 : memref<1x26x64xf32, #tpu.memory_space<hbm>> -> memref<26x64xf32, #tpu.memory_space<hbm>>
        tpu.wait_dma2 semaphore(%arg20 : memref<!tpu.dma_semaphore, #tpu.memory_space<semaphore_mem>>) src(%dma_wait3A_1359 : memref<26x64xf32, #tpu.memory_space<hbm>>) dst(%dma_wait3A_1355 : memref<26x64xf32, #tpu.memory_space<vmem>>)
        %add3A_1360 = arith.constant 8 : i32
        %add3A_1361 = arith.addi %mul3A_93, %add3A_1360 : i32
        %add3A_1362 = arith.constant 4 : i32
        %add3A_1363 = arith.addi %add3A_1361, %add3A_1362 : i32
        %mul3A_1364 = arith.constant 104 : i32
        %mul3A_1365 = arith.muli %add3A_1363, %mul3A_1364 : i32
        %dma_start3A_1366 = arith.constant 4 : i32
        %dma_start3A_1367 = arith.constant 0 : i32
        %dma_start3A_1368 = arith.constant 0 : i32
        %dma_start3A_1369 = tpu.memref_slice %arg6[%dma_start3A_1366, %dma_start3A_1367, %dma_start3A_1368] : memref<8x104x64xf32, #tpu.memory_space<vmem>> -> memref<1x104x64xf32, #tpu.memory_space<vmem>>
        %dma_start3A_1370 = tpu.memref_squeeze %dma_start3A_1369 : memref<1x104x64xf32, #tpu.memory_space<vmem>> -> memref<104x64xf32, #tpu.memory_space<vmem>>
        %dma_start3A_1371 = tpu.memref_slice %arg5[%mul3A_1365] : memref<13312xi32, #tpu.memory_space<vmem>> -> memref<104xi32, #tpu.memory_space<vmem>>
        %dma_start3A_1372 = arith.constant 0 : i32
        %dma_start3A_1373 = arith.constant 0 : i32
        %dma_start3A_1374 = tpu.memref_slice %arg2[%dma_start3A_1372, %dma_start3A_1373] : memref<1000000x64xf32, #tpu.memory_space<hbm>> -> memref<1000000x64xf32, #tpu.memory_space<hbm>>
        tpu.enqueue_indirect_dma source(%dma_start3A_1374 : memref<1000000x64xf32, #tpu.memory_space<hbm>>) target(%dma_start3A_1370 : memref<104x64xf32, #tpu.memory_space<vmem>>) offsets(%dma_start3A_1371 : memref<104xi32, #tpu.memory_space<vmem>>) semaphore(%arg12 : memref<!tpu.dma_semaphore, #tpu.memory_space<semaphore_mem>>)
        %dma_wait3A_1375 = arith.constant 0 : i32
        %dma_wait3A_1376 = arith.constant 5 : i32
        %dma_wait3A_1377 = arith.constant 0 : i32
        %dma_wait3A_1378 = arith.constant 0 : i32
        %dma_wait3A_1379 = tpu.memref_slice %arg6[%dma_wait3A_1376, %dma_wait3A_1377, %dma_wait3A_1378] : memref<8x104x64xf32, #tpu.memory_space<vmem>> -> memref<1x26x64xf32, #tpu.memory_space<vmem>>
        %dma_wait3A_1380 = tpu.memref_squeeze %dma_wait3A_1379 : memref<1x26x64xf32, #tpu.memory_space<vmem>> -> memref<26x64xf32, #tpu.memory_space<vmem>>
        %dma_wait3A_1381 = arith.constant 0 : i32
        %dma_wait3A_1382 = arith.constant 0 : i32
        %dma_wait3A_1383 = tpu.memref_slice %arg4[%dma_wait3A_1375, %dma_wait3A_1381, %dma_wait3A_1382] : memref<16384x32x128xf32, #tpu.memory_space<hbm>> -> memref<1x26x64xf32, #tpu.memory_space<hbm>>
        %dma_wait3A_1384 = tpu.memref_squeeze %dma_wait3A_1383 : memref<1x26x64xf32, #tpu.memory_space<hbm>> -> memref<26x64xf32, #tpu.memory_space<hbm>>
        %dma_wait3A_1385 = arith.constant 0 : i32
        %dma_wait3A_1386 = arith.constant 0 : i32
        %dma_wait3A_1387 = tpu.memref_slice %arg6[%dma_wait3A_1376, %dma_wait3A_1385, %dma_wait3A_1386] : memref<8x104x64xf32, #tpu.memory_space<vmem>> -> memref<1x26x64xf32, #tpu.memory_space<vmem>>
        %dma_wait3A_1388 = tpu.memref_squeeze %dma_wait3A_1387 : memref<1x26x64xf32, #tpu.memory_space<vmem>> -> memref<26x64xf32, #tpu.memory_space<vmem>>
        %dma_wait3A_1389 = arith.constant 0 : i32
        %dma_wait3A_1390 = arith.constant 0 : i32
        %dma_wait3A_1391 = tpu.memref_slice %arg4[%dma_wait3A_1375, %dma_wait3A_1389, %dma_wait3A_1390] : memref<16384x32x128xf32, #tpu.memory_space<hbm>> -> memref<1x26x64xf32, #tpu.memory_space<hbm>>
        %dma_wait3A_1392 = tpu.memref_squeeze %dma_wait3A_1391 : memref<1x26x64xf32, #tpu.memory_space<hbm>> -> memref<26x64xf32, #tpu.memory_space<hbm>>
        tpu.wait_dma2 semaphore(%arg21 : memref<!tpu.dma_semaphore, #tpu.memory_space<semaphore_mem>>) src(%dma_wait3A_1392 : memref<26x64xf32, #tpu.memory_space<hbm>>) dst(%dma_wait3A_1388 : memref<26x64xf32, #tpu.memory_space<vmem>>)
        %dma_wait3A_1393 = arith.constant 0 : i32
        %dma_wait3A_1394 = arith.constant 5 : i32
        %dma_wait3A_1395 = arith.constant 26 : i32
        %dma_wait3A_1396 = arith.constant 0 : i32
        %dma_wait3A_1397 = tpu.memref_slice %arg6[%dma_wait3A_1394, %dma_wait3A_1395, %dma_wait3A_1396] : memref<8x104x64xf32, #tpu.memory_space<vmem>> -> memref<1x26x64xf32, #tpu.memory_space<vmem>>
        %dma_wait3A_1398 = tpu.memref_squeeze %dma_wait3A_1397 : memref<1x26x64xf32, #tpu.memory_space<vmem>> -> memref<26x64xf32, #tpu.memory_space<vmem>>
        %dma_wait3A_1399 = arith.constant 0 : i32
        %dma_wait3A_1400 = arith.constant 0 : i32
        %dma_wait3A_1401 = tpu.memref_slice %arg4[%dma_wait3A_1393, %dma_wait3A_1399, %dma_wait3A_1400] : memref<16384x32x128xf32, #tpu.memory_space<hbm>> -> memref<1x26x64xf32, #tpu.memory_space<hbm>>
        %dma_wait3A_1402 = tpu.memref_squeeze %dma_wait3A_1401 : memref<1x26x64xf32, #tpu.memory_space<hbm>> -> memref<26x64xf32, #tpu.memory_space<hbm>>
        %dma_wait3A_1403 = arith.constant 26 : i32
        %dma_wait3A_1404 = arith.constant 0 : i32
        %dma_wait3A_1405 = tpu.memref_slice %arg6[%dma_wait3A_1394, %dma_wait3A_1403, %dma_wait3A_1404] : memref<8x104x64xf32, #tpu.memory_space<vmem>> -> memref<1x26x64xf32, #tpu.memory_space<vmem>>
        %dma_wait3A_1406 = tpu.memref_squeeze %dma_wait3A_1405 : memref<1x26x64xf32, #tpu.memory_space<vmem>> -> memref<26x64xf32, #tpu.memory_space<vmem>>
        %dma_wait3A_1407 = arith.constant 0 : i32
        %dma_wait3A_1408 = arith.constant 0 : i32
        %dma_wait3A_1409 = tpu.memref_slice %arg4[%dma_wait3A_1393, %dma_wait3A_1407, %dma_wait3A_1408] : memref<16384x32x128xf32, #tpu.memory_space<hbm>> -> memref<1x26x64xf32, #tpu.memory_space<hbm>>
        %dma_wait3A_1410 = tpu.memref_squeeze %dma_wait3A_1409 : memref<1x26x64xf32, #tpu.memory_space<hbm>> -> memref<26x64xf32, #tpu.memory_space<hbm>>
        tpu.wait_dma2 semaphore(%arg21 : memref<!tpu.dma_semaphore, #tpu.memory_space<semaphore_mem>>) src(%dma_wait3A_1410 : memref<26x64xf32, #tpu.memory_space<hbm>>) dst(%dma_wait3A_1406 : memref<26x64xf32, #tpu.memory_space<vmem>>)
        %dma_wait3A_1411 = arith.constant 0 : i32
        %dma_wait3A_1412 = arith.constant 5 : i32
        %dma_wait3A_1413 = arith.constant 52 : i32
        %dma_wait3A_1414 = arith.constant 0 : i32
        %dma_wait3A_1415 = tpu.memref_slice %arg6[%dma_wait3A_1412, %dma_wait3A_1413, %dma_wait3A_1414] : memref<8x104x64xf32, #tpu.memory_space<vmem>> -> memref<1x26x64xf32, #tpu.memory_space<vmem>>
        %dma_wait3A_1416 = tpu.memref_squeeze %dma_wait3A_1415 : memref<1x26x64xf32, #tpu.memory_space<vmem>> -> memref<26x64xf32, #tpu.memory_space<vmem>>
        %dma_wait3A_1417 = arith.constant 0 : i32
        %dma_wait3A_1418 = arith.constant 0 : i32
        %dma_wait3A_1419 = tpu.memref_slice %arg4[%dma_wait3A_1411, %dma_wait3A_1417, %dma_wait3A_1418] : memref<16384x32x128xf32, #tpu.memory_space<hbm>> -> memref<1x26x64xf32, #tpu.memory_space<hbm>>
        %dma_wait3A_1420 = tpu.memref_squeeze %dma_wait3A_1419 : memref<1x26x64xf32, #tpu.memory_space<hbm>> -> memref<26x64xf32, #tpu.memory_space<hbm>>
        %dma_wait3A_1421 = arith.constant 52 : i32
        %dma_wait3A_1422 = arith.constant 0 : i32
        %dma_wait3A_1423 = tpu.memref_slice %arg6[%dma_wait3A_1412, %dma_wait3A_1421, %dma_wait3A_1422] : memref<8x104x64xf32, #tpu.memory_space<vmem>> -> memref<1x26x64xf32, #tpu.memory_space<vmem>>
        %dma_wait3A_1424 = tpu.memref_squeeze %dma_wait3A_1423 : memref<1x26x64xf32, #tpu.memory_space<vmem>> -> memref<26x64xf32, #tpu.memory_space<vmem>>
        %dma_wait3A_1425 = arith.constant 0 : i32
        %dma_wait3A_1426 = arith.constant 0 : i32
        %dma_wait3A_1427 = tpu.memref_slice %arg4[%dma_wait3A_1411, %dma_wait3A_1425, %dma_wait3A_1426] : memref<16384x32x128xf32, #tpu.memory_space<hbm>> -> memref<1x26x64xf32, #tpu.memory_space<hbm>>
        %dma_wait3A_1428 = tpu.memref_squeeze %dma_wait3A_1427 : memref<1x26x64xf32, #tpu.memory_space<hbm>> -> memref<26x64xf32, #tpu.memory_space<hbm>>
        tpu.wait_dma2 semaphore(%arg21 : memref<!tpu.dma_semaphore, #tpu.memory_space<semaphore_mem>>) src(%dma_wait3A_1428 : memref<26x64xf32, #tpu.memory_space<hbm>>) dst(%dma_wait3A_1424 : memref<26x64xf32, #tpu.memory_space<vmem>>)
        %dma_wait3A_1429 = arith.constant 0 : i32
        %dma_wait3A_1430 = arith.constant 5 : i32
        %dma_wait3A_1431 = arith.constant 78 : i32
        %dma_wait3A_1432 = arith.constant 0 : i32
        %dma_wait3A_1433 = tpu.memref_slice %arg6[%dma_wait3A_1430, %dma_wait3A_1431, %dma_wait3A_1432] : memref<8x104x64xf32, #tpu.memory_space<vmem>> -> memref<1x26x64xf32, #tpu.memory_space<vmem>>
        %dma_wait3A_1434 = tpu.memref_squeeze %dma_wait3A_1433 : memref<1x26x64xf32, #tpu.memory_space<vmem>> -> memref<26x64xf32, #tpu.memory_space<vmem>>
        %dma_wait3A_1435 = arith.constant 0 : i32
        %dma_wait3A_1436 = arith.constant 0 : i32
        %dma_wait3A_1437 = tpu.memref_slice %arg4[%dma_wait3A_1429, %dma_wait3A_1435, %dma_wait3A_1436] : memref<16384x32x128xf32, #tpu.memory_space<hbm>> -> memref<1x26x64xf32, #tpu.memory_space<hbm>>
        %dma_wait3A_1438 = tpu.memref_squeeze %dma_wait3A_1437 : memref<1x26x64xf32, #tpu.memory_space<hbm>> -> memref<26x64xf32, #tpu.memory_space<hbm>>
        %dma_wait3A_1439 = arith.constant 78 : i32
        %dma_wait3A_1440 = arith.constant 0 : i32
        %dma_wait3A_1441 = tpu.memref_slice %arg6[%dma_wait3A_1430, %dma_wait3A_1439, %dma_wait3A_1440] : memref<8x104x64xf32, #tpu.memory_space<vmem>> -> memref<1x26x64xf32, #tpu.memory_space<vmem>>
        %dma_wait3A_1442 = tpu.memref_squeeze %dma_wait3A_1441 : memref<1x26x64xf32, #tpu.memory_space<vmem>> -> memref<26x64xf32, #tpu.memory_space<vmem>>
        %dma_wait3A_1443 = arith.constant 0 : i32
        %dma_wait3A_1444 = arith.constant 0 : i32
        %dma_wait3A_1445 = tpu.memref_slice %arg4[%dma_wait3A_1429, %dma_wait3A_1443, %dma_wait3A_1444] : memref<16384x32x128xf32, #tpu.memory_space<hbm>> -> memref<1x26x64xf32, #tpu.memory_space<hbm>>
        %dma_wait3A_1446 = tpu.memref_squeeze %dma_wait3A_1445 : memref<1x26x64xf32, #tpu.memory_space<hbm>> -> memref<26x64xf32, #tpu.memory_space<hbm>>
        tpu.wait_dma2 semaphore(%arg21 : memref<!tpu.dma_semaphore, #tpu.memory_space<semaphore_mem>>) src(%dma_wait3A_1446 : memref<26x64xf32, #tpu.memory_space<hbm>>) dst(%dma_wait3A_1442 : memref<26x64xf32, #tpu.memory_space<vmem>>)
        %add3A_1447 = arith.constant 8 : i32
        %add3A_1448 = arith.addi %mul3A_93, %add3A_1447 : i32
        %add3A_1449 = arith.constant 5 : i32
        %add3A_1450 = arith.addi %add3A_1448, %add3A_1449 : i32
        %mul3A_1451 = arith.constant 104 : i32
        %mul3A_1452 = arith.muli %add3A_1450, %mul3A_1451 : i32
        %dma_start3A_1453 = arith.constant 5 : i32
        %dma_start3A_1454 = arith.constant 0 : i32
        %dma_start3A_1455 = arith.constant 0 : i32
        %dma_start3A_1456 = tpu.memref_slice %arg6[%dma_start3A_1453, %dma_start3A_1454, %dma_start3A_1455] : memref<8x104x64xf32, #tpu.memory_space<vmem>> -> memref<1x104x64xf32, #tpu.memory_space<vmem>>
        %dma_start3A_1457 = tpu.memref_squeeze %dma_start3A_1456 : memref<1x104x64xf32, #tpu.memory_space<vmem>> -> memref<104x64xf32, #tpu.memory_space<vmem>>
        %dma_start3A_1458 = tpu.memref_slice %arg5[%mul3A_1452] : memref<13312xi32, #tpu.memory_space<vmem>> -> memref<104xi32, #tpu.memory_space<vmem>>
        %dma_start3A_1459 = arith.constant 0 : i32
        %dma_start3A_1460 = arith.constant 0 : i32
        %dma_start3A_1461 = tpu.memref_slice %arg2[%dma_start3A_1459, %dma_start3A_1460] : memref<1000000x64xf32, #tpu.memory_space<hbm>> -> memref<1000000x64xf32, #tpu.memory_space<hbm>>
        tpu.enqueue_indirect_dma source(%dma_start3A_1461 : memref<1000000x64xf32, #tpu.memory_space<hbm>>) target(%dma_start3A_1457 : memref<104x64xf32, #tpu.memory_space<vmem>>) offsets(%dma_start3A_1458 : memref<104xi32, #tpu.memory_space<vmem>>) semaphore(%arg13 : memref<!tpu.dma_semaphore, #tpu.memory_space<semaphore_mem>>)
        %dma_wait3A_1462 = arith.constant 0 : i32
        %dma_wait3A_1463 = arith.constant 6 : i32
        %dma_wait3A_1464 = arith.constant 0 : i32
        %dma_wait3A_1465 = arith.constant 0 : i32
        %dma_wait3A_1466 = tpu.memref_slice %arg6[%dma_wait3A_1463, %dma_wait3A_1464, %dma_wait3A_1465] : memref<8x104x64xf32, #tpu.memory_space<vmem>> -> memref<1x26x64xf32, #tpu.memory_space<vmem>>
        %dma_wait3A_1467 = tpu.memref_squeeze %dma_wait3A_1466 : memref<1x26x64xf32, #tpu.memory_space<vmem>> -> memref<26x64xf32, #tpu.memory_space<vmem>>
        %dma_wait3A_1468 = arith.constant 0 : i32
        %dma_wait3A_1469 = arith.constant 0 : i32
        %dma_wait3A_1470 = tpu.memref_slice %arg4[%dma_wait3A_1462, %dma_wait3A_1468, %dma_wait3A_1469] : memref<16384x32x128xf32, #tpu.memory_space<hbm>> -> memref<1x26x64xf32, #tpu.memory_space<hbm>>
        %dma_wait3A_1471 = tpu.memref_squeeze %dma_wait3A_1470 : memref<1x26x64xf32, #tpu.memory_space<hbm>> -> memref<26x64xf32, #tpu.memory_space<hbm>>
        %dma_wait3A_1472 = arith.constant 0 : i32
        %dma_wait3A_1473 = arith.constant 0 : i32
        %dma_wait3A_1474 = tpu.memref_slice %arg6[%dma_wait3A_1463, %dma_wait3A_1472, %dma_wait3A_1473] : memref<8x104x64xf32, #tpu.memory_space<vmem>> -> memref<1x26x64xf32, #tpu.memory_space<vmem>>
        %dma_wait3A_1475 = tpu.memref_squeeze %dma_wait3A_1474 : memref<1x26x64xf32, #tpu.memory_space<vmem>> -> memref<26x64xf32, #tpu.memory_space<vmem>>
        %dma_wait3A_1476 = arith.constant 0 : i32
        %dma_wait3A_1477 = arith.constant 0 : i32
        %dma_wait3A_1478 = tpu.memref_slice %arg4[%dma_wait3A_1462, %dma_wait3A_1476, %dma_wait3A_1477] : memref<16384x32x128xf32, #tpu.memory_space<hbm>> -> memref<1x26x64xf32, #tpu.memory_space<hbm>>
        %dma_wait3A_1479 = tpu.memref_squeeze %dma_wait3A_1478 : memref<1x26x64xf32, #tpu.memory_space<hbm>> -> memref<26x64xf32, #tpu.memory_space<hbm>>
        tpu.wait_dma2 semaphore(%arg22 : memref<!tpu.dma_semaphore, #tpu.memory_space<semaphore_mem>>) src(%dma_wait3A_1479 : memref<26x64xf32, #tpu.memory_space<hbm>>) dst(%dma_wait3A_1475 : memref<26x64xf32, #tpu.memory_space<vmem>>)
        %dma_wait3A_1480 = arith.constant 0 : i32
        %dma_wait3A_1481 = arith.constant 6 : i32
        %dma_wait3A_1482 = arith.constant 26 : i32
        %dma_wait3A_1483 = arith.constant 0 : i32
        %dma_wait3A_1484 = tpu.memref_slice %arg6[%dma_wait3A_1481, %dma_wait3A_1482, %dma_wait3A_1483] : memref<8x104x64xf32, #tpu.memory_space<vmem>> -> memref<1x26x64xf32, #tpu.memory_space<vmem>>
        %dma_wait3A_1485 = tpu.memref_squeeze %dma_wait3A_1484 : memref<1x26x64xf32, #tpu.memory_space<vmem>> -> memref<26x64xf32, #tpu.memory_space<vmem>>
        %dma_wait3A_1486 = arith.constant 0 : i32
        %dma_wait3A_1487 = arith.constant 0 : i32
        %dma_wait3A_1488 = tpu.memref_slice %arg4[%dma_wait3A_1480, %dma_wait3A_1486, %dma_wait3A_1487] : memref<16384x32x128xf32, #tpu.memory_space<hbm>> -> memref<1x26x64xf32, #tpu.memory_space<hbm>>
        %dma_wait3A_1489 = tpu.memref_squeeze %dma_wait3A_1488 : memref<1x26x64xf32, #tpu.memory_space<hbm>> -> memref<26x64xf32, #tpu.memory_space<hbm>>
        %dma_wait3A_1490 = arith.constant 26 : i32
        %dma_wait3A_1491 = arith.constant 0 : i32
        %dma_wait3A_1492 = tpu.memref_slice %arg6[%dma_wait3A_1481, %dma_wait3A_1490, %dma_wait3A_1491] : memref<8x104x64xf32, #tpu.memory_space<vmem>> -> memref<1x26x64xf32, #tpu.memory_space<vmem>>
        %dma_wait3A_1493 = tpu.memref_squeeze %dma_wait3A_1492 : memref<1x26x64xf32, #tpu.memory_space<vmem>> -> memref<26x64xf32, #tpu.memory_space<vmem>>
        %dma_wait3A_1494 = arith.constant 0 : i32
        %dma_wait3A_1495 = arith.constant 0 : i32
        %dma_wait3A_1496 = tpu.memref_slice %arg4[%dma_wait3A_1480, %dma_wait3A_1494, %dma_wait3A_1495] : memref<16384x32x128xf32, #tpu.memory_space<hbm>> -> memref<1x26x64xf32, #tpu.memory_space<hbm>>
        %dma_wait3A_1497 = tpu.memref_squeeze %dma_wait3A_1496 : memref<1x26x64xf32, #tpu.memory_space<hbm>> -> memref<26x64xf32, #tpu.memory_space<hbm>>
        tpu.wait_dma2 semaphore(%arg22 : memref<!tpu.dma_semaphore, #tpu.memory_space<semaphore_mem>>) src(%dma_wait3A_1497 : memref<26x64xf32, #tpu.memory_space<hbm>>) dst(%dma_wait3A_1493 : memref<26x64xf32, #tpu.memory_space<vmem>>)
        %dma_wait3A_1498 = arith.constant 0 : i32
        %dma_wait3A_1499 = arith.constant 6 : i32
        %dma_wait3A_1500 = arith.constant 52 : i32
        %dma_wait3A_1501 = arith.constant 0 : i32
        %dma_wait3A_1502 = tpu.memref_slice %arg6[%dma_wait3A_1499, %dma_wait3A_1500, %dma_wait3A_1501] : memref<8x104x64xf32, #tpu.memory_space<vmem>> -> memref<1x26x64xf32, #tpu.memory_space<vmem>>
        %dma_wait3A_1503 = tpu.memref_squeeze %dma_wait3A_1502 : memref<1x26x64xf32, #tpu.memory_space<vmem>> -> memref<26x64xf32, #tpu.memory_space<vmem>>
        %dma_wait3A_1504 = arith.constant 0 : i32
        %dma_wait3A_1505 = arith.constant 0 : i32
        %dma_wait3A_1506 = tpu.memref_slice %arg4[%dma_wait3A_1498, %dma_wait3A_1504, %dma_wait3A_1505] : memref<16384x32x128xf32, #tpu.memory_space<hbm>> -> memref<1x26x64xf32, #tpu.memory_space<hbm>>
        %dma_wait3A_1507 = tpu.memref_squeeze %dma_wait3A_1506 : memref<1x26x64xf32, #tpu.memory_space<hbm>> -> memref<26x64xf32, #tpu.memory_space<hbm>>
        %dma_wait3A_1508 = arith.constant 52 : i32
        %dma_wait3A_1509 = arith.constant 0 : i32
        %dma_wait3A_1510 = tpu.memref_slice %arg6[%dma_wait3A_1499, %dma_wait3A_1508, %dma_wait3A_1509] : memref<8x104x64xf32, #tpu.memory_space<vmem>> -> memref<1x26x64xf32, #tpu.memory_space<vmem>>
        %dma_wait3A_1511 = tpu.memref_squeeze %dma_wait3A_1510 : memref<1x26x64xf32, #tpu.memory_space<vmem>> -> memref<26x64xf32, #tpu.memory_space<vmem>>
        %dma_wait3A_1512 = arith.constant 0 : i32
        %dma_wait3A_1513 = arith.constant 0 : i32
        %dma_wait3A_1514 = tpu.memref_slice %arg4[%dma_wait3A_1498, %dma_wait3A_1512, %dma_wait3A_1513] : memref<16384x32x128xf32, #tpu.memory_space<hbm>> -> memref<1x26x64xf32, #tpu.memory_space<hbm>>
        %dma_wait3A_1515 = tpu.memref_squeeze %dma_wait3A_1514 : memref<1x26x64xf32, #tpu.memory_space<hbm>> -> memref<26x64xf32, #tpu.memory_space<hbm>>
        tpu.wait_dma2 semaphore(%arg22 : memref<!tpu.dma_semaphore, #tpu.memory_space<semaphore_mem>>) src(%dma_wait3A_1515 : memref<26x64xf32, #tpu.memory_space<hbm>>) dst(%dma_wait3A_1511 : memref<26x64xf32, #tpu.memory_space<vmem>>)
        %dma_wait3A_1516 = arith.constant 0 : i32
        %dma_wait3A_1517 = arith.constant 6 : i32
        %dma_wait3A_1518 = arith.constant 78 : i32
        %dma_wait3A_1519 = arith.constant 0 : i32
        %dma_wait3A_1520 = tpu.memref_slice %arg6[%dma_wait3A_1517, %dma_wait3A_1518, %dma_wait3A_1519] : memref<8x104x64xf32, #tpu.memory_space<vmem>> -> memref<1x26x64xf32, #tpu.memory_space<vmem>>
        %dma_wait3A_1521 = tpu.memref_squeeze %dma_wait3A_1520 : memref<1x26x64xf32, #tpu.memory_space<vmem>> -> memref<26x64xf32, #tpu.memory_space<vmem>>
        %dma_wait3A_1522 = arith.constant 0 : i32
        %dma_wait3A_1523 = arith.constant 0 : i32
        %dma_wait3A_1524 = tpu.memref_slice %arg4[%dma_wait3A_1516, %dma_wait3A_1522, %dma_wait3A_1523] : memref<16384x32x128xf32, #tpu.memory_space<hbm>> -> memref<1x26x64xf32, #tpu.memory_space<hbm>>
        %dma_wait3A_1525 = tpu.memref_squeeze %dma_wait3A_1524 : memref<1x26x64xf32, #tpu.memory_space<hbm>> -> memref<26x64xf32, #tpu.memory_space<hbm>>
        %dma_wait3A_1526 = arith.constant 78 : i32
        %dma_wait3A_1527 = arith.constant 0 : i32
        %dma_wait3A_1528 = tpu.memref_slice %arg6[%dma_wait3A_1517, %dma_wait3A_1526, %dma_wait3A_1527] : memref<8x104x64xf32, #tpu.memory_space<vmem>> -> memref<1x26x64xf32, #tpu.memory_space<vmem>>
        %dma_wait3A_1529 = tpu.memref_squeeze %dma_wait3A_1528 : memref<1x26x64xf32, #tpu.memory_space<vmem>> -> memref<26x64xf32, #tpu.memory_space<vmem>>
        %dma_wait3A_1530 = arith.constant 0 : i32
        %dma_wait3A_1531 = arith.constant 0 : i32
        %dma_wait3A_1532 = tpu.memref_slice %arg4[%dma_wait3A_1516, %dma_wait3A_1530, %dma_wait3A_1531] : memref<16384x32x128xf32, #tpu.memory_space<hbm>> -> memref<1x26x64xf32, #tpu.memory_space<hbm>>
        %dma_wait3A_1533 = tpu.memref_squeeze %dma_wait3A_1532 : memref<1x26x64xf32, #tpu.memory_space<hbm>> -> memref<26x64xf32, #tpu.memory_space<hbm>>
        tpu.wait_dma2 semaphore(%arg22 : memref<!tpu.dma_semaphore, #tpu.memory_space<semaphore_mem>>) src(%dma_wait3A_1533 : memref<26x64xf32, #tpu.memory_space<hbm>>) dst(%dma_wait3A_1529 : memref<26x64xf32, #tpu.memory_space<vmem>>)
        %add3A_1534 = arith.constant 8 : i32
        %add3A_1535 = arith.addi %mul3A_93, %add3A_1534 : i32
        %add3A_1536 = arith.constant 6 : i32
        %add3A_1537 = arith.addi %add3A_1535, %add3A_1536 : i32
        %mul3A_1538 = arith.constant 104 : i32
        %mul3A_1539 = arith.muli %add3A_1537, %mul3A_1538 : i32
        %dma_start3A_1540 = arith.constant 6 : i32
        %dma_start3A_1541 = arith.constant 0 : i32
        %dma_start3A_1542 = arith.constant 0 : i32
        %dma_start3A_1543 = tpu.memref_slice %arg6[%dma_start3A_1540, %dma_start3A_1541, %dma_start3A_1542] : memref<8x104x64xf32, #tpu.memory_space<vmem>> -> memref<1x104x64xf32, #tpu.memory_space<vmem>>
        %dma_start3A_1544 = tpu.memref_squeeze %dma_start3A_1543 : memref<1x104x64xf32, #tpu.memory_space<vmem>> -> memref<104x64xf32, #tpu.memory_space<vmem>>
        %dma_start3A_1545 = tpu.memref_slice %arg5[%mul3A_1539] : memref<13312xi32, #tpu.memory_space<vmem>> -> memref<104xi32, #tpu.memory_space<vmem>>
        %dma_start3A_1546 = arith.constant 0 : i32
        %dma_start3A_1547 = arith.constant 0 : i32
        %dma_start3A_1548 = tpu.memref_slice %arg2[%dma_start3A_1546, %dma_start3A_1547] : memref<1000000x64xf32, #tpu.memory_space<hbm>> -> memref<1000000x64xf32, #tpu.memory_space<hbm>>
        tpu.enqueue_indirect_dma source(%dma_start3A_1548 : memref<1000000x64xf32, #tpu.memory_space<hbm>>) target(%dma_start3A_1544 : memref<104x64xf32, #tpu.memory_space<vmem>>) offsets(%dma_start3A_1545 : memref<104xi32, #tpu.memory_space<vmem>>) semaphore(%arg14 : memref<!tpu.dma_semaphore, #tpu.memory_space<semaphore_mem>>)
        %dma_wait3A_1549 = arith.constant 0 : i32
        %dma_wait3A_1550 = arith.constant 7 : i32
        %dma_wait3A_1551 = arith.constant 0 : i32
        %dma_wait3A_1552 = arith.constant 0 : i32
        %dma_wait3A_1553 = tpu.memref_slice %arg6[%dma_wait3A_1550, %dma_wait3A_1551, %dma_wait3A_1552] : memref<8x104x64xf32, #tpu.memory_space<vmem>> -> memref<1x26x64xf32, #tpu.memory_space<vmem>>
        %dma_wait3A_1554 = tpu.memref_squeeze %dma_wait3A_1553 : memref<1x26x64xf32, #tpu.memory_space<vmem>> -> memref<26x64xf32, #tpu.memory_space<vmem>>
        %dma_wait3A_1555 = arith.constant 0 : i32
        %dma_wait3A_1556 = arith.constant 0 : i32
        %dma_wait3A_1557 = tpu.memref_slice %arg4[%dma_wait3A_1549, %dma_wait3A_1555, %dma_wait3A_1556] : memref<16384x32x128xf32, #tpu.memory_space<hbm>> -> memref<1x26x64xf32, #tpu.memory_space<hbm>>
        %dma_wait3A_1558 = tpu.memref_squeeze %dma_wait3A_1557 : memref<1x26x64xf32, #tpu.memory_space<hbm>> -> memref<26x64xf32, #tpu.memory_space<hbm>>
        %dma_wait3A_1559 = arith.constant 0 : i32
        %dma_wait3A_1560 = arith.constant 0 : i32
        %dma_wait3A_1561 = tpu.memref_slice %arg6[%dma_wait3A_1550, %dma_wait3A_1559, %dma_wait3A_1560] : memref<8x104x64xf32, #tpu.memory_space<vmem>> -> memref<1x26x64xf32, #tpu.memory_space<vmem>>
        %dma_wait3A_1562 = tpu.memref_squeeze %dma_wait3A_1561 : memref<1x26x64xf32, #tpu.memory_space<vmem>> -> memref<26x64xf32, #tpu.memory_space<vmem>>
        %dma_wait3A_1563 = arith.constant 0 : i32
        %dma_wait3A_1564 = arith.constant 0 : i32
        %dma_wait3A_1565 = tpu.memref_slice %arg4[%dma_wait3A_1549, %dma_wait3A_1563, %dma_wait3A_1564] : memref<16384x32x128xf32, #tpu.memory_space<hbm>> -> memref<1x26x64xf32, #tpu.memory_space<hbm>>
        %dma_wait3A_1566 = tpu.memref_squeeze %dma_wait3A_1565 : memref<1x26x64xf32, #tpu.memory_space<hbm>> -> memref<26x64xf32, #tpu.memory_space<hbm>>
        tpu.wait_dma2 semaphore(%arg23 : memref<!tpu.dma_semaphore, #tpu.memory_space<semaphore_mem>>) src(%dma_wait3A_1566 : memref<26x64xf32, #tpu.memory_space<hbm>>) dst(%dma_wait3A_1562 : memref<26x64xf32, #tpu.memory_space<vmem>>)
        %dma_wait3A_1567 = arith.constant 0 : i32
        %dma_wait3A_1568 = arith.constant 7 : i32
        %dma_wait3A_1569 = arith.constant 26 : i32
        %dma_wait3A_1570 = arith.constant 0 : i32
        %dma_wait3A_1571 = tpu.memref_slice %arg6[%dma_wait3A_1568, %dma_wait3A_1569, %dma_wait3A_1570] : memref<8x104x64xf32, #tpu.memory_space<vmem>> -> memref<1x26x64xf32, #tpu.memory_space<vmem>>
        %dma_wait3A_1572 = tpu.memref_squeeze %dma_wait3A_1571 : memref<1x26x64xf32, #tpu.memory_space<vmem>> -> memref<26x64xf32, #tpu.memory_space<vmem>>
        %dma_wait3A_1573 = arith.constant 0 : i32
        %dma_wait3A_1574 = arith.constant 0 : i32
        %dma_wait3A_1575 = tpu.memref_slice %arg4[%dma_wait3A_1567, %dma_wait3A_1573, %dma_wait3A_1574] : memref<16384x32x128xf32, #tpu.memory_space<hbm>> -> memref<1x26x64xf32, #tpu.memory_space<hbm>>
        %dma_wait3A_1576 = tpu.memref_squeeze %dma_wait3A_1575 : memref<1x26x64xf32, #tpu.memory_space<hbm>> -> memref<26x64xf32, #tpu.memory_space<hbm>>
        %dma_wait3A_1577 = arith.constant 26 : i32
        %dma_wait3A_1578 = arith.constant 0 : i32
        %dma_wait3A_1579 = tpu.memref_slice %arg6[%dma_wait3A_1568, %dma_wait3A_1577, %dma_wait3A_1578] : memref<8x104x64xf32, #tpu.memory_space<vmem>> -> memref<1x26x64xf32, #tpu.memory_space<vmem>>
        %dma_wait3A_1580 = tpu.memref_squeeze %dma_wait3A_1579 : memref<1x26x64xf32, #tpu.memory_space<vmem>> -> memref<26x64xf32, #tpu.memory_space<vmem>>
        %dma_wait3A_1581 = arith.constant 0 : i32
        %dma_wait3A_1582 = arith.constant 0 : i32
        %dma_wait3A_1583 = tpu.memref_slice %arg4[%dma_wait3A_1567, %dma_wait3A_1581, %dma_wait3A_1582] : memref<16384x32x128xf32, #tpu.memory_space<hbm>> -> memref<1x26x64xf32, #tpu.memory_space<hbm>>
        %dma_wait3A_1584 = tpu.memref_squeeze %dma_wait3A_1583 : memref<1x26x64xf32, #tpu.memory_space<hbm>> -> memref<26x64xf32, #tpu.memory_space<hbm>>
        tpu.wait_dma2 semaphore(%arg23 : memref<!tpu.dma_semaphore, #tpu.memory_space<semaphore_mem>>) src(%dma_wait3A_1584 : memref<26x64xf32, #tpu.memory_space<hbm>>) dst(%dma_wait3A_1580 : memref<26x64xf32, #tpu.memory_space<vmem>>)
        %dma_wait3A_1585 = arith.constant 0 : i32
        %dma_wait3A_1586 = arith.constant 7 : i32
        %dma_wait3A_1587 = arith.constant 52 : i32
        %dma_wait3A_1588 = arith.constant 0 : i32
        %dma_wait3A_1589 = tpu.memref_slice %arg6[%dma_wait3A_1586, %dma_wait3A_1587, %dma_wait3A_1588] : memref<8x104x64xf32, #tpu.memory_space<vmem>> -> memref<1x26x64xf32, #tpu.memory_space<vmem>>
        %dma_wait3A_1590 = tpu.memref_squeeze %dma_wait3A_1589 : memref<1x26x64xf32, #tpu.memory_space<vmem>> -> memref<26x64xf32, #tpu.memory_space<vmem>>
        %dma_wait3A_1591 = arith.constant 0 : i32
        %dma_wait3A_1592 = arith.constant 0 : i32
        %dma_wait3A_1593 = tpu.memref_slice %arg4[%dma_wait3A_1585, %dma_wait3A_1591, %dma_wait3A_1592] : memref<16384x32x128xf32, #tpu.memory_space<hbm>> -> memref<1x26x64xf32, #tpu.memory_space<hbm>>
        %dma_wait3A_1594 = tpu.memref_squeeze %dma_wait3A_1593 : memref<1x26x64xf32, #tpu.memory_space<hbm>> -> memref<26x64xf32, #tpu.memory_space<hbm>>
        %dma_wait3A_1595 = arith.constant 52 : i32
        %dma_wait3A_1596 = arith.constant 0 : i32
        %dma_wait3A_1597 = tpu.memref_slice %arg6[%dma_wait3A_1586, %dma_wait3A_1595, %dma_wait3A_1596] : memref<8x104x64xf32, #tpu.memory_space<vmem>> -> memref<1x26x64xf32, #tpu.memory_space<vmem>>
        %dma_wait3A_1598 = tpu.memref_squeeze %dma_wait3A_1597 : memref<1x26x64xf32, #tpu.memory_space<vmem>> -> memref<26x64xf32, #tpu.memory_space<vmem>>
        %dma_wait3A_1599 = arith.constant 0 : i32
        %dma_wait3A_1600 = arith.constant 0 : i32
        %dma_wait3A_1601 = tpu.memref_slice %arg4[%dma_wait3A_1585, %dma_wait3A_1599, %dma_wait3A_1600] : memref<16384x32x128xf32, #tpu.memory_space<hbm>> -> memref<1x26x64xf32, #tpu.memory_space<hbm>>
        %dma_wait3A_1602 = tpu.memref_squeeze %dma_wait3A_1601 : memref<1x26x64xf32, #tpu.memory_space<hbm>> -> memref<26x64xf32, #tpu.memory_space<hbm>>
        tpu.wait_dma2 semaphore(%arg23 : memref<!tpu.dma_semaphore, #tpu.memory_space<semaphore_mem>>) src(%dma_wait3A_1602 : memref<26x64xf32, #tpu.memory_space<hbm>>) dst(%dma_wait3A_1598 : memref<26x64xf32, #tpu.memory_space<vmem>>)
        %dma_wait3A_1603 = arith.constant 0 : i32
        %dma_wait3A_1604 = arith.constant 7 : i32
        %dma_wait3A_1605 = arith.constant 78 : i32
        %dma_wait3A_1606 = arith.constant 0 : i32
        %dma_wait3A_1607 = tpu.memref_slice %arg6[%dma_wait3A_1604, %dma_wait3A_1605, %dma_wait3A_1606] : memref<8x104x64xf32, #tpu.memory_space<vmem>> -> memref<1x26x64xf32, #tpu.memory_space<vmem>>
        %dma_wait3A_1608 = tpu.memref_squeeze %dma_wait3A_1607 : memref<1x26x64xf32, #tpu.memory_space<vmem>> -> memref<26x64xf32, #tpu.memory_space<vmem>>
        %dma_wait3A_1609 = arith.constant 0 : i32
        %dma_wait3A_1610 = arith.constant 0 : i32
        %dma_wait3A_1611 = tpu.memref_slice %arg4[%dma_wait3A_1603, %dma_wait3A_1609, %dma_wait3A_1610] : memref<16384x32x128xf32, #tpu.memory_space<hbm>> -> memref<1x26x64xf32, #tpu.memory_space<hbm>>
        %dma_wait3A_1612 = tpu.memref_squeeze %dma_wait3A_1611 : memref<1x26x64xf32, #tpu.memory_space<hbm>> -> memref<26x64xf32, #tpu.memory_space<hbm>>
        %dma_wait3A_1613 = arith.constant 78 : i32
        %dma_wait3A_1614 = arith.constant 0 : i32
        %dma_wait3A_1615 = tpu.memref_slice %arg6[%dma_wait3A_1604, %dma_wait3A_1613, %dma_wait3A_1614] : memref<8x104x64xf32, #tpu.memory_space<vmem>> -> memref<1x26x64xf32, #tpu.memory_space<vmem>>
        %dma_wait3A_1616 = tpu.memref_squeeze %dma_wait3A_1615 : memref<1x26x64xf32, #tpu.memory_space<vmem>> -> memref<26x64xf32, #tpu.memory_space<vmem>>
        %dma_wait3A_1617 = arith.constant 0 : i32
        %dma_wait3A_1618 = arith.constant 0 : i32
        %dma_wait3A_1619 = tpu.memref_slice %arg4[%dma_wait3A_1603, %dma_wait3A_1617, %dma_wait3A_1618] : memref<16384x32x128xf32, #tpu.memory_space<hbm>> -> memref<1x26x64xf32, #tpu.memory_space<hbm>>
        %dma_wait3A_1620 = tpu.memref_squeeze %dma_wait3A_1619 : memref<1x26x64xf32, #tpu.memory_space<hbm>> -> memref<26x64xf32, #tpu.memory_space<hbm>>
        tpu.wait_dma2 semaphore(%arg23 : memref<!tpu.dma_semaphore, #tpu.memory_space<semaphore_mem>>) src(%dma_wait3A_1620 : memref<26x64xf32, #tpu.memory_space<hbm>>) dst(%dma_wait3A_1616 : memref<26x64xf32, #tpu.memory_space<vmem>>)
        %add3A_1621 = arith.constant 8 : i32
        %add3A_1622 = arith.addi %mul3A_93, %add3A_1621 : i32
        %add3A_1623 = arith.constant 7 : i32
        %add3A_1624 = arith.addi %add3A_1622, %add3A_1623 : i32
        %mul3A_1625 = arith.constant 104 : i32
        %mul3A_1626 = arith.muli %add3A_1624, %mul3A_1625 : i32
        %dma_start3A_1627 = arith.constant 7 : i32
        %dma_start3A_1628 = arith.constant 0 : i32
        %dma_start3A_1629 = arith.constant 0 : i32
        %dma_start3A_1630 = tpu.memref_slice %arg6[%dma_start3A_1627, %dma_start3A_1628, %dma_start3A_1629] : memref<8x104x64xf32, #tpu.memory_space<vmem>> -> memref<1x104x64xf32, #tpu.memory_space<vmem>>
        %dma_start3A_1631 = tpu.memref_squeeze %dma_start3A_1630 : memref<1x104x64xf32, #tpu.memory_space<vmem>> -> memref<104x64xf32, #tpu.memory_space<vmem>>
        %dma_start3A_1632 = tpu.memref_slice %arg5[%mul3A_1626] : memref<13312xi32, #tpu.memory_space<vmem>> -> memref<104xi32, #tpu.memory_space<vmem>>
        %dma_start3A_1633 = arith.constant 0 : i32
        %dma_start3A_1634 = arith.constant 0 : i32
        %dma_start3A_1635 = tpu.memref_slice %arg2[%dma_start3A_1633, %dma_start3A_1634] : memref<1000000x64xf32, #tpu.memory_space<hbm>> -> memref<1000000x64xf32, #tpu.memory_space<hbm>>
        tpu.enqueue_indirect_dma source(%dma_start3A_1635 : memref<1000000x64xf32, #tpu.memory_space<hbm>>) target(%dma_start3A_1631 : memref<104x64xf32, #tpu.memory_space<vmem>>) offsets(%dma_start3A_1632 : memref<104xi32, #tpu.memory_space<vmem>>) semaphore(%arg15 : memref<!tpu.dma_semaphore, #tpu.memory_space<semaphore_mem>>)
      } else {
      }
      %eq3A = arith.constant 15 : i32
      %eq3A_936 = arith.cmpi eq, %scan3A_91, %eq3A : i32
      %convert_element_type3A_937 = arith.extui %eq3A_936 : i1 to i32
      %cond3A_938 = arith.constant 0 : i32
      %cond3A_939 = arith.cmpi ne, %convert_element_type3A_937, %cond3A_938 : i32
      scf.if %cond3A_939 {
        %dma_wait3A_940 = arith.constant 0 : i32
        %dma_wait3A_941 = arith.constant 0 : i32
        %dma_wait3A_942 = arith.constant 0 : i32
        %dma_wait3A_943 = arith.constant 0 : i32
        %dma_wait3A_944 = tpu.memref_slice %arg6[%dma_wait3A_941, %dma_wait3A_942, %dma_wait3A_943] : memref<8x104x64xf32, #tpu.memory_space<vmem>> -> memref<1x26x64xf32, #tpu.memory_space<vmem>>
        %dma_wait3A_945 = tpu.memref_squeeze %dma_wait3A_944 : memref<1x26x64xf32, #tpu.memory_space<vmem>> -> memref<26x64xf32, #tpu.memory_space<vmem>>
        %dma_wait3A_946 = arith.constant 0 : i32
        %dma_wait3A_947 = arith.constant 0 : i32
        %dma_wait3A_948 = tpu.memref_slice %arg4[%dma_wait3A_940, %dma_wait3A_946, %dma_wait3A_947] : memref<16384x32x128xf32, #tpu.memory_space<hbm>> -> memref<1x26x64xf32, #tpu.memory_space<hbm>>
        %dma_wait3A_949 = tpu.memref_squeeze %dma_wait3A_948 : memref<1x26x64xf32, #tpu.memory_space<hbm>> -> memref<26x64xf32, #tpu.memory_space<hbm>>
        %dma_wait3A_950 = arith.constant 0 : i32
        %dma_wait3A_951 = arith.constant 0 : i32
        %dma_wait3A_952 = tpu.memref_slice %arg6[%dma_wait3A_941, %dma_wait3A_950, %dma_wait3A_951] : memref<8x104x64xf32, #tpu.memory_space<vmem>> -> memref<1x26x64xf32, #tpu.memory_space<vmem>>
        %dma_wait3A_953 = tpu.memref_squeeze %dma_wait3A_952 : memref<1x26x64xf32, #tpu.memory_space<vmem>> -> memref<26x64xf32, #tpu.memory_space<vmem>>
        %dma_wait3A_954 = arith.constant 0 : i32
        %dma_wait3A_955 = arith.constant 0 : i32
        %dma_wait3A_956 = tpu.memref_slice %arg4[%dma_wait3A_940, %dma_wait3A_954, %dma_wait3A_955] : memref<16384x32x128xf32, #tpu.memory_space<hbm>> -> memref<1x26x64xf32, #tpu.memory_space<hbm>>
        %dma_wait3A_957 = tpu.memref_squeeze %dma_wait3A_956 : memref<1x26x64xf32, #tpu.memory_space<hbm>> -> memref<26x64xf32, #tpu.memory_space<hbm>>
        tpu.wait_dma2 semaphore(%arg16 : memref<!tpu.dma_semaphore, #tpu.memory_space<semaphore_mem>>) src(%dma_wait3A_957 : memref<26x64xf32, #tpu.memory_space<hbm>>) dst(%dma_wait3A_953 : memref<26x64xf32, #tpu.memory_space<vmem>>)
        %dma_wait3A_958 = arith.constant 0 : i32
        %dma_wait3A_959 = arith.constant 0 : i32
        %dma_wait3A_960 = arith.constant 26 : i32
        %dma_wait3A_961 = arith.constant 0 : i32
        %dma_wait3A_962 = tpu.memref_slice %arg6[%dma_wait3A_959, %dma_wait3A_960, %dma_wait3A_961] : memref<8x104x64xf32, #tpu.memory_space<vmem>> -> memref<1x26x64xf32, #tpu.memory_space<vmem>>
        %dma_wait3A_963 = tpu.memref_squeeze %dma_wait3A_962 : memref<1x26x64xf32, #tpu.memory_space<vmem>> -> memref<26x64xf32, #tpu.memory_space<vmem>>
        %dma_wait3A_964 = arith.constant 0 : i32
        %dma_wait3A_965 = arith.constant 0 : i32
        %dma_wait3A_966 = tpu.memref_slice %arg4[%dma_wait3A_958, %dma_wait3A_964, %dma_wait3A_965] : memref<16384x32x128xf32, #tpu.memory_space<hbm>> -> memref<1x26x64xf32, #tpu.memory_space<hbm>>
        %dma_wait3A_967 = tpu.memref_squeeze %dma_wait3A_966 : memref<1x26x64xf32, #tpu.memory_space<hbm>> -> memref<26x64xf32, #tpu.memory_space<hbm>>
        %dma_wait3A_968 = arith.constant 26 : i32
        %dma_wait3A_969 = arith.constant 0 : i32
        %dma_wait3A_970 = tpu.memref_slice %arg6[%dma_wait3A_959, %dma_wait3A_968, %dma_wait3A_969] : memref<8x104x64xf32, #tpu.memory_space<vmem>> -> memref<1x26x64xf32, #tpu.memory_space<vmem>>
        %dma_wait3A_971 = tpu.memref_squeeze %dma_wait3A_970 : memref<1x26x64xf32, #tpu.memory_space<vmem>> -> memref<26x64xf32, #tpu.memory_space<vmem>>
        %dma_wait3A_972 = arith.constant 0 : i32
        %dma_wait3A_973 = arith.constant 0 : i32
        %dma_wait3A_974 = tpu.memref_slice %arg4[%dma_wait3A_958, %dma_wait3A_972, %dma_wait3A_973] : memref<16384x32x128xf32, #tpu.memory_space<hbm>> -> memref<1x26x64xf32, #tpu.memory_space<hbm>>
        %dma_wait3A_975 = tpu.memref_squeeze %dma_wait3A_974 : memref<1x26x64xf32, #tpu.memory_space<hbm>> -> memref<26x64xf32, #tpu.memory_space<hbm>>
        tpu.wait_dma2 semaphore(%arg16 : memref<!tpu.dma_semaphore, #tpu.memory_space<semaphore_mem>>) src(%dma_wait3A_975 : memref<26x64xf32, #tpu.memory_space<hbm>>) dst(%dma_wait3A_971 : memref<26x64xf32, #tpu.memory_space<vmem>>)
        %dma_wait3A_976 = arith.constant 0 : i32
        %dma_wait3A_977 = arith.constant 0 : i32
        %dma_wait3A_978 = arith.constant 52 : i32
        %dma_wait3A_979 = arith.constant 0 : i32
        %dma_wait3A_980 = tpu.memref_slice %arg6[%dma_wait3A_977, %dma_wait3A_978, %dma_wait3A_979] : memref<8x104x64xf32, #tpu.memory_space<vmem>> -> memref<1x26x64xf32, #tpu.memory_space<vmem>>
        %dma_wait3A_981 = tpu.memref_squeeze %dma_wait3A_980 : memref<1x26x64xf32, #tpu.memory_space<vmem>> -> memref<26x64xf32, #tpu.memory_space<vmem>>
        %dma_wait3A_982 = arith.constant 0 : i32
        %dma_wait3A_983 = arith.constant 0 : i32
        %dma_wait3A_984 = tpu.memref_slice %arg4[%dma_wait3A_976, %dma_wait3A_982, %dma_wait3A_983] : memref<16384x32x128xf32, #tpu.memory_space<hbm>> -> memref<1x26x64xf32, #tpu.memory_space<hbm>>
        %dma_wait3A_985 = tpu.memref_squeeze %dma_wait3A_984 : memref<1x26x64xf32, #tpu.memory_space<hbm>> -> memref<26x64xf32, #tpu.memory_space<hbm>>
        %dma_wait3A_986 = arith.constant 52 : i32
        %dma_wait3A_987 = arith.constant 0 : i32
        %dma_wait3A_988 = tpu.memref_slice %arg6[%dma_wait3A_977, %dma_wait3A_986, %dma_wait3A_987] : memref<8x104x64xf32, #tpu.memory_space<vmem>> -> memref<1x26x64xf32, #tpu.memory_space<vmem>>
        %dma_wait3A_989 = tpu.memref_squeeze %dma_wait3A_988 : memref<1x26x64xf32, #tpu.memory_space<vmem>> -> memref<26x64xf32, #tpu.memory_space<vmem>>
        %dma_wait3A_990 = arith.constant 0 : i32
        %dma_wait3A_991 = arith.constant 0 : i32
        %dma_wait3A_992 = tpu.memref_slice %arg4[%dma_wait3A_976, %dma_wait3A_990, %dma_wait3A_991] : memref<16384x32x128xf32, #tpu.memory_space<hbm>> -> memref<1x26x64xf32, #tpu.memory_space<hbm>>
        %dma_wait3A_993 = tpu.memref_squeeze %dma_wait3A_992 : memref<1x26x64xf32, #tpu.memory_space<hbm>> -> memref<26x64xf32, #tpu.memory_space<hbm>>
        tpu.wait_dma2 semaphore(%arg16 : memref<!tpu.dma_semaphore, #tpu.memory_space<semaphore_mem>>) src(%dma_wait3A_993 : memref<26x64xf32, #tpu.memory_space<hbm>>) dst(%dma_wait3A_989 : memref<26x64xf32, #tpu.memory_space<vmem>>)
        %dma_wait3A_994 = arith.constant 0 : i32
        %dma_wait3A_995 = arith.constant 0 : i32
        %dma_wait3A_996 = arith.constant 78 : i32
        %dma_wait3A_997 = arith.constant 0 : i32
        %dma_wait3A_998 = tpu.memref_slice %arg6[%dma_wait3A_995, %dma_wait3A_996, %dma_wait3A_997] : memref<8x104x64xf32, #tpu.memory_space<vmem>> -> memref<1x26x64xf32, #tpu.memory_space<vmem>>
        %dma_wait3A_999 = tpu.memref_squeeze %dma_wait3A_998 : memref<1x26x64xf32, #tpu.memory_space<vmem>> -> memref<26x64xf32, #tpu.memory_space<vmem>>
        %dma_wait3A_1000 = arith.constant 0 : i32
        %dma_wait3A_1001 = arith.constant 0 : i32
        %dma_wait3A_1002 = tpu.memref_slice %arg4[%dma_wait3A_994, %dma_wait3A_1000, %dma_wait3A_1001] : memref<16384x32x128xf32, #tpu.memory_space<hbm>> -> memref<1x26x64xf32, #tpu.memory_space<hbm>>
        %dma_wait3A_1003 = tpu.memref_squeeze %dma_wait3A_1002 : memref<1x26x64xf32, #tpu.memory_space<hbm>> -> memref<26x64xf32, #tpu.memory_space<hbm>>
        %dma_wait3A_1004 = arith.constant 78 : i32
        %dma_wait3A_1005 = arith.constant 0 : i32
        %dma_wait3A_1006 = tpu.memref_slice %arg6[%dma_wait3A_995, %dma_wait3A_1004, %dma_wait3A_1005] : memref<8x104x64xf32, #tpu.memory_space<vmem>> -> memref<1x26x64xf32, #tpu.memory_space<vmem>>
        %dma_wait3A_1007 = tpu.memref_squeeze %dma_wait3A_1006 : memref<1x26x64xf32, #tpu.memory_space<vmem>> -> memref<26x64xf32, #tpu.memory_space<vmem>>
        %dma_wait3A_1008 = arith.constant 0 : i32
        %dma_wait3A_1009 = arith.constant 0 : i32
        %dma_wait3A_1010 = tpu.memref_slice %arg4[%dma_wait3A_994, %dma_wait3A_1008, %dma_wait3A_1009] : memref<16384x32x128xf32, #tpu.memory_space<hbm>> -> memref<1x26x64xf32, #tpu.memory_space<hbm>>
        %dma_wait3A_1011 = tpu.memref_squeeze %dma_wait3A_1010 : memref<1x26x64xf32, #tpu.memory_space<hbm>> -> memref<26x64xf32, #tpu.memory_space<hbm>>
        tpu.wait_dma2 semaphore(%arg16 : memref<!tpu.dma_semaphore, #tpu.memory_space<semaphore_mem>>) src(%dma_wait3A_1011 : memref<26x64xf32, #tpu.memory_space<hbm>>) dst(%dma_wait3A_1007 : memref<26x64xf32, #tpu.memory_space<vmem>>)
        %dma_wait3A_1012 = arith.constant 0 : i32
        %dma_wait3A_1013 = arith.constant 1 : i32
        %dma_wait3A_1014 = arith.constant 0 : i32
        %dma_wait3A_1015 = arith.constant 0 : i32
        %dma_wait3A_1016 = tpu.memref_slice %arg6[%dma_wait3A_1013, %dma_wait3A_1014, %dma_wait3A_1015] : memref<8x104x64xf32, #tpu.memory_space<vmem>> -> memref<1x26x64xf32, #tpu.memory_space<vmem>>
        %dma_wait3A_1017 = tpu.memref_squeeze %dma_wait3A_1016 : memref<1x26x64xf32, #tpu.memory_space<vmem>> -> memref<26x64xf32, #tpu.memory_space<vmem>>
        %dma_wait3A_1018 = arith.constant 0 : i32
        %dma_wait3A_1019 = arith.constant 0 : i32
        %dma_wait3A_1020 = tpu.memref_slice %arg4[%dma_wait3A_1012, %dma_wait3A_1018, %dma_wait3A_1019] : memref<16384x32x128xf32, #tpu.memory_space<hbm>> -> memref<1x26x64xf32, #tpu.memory_space<hbm>>
        %dma_wait3A_1021 = tpu.memref_squeeze %dma_wait3A_1020 : memref<1x26x64xf32, #tpu.memory_space<hbm>> -> memref<26x64xf32, #tpu.memory_space<hbm>>
        %dma_wait3A_1022 = arith.constant 0 : i32
        %dma_wait3A_1023 = arith.constant 0 : i32
        %dma_wait3A_1024 = tpu.memref_slice %arg6[%dma_wait3A_1013, %dma_wait3A_1022, %dma_wait3A_1023] : memref<8x104x64xf32, #tpu.memory_space<vmem>> -> memref<1x26x64xf32, #tpu.memory_space<vmem>>
        %dma_wait3A_1025 = tpu.memref_squeeze %dma_wait3A_1024 : memref<1x26x64xf32, #tpu.memory_space<vmem>> -> memref<26x64xf32, #tpu.memory_space<vmem>>
        %dma_wait3A_1026 = arith.constant 0 : i32
        %dma_wait3A_1027 = arith.constant 0 : i32
        %dma_wait3A_1028 = tpu.memref_slice %arg4[%dma_wait3A_1012, %dma_wait3A_1026, %dma_wait3A_1027] : memref<16384x32x128xf32, #tpu.memory_space<hbm>> -> memref<1x26x64xf32, #tpu.memory_space<hbm>>
        %dma_wait3A_1029 = tpu.memref_squeeze %dma_wait3A_1028 : memref<1x26x64xf32, #tpu.memory_space<hbm>> -> memref<26x64xf32, #tpu.memory_space<hbm>>
        tpu.wait_dma2 semaphore(%arg17 : memref<!tpu.dma_semaphore, #tpu.memory_space<semaphore_mem>>) src(%dma_wait3A_1029 : memref<26x64xf32, #tpu.memory_space<hbm>>) dst(%dma_wait3A_1025 : memref<26x64xf32, #tpu.memory_space<vmem>>)
        %dma_wait3A_1030 = arith.constant 0 : i32
        %dma_wait3A_1031 = arith.constant 1 : i32
        %dma_wait3A_1032 = arith.constant 26 : i32
        %dma_wait3A_1033 = arith.constant 0 : i32
        %dma_wait3A_1034 = tpu.memref_slice %arg6[%dma_wait3A_1031, %dma_wait3A_1032, %dma_wait3A_1033] : memref<8x104x64xf32, #tpu.memory_space<vmem>> -> memref<1x26x64xf32, #tpu.memory_space<vmem>>
        %dma_wait3A_1035 = tpu.memref_squeeze %dma_wait3A_1034 : memref<1x26x64xf32, #tpu.memory_space<vmem>> -> memref<26x64xf32, #tpu.memory_space<vmem>>
        %dma_wait3A_1036 = arith.constant 0 : i32
        %dma_wait3A_1037 = arith.constant 0 : i32
        %dma_wait3A_1038 = tpu.memref_slice %arg4[%dma_wait3A_1030, %dma_wait3A_1036, %dma_wait3A_1037] : memref<16384x32x128xf32, #tpu.memory_space<hbm>> -> memref<1x26x64xf32, #tpu.memory_space<hbm>>
        %dma_wait3A_1039 = tpu.memref_squeeze %dma_wait3A_1038 : memref<1x26x64xf32, #tpu.memory_space<hbm>> -> memref<26x64xf32, #tpu.memory_space<hbm>>
        %dma_wait3A_1040 = arith.constant 26 : i32
        %dma_wait3A_1041 = arith.constant 0 : i32
        %dma_wait3A_1042 = tpu.memref_slice %arg6[%dma_wait3A_1031, %dma_wait3A_1040, %dma_wait3A_1041] : memref<8x104x64xf32, #tpu.memory_space<vmem>> -> memref<1x26x64xf32, #tpu.memory_space<vmem>>
        %dma_wait3A_1043 = tpu.memref_squeeze %dma_wait3A_1042 : memref<1x26x64xf32, #tpu.memory_space<vmem>> -> memref<26x64xf32, #tpu.memory_space<vmem>>
        %dma_wait3A_1044 = arith.constant 0 : i32
        %dma_wait3A_1045 = arith.constant 0 : i32
        %dma_wait3A_1046 = tpu.memref_slice %arg4[%dma_wait3A_1030, %dma_wait3A_1044, %dma_wait3A_1045] : memref<16384x32x128xf32, #tpu.memory_space<hbm>> -> memref<1x26x64xf32, #tpu.memory_space<hbm>>
        %dma_wait3A_1047 = tpu.memref_squeeze %dma_wait3A_1046 : memref<1x26x64xf32, #tpu.memory_space<hbm>> -> memref<26x64xf32, #tpu.memory_space<hbm>>
        tpu.wait_dma2 semaphore(%arg17 : memref<!tpu.dma_semaphore, #tpu.memory_space<semaphore_mem>>) src(%dma_wait3A_1047 : memref<26x64xf32, #tpu.memory_space<hbm>>) dst(%dma_wait3A_1043 : memref<26x64xf32, #tpu.memory_space<vmem>>)
        %dma_wait3A_1048 = arith.constant 0 : i32
        %dma_wait3A_1049 = arith.constant 1 : i32
        %dma_wait3A_1050 = arith.constant 52 : i32
        %dma_wait3A_1051 = arith.constant 0 : i32
        %dma_wait3A_1052 = tpu.memref_slice %arg6[%dma_wait3A_1049, %dma_wait3A_1050, %dma_wait3A_1051] : memref<8x104x64xf32, #tpu.memory_space<vmem>> -> memref<1x26x64xf32, #tpu.memory_space<vmem>>
        %dma_wait3A_1053 = tpu.memref_squeeze %dma_wait3A_1052 : memref<1x26x64xf32, #tpu.memory_space<vmem>> -> memref<26x64xf32, #tpu.memory_space<vmem>>
        %dma_wait3A_1054 = arith.constant 0 : i32
        %dma_wait3A_1055 = arith.constant 0 : i32
        %dma_wait3A_1056 = tpu.memref_slice %arg4[%dma_wait3A_1048, %dma_wait3A_1054, %dma_wait3A_1055] : memref<16384x32x128xf32, #tpu.memory_space<hbm>> -> memref<1x26x64xf32, #tpu.memory_space<hbm>>
        %dma_wait3A_1057 = tpu.memref_squeeze %dma_wait3A_1056 : memref<1x26x64xf32, #tpu.memory_space<hbm>> -> memref<26x64xf32, #tpu.memory_space<hbm>>
        %dma_wait3A_1058 = arith.constant 52 : i32
        %dma_wait3A_1059 = arith.constant 0 : i32
        %dma_wait3A_1060 = tpu.memref_slice %arg6[%dma_wait3A_1049, %dma_wait3A_1058, %dma_wait3A_1059] : memref<8x104x64xf32, #tpu.memory_space<vmem>> -> memref<1x26x64xf32, #tpu.memory_space<vmem>>
        %dma_wait3A_1061 = tpu.memref_squeeze %dma_wait3A_1060 : memref<1x26x64xf32, #tpu.memory_space<vmem>> -> memref<26x64xf32, #tpu.memory_space<vmem>>
        %dma_wait3A_1062 = arith.constant 0 : i32
        %dma_wait3A_1063 = arith.constant 0 : i32
        %dma_wait3A_1064 = tpu.memref_slice %arg4[%dma_wait3A_1048, %dma_wait3A_1062, %dma_wait3A_1063] : memref<16384x32x128xf32, #tpu.memory_space<hbm>> -> memref<1x26x64xf32, #tpu.memory_space<hbm>>
        %dma_wait3A_1065 = tpu.memref_squeeze %dma_wait3A_1064 : memref<1x26x64xf32, #tpu.memory_space<hbm>> -> memref<26x64xf32, #tpu.memory_space<hbm>>
        tpu.wait_dma2 semaphore(%arg17 : memref<!tpu.dma_semaphore, #tpu.memory_space<semaphore_mem>>) src(%dma_wait3A_1065 : memref<26x64xf32, #tpu.memory_space<hbm>>) dst(%dma_wait3A_1061 : memref<26x64xf32, #tpu.memory_space<vmem>>)
        %dma_wait3A_1066 = arith.constant 0 : i32
        %dma_wait3A_1067 = arith.constant 1 : i32
        %dma_wait3A_1068 = arith.constant 78 : i32
        %dma_wait3A_1069 = arith.constant 0 : i32
        %dma_wait3A_1070 = tpu.memref_slice %arg6[%dma_wait3A_1067, %dma_wait3A_1068, %dma_wait3A_1069] : memref<8x104x64xf32, #tpu.memory_space<vmem>> -> memref<1x26x64xf32, #tpu.memory_space<vmem>>
        %dma_wait3A_1071 = tpu.memref_squeeze %dma_wait3A_1070 : memref<1x26x64xf32, #tpu.memory_space<vmem>> -> memref<26x64xf32, #tpu.memory_space<vmem>>
        %dma_wait3A_1072 = arith.constant 0 : i32
        %dma_wait3A_1073 = arith.constant 0 : i32
        %dma_wait3A_1074 = tpu.memref_slice %arg4[%dma_wait3A_1066, %dma_wait3A_1072, %dma_wait3A_1073] : memref<16384x32x128xf32, #tpu.memory_space<hbm>> -> memref<1x26x64xf32, #tpu.memory_space<hbm>>
        %dma_wait3A_1075 = tpu.memref_squeeze %dma_wait3A_1074 : memref<1x26x64xf32, #tpu.memory_space<hbm>> -> memref<26x64xf32, #tpu.memory_space<hbm>>
        %dma_wait3A_1076 = arith.constant 78 : i32
        %dma_wait3A_1077 = arith.constant 0 : i32
        %dma_wait3A_1078 = tpu.memref_slice %arg6[%dma_wait3A_1067, %dma_wait3A_1076, %dma_wait3A_1077] : memref<8x104x64xf32, #tpu.memory_space<vmem>> -> memref<1x26x64xf32, #tpu.memory_space<vmem>>
        %dma_wait3A_1079 = tpu.memref_squeeze %dma_wait3A_1078 : memref<1x26x64xf32, #tpu.memory_space<vmem>> -> memref<26x64xf32, #tpu.memory_space<vmem>>
        %dma_wait3A_1080 = arith.constant 0 : i32
        %dma_wait3A_1081 = arith.constant 0 : i32
        %dma_wait3A_1082 = tpu.memref_slice %arg4[%dma_wait3A_1066, %dma_wait3A_1080, %dma_wait3A_1081] : memref<16384x32x128xf32, #tpu.memory_space<hbm>> -> memref<1x26x64xf32, #tpu.memory_space<hbm>>
        %dma_wait3A_1083 = tpu.memref_squeeze %dma_wait3A_1082 : memref<1x26x64xf32, #tpu.memory_space<hbm>> -> memref<26x64xf32, #tpu.memory_space<hbm>>
        tpu.wait_dma2 semaphore(%arg17 : memref<!tpu.dma_semaphore, #tpu.memory_space<semaphore_mem>>) src(%dma_wait3A_1083 : memref<26x64xf32, #tpu.memory_space<hbm>>) dst(%dma_wait3A_1079 : memref<26x64xf32, #tpu.memory_space<vmem>>)
        %dma_wait3A_1084 = arith.constant 0 : i32
        %dma_wait3A_1085 = arith.constant 2 : i32
        %dma_wait3A_1086 = arith.constant 0 : i32
        %dma_wait3A_1087 = arith.constant 0 : i32
        %dma_wait3A_1088 = tpu.memref_slice %arg6[%dma_wait3A_1085, %dma_wait3A_1086, %dma_wait3A_1087] : memref<8x104x64xf32, #tpu.memory_space<vmem>> -> memref<1x26x64xf32, #tpu.memory_space<vmem>>
        %dma_wait3A_1089 = tpu.memref_squeeze %dma_wait3A_1088 : memref<1x26x64xf32, #tpu.memory_space<vmem>> -> memref<26x64xf32, #tpu.memory_space<vmem>>
        %dma_wait3A_1090 = arith.constant 0 : i32
        %dma_wait3A_1091 = arith.constant 0 : i32
        %dma_wait3A_1092 = tpu.memref_slice %arg4[%dma_wait3A_1084, %dma_wait3A_1090, %dma_wait3A_1091] : memref<16384x32x128xf32, #tpu.memory_space<hbm>> -> memref<1x26x64xf32, #tpu.memory_space<hbm>>
        %dma_wait3A_1093 = tpu.memref_squeeze %dma_wait3A_1092 : memref<1x26x64xf32, #tpu.memory_space<hbm>> -> memref<26x64xf32, #tpu.memory_space<hbm>>
        %dma_wait3A_1094 = arith.constant 0 : i32
        %dma_wait3A_1095 = arith.constant 0 : i32
        %dma_wait3A_1096 = tpu.memref_slice %arg6[%dma_wait3A_1085, %dma_wait3A_1094, %dma_wait3A_1095] : memref<8x104x64xf32, #tpu.memory_space<vmem>> -> memref<1x26x64xf32, #tpu.memory_space<vmem>>
        %dma_wait3A_1097 = tpu.memref_squeeze %dma_wait3A_1096 : memref<1x26x64xf32, #tpu.memory_space<vmem>> -> memref<26x64xf32, #tpu.memory_space<vmem>>
        %dma_wait3A_1098 = arith.constant 0 : i32
        %dma_wait3A_1099 = arith.constant 0 : i32
        %dma_wait3A_1100 = tpu.memref_slice %arg4[%dma_wait3A_1084, %dma_wait3A_1098, %dma_wait3A_1099] : memref<16384x32x128xf32, #tpu.memory_space<hbm>> -> memref<1x26x64xf32, #tpu.memory_space<hbm>>
        %dma_wait3A_1101 = tpu.memref_squeeze %dma_wait3A_1100 : memref<1x26x64xf32, #tpu.memory_space<hbm>> -> memref<26x64xf32, #tpu.memory_space<hbm>>
        tpu.wait_dma2 semaphore(%arg18 : memref<!tpu.dma_semaphore, #tpu.memory_space<semaphore_mem>>) src(%dma_wait3A_1101 : memref<26x64xf32, #tpu.memory_space<hbm>>) dst(%dma_wait3A_1097 : memref<26x64xf32, #tpu.memory_space<vmem>>)
        %dma_wait3A_1102 = arith.constant 0 : i32
        %dma_wait3A_1103 = arith.constant 2 : i32
        %dma_wait3A_1104 = arith.constant 26 : i32
        %dma_wait3A_1105 = arith.constant 0 : i32
        %dma_wait3A_1106 = tpu.memref_slice %arg6[%dma_wait3A_1103, %dma_wait3A_1104, %dma_wait3A_1105] : memref<8x104x64xf32, #tpu.memory_space<vmem>> -> memref<1x26x64xf32, #tpu.memory_space<vmem>>
        %dma_wait3A_1107 = tpu.memref_squeeze %dma_wait3A_1106 : memref<1x26x64xf32, #tpu.memory_space<vmem>> -> memref<26x64xf32, #tpu.memory_space<vmem>>
        %dma_wait3A_1108 = arith.constant 0 : i32
        %dma_wait3A_1109 = arith.constant 0 : i32
        %dma_wait3A_1110 = tpu.memref_slice %arg4[%dma_wait3A_1102, %dma_wait3A_1108, %dma_wait3A_1109] : memref<16384x32x128xf32, #tpu.memory_space<hbm>> -> memref<1x26x64xf32, #tpu.memory_space<hbm>>
        %dma_wait3A_1111 = tpu.memref_squeeze %dma_wait3A_1110 : memref<1x26x64xf32, #tpu.memory_space<hbm>> -> memref<26x64xf32, #tpu.memory_space<hbm>>
        %dma_wait3A_1112 = arith.constant 26 : i32
        %dma_wait3A_1113 = arith.constant 0 : i32
        %dma_wait3A_1114 = tpu.memref_slice %arg6[%dma_wait3A_1103, %dma_wait3A_1112, %dma_wait3A_1113] : memref<8x104x64xf32, #tpu.memory_space<vmem>> -> memref<1x26x64xf32, #tpu.memory_space<vmem>>
        %dma_wait3A_1115 = tpu.memref_squeeze %dma_wait3A_1114 : memref<1x26x64xf32, #tpu.memory_space<vmem>> -> memref<26x64xf32, #tpu.memory_space<vmem>>
        %dma_wait3A_1116 = arith.constant 0 : i32
        %dma_wait3A_1117 = arith.constant 0 : i32
        %dma_wait3A_1118 = tpu.memref_slice %arg4[%dma_wait3A_1102, %dma_wait3A_1116, %dma_wait3A_1117] : memref<16384x32x128xf32, #tpu.memory_space<hbm>> -> memref<1x26x64xf32, #tpu.memory_space<hbm>>
        %dma_wait3A_1119 = tpu.memref_squeeze %dma_wait3A_1118 : memref<1x26x64xf32, #tpu.memory_space<hbm>> -> memref<26x64xf32, #tpu.memory_space<hbm>>
        tpu.wait_dma2 semaphore(%arg18 : memref<!tpu.dma_semaphore, #tpu.memory_space<semaphore_mem>>) src(%dma_wait3A_1119 : memref<26x64xf32, #tpu.memory_space<hbm>>) dst(%dma_wait3A_1115 : memref<26x64xf32, #tpu.memory_space<vmem>>)
        %dma_wait3A_1120 = arith.constant 0 : i32
        %dma_wait3A_1121 = arith.constant 2 : i32
        %dma_wait3A_1122 = arith.constant 52 : i32
        %dma_wait3A_1123 = arith.constant 0 : i32
        %dma_wait3A_1124 = tpu.memref_slice %arg6[%dma_wait3A_1121, %dma_wait3A_1122, %dma_wait3A_1123] : memref<8x104x64xf32, #tpu.memory_space<vmem>> -> memref<1x26x64xf32, #tpu.memory_space<vmem>>
        %dma_wait3A_1125 = tpu.memref_squeeze %dma_wait3A_1124 : memref<1x26x64xf32, #tpu.memory_space<vmem>> -> memref<26x64xf32, #tpu.memory_space<vmem>>
        %dma_wait3A_1126 = arith.constant 0 : i32
        %dma_wait3A_1127 = arith.constant 0 : i32
        %dma_wait3A_1128 = tpu.memref_slice %arg4[%dma_wait3A_1120, %dma_wait3A_1126, %dma_wait3A_1127] : memref<16384x32x128xf32, #tpu.memory_space<hbm>> -> memref<1x26x64xf32, #tpu.memory_space<hbm>>
        %dma_wait3A_1129 = tpu.memref_squeeze %dma_wait3A_1128 : memref<1x26x64xf32, #tpu.memory_space<hbm>> -> memref<26x64xf32, #tpu.memory_space<hbm>>
        %dma_wait3A_1130 = arith.constant 52 : i32
        %dma_wait3A_1131 = arith.constant 0 : i32
        %dma_wait3A_1132 = tpu.memref_slice %arg6[%dma_wait3A_1121, %dma_wait3A_1130, %dma_wait3A_1131] : memref<8x104x64xf32, #tpu.memory_space<vmem>> -> memref<1x26x64xf32, #tpu.memory_space<vmem>>
        %dma_wait3A_1133 = tpu.memref_squeeze %dma_wait3A_1132 : memref<1x26x64xf32, #tpu.memory_space<vmem>> -> memref<26x64xf32, #tpu.memory_space<vmem>>
        %dma_wait3A_1134 = arith.constant 0 : i32
        %dma_wait3A_1135 = arith.constant 0 : i32
        %dma_wait3A_1136 = tpu.memref_slice %arg4[%dma_wait3A_1120, %dma_wait3A_1134, %dma_wait3A_1135] : memref<16384x32x128xf32, #tpu.memory_space<hbm>> -> memref<1x26x64xf32, #tpu.memory_space<hbm>>
        %dma_wait3A_1137 = tpu.memref_squeeze %dma_wait3A_1136 : memref<1x26x64xf32, #tpu.memory_space<hbm>> -> memref<26x64xf32, #tpu.memory_space<hbm>>
        tpu.wait_dma2 semaphore(%arg18 : memref<!tpu.dma_semaphore, #tpu.memory_space<semaphore_mem>>) src(%dma_wait3A_1137 : memref<26x64xf32, #tpu.memory_space<hbm>>) dst(%dma_wait3A_1133 : memref<26x64xf32, #tpu.memory_space<vmem>>)
        %dma_wait3A_1138 = arith.constant 0 : i32
        %dma_wait3A_1139 = arith.constant 2 : i32
        %dma_wait3A_1140 = arith.constant 78 : i32
        %dma_wait3A_1141 = arith.constant 0 : i32
        %dma_wait3A_1142 = tpu.memref_slice %arg6[%dma_wait3A_1139, %dma_wait3A_1140, %dma_wait3A_1141] : memref<8x104x64xf32, #tpu.memory_space<vmem>> -> memref<1x26x64xf32, #tpu.memory_space<vmem>>
        %dma_wait3A_1143 = tpu.memref_squeeze %dma_wait3A_1142 : memref<1x26x64xf32, #tpu.memory_space<vmem>> -> memref<26x64xf32, #tpu.memory_space<vmem>>
        %dma_wait3A_1144 = arith.constant 0 : i32
        %dma_wait3A_1145 = arith.constant 0 : i32
        %dma_wait3A_1146 = tpu.memref_slice %arg4[%dma_wait3A_1138, %dma_wait3A_1144, %dma_wait3A_1145] : memref<16384x32x128xf32, #tpu.memory_space<hbm>> -> memref<1x26x64xf32, #tpu.memory_space<hbm>>
        %dma_wait3A_1147 = tpu.memref_squeeze %dma_wait3A_1146 : memref<1x26x64xf32, #tpu.memory_space<hbm>> -> memref<26x64xf32, #tpu.memory_space<hbm>>
        %dma_wait3A_1148 = arith.constant 78 : i32
        %dma_wait3A_1149 = arith.constant 0 : i32
        %dma_wait3A_1150 = tpu.memref_slice %arg6[%dma_wait3A_1139, %dma_wait3A_1148, %dma_wait3A_1149] : memref<8x104x64xf32, #tpu.memory_space<vmem>> -> memref<1x26x64xf32, #tpu.memory_space<vmem>>
        %dma_wait3A_1151 = tpu.memref_squeeze %dma_wait3A_1150 : memref<1x26x64xf32, #tpu.memory_space<vmem>> -> memref<26x64xf32, #tpu.memory_space<vmem>>
        %dma_wait3A_1152 = arith.constant 0 : i32
        %dma_wait3A_1153 = arith.constant 0 : i32
        %dma_wait3A_1154 = tpu.memref_slice %arg4[%dma_wait3A_1138, %dma_wait3A_1152, %dma_wait3A_1153] : memref<16384x32x128xf32, #tpu.memory_space<hbm>> -> memref<1x26x64xf32, #tpu.memory_space<hbm>>
        %dma_wait3A_1155 = tpu.memref_squeeze %dma_wait3A_1154 : memref<1x26x64xf32, #tpu.memory_space<hbm>> -> memref<26x64xf32, #tpu.memory_space<hbm>>
        tpu.wait_dma2 semaphore(%arg18 : memref<!tpu.dma_semaphore, #tpu.memory_space<semaphore_mem>>) src(%dma_wait3A_1155 : memref<26x64xf32, #tpu.memory_space<hbm>>) dst(%dma_wait3A_1151 : memref<26x64xf32, #tpu.memory_space<vmem>>)
        %dma_wait3A_1156 = arith.constant 0 : i32
        %dma_wait3A_1157 = arith.constant 3 : i32
        %dma_wait3A_1158 = arith.constant 0 : i32
        %dma_wait3A_1159 = arith.constant 0 : i32
        %dma_wait3A_1160 = tpu.memref_slice %arg6[%dma_wait3A_1157, %dma_wait3A_1158, %dma_wait3A_1159] : memref<8x104x64xf32, #tpu.memory_space<vmem>> -> memref<1x26x64xf32, #tpu.memory_space<vmem>>
        %dma_wait3A_1161 = tpu.memref_squeeze %dma_wait3A_1160 : memref<1x26x64xf32, #tpu.memory_space<vmem>> -> memref<26x64xf32, #tpu.memory_space<vmem>>
        %dma_wait3A_1162 = arith.constant 0 : i32
        %dma_wait3A_1163 = arith.constant 0 : i32
        %dma_wait3A_1164 = tpu.memref_slice %arg4[%dma_wait3A_1156, %dma_wait3A_1162, %dma_wait3A_1163] : memref<16384x32x128xf32, #tpu.memory_space<hbm>> -> memref<1x26x64xf32, #tpu.memory_space<hbm>>
        %dma_wait3A_1165 = tpu.memref_squeeze %dma_wait3A_1164 : memref<1x26x64xf32, #tpu.memory_space<hbm>> -> memref<26x64xf32, #tpu.memory_space<hbm>>
        %dma_wait3A_1166 = arith.constant 0 : i32
        %dma_wait3A_1167 = arith.constant 0 : i32
        %dma_wait3A_1168 = tpu.memref_slice %arg6[%dma_wait3A_1157, %dma_wait3A_1166, %dma_wait3A_1167] : memref<8x104x64xf32, #tpu.memory_space<vmem>> -> memref<1x26x64xf32, #tpu.memory_space<vmem>>
        %dma_wait3A_1169 = tpu.memref_squeeze %dma_wait3A_1168 : memref<1x26x64xf32, #tpu.memory_space<vmem>> -> memref<26x64xf32, #tpu.memory_space<vmem>>
        %dma_wait3A_1170 = arith.constant 0 : i32
        %dma_wait3A_1171 = arith.constant 0 : i32
        %dma_wait3A_1172 = tpu.memref_slice %arg4[%dma_wait3A_1156, %dma_wait3A_1170, %dma_wait3A_1171] : memref<16384x32x128xf32, #tpu.memory_space<hbm>> -> memref<1x26x64xf32, #tpu.memory_space<hbm>>
        %dma_wait3A_1173 = tpu.memref_squeeze %dma_wait3A_1172 : memref<1x26x64xf32, #tpu.memory_space<hbm>> -> memref<26x64xf32, #tpu.memory_space<hbm>>
        tpu.wait_dma2 semaphore(%arg19 : memref<!tpu.dma_semaphore, #tpu.memory_space<semaphore_mem>>) src(%dma_wait3A_1173 : memref<26x64xf32, #tpu.memory_space<hbm>>) dst(%dma_wait3A_1169 : memref<26x64xf32, #tpu.memory_space<vmem>>)
        %dma_wait3A_1174 = arith.constant 0 : i32
        %dma_wait3A_1175 = arith.constant 3 : i32
        %dma_wait3A_1176 = arith.constant 26 : i32
        %dma_wait3A_1177 = arith.constant 0 : i32
        %dma_wait3A_1178 = tpu.memref_slice %arg6[%dma_wait3A_1175, %dma_wait3A_1176, %dma_wait3A_1177] : memref<8x104x64xf32, #tpu.memory_space<vmem>> -> memref<1x26x64xf32, #tpu.memory_space<vmem>>
        %dma_wait3A_1179 = tpu.memref_squeeze %dma_wait3A_1178 : memref<1x26x64xf32, #tpu.memory_space<vmem>> -> memref<26x64xf32, #tpu.memory_space<vmem>>
        %dma_wait3A_1180 = arith.constant 0 : i32
        %dma_wait3A_1181 = arith.constant 0 : i32
        %dma_wait3A_1182 = tpu.memref_slice %arg4[%dma_wait3A_1174, %dma_wait3A_1180, %dma_wait3A_1181] : memref<16384x32x128xf32, #tpu.memory_space<hbm>> -> memref<1x26x64xf32, #tpu.memory_space<hbm>>
        %dma_wait3A_1183 = tpu.memref_squeeze %dma_wait3A_1182 : memref<1x26x64xf32, #tpu.memory_space<hbm>> -> memref<26x64xf32, #tpu.memory_space<hbm>>
        %dma_wait3A_1184 = arith.constant 26 : i32
        %dma_wait3A_1185 = arith.constant 0 : i32
        %dma_wait3A_1186 = tpu.memref_slice %arg6[%dma_wait3A_1175, %dma_wait3A_1184, %dma_wait3A_1185] : memref<8x104x64xf32, #tpu.memory_space<vmem>> -> memref<1x26x64xf32, #tpu.memory_space<vmem>>
        %dma_wait3A_1187 = tpu.memref_squeeze %dma_wait3A_1186 : memref<1x26x64xf32, #tpu.memory_space<vmem>> -> memref<26x64xf32, #tpu.memory_space<vmem>>
        %dma_wait3A_1188 = arith.constant 0 : i32
        %dma_wait3A_1189 = arith.constant 0 : i32
        %dma_wait3A_1190 = tpu.memref_slice %arg4[%dma_wait3A_1174, %dma_wait3A_1188, %dma_wait3A_1189] : memref<16384x32x128xf32, #tpu.memory_space<hbm>> -> memref<1x26x64xf32, #tpu.memory_space<hbm>>
        %dma_wait3A_1191 = tpu.memref_squeeze %dma_wait3A_1190 : memref<1x26x64xf32, #tpu.memory_space<hbm>> -> memref<26x64xf32, #tpu.memory_space<hbm>>
        tpu.wait_dma2 semaphore(%arg19 : memref<!tpu.dma_semaphore, #tpu.memory_space<semaphore_mem>>) src(%dma_wait3A_1191 : memref<26x64xf32, #tpu.memory_space<hbm>>) dst(%dma_wait3A_1187 : memref<26x64xf32, #tpu.memory_space<vmem>>)
        %dma_wait3A_1192 = arith.constant 0 : i32
        %dma_wait3A_1193 = arith.constant 3 : i32
        %dma_wait3A_1194 = arith.constant 52 : i32
        %dma_wait3A_1195 = arith.constant 0 : i32
        %dma_wait3A_1196 = tpu.memref_slice %arg6[%dma_wait3A_1193, %dma_wait3A_1194, %dma_wait3A_1195] : memref<8x104x64xf32, #tpu.memory_space<vmem>> -> memref<1x26x64xf32, #tpu.memory_space<vmem>>
        %dma_wait3A_1197 = tpu.memref_squeeze %dma_wait3A_1196 : memref<1x26x64xf32, #tpu.memory_space<vmem>> -> memref<26x64xf32, #tpu.memory_space<vmem>>
        %dma_wait3A_1198 = arith.constant 0 : i32
        %dma_wait3A_1199 = arith.constant 0 : i32
        %dma_wait3A_1200 = tpu.memref_slice %arg4[%dma_wait3A_1192, %dma_wait3A_1198, %dma_wait3A_1199] : memref<16384x32x128xf32, #tpu.memory_space<hbm>> -> memref<1x26x64xf32, #tpu.memory_space<hbm>>
        %dma_wait3A_1201 = tpu.memref_squeeze %dma_wait3A_1200 : memref<1x26x64xf32, #tpu.memory_space<hbm>> -> memref<26x64xf32, #tpu.memory_space<hbm>>
        %dma_wait3A_1202 = arith.constant 52 : i32
        %dma_wait3A_1203 = arith.constant 0 : i32
        %dma_wait3A_1204 = tpu.memref_slice %arg6[%dma_wait3A_1193, %dma_wait3A_1202, %dma_wait3A_1203] : memref<8x104x64xf32, #tpu.memory_space<vmem>> -> memref<1x26x64xf32, #tpu.memory_space<vmem>>
        %dma_wait3A_1205 = tpu.memref_squeeze %dma_wait3A_1204 : memref<1x26x64xf32, #tpu.memory_space<vmem>> -> memref<26x64xf32, #tpu.memory_space<vmem>>
        %dma_wait3A_1206 = arith.constant 0 : i32
        %dma_wait3A_1207 = arith.constant 0 : i32
        %dma_wait3A_1208 = tpu.memref_slice %arg4[%dma_wait3A_1192, %dma_wait3A_1206, %dma_wait3A_1207] : memref<16384x32x128xf32, #tpu.memory_space<hbm>> -> memref<1x26x64xf32, #tpu.memory_space<hbm>>
        %dma_wait3A_1209 = tpu.memref_squeeze %dma_wait3A_1208 : memref<1x26x64xf32, #tpu.memory_space<hbm>> -> memref<26x64xf32, #tpu.memory_space<hbm>>
        tpu.wait_dma2 semaphore(%arg19 : memref<!tpu.dma_semaphore, #tpu.memory_space<semaphore_mem>>) src(%dma_wait3A_1209 : memref<26x64xf32, #tpu.memory_space<hbm>>) dst(%dma_wait3A_1205 : memref<26x64xf32, #tpu.memory_space<vmem>>)
        %dma_wait3A_1210 = arith.constant 0 : i32
        %dma_wait3A_1211 = arith.constant 3 : i32
        %dma_wait3A_1212 = arith.constant 78 : i32
        %dma_wait3A_1213 = arith.constant 0 : i32
        %dma_wait3A_1214 = tpu.memref_slice %arg6[%dma_wait3A_1211, %dma_wait3A_1212, %dma_wait3A_1213] : memref<8x104x64xf32, #tpu.memory_space<vmem>> -> memref<1x26x64xf32, #tpu.memory_space<vmem>>
        %dma_wait3A_1215 = tpu.memref_squeeze %dma_wait3A_1214 : memref<1x26x64xf32, #tpu.memory_space<vmem>> -> memref<26x64xf32, #tpu.memory_space<vmem>>
        %dma_wait3A_1216 = arith.constant 0 : i32
        %dma_wait3A_1217 = arith.constant 0 : i32
        %dma_wait3A_1218 = tpu.memref_slice %arg4[%dma_wait3A_1210, %dma_wait3A_1216, %dma_wait3A_1217] : memref<16384x32x128xf32, #tpu.memory_space<hbm>> -> memref<1x26x64xf32, #tpu.memory_space<hbm>>
        %dma_wait3A_1219 = tpu.memref_squeeze %dma_wait3A_1218 : memref<1x26x64xf32, #tpu.memory_space<hbm>> -> memref<26x64xf32, #tpu.memory_space<hbm>>
        %dma_wait3A_1220 = arith.constant 78 : i32
        %dma_wait3A_1221 = arith.constant 0 : i32
        %dma_wait3A_1222 = tpu.memref_slice %arg6[%dma_wait3A_1211, %dma_wait3A_1220, %dma_wait3A_1221] : memref<8x104x64xf32, #tpu.memory_space<vmem>> -> memref<1x26x64xf32, #tpu.memory_space<vmem>>
        %dma_wait3A_1223 = tpu.memref_squeeze %dma_wait3A_1222 : memref<1x26x64xf32, #tpu.memory_space<vmem>> -> memref<26x64xf32, #tpu.memory_space<vmem>>
        %dma_wait3A_1224 = arith.constant 0 : i32
        %dma_wait3A_1225 = arith.constant 0 : i32
        %dma_wait3A_1226 = tpu.memref_slice %arg4[%dma_wait3A_1210, %dma_wait3A_1224, %dma_wait3A_1225] : memref<16384x32x128xf32, #tpu.memory_space<hbm>> -> memref<1x26x64xf32, #tpu.memory_space<hbm>>
        %dma_wait3A_1227 = tpu.memref_squeeze %dma_wait3A_1226 : memref<1x26x64xf32, #tpu.memory_space<hbm>> -> memref<26x64xf32, #tpu.memory_space<hbm>>
        tpu.wait_dma2 semaphore(%arg19 : memref<!tpu.dma_semaphore, #tpu.memory_space<semaphore_mem>>) src(%dma_wait3A_1227 : memref<26x64xf32, #tpu.memory_space<hbm>>) dst(%dma_wait3A_1223 : memref<26x64xf32, #tpu.memory_space<vmem>>)
        %dma_wait3A_1228 = arith.constant 0 : i32
        %dma_wait3A_1229 = arith.constant 4 : i32
        %dma_wait3A_1230 = arith.constant 0 : i32
        %dma_wait3A_1231 = arith.constant 0 : i32
        %dma_wait3A_1232 = tpu.memref_slice %arg6[%dma_wait3A_1229, %dma_wait3A_1230, %dma_wait3A_1231] : memref<8x104x64xf32, #tpu.memory_space<vmem>> -> memref<1x26x64xf32, #tpu.memory_space<vmem>>
        %dma_wait3A_1233 = tpu.memref_squeeze %dma_wait3A_1232 : memref<1x26x64xf32, #tpu.memory_space<vmem>> -> memref<26x64xf32, #tpu.memory_space<vmem>>
        %dma_wait3A_1234 = arith.constant 0 : i32
        %dma_wait3A_1235 = arith.constant 0 : i32
        %dma_wait3A_1236 = tpu.memref_slice %arg4[%dma_wait3A_1228, %dma_wait3A_1234, %dma_wait3A_1235] : memref<16384x32x128xf32, #tpu.memory_space<hbm>> -> memref<1x26x64xf32, #tpu.memory_space<hbm>>
        %dma_wait3A_1237 = tpu.memref_squeeze %dma_wait3A_1236 : memref<1x26x64xf32, #tpu.memory_space<hbm>> -> memref<26x64xf32, #tpu.memory_space<hbm>>
        %dma_wait3A_1238 = arith.constant 0 : i32
        %dma_wait3A_1239 = arith.constant 0 : i32
        %dma_wait3A_1240 = tpu.memref_slice %arg6[%dma_wait3A_1229, %dma_wait3A_1238, %dma_wait3A_1239] : memref<8x104x64xf32, #tpu.memory_space<vmem>> -> memref<1x26x64xf32, #tpu.memory_space<vmem>>
        %dma_wait3A_1241 = tpu.memref_squeeze %dma_wait3A_1240 : memref<1x26x64xf32, #tpu.memory_space<vmem>> -> memref<26x64xf32, #tpu.memory_space<vmem>>
        %dma_wait3A_1242 = arith.constant 0 : i32
        %dma_wait3A_1243 = arith.constant 0 : i32
        %dma_wait3A_1244 = tpu.memref_slice %arg4[%dma_wait3A_1228, %dma_wait3A_1242, %dma_wait3A_1243] : memref<16384x32x128xf32, #tpu.memory_space<hbm>> -> memref<1x26x64xf32, #tpu.memory_space<hbm>>
        %dma_wait3A_1245 = tpu.memref_squeeze %dma_wait3A_1244 : memref<1x26x64xf32, #tpu.memory_space<hbm>> -> memref<26x64xf32, #tpu.memory_space<hbm>>
        tpu.wait_dma2 semaphore(%arg20 : memref<!tpu.dma_semaphore, #tpu.memory_space<semaphore_mem>>) src(%dma_wait3A_1245 : memref<26x64xf32, #tpu.memory_space<hbm>>) dst(%dma_wait3A_1241 : memref<26x64xf32, #tpu.memory_space<vmem>>)
        %dma_wait3A_1246 = arith.constant 0 : i32
        %dma_wait3A_1247 = arith.constant 4 : i32
        %dma_wait3A_1248 = arith.constant 26 : i32
        %dma_wait3A_1249 = arith.constant 0 : i32
        %dma_wait3A_1250 = tpu.memref_slice %arg6[%dma_wait3A_1247, %dma_wait3A_1248, %dma_wait3A_1249] : memref<8x104x64xf32, #tpu.memory_space<vmem>> -> memref<1x26x64xf32, #tpu.memory_space<vmem>>
        %dma_wait3A_1251 = tpu.memref_squeeze %dma_wait3A_1250 : memref<1x26x64xf32, #tpu.memory_space<vmem>> -> memref<26x64xf32, #tpu.memory_space<vmem>>
        %dma_wait3A_1252 = arith.constant 0 : i32
        %dma_wait3A_1253 = arith.constant 0 : i32
        %dma_wait3A_1254 = tpu.memref_slice %arg4[%dma_wait3A_1246, %dma_wait3A_1252, %dma_wait3A_1253] : memref<16384x32x128xf32, #tpu.memory_space<hbm>> -> memref<1x26x64xf32, #tpu.memory_space<hbm>>
        %dma_wait3A_1255 = tpu.memref_squeeze %dma_wait3A_1254 : memref<1x26x64xf32, #tpu.memory_space<hbm>> -> memref<26x64xf32, #tpu.memory_space<hbm>>
        %dma_wait3A_1256 = arith.constant 26 : i32
        %dma_wait3A_1257 = arith.constant 0 : i32
        %dma_wait3A_1258 = tpu.memref_slice %arg6[%dma_wait3A_1247, %dma_wait3A_1256, %dma_wait3A_1257] : memref<8x104x64xf32, #tpu.memory_space<vmem>> -> memref<1x26x64xf32, #tpu.memory_space<vmem>>
        %dma_wait3A_1259 = tpu.memref_squeeze %dma_wait3A_1258 : memref<1x26x64xf32, #tpu.memory_space<vmem>> -> memref<26x64xf32, #tpu.memory_space<vmem>>
        %dma_wait3A_1260 = arith.constant 0 : i32
        %dma_wait3A_1261 = arith.constant 0 : i32
        %dma_wait3A_1262 = tpu.memref_slice %arg4[%dma_wait3A_1246, %dma_wait3A_1260, %dma_wait3A_1261] : memref<16384x32x128xf32, #tpu.memory_space<hbm>> -> memref<1x26x64xf32, #tpu.memory_space<hbm>>
        %dma_wait3A_1263 = tpu.memref_squeeze %dma_wait3A_1262 : memref<1x26x64xf32, #tpu.memory_space<hbm>> -> memref<26x64xf32, #tpu.memory_space<hbm>>
        tpu.wait_dma2 semaphore(%arg20 : memref<!tpu.dma_semaphore, #tpu.memory_space<semaphore_mem>>) src(%dma_wait3A_1263 : memref<26x64xf32, #tpu.memory_space<hbm>>) dst(%dma_wait3A_1259 : memref<26x64xf32, #tpu.memory_space<vmem>>)
        %dma_wait3A_1264 = arith.constant 0 : i32
        %dma_wait3A_1265 = arith.constant 4 : i32
        %dma_wait3A_1266 = arith.constant 52 : i32
        %dma_wait3A_1267 = arith.constant 0 : i32
        %dma_wait3A_1268 = tpu.memref_slice %arg6[%dma_wait3A_1265, %dma_wait3A_1266, %dma_wait3A_1267] : memref<8x104x64xf32, #tpu.memory_space<vmem>> -> memref<1x26x64xf32, #tpu.memory_space<vmem>>
        %dma_wait3A_1269 = tpu.memref_squeeze %dma_wait3A_1268 : memref<1x26x64xf32, #tpu.memory_space<vmem>> -> memref<26x64xf32, #tpu.memory_space<vmem>>
        %dma_wait3A_1270 = arith.constant 0 : i32
        %dma_wait3A_1271 = arith.constant 0 : i32
        %dma_wait3A_1272 = tpu.memref_slice %arg4[%dma_wait3A_1264, %dma_wait3A_1270, %dma_wait3A_1271] : memref<16384x32x128xf32, #tpu.memory_space<hbm>> -> memref<1x26x64xf32, #tpu.memory_space<hbm>>
        %dma_wait3A_1273 = tpu.memref_squeeze %dma_wait3A_1272 : memref<1x26x64xf32, #tpu.memory_space<hbm>> -> memref<26x64xf32, #tpu.memory_space<hbm>>
        %dma_wait3A_1274 = arith.constant 52 : i32
        %dma_wait3A_1275 = arith.constant 0 : i32
        %dma_wait3A_1276 = tpu.memref_slice %arg6[%dma_wait3A_1265, %dma_wait3A_1274, %dma_wait3A_1275] : memref<8x104x64xf32, #tpu.memory_space<vmem>> -> memref<1x26x64xf32, #tpu.memory_space<vmem>>
        %dma_wait3A_1277 = tpu.memref_squeeze %dma_wait3A_1276 : memref<1x26x64xf32, #tpu.memory_space<vmem>> -> memref<26x64xf32, #tpu.memory_space<vmem>>
        %dma_wait3A_1278 = arith.constant 0 : i32
        %dma_wait3A_1279 = arith.constant 0 : i32
        %dma_wait3A_1280 = tpu.memref_slice %arg4[%dma_wait3A_1264, %dma_wait3A_1278, %dma_wait3A_1279] : memref<16384x32x128xf32, #tpu.memory_space<hbm>> -> memref<1x26x64xf32, #tpu.memory_space<hbm>>
        %dma_wait3A_1281 = tpu.memref_squeeze %dma_wait3A_1280 : memref<1x26x64xf32, #tpu.memory_space<hbm>> -> memref<26x64xf32, #tpu.memory_space<hbm>>
        tpu.wait_dma2 semaphore(%arg20 : memref<!tpu.dma_semaphore, #tpu.memory_space<semaphore_mem>>) src(%dma_wait3A_1281 : memref<26x64xf32, #tpu.memory_space<hbm>>) dst(%dma_wait3A_1277 : memref<26x64xf32, #tpu.memory_space<vmem>>)
        %dma_wait3A_1282 = arith.constant 0 : i32
        %dma_wait3A_1283 = arith.constant 4 : i32
        %dma_wait3A_1284 = arith.constant 78 : i32
        %dma_wait3A_1285 = arith.constant 0 : i32
        %dma_wait3A_1286 = tpu.memref_slice %arg6[%dma_wait3A_1283, %dma_wait3A_1284, %dma_wait3A_1285] : memref<8x104x64xf32, #tpu.memory_space<vmem>> -> memref<1x26x64xf32, #tpu.memory_space<vmem>>
        %dma_wait3A_1287 = tpu.memref_squeeze %dma_wait3A_1286 : memref<1x26x64xf32, #tpu.memory_space<vmem>> -> memref<26x64xf32, #tpu.memory_space<vmem>>
        %dma_wait3A_1288 = arith.constant 0 : i32
        %dma_wait3A_1289 = arith.constant 0 : i32
        %dma_wait3A_1290 = tpu.memref_slice %arg4[%dma_wait3A_1282, %dma_wait3A_1288, %dma_wait3A_1289] : memref<16384x32x128xf32, #tpu.memory_space<hbm>> -> memref<1x26x64xf32, #tpu.memory_space<hbm>>
        %dma_wait3A_1291 = tpu.memref_squeeze %dma_wait3A_1290 : memref<1x26x64xf32, #tpu.memory_space<hbm>> -> memref<26x64xf32, #tpu.memory_space<hbm>>
        %dma_wait3A_1292 = arith.constant 78 : i32
        %dma_wait3A_1293 = arith.constant 0 : i32
        %dma_wait3A_1294 = tpu.memref_slice %arg6[%dma_wait3A_1283, %dma_wait3A_1292, %dma_wait3A_1293] : memref<8x104x64xf32, #tpu.memory_space<vmem>> -> memref<1x26x64xf32, #tpu.memory_space<vmem>>
        %dma_wait3A_1295 = tpu.memref_squeeze %dma_wait3A_1294 : memref<1x26x64xf32, #tpu.memory_space<vmem>> -> memref<26x64xf32, #tpu.memory_space<vmem>>
        %dma_wait3A_1296 = arith.constant 0 : i32
        %dma_wait3A_1297 = arith.constant 0 : i32
        %dma_wait3A_1298 = tpu.memref_slice %arg4[%dma_wait3A_1282, %dma_wait3A_1296, %dma_wait3A_1297] : memref<16384x32x128xf32, #tpu.memory_space<hbm>> -> memref<1x26x64xf32, #tpu.memory_space<hbm>>
        %dma_wait3A_1299 = tpu.memref_squeeze %dma_wait3A_1298 : memref<1x26x64xf32, #tpu.memory_space<hbm>> -> memref<26x64xf32, #tpu.memory_space<hbm>>
        tpu.wait_dma2 semaphore(%arg20 : memref<!tpu.dma_semaphore, #tpu.memory_space<semaphore_mem>>) src(%dma_wait3A_1299 : memref<26x64xf32, #tpu.memory_space<hbm>>) dst(%dma_wait3A_1295 : memref<26x64xf32, #tpu.memory_space<vmem>>)
        %dma_wait3A_1300 = arith.constant 0 : i32
        %dma_wait3A_1301 = arith.constant 5 : i32
        %dma_wait3A_1302 = arith.constant 0 : i32
        %dma_wait3A_1303 = arith.constant 0 : i32
        %dma_wait3A_1304 = tpu.memref_slice %arg6[%dma_wait3A_1301, %dma_wait3A_1302, %dma_wait3A_1303] : memref<8x104x64xf32, #tpu.memory_space<vmem>> -> memref<1x26x64xf32, #tpu.memory_space<vmem>>
        %dma_wait3A_1305 = tpu.memref_squeeze %dma_wait3A_1304 : memref<1x26x64xf32, #tpu.memory_space<vmem>> -> memref<26x64xf32, #tpu.memory_space<vmem>>
        %dma_wait3A_1306 = arith.constant 0 : i32
        %dma_wait3A_1307 = arith.constant 0 : i32
        %dma_wait3A_1308 = tpu.memref_slice %arg4[%dma_wait3A_1300, %dma_wait3A_1306, %dma_wait3A_1307] : memref<16384x32x128xf32, #tpu.memory_space<hbm>> -> memref<1x26x64xf32, #tpu.memory_space<hbm>>
        %dma_wait3A_1309 = tpu.memref_squeeze %dma_wait3A_1308 : memref<1x26x64xf32, #tpu.memory_space<hbm>> -> memref<26x64xf32, #tpu.memory_space<hbm>>
        %dma_wait3A_1310 = arith.constant 0 : i32
        %dma_wait3A_1311 = arith.constant 0 : i32
        %dma_wait3A_1312 = tpu.memref_slice %arg6[%dma_wait3A_1301, %dma_wait3A_1310, %dma_wait3A_1311] : memref<8x104x64xf32, #tpu.memory_space<vmem>> -> memref<1x26x64xf32, #tpu.memory_space<vmem>>
        %dma_wait3A_1313 = tpu.memref_squeeze %dma_wait3A_1312 : memref<1x26x64xf32, #tpu.memory_space<vmem>> -> memref<26x64xf32, #tpu.memory_space<vmem>>
        %dma_wait3A_1314 = arith.constant 0 : i32
        %dma_wait3A_1315 = arith.constant 0 : i32
        %dma_wait3A_1316 = tpu.memref_slice %arg4[%dma_wait3A_1300, %dma_wait3A_1314, %dma_wait3A_1315] : memref<16384x32x128xf32, #tpu.memory_space<hbm>> -> memref<1x26x64xf32, #tpu.memory_space<hbm>>
        %dma_wait3A_1317 = tpu.memref_squeeze %dma_wait3A_1316 : memref<1x26x64xf32, #tpu.memory_space<hbm>> -> memref<26x64xf32, #tpu.memory_space<hbm>>
        tpu.wait_dma2 semaphore(%arg21 : memref<!tpu.dma_semaphore, #tpu.memory_space<semaphore_mem>>) src(%dma_wait3A_1317 : memref<26x64xf32, #tpu.memory_space<hbm>>) dst(%dma_wait3A_1313 : memref<26x64xf32, #tpu.memory_space<vmem>>)
        %dma_wait3A_1318 = arith.constant 0 : i32
        %dma_wait3A_1319 = arith.constant 5 : i32
        %dma_wait3A_1320 = arith.constant 26 : i32
        %dma_wait3A_1321 = arith.constant 0 : i32
        %dma_wait3A_1322 = tpu.memref_slice %arg6[%dma_wait3A_1319, %dma_wait3A_1320, %dma_wait3A_1321] : memref<8x104x64xf32, #tpu.memory_space<vmem>> -> memref<1x26x64xf32, #tpu.memory_space<vmem>>
        %dma_wait3A_1323 = tpu.memref_squeeze %dma_wait3A_1322 : memref<1x26x64xf32, #tpu.memory_space<vmem>> -> memref<26x64xf32, #tpu.memory_space<vmem>>
        %dma_wait3A_1324 = arith.constant 0 : i32
        %dma_wait3A_1325 = arith.constant 0 : i32
        %dma_wait3A_1326 = tpu.memref_slice %arg4[%dma_wait3A_1318, %dma_wait3A_1324, %dma_wait3A_1325] : memref<16384x32x128xf32, #tpu.memory_space<hbm>> -> memref<1x26x64xf32, #tpu.memory_space<hbm>>
        %dma_wait3A_1327 = tpu.memref_squeeze %dma_wait3A_1326 : memref<1x26x64xf32, #tpu.memory_space<hbm>> -> memref<26x64xf32, #tpu.memory_space<hbm>>
        %dma_wait3A_1328 = arith.constant 26 : i32
        %dma_wait3A_1329 = arith.constant 0 : i32
        %dma_wait3A_1330 = tpu.memref_slice %arg6[%dma_wait3A_1319, %dma_wait3A_1328, %dma_wait3A_1329] : memref<8x104x64xf32, #tpu.memory_space<vmem>> -> memref<1x26x64xf32, #tpu.memory_space<vmem>>
        %dma_wait3A_1331 = tpu.memref_squeeze %dma_wait3A_1330 : memref<1x26x64xf32, #tpu.memory_space<vmem>> -> memref<26x64xf32, #tpu.memory_space<vmem>>
        %dma_wait3A_1332 = arith.constant 0 : i32
        %dma_wait3A_1333 = arith.constant 0 : i32
        %dma_wait3A_1334 = tpu.memref_slice %arg4[%dma_wait3A_1318, %dma_wait3A_1332, %dma_wait3A_1333] : memref<16384x32x128xf32, #tpu.memory_space<hbm>> -> memref<1x26x64xf32, #tpu.memory_space<hbm>>
        %dma_wait3A_1335 = tpu.memref_squeeze %dma_wait3A_1334 : memref<1x26x64xf32, #tpu.memory_space<hbm>> -> memref<26x64xf32, #tpu.memory_space<hbm>>
        tpu.wait_dma2 semaphore(%arg21 : memref<!tpu.dma_semaphore, #tpu.memory_space<semaphore_mem>>) src(%dma_wait3A_1335 : memref<26x64xf32, #tpu.memory_space<hbm>>) dst(%dma_wait3A_1331 : memref<26x64xf32, #tpu.memory_space<vmem>>)
        %dma_wait3A_1336 = arith.constant 0 : i32
        %dma_wait3A_1337 = arith.constant 5 : i32
        %dma_wait3A_1338 = arith.constant 52 : i32
        %dma_wait3A_1339 = arith.constant 0 : i32
        %dma_wait3A_1340 = tpu.memref_slice %arg6[%dma_wait3A_1337, %dma_wait3A_1338, %dma_wait3A_1339] : memref<8x104x64xf32, #tpu.memory_space<vmem>> -> memref<1x26x64xf32, #tpu.memory_space<vmem>>
        %dma_wait3A_1341 = tpu.memref_squeeze %dma_wait3A_1340 : memref<1x26x64xf32, #tpu.memory_space<vmem>> -> memref<26x64xf32, #tpu.memory_space<vmem>>
        %dma_wait3A_1342 = arith.constant 0 : i32
        %dma_wait3A_1343 = arith.constant 0 : i32
        %dma_wait3A_1344 = tpu.memref_slice %arg4[%dma_wait3A_1336, %dma_wait3A_1342, %dma_wait3A_1343] : memref<16384x32x128xf32, #tpu.memory_space<hbm>> -> memref<1x26x64xf32, #tpu.memory_space<hbm>>
        %dma_wait3A_1345 = tpu.memref_squeeze %dma_wait3A_1344 : memref<1x26x64xf32, #tpu.memory_space<hbm>> -> memref<26x64xf32, #tpu.memory_space<hbm>>
        %dma_wait3A_1346 = arith.constant 52 : i32
        %dma_wait3A_1347 = arith.constant 0 : i32
        %dma_wait3A_1348 = tpu.memref_slice %arg6[%dma_wait3A_1337, %dma_wait3A_1346, %dma_wait3A_1347] : memref<8x104x64xf32, #tpu.memory_space<vmem>> -> memref<1x26x64xf32, #tpu.memory_space<vmem>>
        %dma_wait3A_1349 = tpu.memref_squeeze %dma_wait3A_1348 : memref<1x26x64xf32, #tpu.memory_space<vmem>> -> memref<26x64xf32, #tpu.memory_space<vmem>>
        %dma_wait3A_1350 = arith.constant 0 : i32
        %dma_wait3A_1351 = arith.constant 0 : i32
        %dma_wait3A_1352 = tpu.memref_slice %arg4[%dma_wait3A_1336, %dma_wait3A_1350, %dma_wait3A_1351] : memref<16384x32x128xf32, #tpu.memory_space<hbm>> -> memref<1x26x64xf32, #tpu.memory_space<hbm>>
        %dma_wait3A_1353 = tpu.memref_squeeze %dma_wait3A_1352 : memref<1x26x64xf32, #tpu.memory_space<hbm>> -> memref<26x64xf32, #tpu.memory_space<hbm>>
        tpu.wait_dma2 semaphore(%arg21 : memref<!tpu.dma_semaphore, #tpu.memory_space<semaphore_mem>>) src(%dma_wait3A_1353 : memref<26x64xf32, #tpu.memory_space<hbm>>) dst(%dma_wait3A_1349 : memref<26x64xf32, #tpu.memory_space<vmem>>)
        %dma_wait3A_1354 = arith.constant 0 : i32
        %dma_wait3A_1355 = arith.constant 5 : i32
        %dma_wait3A_1356 = arith.constant 78 : i32
        %dma_wait3A_1357 = arith.constant 0 : i32
        %dma_wait3A_1358 = tpu.memref_slice %arg6[%dma_wait3A_1355, %dma_wait3A_1356, %dma_wait3A_1357] : memref<8x104x64xf32, #tpu.memory_space<vmem>> -> memref<1x26x64xf32, #tpu.memory_space<vmem>>
        %dma_wait3A_1359 = tpu.memref_squeeze %dma_wait3A_1358 : memref<1x26x64xf32, #tpu.memory_space<vmem>> -> memref<26x64xf32, #tpu.memory_space<vmem>>
        %dma_wait3A_1360 = arith.constant 0 : i32
        %dma_wait3A_1361 = arith.constant 0 : i32
        %dma_wait3A_1362 = tpu.memref_slice %arg4[%dma_wait3A_1354, %dma_wait3A_1360, %dma_wait3A_1361] : memref<16384x32x128xf32, #tpu.memory_space<hbm>> -> memref<1x26x64xf32, #tpu.memory_space<hbm>>
        %dma_wait3A_1363 = tpu.memref_squeeze %dma_wait3A_1362 : memref<1x26x64xf32, #tpu.memory_space<hbm>> -> memref<26x64xf32, #tpu.memory_space<hbm>>
        %dma_wait3A_1364 = arith.constant 78 : i32
        %dma_wait3A_1365 = arith.constant 0 : i32
        %dma_wait3A_1366 = tpu.memref_slice %arg6[%dma_wait3A_1355, %dma_wait3A_1364, %dma_wait3A_1365] : memref<8x104x64xf32, #tpu.memory_space<vmem>> -> memref<1x26x64xf32, #tpu.memory_space<vmem>>
        %dma_wait3A_1367 = tpu.memref_squeeze %dma_wait3A_1366 : memref<1x26x64xf32, #tpu.memory_space<vmem>> -> memref<26x64xf32, #tpu.memory_space<vmem>>
        %dma_wait3A_1368 = arith.constant 0 : i32
        %dma_wait3A_1369 = arith.constant 0 : i32
        %dma_wait3A_1370 = tpu.memref_slice %arg4[%dma_wait3A_1354, %dma_wait3A_1368, %dma_wait3A_1369] : memref<16384x32x128xf32, #tpu.memory_space<hbm>> -> memref<1x26x64xf32, #tpu.memory_space<hbm>>
        %dma_wait3A_1371 = tpu.memref_squeeze %dma_wait3A_1370 : memref<1x26x64xf32, #tpu.memory_space<hbm>> -> memref<26x64xf32, #tpu.memory_space<hbm>>
        tpu.wait_dma2 semaphore(%arg21 : memref<!tpu.dma_semaphore, #tpu.memory_space<semaphore_mem>>) src(%dma_wait3A_1371 : memref<26x64xf32, #tpu.memory_space<hbm>>) dst(%dma_wait3A_1367 : memref<26x64xf32, #tpu.memory_space<vmem>>)
        %dma_wait3A_1372 = arith.constant 0 : i32
        %dma_wait3A_1373 = arith.constant 6 : i32
        %dma_wait3A_1374 = arith.constant 0 : i32
        %dma_wait3A_1375 = arith.constant 0 : i32
        %dma_wait3A_1376 = tpu.memref_slice %arg6[%dma_wait3A_1373, %dma_wait3A_1374, %dma_wait3A_1375] : memref<8x104x64xf32, #tpu.memory_space<vmem>> -> memref<1x26x64xf32, #tpu.memory_space<vmem>>
        %dma_wait3A_1377 = tpu.memref_squeeze %dma_wait3A_1376 : memref<1x26x64xf32, #tpu.memory_space<vmem>> -> memref<26x64xf32, #tpu.memory_space<vmem>>
        %dma_wait3A_1378 = arith.constant 0 : i32
        %dma_wait3A_1379 = arith.constant 0 : i32
        %dma_wait3A_1380 = tpu.memref_slice %arg4[%dma_wait3A_1372, %dma_wait3A_1378, %dma_wait3A_1379] : memref<16384x32x128xf32, #tpu.memory_space<hbm>> -> memref<1x26x64xf32, #tpu.memory_space<hbm>>
        %dma_wait3A_1381 = tpu.memref_squeeze %dma_wait3A_1380 : memref<1x26x64xf32, #tpu.memory_space<hbm>> -> memref<26x64xf32, #tpu.memory_space<hbm>>
        %dma_wait3A_1382 = arith.constant 0 : i32
        %dma_wait3A_1383 = arith.constant 0 : i32
        %dma_wait3A_1384 = tpu.memref_slice %arg6[%dma_wait3A_1373, %dma_wait3A_1382, %dma_wait3A_1383] : memref<8x104x64xf32, #tpu.memory_space<vmem>> -> memref<1x26x64xf32, #tpu.memory_space<vmem>>
        %dma_wait3A_1385 = tpu.memref_squeeze %dma_wait3A_1384 : memref<1x26x64xf32, #tpu.memory_space<vmem>> -> memref<26x64xf32, #tpu.memory_space<vmem>>
        %dma_wait3A_1386 = arith.constant 0 : i32
        %dma_wait3A_1387 = arith.constant 0 : i32
        %dma_wait3A_1388 = tpu.memref_slice %arg4[%dma_wait3A_1372, %dma_wait3A_1386, %dma_wait3A_1387] : memref<16384x32x128xf32, #tpu.memory_space<hbm>> -> memref<1x26x64xf32, #tpu.memory_space<hbm>>
        %dma_wait3A_1389 = tpu.memref_squeeze %dma_wait3A_1388 : memref<1x26x64xf32, #tpu.memory_space<hbm>> -> memref<26x64xf32, #tpu.memory_space<hbm>>
        tpu.wait_dma2 semaphore(%arg22 : memref<!tpu.dma_semaphore, #tpu.memory_space<semaphore_mem>>) src(%dma_wait3A_1389 : memref<26x64xf32, #tpu.memory_space<hbm>>) dst(%dma_wait3A_1385 : memref<26x64xf32, #tpu.memory_space<vmem>>)
        %dma_wait3A_1390 = arith.constant 0 : i32
        %dma_wait3A_1391 = arith.constant 6 : i32
        %dma_wait3A_1392 = arith.constant 26 : i32
        %dma_wait3A_1393 = arith.constant 0 : i32
        %dma_wait3A_1394 = tpu.memref_slice %arg6[%dma_wait3A_1391, %dma_wait3A_1392, %dma_wait3A_1393] : memref<8x104x64xf32, #tpu.memory_space<vmem>> -> memref<1x26x64xf32, #tpu.memory_space<vmem>>
        %dma_wait3A_1395 = tpu.memref_squeeze %dma_wait3A_1394 : memref<1x26x64xf32, #tpu.memory_space<vmem>> -> memref<26x64xf32, #tpu.memory_space<vmem>>
        %dma_wait3A_1396 = arith.constant 0 : i32
        %dma_wait3A_1397 = arith.constant 0 : i32
        %dma_wait3A_1398 = tpu.memref_slice %arg4[%dma_wait3A_1390, %dma_wait3A_1396, %dma_wait3A_1397] : memref<16384x32x128xf32, #tpu.memory_space<hbm>> -> memref<1x26x64xf32, #tpu.memory_space<hbm>>
        %dma_wait3A_1399 = tpu.memref_squeeze %dma_wait3A_1398 : memref<1x26x64xf32, #tpu.memory_space<hbm>> -> memref<26x64xf32, #tpu.memory_space<hbm>>
        %dma_wait3A_1400 = arith.constant 26 : i32
        %dma_wait3A_1401 = arith.constant 0 : i32
        %dma_wait3A_1402 = tpu.memref_slice %arg6[%dma_wait3A_1391, %dma_wait3A_1400, %dma_wait3A_1401] : memref<8x104x64xf32, #tpu.memory_space<vmem>> -> memref<1x26x64xf32, #tpu.memory_space<vmem>>
        %dma_wait3A_1403 = tpu.memref_squeeze %dma_wait3A_1402 : memref<1x26x64xf32, #tpu.memory_space<vmem>> -> memref<26x64xf32, #tpu.memory_space<vmem>>
        %dma_wait3A_1404 = arith.constant 0 : i32
        %dma_wait3A_1405 = arith.constant 0 : i32
        %dma_wait3A_1406 = tpu.memref_slice %arg4[%dma_wait3A_1390, %dma_wait3A_1404, %dma_wait3A_1405] : memref<16384x32x128xf32, #tpu.memory_space<hbm>> -> memref<1x26x64xf32, #tpu.memory_space<hbm>>
        %dma_wait3A_1407 = tpu.memref_squeeze %dma_wait3A_1406 : memref<1x26x64xf32, #tpu.memory_space<hbm>> -> memref<26x64xf32, #tpu.memory_space<hbm>>
        tpu.wait_dma2 semaphore(%arg22 : memref<!tpu.dma_semaphore, #tpu.memory_space<semaphore_mem>>) src(%dma_wait3A_1407 : memref<26x64xf32, #tpu.memory_space<hbm>>) dst(%dma_wait3A_1403 : memref<26x64xf32, #tpu.memory_space<vmem>>)
        %dma_wait3A_1408 = arith.constant 0 : i32
        %dma_wait3A_1409 = arith.constant 6 : i32
        %dma_wait3A_1410 = arith.constant 52 : i32
        %dma_wait3A_1411 = arith.constant 0 : i32
        %dma_wait3A_1412 = tpu.memref_slice %arg6[%dma_wait3A_1409, %dma_wait3A_1410, %dma_wait3A_1411] : memref<8x104x64xf32, #tpu.memory_space<vmem>> -> memref<1x26x64xf32, #tpu.memory_space<vmem>>
        %dma_wait3A_1413 = tpu.memref_squeeze %dma_wait3A_1412 : memref<1x26x64xf32, #tpu.memory_space<vmem>> -> memref<26x64xf32, #tpu.memory_space<vmem>>
        %dma_wait3A_1414 = arith.constant 0 : i32
        %dma_wait3A_1415 = arith.constant 0 : i32
        %dma_wait3A_1416 = tpu.memref_slice %arg4[%dma_wait3A_1408, %dma_wait3A_1414, %dma_wait3A_1415] : memref<16384x32x128xf32, #tpu.memory_space<hbm>> -> memref<1x26x64xf32, #tpu.memory_space<hbm>>
        %dma_wait3A_1417 = tpu.memref_squeeze %dma_wait3A_1416 : memref<1x26x64xf32, #tpu.memory_space<hbm>> -> memref<26x64xf32, #tpu.memory_space<hbm>>
        %dma_wait3A_1418 = arith.constant 52 : i32
        %dma_wait3A_1419 = arith.constant 0 : i32
        %dma_wait3A_1420 = tpu.memref_slice %arg6[%dma_wait3A_1409, %dma_wait3A_1418, %dma_wait3A_1419] : memref<8x104x64xf32, #tpu.memory_space<vmem>> -> memref<1x26x64xf32, #tpu.memory_space<vmem>>
        %dma_wait3A_1421 = tpu.memref_squeeze %dma_wait3A_1420 : memref<1x26x64xf32, #tpu.memory_space<vmem>> -> memref<26x64xf32, #tpu.memory_space<vmem>>
        %dma_wait3A_1422 = arith.constant 0 : i32
        %dma_wait3A_1423 = arith.constant 0 : i32
        %dma_wait3A_1424 = tpu.memref_slice %arg4[%dma_wait3A_1408, %dma_wait3A_1422, %dma_wait3A_1423] : memref<16384x32x128xf32, #tpu.memory_space<hbm>> -> memref<1x26x64xf32, #tpu.memory_space<hbm>>
        %dma_wait3A_1425 = tpu.memref_squeeze %dma_wait3A_1424 : memref<1x26x64xf32, #tpu.memory_space<hbm>> -> memref<26x64xf32, #tpu.memory_space<hbm>>
        tpu.wait_dma2 semaphore(%arg22 : memref<!tpu.dma_semaphore, #tpu.memory_space<semaphore_mem>>) src(%dma_wait3A_1425 : memref<26x64xf32, #tpu.memory_space<hbm>>) dst(%dma_wait3A_1421 : memref<26x64xf32, #tpu.memory_space<vmem>>)
        %dma_wait3A_1426 = arith.constant 0 : i32
        %dma_wait3A_1427 = arith.constant 6 : i32
        %dma_wait3A_1428 = arith.constant 78 : i32
        %dma_wait3A_1429 = arith.constant 0 : i32
        %dma_wait3A_1430 = tpu.memref_slice %arg6[%dma_wait3A_1427, %dma_wait3A_1428, %dma_wait3A_1429] : memref<8x104x64xf32, #tpu.memory_space<vmem>> -> memref<1x26x64xf32, #tpu.memory_space<vmem>>
        %dma_wait3A_1431 = tpu.memref_squeeze %dma_wait3A_1430 : memref<1x26x64xf32, #tpu.memory_space<vmem>> -> memref<26x64xf32, #tpu.memory_space<vmem>>
        %dma_wait3A_1432 = arith.constant 0 : i32
        %dma_wait3A_1433 = arith.constant 0 : i32
        %dma_wait3A_1434 = tpu.memref_slice %arg4[%dma_wait3A_1426, %dma_wait3A_1432, %dma_wait3A_1433] : memref<16384x32x128xf32, #tpu.memory_space<hbm>> -> memref<1x26x64xf32, #tpu.memory_space<hbm>>
        %dma_wait3A_1435 = tpu.memref_squeeze %dma_wait3A_1434 : memref<1x26x64xf32, #tpu.memory_space<hbm>> -> memref<26x64xf32, #tpu.memory_space<hbm>>
        %dma_wait3A_1436 = arith.constant 78 : i32
        %dma_wait3A_1437 = arith.constant 0 : i32
        %dma_wait3A_1438 = tpu.memref_slice %arg6[%dma_wait3A_1427, %dma_wait3A_1436, %dma_wait3A_1437] : memref<8x104x64xf32, #tpu.memory_space<vmem>> -> memref<1x26x64xf32, #tpu.memory_space<vmem>>
        %dma_wait3A_1439 = tpu.memref_squeeze %dma_wait3A_1438 : memref<1x26x64xf32, #tpu.memory_space<vmem>> -> memref<26x64xf32, #tpu.memory_space<vmem>>
        %dma_wait3A_1440 = arith.constant 0 : i32
        %dma_wait3A_1441 = arith.constant 0 : i32
        %dma_wait3A_1442 = tpu.memref_slice %arg4[%dma_wait3A_1426, %dma_wait3A_1440, %dma_wait3A_1441] : memref<16384x32x128xf32, #tpu.memory_space<hbm>> -> memref<1x26x64xf32, #tpu.memory_space<hbm>>
        %dma_wait3A_1443 = tpu.memref_squeeze %dma_wait3A_1442 : memref<1x26x64xf32, #tpu.memory_space<hbm>> -> memref<26x64xf32, #tpu.memory_space<hbm>>
        tpu.wait_dma2 semaphore(%arg22 : memref<!tpu.dma_semaphore, #tpu.memory_space<semaphore_mem>>) src(%dma_wait3A_1443 : memref<26x64xf32, #tpu.memory_space<hbm>>) dst(%dma_wait3A_1439 : memref<26x64xf32, #tpu.memory_space<vmem>>)
        %dma_wait3A_1444 = arith.constant 0 : i32
        %dma_wait3A_1445 = arith.constant 7 : i32
        %dma_wait3A_1446 = arith.constant 0 : i32
        %dma_wait3A_1447 = arith.constant 0 : i32
        %dma_wait3A_1448 = tpu.memref_slice %arg6[%dma_wait3A_1445, %dma_wait3A_1446, %dma_wait3A_1447] : memref<8x104x64xf32, #tpu.memory_space<vmem>> -> memref<1x26x64xf32, #tpu.memory_space<vmem>>
        %dma_wait3A_1449 = tpu.memref_squeeze %dma_wait3A_1448 : memref<1x26x64xf32, #tpu.memory_space<vmem>> -> memref<26x64xf32, #tpu.memory_space<vmem>>
        %dma_wait3A_1450 = arith.constant 0 : i32
        %dma_wait3A_1451 = arith.constant 0 : i32
        %dma_wait3A_1452 = tpu.memref_slice %arg4[%dma_wait3A_1444, %dma_wait3A_1450, %dma_wait3A_1451] : memref<16384x32x128xf32, #tpu.memory_space<hbm>> -> memref<1x26x64xf32, #tpu.memory_space<hbm>>
        %dma_wait3A_1453 = tpu.memref_squeeze %dma_wait3A_1452 : memref<1x26x64xf32, #tpu.memory_space<hbm>> -> memref<26x64xf32, #tpu.memory_space<hbm>>
        %dma_wait3A_1454 = arith.constant 0 : i32
        %dma_wait3A_1455 = arith.constant 0 : i32
        %dma_wait3A_1456 = tpu.memref_slice %arg6[%dma_wait3A_1445, %dma_wait3A_1454, %dma_wait3A_1455] : memref<8x104x64xf32, #tpu.memory_space<vmem>> -> memref<1x26x64xf32, #tpu.memory_space<vmem>>
        %dma_wait3A_1457 = tpu.memref_squeeze %dma_wait3A_1456 : memref<1x26x64xf32, #tpu.memory_space<vmem>> -> memref<26x64xf32, #tpu.memory_space<vmem>>
        %dma_wait3A_1458 = arith.constant 0 : i32
        %dma_wait3A_1459 = arith.constant 0 : i32
        %dma_wait3A_1460 = tpu.memref_slice %arg4[%dma_wait3A_1444, %dma_wait3A_1458, %dma_wait3A_1459] : memref<16384x32x128xf32, #tpu.memory_space<hbm>> -> memref<1x26x64xf32, #tpu.memory_space<hbm>>
        %dma_wait3A_1461 = tpu.memref_squeeze %dma_wait3A_1460 : memref<1x26x64xf32, #tpu.memory_space<hbm>> -> memref<26x64xf32, #tpu.memory_space<hbm>>
        tpu.wait_dma2 semaphore(%arg23 : memref<!tpu.dma_semaphore, #tpu.memory_space<semaphore_mem>>) src(%dma_wait3A_1461 : memref<26x64xf32, #tpu.memory_space<hbm>>) dst(%dma_wait3A_1457 : memref<26x64xf32, #tpu.memory_space<vmem>>)
        %dma_wait3A_1462 = arith.constant 0 : i32
        %dma_wait3A_1463 = arith.constant 7 : i32
        %dma_wait3A_1464 = arith.constant 26 : i32
        %dma_wait3A_1465 = arith.constant 0 : i32
        %dma_wait3A_1466 = tpu.memref_slice %arg6[%dma_wait3A_1463, %dma_wait3A_1464, %dma_wait3A_1465] : memref<8x104x64xf32, #tpu.memory_space<vmem>> -> memref<1x26x64xf32, #tpu.memory_space<vmem>>
        %dma_wait3A_1467 = tpu.memref_squeeze %dma_wait3A_1466 : memref<1x26x64xf32, #tpu.memory_space<vmem>> -> memref<26x64xf32, #tpu.memory_space<vmem>>
        %dma_wait3A_1468 = arith.constant 0 : i32
        %dma_wait3A_1469 = arith.constant 0 : i32
        %dma_wait3A_1470 = tpu.memref_slice %arg4[%dma_wait3A_1462, %dma_wait3A_1468, %dma_wait3A_1469] : memref<16384x32x128xf32, #tpu.memory_space<hbm>> -> memref<1x26x64xf32, #tpu.memory_space<hbm>>
        %dma_wait3A_1471 = tpu.memref_squeeze %dma_wait3A_1470 : memref<1x26x64xf32, #tpu.memory_space<hbm>> -> memref<26x64xf32, #tpu.memory_space<hbm>>
        %dma_wait3A_1472 = arith.constant 26 : i32
        %dma_wait3A_1473 = arith.constant 0 : i32
        %dma_wait3A_1474 = tpu.memref_slice %arg6[%dma_wait3A_1463, %dma_wait3A_1472, %dma_wait3A_1473] : memref<8x104x64xf32, #tpu.memory_space<vmem>> -> memref<1x26x64xf32, #tpu.memory_space<vmem>>
        %dma_wait3A_1475 = tpu.memref_squeeze %dma_wait3A_1474 : memref<1x26x64xf32, #tpu.memory_space<vmem>> -> memref<26x64xf32, #tpu.memory_space<vmem>>
        %dma_wait3A_1476 = arith.constant 0 : i32
        %dma_wait3A_1477 = arith.constant 0 : i32
        %dma_wait3A_1478 = tpu.memref_slice %arg4[%dma_wait3A_1462, %dma_wait3A_1476, %dma_wait3A_1477] : memref<16384x32x128xf32, #tpu.memory_space<hbm>> -> memref<1x26x64xf32, #tpu.memory_space<hbm>>
        %dma_wait3A_1479 = tpu.memref_squeeze %dma_wait3A_1478 : memref<1x26x64xf32, #tpu.memory_space<hbm>> -> memref<26x64xf32, #tpu.memory_space<hbm>>
        tpu.wait_dma2 semaphore(%arg23 : memref<!tpu.dma_semaphore, #tpu.memory_space<semaphore_mem>>) src(%dma_wait3A_1479 : memref<26x64xf32, #tpu.memory_space<hbm>>) dst(%dma_wait3A_1475 : memref<26x64xf32, #tpu.memory_space<vmem>>)
        %dma_wait3A_1480 = arith.constant 0 : i32
        %dma_wait3A_1481 = arith.constant 7 : i32
        %dma_wait3A_1482 = arith.constant 52 : i32
        %dma_wait3A_1483 = arith.constant 0 : i32
        %dma_wait3A_1484 = tpu.memref_slice %arg6[%dma_wait3A_1481, %dma_wait3A_1482, %dma_wait3A_1483] : memref<8x104x64xf32, #tpu.memory_space<vmem>> -> memref<1x26x64xf32, #tpu.memory_space<vmem>>
        %dma_wait3A_1485 = tpu.memref_squeeze %dma_wait3A_1484 : memref<1x26x64xf32, #tpu.memory_space<vmem>> -> memref<26x64xf32, #tpu.memory_space<vmem>>
        %dma_wait3A_1486 = arith.constant 0 : i32
        %dma_wait3A_1487 = arith.constant 0 : i32
        %dma_wait3A_1488 = tpu.memref_slice %arg4[%dma_wait3A_1480, %dma_wait3A_1486, %dma_wait3A_1487] : memref<16384x32x128xf32, #tpu.memory_space<hbm>> -> memref<1x26x64xf32, #tpu.memory_space<hbm>>
        %dma_wait3A_1489 = tpu.memref_squeeze %dma_wait3A_1488 : memref<1x26x64xf32, #tpu.memory_space<hbm>> -> memref<26x64xf32, #tpu.memory_space<hbm>>
        %dma_wait3A_1490 = arith.constant 52 : i32
        %dma_wait3A_1491 = arith.constant 0 : i32
        %dma_wait3A_1492 = tpu.memref_slice %arg6[%dma_wait3A_1481, %dma_wait3A_1490, %dma_wait3A_1491] : memref<8x104x64xf32, #tpu.memory_space<vmem>> -> memref<1x26x64xf32, #tpu.memory_space<vmem>>
        %dma_wait3A_1493 = tpu.memref_squeeze %dma_wait3A_1492 : memref<1x26x64xf32, #tpu.memory_space<vmem>> -> memref<26x64xf32, #tpu.memory_space<vmem>>
        %dma_wait3A_1494 = arith.constant 0 : i32
        %dma_wait3A_1495 = arith.constant 0 : i32
        %dma_wait3A_1496 = tpu.memref_slice %arg4[%dma_wait3A_1480, %dma_wait3A_1494, %dma_wait3A_1495] : memref<16384x32x128xf32, #tpu.memory_space<hbm>> -> memref<1x26x64xf32, #tpu.memory_space<hbm>>
        %dma_wait3A_1497 = tpu.memref_squeeze %dma_wait3A_1496 : memref<1x26x64xf32, #tpu.memory_space<hbm>> -> memref<26x64xf32, #tpu.memory_space<hbm>>
        tpu.wait_dma2 semaphore(%arg23 : memref<!tpu.dma_semaphore, #tpu.memory_space<semaphore_mem>>) src(%dma_wait3A_1497 : memref<26x64xf32, #tpu.memory_space<hbm>>) dst(%dma_wait3A_1493 : memref<26x64xf32, #tpu.memory_space<vmem>>)
        %dma_wait3A_1498 = arith.constant 0 : i32
        %dma_wait3A_1499 = arith.constant 7 : i32
        %dma_wait3A_1500 = arith.constant 78 : i32
        %dma_wait3A_1501 = arith.constant 0 : i32
        %dma_wait3A_1502 = tpu.memref_slice %arg6[%dma_wait3A_1499, %dma_wait3A_1500, %dma_wait3A_1501] : memref<8x104x64xf32, #tpu.memory_space<vmem>> -> memref<1x26x64xf32, #tpu.memory_space<vmem>>
        %dma_wait3A_1503 = tpu.memref_squeeze %dma_wait3A_1502 : memref<1x26x64xf32, #tpu.memory_space<vmem>> -> memref<26x64xf32, #tpu.memory_space<vmem>>
        %dma_wait3A_1504 = arith.constant 0 : i32
        %dma_wait3A_1505 = arith.constant 0 : i32
        %dma_wait3A_1506 = tpu.memref_slice %arg4[%dma_wait3A_1498, %dma_wait3A_1504, %dma_wait3A_1505] : memref<16384x32x128xf32, #tpu.memory_space<hbm>> -> memref<1x26x64xf32, #tpu.memory_space<hbm>>
        %dma_wait3A_1507 = tpu.memref_squeeze %dma_wait3A_1506 : memref<1x26x64xf32, #tpu.memory_space<hbm>> -> memref<26x64xf32, #tpu.memory_space<hbm>>
        %dma_wait3A_1508 = arith.constant 78 : i32
        %dma_wait3A_1509 = arith.constant 0 : i32
        %dma_wait3A_1510 = tpu.memref_slice %arg6[%dma_wait3A_1499, %dma_wait3A_1508, %dma_wait3A_1509] : memref<8x104x64xf32, #tpu.memory_space<vmem>> -> memref<1x26x64xf32, #tpu.memory_space<vmem>>
        %dma_wait3A_1511 = tpu.memref_squeeze %dma_wait3A_1510 : memref<1x26x64xf32, #tpu.memory_space<vmem>> -> memref<26x64xf32, #tpu.memory_space<vmem>>
        %dma_wait3A_1512 = arith.constant 0 : i32
        %dma_wait3A_1513 = arith.constant 0 : i32
        %dma_wait3A_1514 = tpu.memref_slice %arg4[%dma_wait3A_1498, %dma_wait3A_1512, %dma_wait3A_1513] : memref<16384x32x128xf32, #tpu.memory_space<hbm>> -> memref<1x26x64xf32, #tpu.memory_space<hbm>>
        %dma_wait3A_1515 = tpu.memref_squeeze %dma_wait3A_1514 : memref<1x26x64xf32, #tpu.memory_space<hbm>> -> memref<26x64xf32, #tpu.memory_space<hbm>>
        tpu.wait_dma2 semaphore(%arg23 : memref<!tpu.dma_semaphore, #tpu.memory_space<semaphore_mem>>) src(%dma_wait3A_1515 : memref<26x64xf32, #tpu.memory_space<hbm>>) dst(%dma_wait3A_1511 : memref<26x64xf32, #tpu.memory_space<vmem>>)
      } else {
      }
    }
    %scan3A_90 = arith.constant 16 : i32
    return
  }
}

</mosaic_0001>

<sc_bundles>
// kernel: kernel.3.cloned.1.call-start
scs
__scs_entry_jumppad:
0x0: {  	(pc) =	sbr.rel $0x88, $3  }
0x1: {  	(tag) =	ssettag $0x0;
	lr =	simm.s32 $0x1  }
0x2: {  	[smem:$0x3F9F] =	sst lr;
	_ =	strace $0xD0000000  }
0x3: {  	_ = 	snop  }
0x4: {  	_ = 	snop  }
0x5: {  	_ = 	snop  }
0x6: {  	_ = 	snop  }
0x7: {  	_ = 	snop  }
__scs_overlays_trampoline_lowered:
0x8: {  	[smem:$0x3FAE] =	sst s0  }
0x9: {  	[smem:$0x3FAF] =	sst s1  }
0xa: {  	[smem:$0x3FB0] =	sst s2  }
0xb: {  	[smem:$0x3FB1] =	sst s3  }
0xc: {  	[smem:$0x3FB2] =	sst s4  }
0xd: {  	[smem:$0x3FB3] =	sst s5  }
0xe: {  	[smem:$0x3FB4] =	sst s6  }
0xf: {  	[smem:$0x3FB5] =	sst s7  }
0x10: {  	[smem:$0x3FB6] =	sst s8  }
0x11: {  	[smem:$0x3FB7] =	sst s9;
	s0 =	simm.s32 @!p0 $0x0  }
0x12: {  	s1 =	sld [smem:$0x3F9D];
	s0 =	simm.s32 @p0 $0x1  }
0x13: {  	[smem:$0x3FB8] =	sst s0;
	s0 =	simm.s32 @!p1 $0x0  }
0x14: {  	s2 =	sld [smem:$0x3F9C];
	s0 =	simm.s32 @p1 $0x1  }
0x15: {  	[smem:$0x3FB9] =	sst s0;
	s0 =	simm.s32 @!p2 $0x0  }
0x16: {  	s3 =	sld [smem:$0x3FDB];
	s0 =	simm.s32 @p2 $0x1  }
0x17: {  	s4 =	simm.s32 $0x1BF5;
	[smem:$0x3FBB] =	sst s0  }
0x18: {  	s0 =	sld [smem:$0x3F9E];
	_ =	swait.ge [sflag:s4], $0x0  }
0x19: {  	s7 =	sld [smem:$0x3F9F]  }
0x1a: {  	s8 =	sadd.s32 $0xFFFFE003, lr  }
0x1b: {  	s9 =	sadd.s32 $0xFFFFFEF7, lr;
	s5 =	simm.s32 $0xFFFFFFFF;
	p2 =	slt.u32 s8, $0xFFFFF086  }
0x1c: {  	p1 =	slt.u32 s9, $0xF7A;
	s5 =	simm.s32 @!p2 $0x0  }
0x1d: {  	s5 =	simm.s32 @p1 $0x1;
	p0 =	seq.s32 s7, s2  }
0x1e: {  	s7 =	smul.u32 @!p0 $0xF7A, s2;
	p2 =	seq.s32 @!p0 s5, $0x0  }
0x1f: {  	s9 =	smul.u32 $0xF7A, s1;
	s8 =	simm.s32 @!p0 $0x1BF5;
	p2 =	por !p2, p0  }
0x20: {  	[sflag:s8] =	ssyncset.s32 @!p0 $0xFFFFF086;
	s6 =	sadd.s32 @!p0 s3, s7;
	s7 =	simm.s32 @!p0 $0x108  }
0x21: {  	s3 =	sadd.s32 s3, s9;
	s6 =	sadd.s32 @!p0 $0x88, s6;
	s7 =	simm.s32 @p2 $0x1082  }
0x22: {  	[simem:s7], [sflag:s8] =	dma.local @!p0 [hbm:s6], $0xF7A  }
0x23: {  	s9 =	sor.u32 $0xD0000000, s2;
	s6 =	simm.s32 $0x108;
	_ =	swait.ge @!p0 [sflag:s8], $0x0  }
0x24: {  	s3 =	sadd.s32 $0x88, s3;
	s6 =	simm.s32 @!p1 $0x1082;
	[sflag:s4] =	ssyncset.s32 $0xFFFFF086  }
0x25: {  	[simem:s6], [sflag:s4] =	dma.local [hbm:s3], $0xF7A  }
0x26: {  	[smem:$0x3F9F] =	sst s1;
	(tag) =	ssettag s2;
	_ =	strace s9  }
0x27: {  	s1 =	sld [smem:$0x3FAF]  }
0x28: {  	s2 =	sld [smem:$0x3FB0]  }
0x29: {  	s4 =	sld [smem:$0x3FB2]  }
0x2a: {  	p0 =	seq.s32 s5, $0x0;
	s5 =	sld [smem:$0x3FB3]  }
0x2b: {  	s6 =	sld [smem:$0x3FB4]  }
0x2c: {  	s7 =	sld [smem:$0x3FB5]  }
0x2d: {  	s3 =	simm.s32 $0x108;
	s8 =	sld [smem:$0x3FB6]  }
0x2e: {  	s3 =	simm.s32 @!p0 $0x1082;
	s9 =	sld [smem:$0x3FB7]  }
0x2f: {  	lr =	sadd.s32 s0, s3;
	s0 =	sld [smem:$0x3FAE]  }
0x30: {  	s3 =	sld [smem:$0x3FB1]  }
0x31: {  	[smem:$0x3FBA] =	sst s10  }
0x32: {  	s10 =	sld [smem:$0x3FB8];
	_ =	sdelay $0x3  }
0x33: {  	p0 =	seq.s32 s10, $0x1;
	s10 =	sld [smem:$0x3FBA];
	_ =	sdelay $0x3  }
0x34: {  	[smem:$0x3FBA] =	sst s10  }
0x35: {  	s10 =	sld [smem:$0x3FB9];
	_ =	sdelay $0x3  }
0x36: {  	p1 =	seq.s32 s10, $0x1;
	s10 =	sld [smem:$0x3FBA];
	_ =	sdelay $0x3  }
0x37: {  	[smem:$0x3FBA] =	sst s10  }
0x38: {  	s10 =	sld [smem:$0x3FBB]  }
0x39: {  	_ = 	snop;
	(pc) =	sbr.ind lr, $3  }
0x3a: {  	_ = 	snop  }
0x3b: {  	_ = 	snop  }
0x3c: {  	p2 =	seq.s32 s10, $0x1;
	s10 =	sld [smem:$0x3FBA]  }
0x3d: {  	_ =	shalt  }
0x3e: {  	_ =	shalt  }
0x3f: {  	_ =	shalt  }
0x40: {  	_ =	shalt  }
0x41: {  	_ =	shalt  }
0x42: {  	_ =	shalt  }
0x43: {  	_ =	shalt  }
0x44: {  	_ =	shalt  }
0x45: {  	_ =	shalt  }
0x46: {  	_ =	shalt  }
0x47: {  	_ =	shalt  }
0x48: {  	_ =	shalt  }
0x49: {  	_ =	shalt  }
0x4a: {  	_ =	shalt  }
0x4b: {  	_ =	shalt  }
0x4c: {  	_ =	shalt  }
0x4d: {  	_ =	shalt  }
0x4e: {  	_ =	shalt  }
0x4f: {  	_ =	shalt  }
0x50: {  	_ =	shalt  }
0x51: {  	_ =	shalt  }
0x52: {  	_ =	shalt  }
0x53: {  	_ =	shalt  }
0x54: {  	_ =	shalt  }
0x55: {  	_ =	shalt  }
0x56: {  	_ =	shalt  }
0x57: {  	_ =	shalt  }
0x58: {  	_ =	shalt  }
0x59: {  	_ =	shalt  }
0x5a: {  	_ =	shalt  }
0x5b: {  	_ =	shalt  }
0x5c: {  	_ =	shalt  }
0x5d: {  	_ =	shalt  }
0x5e: {  	_ =	shalt  }
0x5f: {  	_ =	shalt  }
0x60: {  	_ =	shalt  }
0x61: {  	_ =	shalt  }
0x62: {  	_ =	shalt  }
0x63: {  	_ =	shalt  }
0x64: {  	_ =	shalt  }
0x65: {  	_ =	shalt  }
0x66: {  	_ =	shalt  }
0x67: {  	_ =	shalt  }
0x68: {  	_ =	shalt  }
0x69: {  	_ =	shalt  }
0x6a: {  	_ =	shalt  }
0x6b: {  	_ =	shalt  }
0x6c: {  	_ =	shalt  }
0x6d: {  	_ =	shalt  }
0x6e: {  	_ =	shalt  }
0x6f: {  	_ =	shalt  }
0x70: {  	_ =	shalt  }
0x71: {  	_ =	shalt  }
0x72: {  	_ =	shalt  }
0x73: {  	_ =	shalt  }
0x74: {  	_ =	shalt  }
0x75: {  	_ =	shalt  }
0x76: {  	_ =	shalt  }
0x77: {  	_ =	shalt  }
0x78: {  	_ =	shalt  }
0x79: {  	_ =	shalt  }
0x7a: {  	_ =	shalt  }
0x7b: {  	_ =	shalt  }
0x7c: {  	_ =	shalt  }
0x7d: {  	_ =	shalt  }
0x7e: {  	_ =	shalt  }
0x7f: {  	_ =	shalt  }
0x80: {  	_ =	shalt  }
0x81: {  	_ =	shalt  }
0x82: {  	_ =	shalt  }
0x83: {  	_ =	shalt  }
0x84: {  	_ =	shalt  }
0x85: {  	_ =	shalt  }
0x86: {  	_ =	shalt  }
0x87: {  	_ =	shalt  }
.Lfunc_end0:
.L_simem_size_0:
called_computation.1_lowered:
.L_overlay_start_0:
0x88: {  	s2 =	sld [smem:$0x3FD9]  }
0x89: {  	s3 =	sld [smem:$0x3FFE];
	_ =	sdelay $0x1  }
0x8a: {  	s1 =	srdreg.scid  }
0x8b: {  	s0 =	sand.u32 $0x1, s1  }
0x8c: {  	s17 =	sshll.u32 s0, $0xA;
	s2 =	sadd.s32 s3, s2  }
0x8d: {  	s2 =	sadd.s32 s2, s17  }
0x8e: {  	[smem:$0x3FC6] =	sst s2  }
0x8f: {  	_ = 	snop  }
0x90: {  	s2 =	sld [smem:$0x3FD0];
	(tm) =	ssettm $0x1  }
0x91: {  	s18 =	sld [smem:$0x3FFB];
	_ =	sdelay $0x3  }
0x92: {  	_ =	strace s18  }
0x93: {  	s3 =	sld [smem:$0x3FFC];
	_ =	sdelay $0x3  }
0x94: {  	_ =	strace s3  }
0x95: {  	s3 =	sld [smem:$0x3FFD];
	_ =	sdelay $0x3  }
0x96: {  	_ =	strace s3  }
0x97: {  	_ =	strace $0x8FFFFFFF  }
0x98: {  	s19 =	sld [smem:$0x3FDB];
	_ =	sdelay $0x1  }
0x99: {  	s4 =	simm.s32 $_scs_section_size  }
0x9a: {  	s5 =	simm.s32 $_size__tile_overlayer_lowered;
	s6 =	simm.s32 $_tile_overlayer_lowered  }
0x9b: {  	s22 =	simm.s32 $0x1BFF;
	s21 =	sshll.u32 s6, $0x1;
	s3 =	sadd.s32 s4, s19  }
0x9c: {  	s7 =	simm.s32 $0x0;
	s20 =	sshll.u32 s5, $0x1;
	s5 =	sadd.s32 s21, s3  }
0x9d: {  	[timem:s7], [sflag:s22] =	dma.local [hbm:s5], s20  }
0x9e: {  	_ =	swait.ge [sflag:s22], s20  }
0x9f: {  	s4 =	ssub.s32 $0x0, s20;
	[sflag:s22] =	ssyncset.done $0x0  }
0xa0: {  	[sflag:s22] =	ssyncadd.s32 s4;
	_ =	sdelay $0x1  }
0xa1: {  	s23 =	simm.s32 $0x1B8B  }
0xa2: {  	_ =	swait.ge [sflag:s23], $0x1  }
0xa3: {  	[sflag:s23] =	ssyncset.done $0x0  }
0xa4: {  	s25 =	simm.s32 $0x1B8E;
	s24 =	sld [smem:$0x3FFE];
	[sflag:s23] =	ssyncadd.s32 $0xFFFFFFFF  }
0xa5: {  	s26 =	simm.s32 $execute0_lowered;
	[smem:$0x3FD2] =	sst s25  }
0xa6: {  	s5 =	sshll.u32 s26, $0x1;
	_ =	strace $0x80000046;
	[dreg:$0x1] =	wrdreg $0xFFFFFFFF  }
0xa7: {  	s28 =	simm.s32 $_size_execute0_lowered;
	s3 =	sadd.s32 s3, s5;
	[dreg:$0x0] =	wrdreg $0x0  }
0xa8: {  	s5 =	sshll.u32 s28, $0x1;
	[dreg:$0x2] =	wrdreg s3  }
0xa9: {  	[dreg:$0x3] =	wrdreg s5  }
0xaa: {  	[dreg:$0x4] =	wrdreg $0xC0  }
0xab: {  	_ =	task [dreg:s7], $0x5FFFF  }
0xac: {  	[dreg:$0x1] =	wrdreg $0xFFFFFFFF  }
0xad: {  	[dreg:$0x0] =	wrdreg $0x60  }
0xae: {  	[dreg:$0x2] =	wrdreg s24  }
0xaf: {  	[dreg:$0x3] =	wrdreg s2  }
0xb0: {  	[dreg:$0x4] =	wrdreg $0x9  }
0xb1: {  	_ =	task.clear_ibuf [dreg:s7], $0x5FFFF;
	_ =	strace $0x90000046  }
0xb2: {  	s29 =	simm.s32 $0x9;
	_ =	strace $0x80000048  }
0xb3: {  	_ =	swait.ge [sflag:s29], $0x1  }
0xb4: {  	[sflag:s29] =	ssyncadd.s32 $0xFFFFFFFF  }
0xb5: {  	_ =	strace $0x90000048  }
0xb6: {  	_ =	sfence  }
0xb7: {  	s30 =	sld [smem:$0x0];
	_ =	sdelay $0x2  }
0xb8: {  	s31 =	sshll.u32 s1, $0xD;
	s1 =	sshrl.u32 s1, $0x2  }
0xb9: {  	s3 =	sand.u32 $0x4000, s31;
	s1 =	sadd.s32 s1, s30  }
0xba: {  	s0 =	sor.u32 s3, s0;
	s1 =	sshll.u32 s1, $0x11  }
0xbb: {  	s0 =	sor.u32 s1, s0  }
0xbc: {  	s0 =	sadd.s32 $0x8F2B, s0  }
0xbd: {  	[sflag:s0] =	ssyncadd.remote.s32 $0x1  }
0xbe: {  	_ =	sfence.sel $0xFFFF  }
0xbf: {  	[dreg:$0x0] =	wrdreg $0xFFFFFFFF;
	(pc) =	sbr.abs _section_cstart, $3  }
0xc0: {  	[dreg:$0x1] =	wrdreg $0xFFFFFFFF  }
0xc1: {  	_ =	task.clear_ibuf [dreg:s7], $0x2FFFF;
	_ =	strace $0x9FFFFFFF  }
0xc2: {  	(tm) =	ssettm $0x7FFFFFFF  }
0xc3: {  	_ =	shalt  }
tec
execute0_lowered:
.L_overlay_start_1:
0x0: {  	(tag) =	ssettag $0x1  }
0x1: {  	s0 =	rddreg [dreg:$0x0]  }
0x2: {  	s1 =	rddreg [dreg:$0x1]  }
0x3: {  	s2 =	srdreg.scid;
	s3 =	stileid.u32;
	s4 =	simm.s32 $0x0  }
0x4: {  	s12 =	simm.s32 $0x68;
	s24 =	simm.s32 $0x3400;
	s28 =	simm.s32 $0x2  }
0x5: {  	s29 =	simm.s32 $0x40;
	s30 =	simm.s32 $0x80;
	s15 =	simm.s32 $0x3  }
0x6: {  	s23 =	simm.s32 $0x4;
	s10 =	simm.s32 $0x5;
	s25 =	simm.s32 $0x7  }
0x7: {  	s31 =	simm.s32 $0x8;
	s21 =	simm.s32 $0x9;
	s17 =	simm.s32 $0xB  }
0x8: {  	s19 =	simm.s32 $0xC;
	s11 =	simm.s32 $0xF;
	s13 =	simm.s32 $0x10  }
0x9: {  	s14 =	simm.s32 $0x11;
	s18 =	simm.s32 $0x0;
	s2 =	sand.u32 $0x1, s2  }
0xa: {  	s3 =	sshll.u32 s3, $0x1;
	[smem:$0x7FF] =	sst s4;
	s4 =	sadd.s32 $0xA00, s0  }
0xb: {  	s8 =	sadd.s32 $0xE00, s0;
	s9 =	sadd.s32 $0x1000, s0;
	s5 =	sor.u32 s2, s3  }
0xc: {  	_ =	strace $0x80000047;
	s2 =	ssub.s32 $0x2, s2;
	s6 =	smul.u32 $0x680, s5  }
.Ltmp0:
0xd: {  	s3 =	sadd.s32 $0xF42E00, s0;
	s7 =	sshrl.u32 s2, $0x1;
	(pc) =	sbr.rel .LBB2_1-.Ltmp0, $4  }
0xe: {  	s5 =	sshll.u32 s5, $0x9;
	s2 =	ssub.s32 s2, s7;
	s7 =	sadd.s32 $0xC00, s0  }
0xf: {  	s0 =	simm.s32 $0xA;
	s1 =	sadd.s32 s1, s6;
	s26 =	smax.u32 s2, $0x1  }
0x10: {  	s2 =	simm.s32 $0xD;
	s6 =	simm.s32 $0xE;
	[dreg:$0x3] =	wrdreg s1  }
0x11: {  	[dreg:$0x4] =	wrdreg s26;
	s26 =	simm.s32 $0xEA00;
	s1 =	simm.s32 $0x6  }
.LBB2_20:
0x12: {  	_ =	swait.ge [sflag:s17], $0x680  }
0x13: {  	[sflag:s17] =	ssyncset.done $0x0  }
0x14: {  	[sflag:s17] =	ssyncadd.s32 $0xFFFFF980  }
0x15: {  	_ =	swait.ge [sflag:s17], $0x680  }
0x16: {  	[sflag:s17] =	ssyncset.done $0x0  }
0x17: {  	[sflag:s17] =	ssyncadd.s32 $0xFFFFF980  }
0x18: {  	_ =	swait.ge [sflag:s17], $0x680  }
0x19: {  	[sflag:s17] =	ssyncset.done $0x0  }
0x1a: {  	[sflag:s17] =	ssyncadd.s32 $0xFFFFF980  }
0x1b: {  	_ =	swait.ge [sflag:s17], $0x680  }
0x1c: {  	[sflag:s17] =	ssyncset.done $0x0  }
0x1d: {  	[sflag:s17] =	ssyncadd.s32 $0xFFFFF980  }
0x1e: {  	_ =	swait.ge [sflag:s19], $0x680  }
0x1f: {  	[sflag:s19] =	ssyncset.done $0x0  }
0x20: {  	[sflag:s19] =	ssyncadd.s32 $0xFFFFF980  }
0x21: {  	_ =	swait.ge [sflag:s19], $0x680  }
0x22: {  	[sflag:s19] =	ssyncset.done $0x0  }
0x23: {  	[sflag:s19] =	ssyncadd.s32 $0xFFFFF980  }
0x24: {  	_ =	swait.ge [sflag:s19], $0x680  }
0x25: {  	[sflag:s19] =	ssyncset.done $0x0  }
0x26: {  	[sflag:s19] =	ssyncadd.s32 $0xFFFFF980  }
0x27: {  	_ =	swait.ge [sflag:s19], $0x680  }
0x28: {  	[sflag:s19] =	ssyncset.done $0x0  }
0x29: {  	[sflag:s19] =	ssyncadd.s32 $0xFFFFF980  }
0x2a: {  	_ =	swait.ge [sflag:s2], $0x680  }
0x2b: {  	[sflag:s2] =	ssyncset.done $0x0  }
0x2c: {  	[sflag:s2] =	ssyncadd.s32 $0xFFFFF980  }
0x2d: {  	_ =	swait.ge [sflag:s2], $0x680  }
0x2e: {  	[sflag:s2] =	ssyncset.done $0x0  }
0x2f: {  	[sflag:s2] =	ssyncadd.s32 $0xFFFFF980  }
0x30: {  	_ =	swait.ge [sflag:s2], $0x680  }
0x31: {  	[sflag:s2] =	ssyncset.done $0x0  }
0x32: {  	[sflag:s2] =	ssyncadd.s32 $0xFFFFF980  }
0x33: {  	_ =	swait.ge [sflag:s2], $0x680  }
0x34: {  	[sflag:s2] =	ssyncset.done $0x0  }
0x35: {  	[sflag:s2] =	ssyncadd.s32 $0xFFFFF980  }
0x36: {  	_ =	swait.ge [sflag:s6], $0x680  }
0x37: {  	[sflag:s6] =	ssyncset.done $0x0  }
0x38: {  	[sflag:s6] =	ssyncadd.s32 $0xFFFFF980  }
0x39: {  	_ =	swait.ge [sflag:s6], $0x680  }
0x3a: {  	[sflag:s6] =	ssyncset.done $0x0  }
0x3b: {  	[sflag:s6] =	ssyncadd.s32 $0xFFFFF980  }
0x3c: {  	_ =	swait.ge [sflag:s6], $0x680  }
0x3d: {  	[sflag:s6] =	ssyncset.done $0x0  }
0x3e: {  	[sflag:s6] =	ssyncadd.s32 $0xFFFFF980  }
0x3f: {  	_ =	swait.ge [sflag:s6], $0x680  }
0x40: {  	[sflag:s6] =	ssyncset.done $0x0  }
0x41: {  	[sflag:s6] =	ssyncadd.s32 $0xFFFFF980  }
0x42: {  	_ =	swait.ge [sflag:s11], $0x680  }
0x43: {  	[sflag:s11] =	ssyncset.done $0x0  }
0x44: {  	[sflag:s11] =	ssyncadd.s32 $0xFFFFF980  }
0x45: {  	_ =	swait.ge [sflag:s11], $0x680  }
0x46: {  	[sflag:s11] =	ssyncset.done $0x0  }
0x47: {  	[sflag:s11] =	ssyncadd.s32 $0xFFFFF980  }
0x48: {  	_ =	swait.ge [sflag:s11], $0x680  }
0x49: {  	[sflag:s11] =	ssyncset.done $0x0  }
0x4a: {  	[sflag:s11] =	ssyncadd.s32 $0xFFFFF980  }
0x4b: {  	_ =	swait.ge [sflag:s11], $0x680  }
0x4c: {  	[sflag:s11] =	ssyncset.done $0x0  }
0x4d: {  	[sflag:s11] =	ssyncadd.s32 $0xFFFFF980  }
0x4e: {  	_ =	swait.ge [sflag:s13], $0x680  }
0x4f: {  	[sflag:s13] =	ssyncset.done $0x0  }
0x50: {  	[sflag:s13] =	ssyncadd.s32 $0xFFFFF980  }
0x51: {  	_ =	swait.ge [sflag:s13], $0x680  }
0x52: {  	[sflag:s13] =	ssyncset.done $0x0  }
0x53: {  	[sflag:s13] =	ssyncadd.s32 $0xFFFFF980  }
0x54: {  	_ =	swait.ge [sflag:s13], $0x680  }
0x55: {  	[sflag:s13] =	ssyncset.done $0x0  }
0x56: {  	[sflag:s13] =	ssyncadd.s32 $0xFFFFF980  }
0x57: {  	_ =	swait.ge [sflag:s13], $0x680  }
0x58: {  	[sflag:s13] =	ssyncset.done $0x0  }
0x59: {  	[sflag:s13] =	ssyncadd.s32 $0xFFFFF980  }
0x5a: {  	_ =	swait.ge [sflag:s14], $0x680  }
0x5b: {  	[sflag:s14] =	ssyncset.done $0x0  }
0x5c: {  	[sflag:s14] =	ssyncadd.s32 $0xFFFFF980  }
0x5d: {  	_ =	swait.ge [sflag:s14], $0x680  }
0x5e: {  	[sflag:s14] =	ssyncset.done $0x0  }
0x5f: {  	[sflag:s14] =	ssyncadd.s32 $0xFFFFF980  }
0x60: {  	_ =	swait.ge [sflag:s14], $0x680  }
0x61: {  	[sflag:s14] =	ssyncset.done $0x0  }
0x62: {  	[sflag:s14] =	ssyncadd.s32 $0xFFFFF980  }
0x63: {  	_ =	swait.ge [sflag:s14], $0x680  }
0x64: {  	s18 =	rddreg [dreg:$0x5]  }
0x65: {  	s16 =	rddreg [dreg:$0x4];
	s18 =	sadd.s32 $0x1, s18  }
0x66: {  	p0 =	sne.s32 s18, s16  }
.Ltmp1:
0x67: {  	_ = 	snop;
	(pc) =	sbr.rel @!p0 .LBB2_21-.Ltmp1, $3  }
0x68: {  	_ =	sdelay $0x1  }
0x69: {  	[sflag:s14] =	ssyncset.done $0x0  }
0x6a: {  	s24 =	simm.s32 $0x3400;
	[sflag:s14] =	ssyncadd.s32 $0xFFFFF980  }
.LBB2_1:
0x6b: {  	[dreg:$0x5] =	wrdreg s18  }
0x6c: {  	s16 =	simm.s32 $0x0;
	s20 =	rddreg [dreg:$0x3];
	s22 =	simm.s32 $0x1  }
0x6d: {  	[tilespmem:s16], [sflag:$0x1] =	stream.linear.gather [hbm4b:s20+s16], $0x3400, $0x38;
	[tilespmem:$0x10400] =	vst v63  }
0x6e: {  	_ =	swait.ge [sflag:s22], $0x3400  }
0x6f: {  	[sflag:s22] =	ssyncset.done $0x0  }
0x70: {  	[sflag:s22] =	ssyncadd.s32 $0xFFFFCC00  }
0x71: {  	[tilespmem:s24], [sflag:$0x2] =	stream.indirect.gather [hbm4b:s3+s12], $0x40, s16, s12, $0xb8;
	[tilespmem:$0x10400] =	vst v63  }
0x72: {  	s18 =	simm.s32 $0x4E00  }
0x73: {  	[tilespmem:s18], [sflag:$0x3] =	stream.indirect.gather [hbm4b:s3+s12], $0x40, s12, s12, $0xb8;
	[tilespmem:$0x10400] =	vst v63  }
0x74: {  	s20 =	simm.s32 $0xD0;
	s22 =	simm.s32 $0x6800  }
0x75: {  	[tilespmem:s22], [sflag:$0x4] =	stream.indirect.gather [hbm4b:s3+s12], $0x40, s20, s12, $0xb8;
	[tilespmem:$0x10400] =	vst v63  }
0x76: {  	s20 =	simm.s32 $0x138;
	s22 =	simm.s32 $0x8200  }
0x77: {  	[tilespmem:s22], [sflag:$0x5] =	stream.indirect.gather [hbm4b:s3+s12], $0x40, s20, s12, $0xb8;
	[tilespmem:$0x10400] =	vst v63  }
0x78: {  	s20 =	simm.s32 $0x1A0;
	s22 =	simm.s32 $0x9C00  }
0x79: {  	[tilespmem:s22], [sflag:$0x6] =	stream.indirect.gather [hbm4b:s3+s12], $0x40, s20, s12, $0xb8;
	[tilespmem:$0x10400] =	vst v63  }
0x7a: {  	s20 =	simm.s32 $0x208;
	s22 =	simm.s32 $0xB600  }
0x7b: {  	[tilespmem:s22], [sflag:$0x7] =	stream.indirect.gather [hbm4b:s3+s12], $0x40, s20, s12, $0xb8;
	[tilespmem:$0x10400] =	vst v63  }
0x7c: {  	s18 =	simm.s32 $0x270;
	s20 =	simm.s32 $0xD000  }
0x7d: {  	[tilespmem:s20], [sflag:$0x8] =	stream.indirect.gather [hbm4b:s3+s12], $0x40, s18, s12, $0xb8;
	[tilespmem:$0x10400] =	vst v63  }
0x7e: {  	s16 =	simm.s32 $0x0;
	s22 =	simm.s32 $0x2D8  }
0x7f: {  	[tilespmem:s26], [sflag:$0x9] =	stream.indirect.gather [hbm4b:s3+s12], $0x40, s22, s12, $0xb8;
	[tilespmem:$0x10400] =	vst v63  }
.LBB2_2:
0x80: {  	_ =	swait.ge [sflag:s28], $0x1A00  }
0x81: {  	[sflag:s28] =	ssyncset.done $0x0  }
0x82: {  	s20 =	simm.s32 $0x0;
	[sflag:s28] =	ssyncadd.s32 $0xFFFFE600  }
0x83: {  	v3 =	vld [tilespmem:s20+$0x3400]  }
0x84: {  	v5 =	vld [tilespmem:s20+$0x3410]  }
0x85: {  	v4 =	vld [tilespmem:s20+$0x3420]  }
0x86: {  	v2 =	vld [tilespmem:s20+$0x3430]  }
0x87: {  	v0 =	vld [tilespmem:s20+$0x3440]  }
0x88: {  	v1 =	vld [tilespmem:s20+$0x3450];
	v6 =	vmul.f32 $1.000000000e+01, v3  }
0x89: {  	s18 =	simm.s32 $0x200;
	v5 =	vmul.f32 $1.000000000e+01, v5;
	v3 =	vld [tilespmem:s20+$0x3460]  }
.LBB2_3:
0x8a: {  	s22 =	sshra.s32 s18, $0x2;
	p0 =	sne.s32 s18, $0x6600;
	[tilespmem:s20+$0x3400] =	vst v6;
	v4 =	vmul.f32 $1.000000000e+01, v4;
	v6 =	vld [tilespmem:s20+$0x3470]  }
0x8b: {  	v7 =	vld [tilespmem:s22+$0x3400];
	[tilespmem:s20+$0x3410] =	vst v5;
	v2 =	vmul.f32 $1.000000000e+01, v2  }
0x8c: {  	v5 =	vld [tilespmem:s22+$0x3410];
	[tilespmem:s20+$0x3420] =	vst v4;
	v0 =	vmul.f32 $1.000000000e+01, v0  }
.Ltmp2:
0x8d: {  	v4 =	vld [tilespmem:s22+$0x3420];
	[tilespmem:s20+$0x3430] =	vst v2;
	v1 =	vmul.f32 $1.000000000e+01, v1;
	(pc) =	sbr.rel @p0 .LBB2_3-.Ltmp2, $4  }
0x8e: {  	v2 =	vld [tilespmem:s22+$0x3430];
	[tilespmem:s20+$0x3440] =	vst v0;
	v3 =	vmul.f32 $1.000000000e+01, v3  }
0x8f: {  	v0 =	vld [tilespmem:s22+$0x3440];
	[tilespmem:s20+$0x3450] =	vst v1;
	v8 =	vmul.f32 $1.000000000e+01, v6  }
0x90: {  	v6 =	vmul.f32 $1.000000000e+01, v7;
	v1 =	vld [tilespmem:s22+$0x3450];
	[tilespmem:s20+$0x3460] =	vst v3  }
0x91: {  	s18 =	sadd.s32 $0x200, s18;
	v5 =	vmul.f32 $1.000000000e+01, v5;
	v3 =	vld [tilespmem:s22+$0x3460];
	[tilespmem:s20+$0x3470] =	vst v8;
	s20 =	smov.u32 s22  }
0x92: {  	[tilespmem:s20+$0x3400] =	vst v6;
	v4 =	vmul.f32 $1.000000000e+01, v4;
	v6 =	vld [tilespmem:s20+$0x3470]  }
0x93: {  	[tilespmem:s20+$0x3410] =	vst v5;
	v2 =	vmul.f32 $1.000000000e+01, v2  }
0x94: {  	[tilespmem:s20+$0x3420] =	vst v4;
	v0 =	vmul.f32 $1.000000000e+01, v0  }
0x95: {  	[tilespmem:s20+$0x3430] =	vst v2;
	v1 =	vmul.f32 $1.000000000e+01, v1  }
0x96: {  	s18 =	sshll.u32 s16, $0x5;
	[tilespmem:s20+$0x3440] =	vst v0;
	v0 =	vmul.f32 $1.000000000e+01, v3  }
0x97: {  	s22 =	sadd.s32 s5, s18;
	[tilespmem:s20+$0x3450] =	vst v1;
	v1 =	vmul.f32 $1.000000000e+01, v6  }
0x98: {  	s22 =	sshll.u32 s22, $0x9;
	[tilespmem:s20+$0x3460] =	vst v0  }
0x99: {  	[tilespmem:s20+$0x3470] =	vst v1;
	s20 =	sadd.s32 s4, s22  }
0x9a: {  	[hbm4b:s20+s29] =	stream.strided.scatter [tilespmem:s24], [sflag:$0xA], $0x680, s30, s29, $0x38;
	[tilespmem:$0x10400] =	vst v63  }
0x9b: {  	s20 =	sadd.s32 s22, s7;
	s24 =	simm.s32 $0x3A80  }
0x9c: {  	[hbm4b:s20+s29] =	stream.strided.scatter [tilespmem:s24], [sflag:$0xA], $0x680, s30, s29, $0x38;
	[tilespmem:$0x10400] =	vst v63  }
0x9d: {  	s20 =	sadd.s32 s22, s8;
	s24 =	simm.s32 $0x4100  }
0x9e: {  	[hbm4b:s20+s29] =	stream.strided.scatter [tilespmem:s24], [sflag:$0xA], $0x680, s30, s29, $0x38;
	[tilespmem:$0x10400] =	vst v63  }
0x9f: {  	s22 =	sadd.s32 s22, s9;
	s24 =	simm.s32 $0x4780  }
0xa0: {  	[hbm4b:s22+s29] =	stream.strided.scatter [tilespmem:s24], [sflag:$0xA], $0x680, s30, s29, $0x38;
	[tilespmem:$0x10400] =	vst v63  }
0xa1: {  	_ =	swait.ge [sflag:s15], $0x1A00  }
0xa2: {  	[sflag:s15] =	ssyncset.done $0x0  }
0xa3: {  	s20 =	simm.s32 $0x0;
	[sflag:s15] =	ssyncadd.s32 $0xFFFFE600  }
0xa4: {  	v2 =	vld [tilespmem:s20+$0x4E00]  }
0xa5: {  	v5 =	vld [tilespmem:s20+$0x4E10]  }
0xa6: {  	v4 =	vld [tilespmem:s20+$0x4E20]  }
0xa7: {  	v3 =	vld [tilespmem:s20+$0x4E30]  }
0xa8: {  	v0 =	vld [tilespmem:s20+$0x4E40]  }
0xa9: {  	v1 =	vld [tilespmem:s20+$0x4E50];
	v6 =	vmul.f32 $1.000000000e+01, v2  }
0xaa: {  	s22 =	simm.s32 $0x200;
	v5 =	vmul.f32 $1.000000000e+01, v5;
	v2 =	vld [tilespmem:s20+$0x4E60]  }
.LBB2_5:
0xab: {  	s24 =	sshra.s32 s22, $0x2;
	p0 =	sne.s32 s22, $0x6600;
	[tilespmem:s20+$0x4E00] =	vst v6;
	v4 =	vmul.f32 $1.000000000e+01, v4;
	v6 =	vld [tilespmem:s20+$0x4E70]  }
0xac: {  	v7 =	vld [tilespmem:s24+$0x4E00];
	[tilespmem:s20+$0x4E10] =	vst v5;
	v3 =	vmul.f32 $1.000000000e+01, v3  }
0xad: {  	v5 =	vld [tilespmem:s24+$0x4E10];
	[tilespmem:s20+$0x4E20] =	vst v4;
	v0 =	vmul.f32 $1.000000000e+01, v0  }
.Ltmp3:
0xae: {  	v4 =	vld [tilespmem:s24+$0x4E20];
	[tilespmem:s20+$0x4E30] =	vst v3;
	v1 =	vmul.f32 $1.000000000e+01, v1;
	(pc) =	sbr.rel @p0 .LBB2_5-.Ltmp3, $4  }
0xaf: {  	v3 =	vld [tilespmem:s24+$0x4E30];
	[tilespmem:s20+$0x4E40] =	vst v0;
	v2 =	vmul.f32 $1.000000000e+01, v2  }
0xb0: {  	v0 =	vld [tilespmem:s24+$0x4E40];
	[tilespmem:s20+$0x4E50] =	vst v1;
	v8 =	vmul.f32 $1.000000000e+01, v6  }
0xb1: {  	v6 =	vmul.f32 $1.000000000e+01, v7;
	v1 =	vld [tilespmem:s24+$0x4E50];
	[tilespmem:s20+$0x4E60] =	vst v2  }
0xb2: {  	s22 =	sadd.s32 $0x200, s22;
	v5 =	vmul.f32 $1.000000000e+01, v5;
	v2 =	vld [tilespmem:s24+$0x4E60];
	[tilespmem:s20+$0x4E70] =	vst v8;
	s20 =	smov.u32 s24  }
0xb3: {  	[tilespmem:s20+$0x4E00] =	vst v6;
	v4 =	vmul.f32 $1.000000000e+01, v4;
	v6 =	vld [tilespmem:s20+$0x4E70]  }
0xb4: {  	[tilespmem:s20+$0x4E10] =	vst v5;
	v3 =	vmul.f32 $1.000000000e+01, v3  }
0xb5: {  	[tilespmem:s20+$0x4E20] =	vst v4;
	v0 =	vmul.f32 $1.000000000e+01, v0  }
0xb6: {  	s18 =	sadd.s32 s18, s5;
	[tilespmem:s20+$0x4E30] =	vst v3;
	v1 =	vmul.f32 $1.000000000e+01, v1  }
0xb7: {  	s18 =	sshll.u32 s18, $0x9;
	[tilespmem:s20+$0x4E40] =	vst v0;
	v0 =	vmul.f32 $1.000000000e+01, v2  }
0xb8: {  	s22 =	sadd.s32 $0x800, s18;
	[tilespmem:s20+$0x4E50] =	vst v1;
	v1 =	vmul.f32 $1.000000000e+01, v6  }
0xb9: {  	s22 =	sand.u32 $0x1FFFC800, s22;
	[tilespmem:s20+$0x4E60] =	vst v0  }
0xba: {  	s24 =	simm.s32 $0x4E00;
	[tilespmem:s20+$0x4E70] =	vst v1;
	s20 =	sadd.s32 s4, s22  }
0xbb: {  	[hbm4b:s20+s29] =	stream.strided.scatter [tilespmem:s24], [sflag:$0xB], $0x680, s30, s29, $0x38;
	[tilespmem:$0x10400] =	vst v63  }
0xbc: {  	s20 =	sadd.s32 s22, s7;
	s24 =	simm.s32 $0x5480  }
0xbd: {  	[hbm4b:s20+s29] =	stream.strided.scatter [tilespmem:s24], [sflag:$0xB], $0x680, s30, s29, $0x38;
	[tilespmem:$0x10400] =	vst v63  }
0xbe: {  	s20 =	sadd.s32 s22, s8;
	s24 =	simm.s32 $0x5B00  }
0xbf: {  	[hbm4b:s20+s29] =	stream.strided.scatter [tilespmem:s24], [sflag:$0xB], $0x680, s30, s29, $0x38;
	[tilespmem:$0x10400] =	vst v63  }
0xc0: {  	s22 =	sadd.s32 s22, s9;
	s24 =	simm.s32 $0x6180  }
0xc1: {  	[hbm4b:s22+s29] =	stream.strided.scatter [tilespmem:s24], [sflag:$0xB], $0x680, s30, s29, $0x38;
	[tilespmem:$0x10400] =	vst v63  }
0xc2: {  	_ =	swait.ge [sflag:s23], $0x1A00  }
0xc3: {  	[sflag:s23] =	ssyncset.done $0x0  }
0xc4: {  	s20 =	simm.s32 $0x0;
	[sflag:s23] =	ssyncadd.s32 $0xFFFFE600  }
0xc5: {  	v3 =	vld [tilespmem:s20+$0x6800]  }
0xc6: {  	v5 =	vld [tilespmem:s20+$0x6810]  }
0xc7: {  	v4 =	vld [tilespmem:s20+$0x6820]  }
0xc8: {  	v2 =	vld [tilespmem:s20+$0x6830]  }
0xc9: {  	v0 =	vld [tilespmem:s20+$0x6840]  }
0xca: {  	v1 =	vld [tilespmem:s20+$0x6850];
	v6 =	vmul.f32 $1.000000000e+01, v3  }
0xcb: {  	s22 =	simm.s32 $0x200;
	v5 =	vmul.f32 $1.000000000e+01, v5;
	v3 =	vld [tilespmem:s20+$0x6860]  }
.LBB2_7:
0xcc: {  	s24 =	sshra.s32 s22, $0x2;
	p0 =	sne.s32 s22, $0x6600;
	[tilespmem:s20+$0x6800] =	vst v6;
	v4 =	vmul.f32 $1.000000000e+01, v4;
	v6 =	vld [tilespmem:s20+$0x6870]  }
0xcd: {  	v7 =	vld [tilespmem:s24+$0x6800];
	[tilespmem:s20+$0x6810] =	vst v5;
	v2 =	vmul.f32 $1.000000000e+01, v2  }
0xce: {  	v5 =	vld [tilespmem:s24+$0x6810];
	[tilespmem:s20+$0x6820] =	vst v4;
	v0 =	vmul.f32 $1.000000000e+01, v0  }
.Ltmp4:
0xcf: {  	v4 =	vld [tilespmem:s24+$0x6820];
	[tilespmem:s20+$0x6830] =	vst v2;
	v1 =	vmul.f32 $1.000000000e+01, v1;
	(pc) =	sbr.rel @p0 .LBB2_7-.Ltmp4, $4  }
0xd0: {  	v2 =	vld [tilespmem:s24+$0x6830];
	[tilespmem:s20+$0x6840] =	vst v0;
	v3 =	vmul.f32 $1.000000000e+01, v3  }
0xd1: {  	v0 =	vld [tilespmem:s24+$0x6840];
	[tilespmem:s20+$0x6850] =	vst v1;
	v8 =	vmul.f32 $1.000000000e+01, v6  }
0xd2: {  	v6 =	vmul.f32 $1.000000000e+01, v7;
	v1 =	vld [tilespmem:s24+$0x6850];
	[tilespmem:s20+$0x6860] =	vst v3  }
0xd3: {  	s22 =	sadd.s32 $0x200, s22;
	v5 =	vmul.f32 $1.000000000e+01, v5;
	v3 =	vld [tilespmem:s24+$0x6860];
	[tilespmem:s20+$0x6870] =	vst v8;
	s20 =	smov.u32 s24  }
0xd4: {  	[tilespmem:s20+$0x6800] =	vst v6;
	v4 =	vmul.f32 $1.000000000e+01, v4;
	v6 =	vld [tilespmem:s20+$0x6870]  }
0xd5: {  	[tilespmem:s20+$0x6810] =	vst v5;
	v2 =	vmul.f32 $1.000000000e+01, v2  }
0xd6: {  	[tilespmem:s20+$0x6820] =	vst v4;
	v0 =	vmul.f32 $1.000000000e+01, v0  }
0xd7: {  	[tilespmem:s20+$0x6830] =	vst v2;
	v1 =	vmul.f32 $1.000000000e+01, v1  }
0xd8: {  	[tilespmem:s20+$0x6840] =	vst v0;
	v0 =	vmul.f32 $1.000000000e+01, v3  }
0xd9: {  	s22 =	sadd.s32 $0x1000, s18;
	[tilespmem:s20+$0x6850] =	vst v1;
	v1 =	vmul.f32 $1.000000000e+01, v6  }
0xda: {  	s22 =	sand.u32 $0x1FFFD000, s22;
	[tilespmem:s20+$0x6860] =	vst v0  }
0xdb: {  	s24 =	simm.s32 $0x6800;
	[tilespmem:s20+$0x6870] =	vst v1;
	s20 =	sadd.s32 s4, s22  }
0xdc: {  	[hbm4b:s20+s29] =	stream.strided.scatter [tilespmem:s24], [sflag:$0xC], $0x680, s30, s29, $0x38;
	[tilespmem:$0x10400] =	vst v63  }
0xdd: {  	s20 =	sadd.s32 s22, s7;
	s24 =	simm.s32 $0x6E80  }
0xde: {  	[hbm4b:s20+s29] =	stream.strided.scatter [tilespmem:s24], [sflag:$0xC], $0x680, s30, s29, $0x38;
	[tilespmem:$0x10400] =	vst v63  }
0xdf: {  	s20 =	sadd.s32 s22, s8;
	s24 =	simm.s32 $0x7500  }
0xe0: {  	[hbm4b:s20+s29] =	stream.strided.scatter [tilespmem:s24], [sflag:$0xC], $0x680, s30, s29, $0x38;
	[tilespmem:$0x10400] =	vst v63  }
0xe1: {  	s22 =	sadd.s32 s22, s9;
	s24 =	simm.s32 $0x7B80  }
0xe2: {  	[hbm4b:s22+s29] =	stream.strided.scatter [tilespmem:s24], [sflag:$0xC], $0x680, s30, s29, $0x38;
	[tilespmem:$0x10400] =	vst v63  }
0xe3: {  	_ =	swait.ge [sflag:s10], $0x1A00  }
0xe4: {  	[sflag:s10] =	ssyncset.done $0x0  }
0xe5: {  	s20 =	simm.s32 $0x0;
	[sflag:s10] =	ssyncadd.s32 $0xFFFFE600  }
0xe6: {  	v3 =	vld [tilespmem:s20+$0x8200]  }
0xe7: {  	v5 =	vld [tilespmem:s20+$0x8210]  }
0xe8: {  	v4 =	vld [tilespmem:s20+$0x8220]  }
0xe9: {  	v2 =	vld [tilespmem:s20+$0x8230]  }
0xea: {  	v0 =	vld [tilespmem:s20+$0x8240]  }
0xeb: {  	v1 =	vld [tilespmem:s20+$0x8250];
	v6 =	vmul.f32 $1.000000000e+01, v3  }
0xec: {  	s22 =	simm.s32 $0x200;
	v5 =	vmul.f32 $1.000000000e+01, v5;
	v3 =	vld [tilespmem:s20+$0x8260]  }
.LBB2_9:
0xed: {  	s24 =	sshra.s32 s22, $0x2;
	p0 =	sne.s32 s22, $0x6600;
	[tilespmem:s20+$0x8200] =	vst v6;
	v4 =	vmul.f32 $1.000000000e+01, v4;
	v6 =	vld [tilespmem:s20+$0x8270]  }
0xee: {  	v7 =	vld [tilespmem:s24+$0x8200];
	[tilespmem:s20+$0x8210] =	vst v5;
	v2 =	vmul.f32 $1.000000000e+01, v2  }
0xef: {  	v5 =	vld [tilespmem:s24+$0x8210];
	[tilespmem:s20+$0x8220] =	vst v4;
	v0 =	vmul.f32 $1.000000000e+01, v0  }
.Ltmp5:
0xf0: {  	v4 =	vld [tilespmem:s24+$0x8220];
	[tilespmem:s20+$0x8230] =	vst v2;
	v1 =	vmul.f32 $1.000000000e+01, v1;
	(pc) =	sbr.rel @p0 .LBB2_9-.Ltmp5, $4  }
0xf1: {  	v2 =	vld [tilespmem:s24+$0x8230];
	[tilespmem:s20+$0x8240] =	vst v0;
	v3 =	vmul.f32 $1.000000000e+01, v3  }
0xf2: {  	v0 =	vld [tilespmem:s24+$0x8240];
	[tilespmem:s20+$0x8250] =	vst v1;
	v8 =	vmul.f32 $1.000000000e+01, v6  }
0xf3: {  	v6 =	vmul.f32 $1.000000000e+01, v7;
	v1 =	vld [tilespmem:s24+$0x8250];
	[tilespmem:s20+$0x8260] =	vst v3  }
0xf4: {  	s22 =	sadd.s32 $0x200, s22;
	v5 =	vmul.f32 $1.000000000e+01, v5;
	v3 =	vld [tilespmem:s24+$0x8260];
	[tilespmem:s20+$0x8270] =	vst v8;
	s20 =	smov.u32 s24  }
0xf5: {  	[tilespmem:s20+$0x8200] =	vst v6;
	v4 =	vmul.f32 $1.000000000e+01, v4;
	v6 =	vld [tilespmem:s20+$0x8270]  }
0xf6: {  	[tilespmem:s20+$0x8210] =	vst v5;
	v2 =	vmul.f32 $1.000000000e+01, v2  }
0xf7: {  	[tilespmem:s20+$0x8220] =	vst v4;
	v0 =	vmul.f32 $1.000000000e+01, v0  }
0xf8: {  	[tilespmem:s20+$0x8230] =	vst v2;
	v1 =	vmul.f32 $1.000000000e+01, v1  }
0xf9: {  	[tilespmem:s20+$0x8240] =	vst v0;
	v0 =	vmul.f32 $1.000000000e+01, v3  }
0xfa: {  	s22 =	sadd.s32 $0x1800, s18;
	[tilespmem:s20+$0x8250] =	vst v1;
	v1 =	vmul.f32 $1.000000000e+01, v6  }
0xfb: {  	s22 =	sand.u32 $0x1FFFD800, s22;
	[tilespmem:s20+$0x8260] =	vst v0  }
0xfc: {  	s24 =	simm.s32 $0x8200;
	[tilespmem:s20+$0x8270] =	vst v1;
	s20 =	sadd.s32 s4, s22  }
0xfd: {  	[hbm4b:s20+s29] =	stream.strided.scatter [tilespmem:s24], [sflag:$0xD], $0x680, s30, s29, $0x38;
	[tilespmem:$0x10400] =	vst v63  }
0xfe: {  	s20 =	sadd.s32 s22, s7;
	s24 =	simm.s32 $0x8880  }
0xff: {  	[hbm4b:s20+s29] =	stream.strided.scatter [tilespmem:s24], [sflag:$0xD], $0x680, s30, s29, $0x38;
	[tilespmem:$0x10400] =	vst v63  }
0x100: {  	s20 =	sadd.s32 s22, s8;
	s24 =	simm.s32 $0x8F00  }
0x101: {  	[hbm4b:s20+s29] =	stream.strided.scatter [tilespmem:s24], [sflag:$0xD], $0x680, s30, s29, $0x38;
	[tilespmem:$0x10400] =	vst v63  }
0x102: {  	s22 =	sadd.s32 s22, s9;
	s24 =	simm.s32 $0x9580  }
0x103: {  	[hbm4b:s22+s29] =	stream.strided.scatter [tilespmem:s24], [sflag:$0xD], $0x680, s30, s29, $0x38;
	[tilespmem:$0x10400] =	vst v63  }
0x104: {  	_ =	swait.ge [sflag:s1], $0x1A00  }
0x105: {  	[sflag:s1] =	ssyncset.done $0x0  }
0x106: {  	s20 =	simm.s32 $0x0;
	[sflag:s1] =	ssyncadd.s32 $0xFFFFE600  }
0x107: {  	v3 =	vld [tilespmem:s20+$0x9C00]  }
0x108: {  	v5 =	vld [tilespmem:s20+$0x9C10]  }
0x109: {  	v4 =	vld [tilespmem:s20+$0x9C20]  }
0x10a: {  	v2 =	vld [tilespmem:s20+$0x9C30]  }
0x10b: {  	v0 =	vld [tilespmem:s20+$0x9C40]  }
0x10c: {  	v1 =	vld [tilespmem:s20+$0x9C50];
	v6 =	vmul.f32 $1.000000000e+01, v3  }
0x10d: {  	s22 =	simm.s32 $0x200;
	v5 =	vmul.f32 $1.000000000e+01, v5;
	v3 =	vld [tilespmem:s20+$0x9C60]  }
.LBB2_11:
0x10e: {  	s24 =	sshra.s32 s22, $0x2;
	p0 =	sne.s32 s22, $0x6600;
	[tilespmem:s20+$0x9C00] =	vst v6;
	v4 =	vmul.f32 $1.000000000e+01, v4;
	v6 =	vld [tilespmem:s20+$0x9C70]  }
0x10f: {  	v7 =	vld [tilespmem:s24+$0x9C00];
	[tilespmem:s20+$0x9C10] =	vst v5;
	v2 =	vmul.f32 $1.000000000e+01, v2  }
0x110: {  	v5 =	vld [tilespmem:s24+$0x9C10];
	[tilespmem:s20+$0x9C20] =	vst v4;
	v0 =	vmul.f32 $1.000000000e+01, v0  }
.Ltmp6:
0x111: {  	v4 =	vld [tilespmem:s24+$0x9C20];
	[tilespmem:s20+$0x9C30] =	vst v2;
	v1 =	vmul.f32 $1.000000000e+01, v1;
	(pc) =	sbr.rel @p0 .LBB2_11-.Ltmp6, $4  }
0x112: {  	v2 =	vld [tilespmem:s24+$0x9C30];
	[tilespmem:s20+$0x9C40] =	vst v0;
	v3 =	vmul.f32 $1.000000000e+01, v3  }
0x113: {  	v0 =	vld [tilespmem:s24+$0x9C40];
	[tilespmem:s20+$0x9C50] =	vst v1;
	v8 =	vmul.f32 $1.000000000e+01, v6  }
0x114: {  	v6 =	vmul.f32 $1.000000000e+01, v7;
	v1 =	vld [tilespmem:s24+$0x9C50];
	[tilespmem:s20+$0x9C60] =	vst v3  }
0x115: {  	s22 =	sadd.s32 $0x200, s22;
	v5 =	vmul.f32 $1.000000000e+01, v5;
	v3 =	vld [tilespmem:s24+$0x9C60];
	[tilespmem:s20+$0x9C70] =	vst v8;
	s20 =	smov.u32 s24  }
0x116: {  	[tilespmem:s20+$0x9C00] =	vst v6;
	v4 =	vmul.f32 $1.000000000e+01, v4;
	v6 =	vld [tilespmem:s20+$0x9C70]  }
0x117: {  	[tilespmem:s20+$0x9C10] =	vst v5;
	v2 =	vmul.f32 $1.000000000e+01, v2  }
0x118: {  	[tilespmem:s20+$0x9C20] =	vst v4;
	v0 =	vmul.f32 $1.000000000e+01, v0  }
0x119: {  	[tilespmem:s20+$0x9C30] =	vst v2;
	v1 =	vmul.f32 $1.000000000e+01, v1  }
0x11a: {  	[tilespmem:s20+$0x9C40] =	vst v0;
	v0 =	vmul.f32 $1.000000000e+01, v3  }
0x11b: {  	s22 =	sadd.s32 $0x2000, s18;
	[tilespmem:s20+$0x9C50] =	vst v1;
	v1 =	vmul.f32 $1.000000000e+01, v6  }
0x11c: {  	s22 =	sand.u32 $0x1FFFE000, s22;
	[tilespmem:s20+$0x9C60] =	vst v0  }
0x11d: {  	s24 =	simm.s32 $0x9C00;
	[tilespmem:s20+$0x9C70] =	vst v1;
	s20 =	sadd.s32 s4, s22  }
0x11e: {  	[hbm4b:s20+s29] =	stream.strided.scatter [tilespmem:s24], [sflag:$0xE], $0x680, s30, s29, $0x38;
	[tilespmem:$0x10400] =	vst v63  }
0x11f: {  	s20 =	sadd.s32 s22, s7;
	s24 =	simm.s32 $0xA280  }
0x120: {  	[hbm4b:s20+s29] =	stream.strided.scatter [tilespmem:s24], [sflag:$0xE], $0x680, s30, s29, $0x38;
	[tilespmem:$0x10400] =	vst v63  }
0x121: {  	s20 =	sadd.s32 s22, s8;
	s24 =	simm.s32 $0xA900  }
0x122: {  	[hbm4b:s20+s29] =	stream.strided.scatter [tilespmem:s24], [sflag:$0xE], $0x680, s30, s29, $0x38;
	[tilespmem:$0x10400] =	vst v63  }
0x123: {  	s22 =	sadd.s32 s22, s9;
	s24 =	simm.s32 $0xAF80  }
0x124: {  	[hbm4b:s22+s29] =	stream.strided.scatter [tilespmem:s24], [sflag:$0xE], $0x680, s30, s29, $0x38;
	[tilespmem:$0x10400] =	vst v63  }
0x125: {  	_ =	swait.ge [sflag:s25], $0x1A00  }
0x126: {  	[sflag:s25] =	ssyncset.done $0x0  }
0x127: {  	s20 =	simm.s32 $0x0;
	[sflag:s25] =	ssyncadd.s32 $0xFFFFE600  }
0x128: {  	v3 =	vld [tilespmem:s20+$0xB600]  }
0x129: {  	v5 =	vld [tilespmem:s20+$0xB610]  }
0x12a: {  	v4 =	vld [tilespmem:s20+$0xB620]  }
0x12b: {  	v2 =	vld [tilespmem:s20+$0xB630]  }
0x12c: {  	v0 =	vld [tilespmem:s20+$0xB640]  }
0x12d: {  	v1 =	vld [tilespmem:s20+$0xB650];
	v6 =	vmul.f32 $1.000000000e+01, v3  }
0x12e: {  	s22 =	simm.s32 $0x200;
	v5 =	vmul.f32 $1.000000000e+01, v5;
	v3 =	vld [tilespmem:s20+$0xB660]  }
.LBB2_13:
0x12f: {  	s24 =	sshra.s32 s22, $0x2;
	p0 =	sne.s32 s22, $0x6600;
	[tilespmem:s20+$0xB600] =	vst v6;
	v4 =	vmul.f32 $1.000000000e+01, v4;
	v6 =	vld [tilespmem:s20+$0xB670]  }
0x130: {  	v7 =	vld [tilespmem:s24+$0xB600];
	[tilespmem:s20+$0xB610] =	vst v5;
	v2 =	vmul.f32 $1.000000000e+01, v2  }
0x131: {  	v5 =	vld [tilespmem:s24+$0xB610];
	[tilespmem:s20+$0xB620] =	vst v4;
	v0 =	vmul.f32 $1.000000000e+01, v0  }
.Ltmp7:
0x132: {  	v4 =	vld [tilespmem:s24+$0xB620];
	[tilespmem:s20+$0xB630] =	vst v2;
	v1 =	vmul.f32 $1.000000000e+01, v1;
	(pc) =	sbr.rel @p0 .LBB2_13-.Ltmp7, $4  }
0x133: {  	v2 =	vld [tilespmem:s24+$0xB630];
	[tilespmem:s20+$0xB640] =	vst v0;
	v3 =	vmul.f32 $1.000000000e+01, v3  }
0x134: {  	v0 =	vld [tilespmem:s24+$0xB640];
	[tilespmem:s20+$0xB650] =	vst v1;
	v8 =	vmul.f32 $1.000000000e+01, v6  }
0x135: {  	v6 =	vmul.f32 $1.000000000e+01, v7;
	v1 =	vld [tilespmem:s24+$0xB650];
	[tilespmem:s20+$0xB660] =	vst v3  }
0x136: {  	s22 =	sadd.s32 $0x200, s22;
	v5 =	vmul.f32 $1.000000000e+01, v5;
	v3 =	vld [tilespmem:s24+$0xB660];
	[tilespmem:s20+$0xB670] =	vst v8;
	s20 =	smov.u32 s24  }
0x137: {  	[tilespmem:s20+$0xB600] =	vst v6;
	v4 =	vmul.f32 $1.000000000e+01, v4;
	v6 =	vld [tilespmem:s20+$0xB670]  }
0x138: {  	[tilespmem:s20+$0xB610] =	vst v5;
	v2 =	vmul.f32 $1.000000000e+01, v2  }
0x139: {  	[tilespmem:s20+$0xB620] =	vst v4;
	v0 =	vmul.f32 $1.000000000e+01, v0  }
0x13a: {  	[tilespmem:s20+$0xB630] =	vst v2;
	v1 =	vmul.f32 $1.000000000e+01, v1  }
0x13b: {  	[tilespmem:s20+$0xB640] =	vst v0;
	v0 =	vmul.f32 $1.000000000e+01, v3  }
0x13c: {  	s22 =	sadd.s32 $0x2800, s18;
	[tilespmem:s20+$0xB650] =	vst v1;
	v1 =	vmul.f32 $1.000000000e+01, v6  }
0x13d: {  	s22 =	sand.u32 $0x1FFFE800, s22;
	[tilespmem:s20+$0xB660] =	vst v0  }
0x13e: {  	s24 =	simm.s32 $0xB600;
	[tilespmem:s20+$0xB670] =	vst v1;
	s20 =	sadd.s32 s4, s22  }
0x13f: {  	[hbm4b:s20+s29] =	stream.strided.scatter [tilespmem:s24], [sflag:$0xF], $0x680, s30, s29, $0x38;
	[tilespmem:$0x10400] =	vst v63  }
0x140: {  	s20 =	sadd.s32 s22, s7;
	s24 =	simm.s32 $0xBC80  }
0x141: {  	[hbm4b:s20+s29] =	stream.strided.scatter [tilespmem:s24], [sflag:$0xF], $0x680, s30, s29, $0x38;
	[tilespmem:$0x10400] =	vst v63  }
0x142: {  	s20 =	sadd.s32 s22, s8;
	s24 =	simm.s32 $0xC300  }
0x143: {  	[hbm4b:s20+s29] =	stream.strided.scatter [tilespmem:s24], [sflag:$0xF], $0x680, s30, s29, $0x38;
	[tilespmem:$0x10400] =	vst v63  }
0x144: {  	s22 =	sadd.s32 s22, s9;
	s24 =	simm.s32 $0xC980  }
0x145: {  	[hbm4b:s22+s29] =	stream.strided.scatter [tilespmem:s24], [sflag:$0xF], $0x680, s30, s29, $0x38;
	[tilespmem:$0x10400] =	vst v63  }
0x146: {  	_ =	swait.ge [sflag:s31], $0x1A00  }
0x147: {  	[sflag:s31] =	ssyncset.done $0x0  }
0x148: {  	s20 =	simm.s32 $0x0;
	[sflag:s31] =	ssyncadd.s32 $0xFFFFE600  }
0x149: {  	v3 =	vld [tilespmem:s20+$0xD000]  }
0x14a: {  	v5 =	vld [tilespmem:s20+$0xD010]  }
0x14b: {  	v4 =	vld [tilespmem:s20+$0xD020]  }
0x14c: {  	v2 =	vld [tilespmem:s20+$0xD030]  }
0x14d: {  	v0 =	vld [tilespmem:s20+$0xD040]  }
0x14e: {  	v1 =	vld [tilespmem:s20+$0xD050];
	v6 =	vmul.f32 $1.000000000e+01, v3  }
0x14f: {  	s22 =	simm.s32 $0x200;
	v5 =	vmul.f32 $1.000000000e+01, v5;
	v3 =	vld [tilespmem:s20+$0xD060]  }
.LBB2_15:
0x150: {  	s24 =	sshra.s32 s22, $0x2;
	p0 =	sne.s32 s22, $0x6600;
	[tilespmem:s20+$0xD000] =	vst v6;
	v4 =	vmul.f32 $1.000000000e+01, v4;
	v6 =	vld [tilespmem:s20+$0xD070]  }
0x151: {  	v7 =	vld [tilespmem:s24+$0xD000];
	[tilespmem:s20+$0xD010] =	vst v5;
	v2 =	vmul.f32 $1.000000000e+01, v2  }
0x152: {  	v5 =	vld [tilespmem:s24+$0xD010];
	[tilespmem:s20+$0xD020] =	vst v4;
	v0 =	vmul.f32 $1.000000000e+01, v0  }
.Ltmp8:
0x153: {  	v4 =	vld [tilespmem:s24+$0xD020];
	[tilespmem:s20+$0xD030] =	vst v2;
	v1 =	vmul.f32 $1.000000000e+01, v1;
	(pc) =	sbr.rel @p0 .LBB2_15-.Ltmp8, $4  }
0x154: {  	v2 =	vld [tilespmem:s24+$0xD030];
	[tilespmem:s20+$0xD040] =	vst v0;
	v3 =	vmul.f32 $1.000000000e+01, v3  }
0x155: {  	v0 =	vld [tilespmem:s24+$0xD040];
	[tilespmem:s20+$0xD050] =	vst v1;
	v8 =	vmul.f32 $1.000000000e+01, v6  }
0x156: {  	v6 =	vmul.f32 $1.000000000e+01, v7;
	v1 =	vld [tilespmem:s24+$0xD050];
	[tilespmem:s20+$0xD060] =	vst v3  }
0x157: {  	s22 =	sadd.s32 $0x200, s22;
	v5 =	vmul.f32 $1.000000000e+01, v5;
	v3 =	vld [tilespmem:s24+$0xD060];
	[tilespmem:s20+$0xD070] =	vst v8;
	s20 =	smov.u32 s24  }
0x158: {  	[tilespmem:s20+$0xD000] =	vst v6;
	v4 =	vmul.f32 $1.000000000e+01, v4;
	v6 =	vld [tilespmem:s20+$0xD070]  }
0x159: {  	[tilespmem:s20+$0xD010] =	vst v5;
	v2 =	vmul.f32 $1.000000000e+01, v2  }
0x15a: {  	[tilespmem:s20+$0xD020] =	vst v4;
	v0 =	vmul.f32 $1.000000000e+01, v0  }
0x15b: {  	[tilespmem:s20+$0xD030] =	vst v2;
	v1 =	vmul.f32 $1.000000000e+01, v1  }
0x15c: {  	[tilespmem:s20+$0xD040] =	vst v0;
	v0 =	vmul.f32 $1.000000000e+01, v3  }
0x15d: {  	s22 =	sadd.s32 $0x3000, s18;
	[tilespmem:s20+$0xD050] =	vst v1;
	v1 =	vmul.f32 $1.000000000e+01, v6  }
0x15e: {  	s22 =	sand.u32 $0x1FFFF000, s22;
	[tilespmem:s20+$0xD060] =	vst v0  }
0x15f: {  	s24 =	simm.s32 $0xD000;
	[tilespmem:s20+$0xD070] =	vst v1;
	s20 =	sadd.s32 s4, s22  }
0x160: {  	[hbm4b:s20+s29] =	stream.strided.scatter [tilespmem:s24], [sflag:$0x10], $0x680, s30, s29, $0x38;
	[tilespmem:$0x10400] =	vst v63  }
0x161: {  	s20 =	sadd.s32 s22, s7;
	s24 =	simm.s32 $0xD680  }
0x162: {  	[hbm4b:s20+s29] =	stream.strided.scatter [tilespmem:s24], [sflag:$0x10], $0x680, s30, s29, $0x38;
	[tilespmem:$0x10400] =	vst v63  }
0x163: {  	s20 =	sadd.s32 s22, s8;
	s24 =	simm.s32 $0xDD00  }
0x164: {  	[hbm4b:s20+s29] =	stream.strided.scatter [tilespmem:s24], [sflag:$0x10], $0x680, s30, s29, $0x38;
	[tilespmem:$0x10400] =	vst v63  }
0x165: {  	s22 =	sadd.s32 s22, s9;
	s24 =	simm.s32 $0xE380  }
0x166: {  	[hbm4b:s22+s29] =	stream.strided.scatter [tilespmem:s24], [sflag:$0x10], $0x680, s30, s29, $0x38;
	[tilespmem:$0x10400] =	vst v63  }
0x167: {  	_ =	swait.ge [sflag:s21], $0x1A00  }
0x168: {  	[sflag:s21] =	ssyncset.done $0x0  }
0x169: {  	s20 =	simm.s32 $0x0;
	[sflag:s21] =	ssyncadd.s32 $0xFFFFE600  }
0x16a: {  	v3 =	vld [tilespmem:s20+$0xEA00]  }
0x16b: {  	v5 =	vld [tilespmem:s20+$0xEA10]  }
0x16c: {  	v4 =	vld [tilespmem:s20+$0xEA20]  }
0x16d: {  	v2 =	vld [tilespmem:s20+$0xEA30]  }
0x16e: {  	v0 =	vld [tilespmem:s20+$0xEA40]  }
0x16f: {  	v1 =	vld [tilespmem:s20+$0xEA50];
	v6 =	vmul.f32 $1.000000000e+01, v3  }
0x170: {  	s22 =	simm.s32 $0x200;
	v5 =	vmul.f32 $1.000000000e+01, v5;
	v3 =	vld [tilespmem:s20+$0xEA60]  }
.LBB2_17:
0x171: {  	s24 =	sshra.s32 s22, $0x2;
	p0 =	sne.s32 s22, $0x6600;
	[tilespmem:s20+$0xEA00] =	vst v6;
	v4 =	vmul.f32 $1.000000000e+01, v4;
	v6 =	vld [tilespmem:s20+$0xEA70]  }
0x172: {  	v7 =	vld [tilespmem:s24+$0xEA00];
	[tilespmem:s20+$0xEA10] =	vst v5;
	v2 =	vmul.f32 $1.000000000e+01, v2  }
0x173: {  	v5 =	vld [tilespmem:s24+$0xEA10];
	[tilespmem:s20+$0xEA20] =	vst v4;
	v0 =	vmul.f32 $1.000000000e+01, v0  }
.Ltmp9:
0x174: {  	v4 =	vld [tilespmem:s24+$0xEA20];
	[tilespmem:s20+$0xEA30] =	vst v2;
	v1 =	vmul.f32 $1.000000000e+01, v1;
	(pc) =	sbr.rel @p0 .LBB2_17-.Ltmp9, $4  }
0x175: {  	v2 =	vld [tilespmem:s24+$0xEA30];
	[tilespmem:s20+$0xEA40] =	vst v0;
	v3 =	vmul.f32 $1.000000000e+01, v3  }
0x176: {  	v0 =	vld [tilespmem:s24+$0xEA40];
	[tilespmem:s20+$0xEA50] =	vst v1;
	v8 =	vmul.f32 $1.000000000e+01, v6  }
0x177: {  	v6 =	vmul.f32 $1.000000000e+01, v7;
	v1 =	vld [tilespmem:s24+$0xEA50];
	[tilespmem:s20+$0xEA60] =	vst v3  }
0x178: {  	s22 =	sadd.s32 $0x200, s22;
	v5 =	vmul.f32 $1.000000000e+01, v5;
	v3 =	vld [tilespmem:s24+$0xEA60];
	[tilespmem:s20+$0xEA70] =	vst v8;
	s20 =	smov.u32 s24  }
0x179: {  	[tilespmem:s20+$0xEA00] =	vst v6;
	v4 =	vmul.f32 $1.000000000e+01, v4;
	v61 =	vld [tilespmem:s20+$0xEA70]  }
0x17a: {  	[tilespmem:s20+$0xEA10] =	vst v5;
	v2 =	vmul.f32 $1.000000000e+01, v2  }
0x17b: {  	[tilespmem:s20+$0xEA20] =	vst v4;
	v0 =	vmul.f32 $1.000000000e+01, v0  }
0x17c: {  	[tilespmem:s20+$0xEA30] =	vst v2;
	v1 =	vmul.f32 $1.000000000e+01, v1  }
0x17d: {  	[tilespmem:s20+$0xEA40] =	vst v0;
	v62 =	vmul.f32 $1.000000000e+01, v3  }
0x17e: {  	s18 =	sadd.s32 $0x3800, s18;
	[tilespmem:s20+$0xEA50] =	vst v1;
	v63 =	vmul.f32 $1.000000000e+01, v61  }
0x17f: {  	s18 =	sand.u32 $0x1FFFF800, s18;
	[tilespmem:s20+$0xEA60] =	vst v62  }
0x180: {  	s22 =	sadd.s32 s4, s18;
	[tilespmem:s20+$0xEA70] =	vst v63  }
0x181: {  	[hbm4b:s22+s29] =	stream.strided.scatter [tilespmem:s26], [sflag:$0x11], $0x680, s30, s29, $0x38;
	[tilespmem:$0x10400] =	vst v63  }
0x182: {  	s24 =	sadd.s32 s18, s7;
	s22 =	simm.s32 $0xF080  }
0x183: {  	[hbm4b:s24+s29] =	stream.strided.scatter [tilespmem:s22], [sflag:$0x11], $0x680, s30, s29, $0x38;
	[tilespmem:$0x10400] =	vst v63  }
0x184: {  	s22 =	sadd.s32 s18, s8;
	s24 =	simm.s32 $0xF700  }
0x185: {  	[hbm4b:s22+s29] =	stream.strided.scatter [tilespmem:s24], [sflag:$0x11], $0x680, s30, s29, $0x38;
	[tilespmem:$0x10400] =	vst v63  }
0x186: {  	s18 =	sadd.s32 s18, s9;
	s24 =	simm.s32 $0xFD80  }
0x187: {  	[hbm4b:s18+s29] =	stream.strided.scatter [tilespmem:s24], [sflag:$0x11], $0x680, s30, s29, $0x38;
	[tilespmem:$0x10400] =	vst v63  }
0x188: {  	_ =	swait.ge [sflag:s0], $0x680  }
0x189: {  	[sflag:s0] =	ssyncset.done $0x0  }
0x18a: {  	[sflag:s0] =	ssyncadd.s32 $0xFFFFF980  }
0x18b: {  	_ =	swait.ge [sflag:s0], $0x680  }
0x18c: {  	[sflag:s0] =	ssyncset.done $0x0  }
0x18d: {  	[sflag:s0] =	ssyncadd.s32 $0xFFFFF980  }
0x18e: {  	p0 =	seq.s32 s16, $0xF;
	_ =	swait.ge [sflag:s0], $0x680  }
.Ltmp10:
0x18f: {  	[sflag:s0] =	ssyncset.done $0x0;
	(pc) =	sbr.rel @p0 .LBB2_20-.Ltmp10, $4  }
0x190: {  	[sflag:s0] =	ssyncadd.s32 $0xFFFFF980  }
0x191: {  	_ =	swait.ge [sflag:s0], $0x680  }
0x192: {  	[sflag:s0] =	ssyncset.done $0x0  }
0x193: {  	[sflag:s0] =	ssyncadd.s32 $0xFFFFF980  }
0x194: {  	s18 =	smul.u32 $0xD00, s16;
	_ =	sdelay $0x1  }
0x195: {  	s18 =	sshra.s32 s18, $0x2  }
0x196: {  	s24 =	simm.s32 $0x3400;
	s20 =	sadd.s32 $0x340, s18  }
0x197: {  	[tilespmem:s24], [sflag:$0x2] =	stream.indirect.gather [hbm4b:s3+s12], $0x40, s20, s12, $0xb8;
	[tilespmem:$0x10400] =	vst v63  }
0x198: {  	_ =	swait.ge [sflag:s17], $0x680  }
0x199: {  	[sflag:s17] =	ssyncset.done $0x0  }
0x19a: {  	[sflag:s17] =	ssyncadd.s32 $0xFFFFF980  }
0x19b: {  	_ =	swait.ge [sflag:s17], $0x680  }
0x19c: {  	[sflag:s17] =	ssyncset.done $0x0  }
0x19d: {  	[sflag:s17] =	ssyncadd.s32 $0xFFFFF980  }
0x19e: {  	_ =	swait.ge [sflag:s17], $0x680  }
0x19f: {  	[sflag:s17] =	ssyncset.done $0x0  }
0x1a0: {  	[sflag:s17] =	ssyncadd.s32 $0xFFFFF980  }
0x1a1: {  	_ =	swait.ge [sflag:s17], $0x680  }
0x1a2: {  	[sflag:s17] =	ssyncset.done $0x0  }
0x1a3: {  	s22 =	simm.s32 $0x4E00;
	s20 =	sadd.s32 $0x3A8, s18;
	[sflag:s17] =	ssyncadd.s32 $0xFFFFF980  }
0x1a4: {  	[tilespmem:s22], [sflag:$0x3] =	stream.indirect.gather [hbm4b:s3+s12], $0x40, s20, s12, $0xb8;
	[tilespmem:$0x10400] =	vst v63  }
0x1a5: {  	_ =	swait.ge [sflag:s19], $0x680  }
0x1a6: {  	[sflag:s19] =	ssyncset.done $0x0  }
0x1a7: {  	[sflag:s19] =	ssyncadd.s32 $0xFFFFF980  }
0x1a8: {  	_ =	swait.ge [sflag:s19], $0x680  }
0x1a9: {  	[sflag:s19] =	ssyncset.done $0x0  }
0x1aa: {  	[sflag:s19] =	ssyncadd.s32 $0xFFFFF980  }
0x1ab: {  	_ =	swait.ge [sflag:s19], $0x680  }
0x1ac: {  	[sflag:s19] =	ssyncset.done $0x0  }
0x1ad: {  	[sflag:s19] =	ssyncadd.s32 $0xFFFFF980  }
0x1ae: {  	_ =	swait.ge [sflag:s19], $0x680  }
0x1af: {  	[sflag:s19] =	ssyncset.done $0x0  }
0x1b0: {  	s20 =	sadd.s32 $0x410, s18;
	s22 =	simm.s32 $0x6800;
	[sflag:s19] =	ssyncadd.s32 $0xFFFFF980  }
0x1b1: {  	[tilespmem:s22], [sflag:$0x4] =	stream.indirect.gather [hbm4b:s3+s12], $0x40, s20, s12, $0xb8;
	[tilespmem:$0x10400] =	vst v63  }
0x1b2: {  	_ =	swait.ge [sflag:s2], $0x680  }
0x1b3: {  	[sflag:s2] =	ssyncset.done $0x0  }
0x1b4: {  	[sflag:s2] =	ssyncadd.s32 $0xFFFFF980  }
0x1b5: {  	_ =	swait.ge [sflag:s2], $0x680  }
0x1b6: {  	[sflag:s2] =	ssyncset.done $0x0  }
0x1b7: {  	[sflag:s2] =	ssyncadd.s32 $0xFFFFF980  }
0x1b8: {  	_ =	swait.ge [sflag:s2], $0x680  }
0x1b9: {  	[sflag:s2] =	ssyncset.done $0x0  }
0x1ba: {  	[sflag:s2] =	ssyncadd.s32 $0xFFFFF980  }
0x1bb: {  	_ =	swait.ge [sflag:s2], $0x680  }
0x1bc: {  	[sflag:s2] =	ssyncset.done $0x0  }
0x1bd: {  	s20 =	sadd.s32 $0x478, s18;
	s22 =	simm.s32 $0x8200;
	[sflag:s2] =	ssyncadd.s32 $0xFFFFF980  }
0x1be: {  	[tilespmem:s22], [sflag:$0x5] =	stream.indirect.gather [hbm4b:s3+s12], $0x40, s20, s12, $0xb8;
	[tilespmem:$0x10400] =	vst v63  }
0x1bf: {  	_ =	swait.ge [sflag:s6], $0x680  }
0x1c0: {  	[sflag:s6] =	ssyncset.done $0x0  }
0x1c1: {  	[sflag:s6] =	ssyncadd.s32 $0xFFFFF980  }
0x1c2: {  	_ =	swait.ge [sflag:s6], $0x680  }
0x1c3: {  	[sflag:s6] =	ssyncset.done $0x0  }
0x1c4: {  	[sflag:s6] =	ssyncadd.s32 $0xFFFFF980  }
0x1c5: {  	_ =	swait.ge [sflag:s6], $0x680  }
0x1c6: {  	[sflag:s6] =	ssyncset.done $0x0  }
0x1c7: {  	[sflag:s6] =	ssyncadd.s32 $0xFFFFF980  }
0x1c8: {  	_ =	swait.ge [sflag:s6], $0x680  }
0x1c9: {  	[sflag:s6] =	ssyncset.done $0x0  }
0x1ca: {  	s20 =	sadd.s32 $0x4E0, s18;
	s22 =	simm.s32 $0x9C00;
	[sflag:s6] =	ssyncadd.s32 $0xFFFFF980  }
0x1cb: {  	[tilespmem:s22], [sflag:$0x6] =	stream.indirect.gather [hbm4b:s3+s12], $0x40, s20, s12, $0xb8;
	[tilespmem:$0x10400] =	vst v63  }
0x1cc: {  	_ =	swait.ge [sflag:s11], $0x680  }
0x1cd: {  	[sflag:s11] =	ssyncset.done $0x0  }
0x1ce: {  	[sflag:s11] =	ssyncadd.s32 $0xFFFFF980  }
0x1cf: {  	_ =	swait.ge [sflag:s11], $0x680  }
0x1d0: {  	[sflag:s11] =	ssyncset.done $0x0  }
0x1d1: {  	[sflag:s11] =	ssyncadd.s32 $0xFFFFF980  }
0x1d2: {  	_ =	swait.ge [sflag:s11], $0x680  }
0x1d3: {  	[sflag:s11] =	ssyncset.done $0x0  }
0x1d4: {  	[sflag:s11] =	ssyncadd.s32 $0xFFFFF980  }
0x1d5: {  	_ =	swait.ge [sflag:s11], $0x680  }
0x1d6: {  	[sflag:s11] =	ssyncset.done $0x0  }
0x1d7: {  	s20 =	sadd.s32 $0x548, s18;
	s22 =	simm.s32 $0xB600;
	[sflag:s11] =	ssyncadd.s32 $0xFFFFF980  }
0x1d8: {  	[tilespmem:s22], [sflag:$0x7] =	stream.indirect.gather [hbm4b:s3+s12], $0x40, s20, s12, $0xb8;
	[tilespmem:$0x10400] =	vst v63  }
0x1d9: {  	_ =	swait.ge [sflag:s13], $0x680  }
0x1da: {  	[sflag:s13] =	ssyncset.done $0x0  }
0x1db: {  	[sflag:s13] =	ssyncadd.s32 $0xFFFFF980  }
0x1dc: {  	_ =	swait.ge [sflag:s13], $0x680  }
0x1dd: {  	[sflag:s13] =	ssyncset.done $0x0  }
0x1de: {  	[sflag:s13] =	ssyncadd.s32 $0xFFFFF980  }
0x1df: {  	_ =	swait.ge [sflag:s13], $0x680  }
0x1e0: {  	[sflag:s13] =	ssyncset.done $0x0  }
0x1e1: {  	[sflag:s13] =	ssyncadd.s32 $0xFFFFF980  }
0x1e2: {  	_ =	swait.ge [sflag:s13], $0x680  }
0x1e3: {  	[sflag:s13] =	ssyncset.done $0x0  }
0x1e4: {  	s20 =	sadd.s32 $0x5B0, s18;
	s22 =	simm.s32 $0xD000;
	[sflag:s13] =	ssyncadd.s32 $0xFFFFF980  }
0x1e5: {  	[tilespmem:s22], [sflag:$0x8] =	stream.indirect.gather [hbm4b:s3+s12], $0x40, s20, s12, $0xb8;
	[tilespmem:$0x10400] =	vst v63  }
0x1e6: {  	_ =	swait.ge [sflag:s14], $0x680  }
0x1e7: {  	[sflag:s14] =	ssyncset.done $0x0  }
0x1e8: {  	[sflag:s14] =	ssyncadd.s32 $0xFFFFF980  }
0x1e9: {  	_ =	swait.ge [sflag:s14], $0x680  }
0x1ea: {  	[sflag:s14] =	ssyncset.done $0x0  }
0x1eb: {  	[sflag:s14] =	ssyncadd.s32 $0xFFFFF980  }
0x1ec: {  	_ =	swait.ge [sflag:s14], $0x680  }
0x1ed: {  	[sflag:s14] =	ssyncset.done $0x0  }
.Ltmp11:
0x1ee: {  	[sflag:s14] =	ssyncadd.s32 $0xFFFFF980;
	(pc) =	sbr.rel .LBB2_2-.Ltmp11, $4  }
0x1ef: {  	_ =	swait.ge [sflag:s14], $0x680  }
0x1f0: {  	[sflag:s14] =	ssyncset.done $0x0  }
0x1f1: {  	s16 =	sadd.s32 $0x1, s16;
	s18 =	sadd.s32 $0x618, s18;
	[sflag:s14] =	ssyncadd.s32 $0xFFFFF980  }
0x1f2: {  	[tilespmem:s26], [sflag:$0x9] =	stream.indirect.gather [hbm4b:s3+s12], $0x40, s18, s12, $0xb8;
	[tilespmem:$0x10400] =	vst v63  }
.LBB2_21:
0x1f3: {  	_ =	sfence.sel $0x180000  }
0x1f4: {  	[bflag:$0x0] =	sbarrier.arrive $0xFFFF  }
0x1f5: {  	_ =	strace $0x90000047  }
0x1f6: {  	s0 =	stileid.u32;
	[bflag:$0x2] =	sbarrier.arrive $0xFFFF  }
0x1f7: {  	p0 =	sne.s32 s0, $0x0;
	s0 =	rddreg [dreg:$0x2]  }
0x1f8: {  	s0 =	sadd.s32 @!p0 $0x100000, s0  }
0x1f9: {  	[sflag:s0] =	ssyncadd.tile.s32 @!p0 $0x1;
	_ =	shalt  }
.Lfunc_end2:
_tile_overlayer_lowered:
.L_overlay_start_2:
0x1fa: {  	(tag) =	ssettag $0x2  }
0x1fb: {  	s0 =	rddreg [dreg:$0x0];
	s2 =	stileid.u32  }
0x1fc: {  	s1 =	rddreg [dreg:$0x1];
	p0 =	sne.s32 s2, $0x0  }
0x1fd: {  	s3 =	rddreg [dreg:$0x2];
	[bflag:$0x3] =	sbarrier.arrive $0xFFFF;
	s2 =	simm.s32 @!p0 $0x1C12  }
0x1fe: {  	[timem:s3], [sflag:s2] =	dma.local @!p0 [hbm:s0], s1  }
0x1ff: {  	s0 =	simm.s32 @!p0 $0x12  }
0x200: {  	_ =	swait.ge @!p0 [sflag:s0], s1  }
0x201: {  	s1 =	ssub.s32 @!p0 $0x0, s1;
	[sflag:s0] =	ssyncset.done @!p0 $0x0  }
0x202: {  	[sflag:s0] =	ssyncadd.s32 @!p0 s1  }
0x203: {  	[bflag:$0x3] =	sbarrier.arrive $0xFFFF  }
0x204: {  	_ =	shalt  }

// kernel: sparse-core-data-format-call.cloned.1.call-start
scs
called_computation_lowered:
.L_overlay_start_0:
0x0: {  	s2 =	sld [smem:$0x3FD9]  }
0x1: {  	s3 =	sld [smem:$0x3FFE];
	_ =	sdelay $0x1  }
0x2: {  	s1 =	srdreg.scid  }
0x3: {  	s0 =	sand.u32 $0x1, s1  }
0x4: {  	s18 =	sshll.u32 s0, $0xA;
	s2 =	sadd.s32 s3, s2  }
0x5: {  	s2 =	sadd.s32 s2, s18  }
0x6: {  	[smem:$0x3FC6] =	sst s2  }
0x7: {  	_ = 	snop  }
0x8: {  	s2 =	sld [smem:$0x3FD0];
	(tm) =	ssettm $0x1  }
0x9: {  	s19 =	sld [smem:$0x3FFB];
	_ =	sdelay $0x3  }
0xa: {  	_ =	strace s19  }
0xb: {  	s3 =	sld [smem:$0x3FFC];
	_ =	sdelay $0x3  }
0xc: {  	_ =	strace s3  }
0xd: {  	s3 =	sld [smem:$0x3FFD];
	_ =	sdelay $0x3  }
0xe: {  	_ =	strace s3  }
0xf: {  	_ =	strace $0x8FFFFFFF  }
0x10: {  	s20 =	sld [smem:$0x3FDB];
	_ =	sdelay $0x1  }
0x11: {  	s4 =	simm.s32 $_scs_section_size  }
0x12: {  	s5 =	simm.s32 $_size__tile_overlayer_lowered;
	s6 =	simm.s32 $_tile_overlayer_lowered  }
0x13: {  	s23 =	simm.s32 $0x1BFF;
	s22 =	sshll.u32 s6, $0x1;
	s3 =	sadd.s32 s4, s20  }
0x14: {  	s7 =	simm.s32 $0x0;
	s21 =	sshll.u32 s5, $0x1;
	s5 =	sadd.s32 s22, s3  }
0x15: {  	[timem:s7], [sflag:s23] =	dma.local [hbm:s5], s21  }
0x16: {  	_ =	swait.ge [sflag:s23], s21  }
0x17: {  	s4 =	ssub.s32 $0x0, s21;
	[sflag:s23] =	ssyncset.done $0x0  }
0x18: {  	[sflag:s23] =	ssyncadd.s32 s4;
	_ =	sdelay $0x1  }
0x19: {  	s24 =	simm.s32 $0x1B8B  }
0x1a: {  	_ =	swait.ge [sflag:s24], $0x1  }
0x1b: {  	[sflag:s24] =	ssyncset.done $0x0  }
0x1c: {  	s26 =	simm.s32 $0x1B8E;
	s25 =	sld [smem:$0x3FFE];
	[sflag:s24] =	ssyncadd.s32 $0xFFFFFFFF  }
0x1d: {  	s27 =	simm.s32 $execute0_lowered;
	[smem:$0x3FD2] =	sst s26  }
0x1e: {  	s5 =	sshll.u32 s27, $0x1;
	_ =	strace $0x80000049;
	[dreg:$0x1] =	wrdreg $0xFFFFFFFF  }
0x1f: {  	s28 =	simm.s32 $_size_execute0_lowered;
	s3 =	sadd.s32 s3, s5;
	[dreg:$0x0] =	wrdreg $0x0  }
0x20: {  	s5 =	sshll.u32 s28, $0x1;
	[dreg:$0x2] =	wrdreg s3  }
0x21: {  	[dreg:$0x3] =	wrdreg s5  }
0x22: {  	[dreg:$0x4] =	wrdreg $0xC0  }
0x23: {  	_ =	task [dreg:s7], $0x5FFFF  }
0x24: {  	[dreg:$0x1] =	wrdreg $0xFFFFFFFF  }
0x25: {  	[dreg:$0x0] =	wrdreg $0x60  }
0x26: {  	[dreg:$0x2] =	wrdreg s25  }
0x27: {  	[dreg:$0x3] =	wrdreg s2  }
0x28: {  	[dreg:$0x4] =	wrdreg $0x9  }
0x29: {  	_ =	task.clear_ibuf [dreg:s7], $0x5FFFF;
	_ =	strace $0x90000049  }
0x2a: {  	s29 =	simm.s32 $0x9;
	_ =	strace $0x8000004B  }
0x2b: {  	_ =	swait.ge [sflag:s29], $0x1  }
0x2c: {  	[sflag:s29] =	ssyncadd.s32 $0xFFFFFFFF  }
0x2d: {  	_ =	strace $0x9000004B  }
0x2e: {  	_ =	sfence  }
0x2f: {  	s30 =	sld [smem:$0x0];
	_ =	sdelay $0x2  }
0x30: {  	s31 =	sshll.u32 s1, $0xD;
	s1 =	sshrl.u32 s1, $0x2  }
0x31: {  	s3 =	sand.u32 $0x4000, s31;
	s1 =	sadd.s32 s1, s30  }
0x32: {  	s0 =	sor.u32 s3, s0;
	s1 =	sshll.u32 s1, $0x11  }
0x33: {  	s0 =	sor.u32 s1, s0  }
0x34: {  	s0 =	sadd.s32 $0x8F2B, s0  }
0x35: {  	[sflag:s0] =	ssyncadd.remote.s32 $0x1  }
0x36: {  	_ =	sfence.sel $0xFFFF  }
0x37: {  	[dreg:$0x0] =	wrdreg $0xFFFFFFFF;
	(pc) =	sbr.abs _section_cstart, $3  }
0x38: {  	[dreg:$0x1] =	wrdreg $0xFFFFFFFF  }
0x39: {  	_ =	task.clear_ibuf [dreg:s7], $0x2FFFF;
	_ =	strace $0x9FFFFFFF  }
0x3a: {  	(tm) =	ssettm $0x7FFFFFFF  }
0x3b: {  	_ =	shalt  }
tec
execute0_lowered:
.L_overlay_start_1:
0x0: {  	(tag) =	ssettag $0x1  }
0x1: {  	s0 =	srdreg.scid  }
0x2: {  	s1 =	sshll.u32 s0, $0x4  }
0x3: {  	s0 =	stileid.u32;
	s1 =	sand.u32 $0x10, s1  }
0x4: {  	s1 =	sor.u32 s0, s1  }
0x5: {  	s6 =	rddreg [dreg:$0x0];
	s4 =	simm.s32 $0x1;
	s2 =	sshll.u32 s1, $0x7  }
0x6: {  	s7 =	simm.s32 $0x2;
	s12 =	simm.s32 $0x0;
	s1 =	ssub.s32 $0x4000, s2  }
0x7: {  	s8 =	simm.s32 $0x20000;
	s13 =	simm.s32 $0x0;
	s3 =	sand.u32 $0xF80, s1  }
0x8: {  	s9 =	simm.s32 $0x0;
	s5 =	sshrl.u32 s1, $0xC;
	p0 =	sne.s32 s3, $0x0  }
.Ltmp0:
0x9: {  	s1 =	rddreg [dreg:$0x2];
	s4 =	simm.s32 @!p0 $0x0;
	(pc) =	sbr.rel .LBB1_1-.Ltmp0, $4  }
0xa: {  	s11 =	simm.s32 $0x0;
	s3 =	rddreg [dreg:$0x1];
	s5 =	sadd.s32 s4, s5  }
0xb: {  	_ =	strace $0x8000004A;
	s4 =	simm.s32 $0x1;
	s5 =	smul.u32 $0x1A, s5  }
0xc: {  	s6 =	sadd.s32 $0xA00, s6;
	s10 =	smov.u32 s2;
	[sflag:s4] =	ssyncpa.u1 $0x0  }
0xd: {  	p0 =	por $0x0, $0x0;
	[sflag:s7] =	ssyncpa.u1 $0x0;
	s7 =	sor.u32 $0x1, s5  }
.LBB1_4:
0xe: {  	s16 =	sshll.u32 s13, $0x3;
	s17 =	sand.u32 $0x78, s13  }
0xf: {  	s30 =	sand.u32 $0x1F800, s13;
	s12 =	sshll.u32 s12, $0x11;
	s16 =	sand.u32 $0x3C00, s16  }
0x10: {  	[tilespmem:s15+$0x810 ss:$0x81] =	vst.msk $0xffff, v2;
	s31 =	sand.u32 $0x7, s13;
	s16 =	sor.u32 s17, s16;
	s17 =	sadd.s32 s3, s30  }
0x11: {  	[tilespmem:s15+$0x1020 ss:$0x81] =	vst.msk $0xffff, v0;
	s13 =	sshll.u32 s31, $0x12;
	s12 =	sadd.s32 s12, s17;
	s16 =	sshrl.u32 s16, $0x3  }
0x12: {  	[tilespmem:s15+$0x0 ss:$0x81] =	vst.msk $0xffff, v1;
	s13 =	sor.u32 $0x400, s13;
	s12 =	sadd.s32 s16, s12  }
0x13: {  	[hbm4b:s12+s13] =	stream.strided.scatter [tilespmem:s14], [sflag:$0x2], $0x2000, s8, s13, $0x20;
	[tilespmem:$0x8080] =	vst v63  }
.LBB1_5:
0x14: {  	s14 =	sadd.s32 $0x1, s9  }
0x15: {  	s12 =	sadd.s32 $0x1000, s10;
	s16 =	smov.u32 s10;
	p2 =	sgt.s32 s14, $0x19  }
0x16: {  	s16 =	smov.u32 @p2 s12  }
0x17: {  	s14 =	simm.s32 @p2 $0x0;
	p2 =	sgt.s32 s16, $0x3FFF  }
0x18: {  	s16 =	smov.u32 @p2 s2;
	p2 =	sne.s32 s11, s7  }
.Ltmp1:
0x19: {  	p1 =	slt.u32 s11, $0x2;
	(pc) =	sbr.rel @!p2 .LBB1_6-.Ltmp1, $4  }
0x1a: {  	s15 =	simm.s32 @!p1 $0x2  }
0x1b: {  	s13 =	smov.u32 s10;
	p0 =	por !p0, !p0;
	_ =	swait.ge @!p1 [sflag:s15], $0x2000  }
0x1c: {  	s12 =	smov.u32 s9;
	[sflag:s15] =	ssyncset.done @!p1 $0x0;
	s9 =	smov.u32 s14  }
0x1d: {  	s11 =	sadd.s32 $0x1, s11;
	[sflag:s15] =	ssyncadd.s32 @!p1 $0xFFFFE000;
	s10 =	smov.u32 s16  }
.LBB1_1:
0x1e: {  	p1 =	sge.u32 s11, s5  }
0x1f: {  	s31 =	sadd.s32 $0xFFFFFFFF, s11;
	s14 =	sxor.u32 @!p1 $0xFFFFFFFF, s11  }
0x20: {  	s15 =	sshll.u32 @!p1 s10, $0x9;
	s16 =	sshll.u32 @!p1 s9, $0x4;
	s17 =	simm.s32 @!p1 $0x1000  }
0x21: {  	s14 =	sshll.u32 @!p1 s14, $0xD;
	s16 =	sand.u32 @!p1 $0x1F0, s16;
	s15 =	sadd.s32 @!p1 s6, s15  }
0x22: {  	s14 =	sand.u32 @!p1 $0x2000, s14;
	s15 =	sadd.s32 @!p1 s16, s15;
	s16 =	simm.s32 @!p1 $0x40  }
0x23: {  	[tilespmem:s14], [sflag:$0x1] =	stream.strided.gather @!p1 [hbm4b:s15+s16], $0x2000, s17, s16, $0x38;
	[tilespmem:$0x8080] =	vst v63  }
0x24: {  	p1 =	sge.u32 s31, s5  }
.Ltmp2:
0x25: {  	_ = 	snop;
	(pc) =	sbr.rel @p1 .LBB1_5-.Ltmp2, $1  }
0x26: {  	_ =	sdelay $0x3  }
0x27: {  	s14 =	simm.s32 $0x1  }
0x28: {  	_ =	swait.ge [sflag:s4], $0x2000;
	s14 =	simm.s32 @!p0 $0x0  }
0x29: {  	[sflag:s4] =	ssyncset.done $0x0;
	s15 =	sshll.u32 s14, $0xD  }
0x2a: {  	[sflag:s4] =	ssyncadd.s32 $0xFFFFE000;
	s18 =	sor.u32 $0x20, s15  }
0x2b: {  	s14 =	smul.u32 $0x8100, s14;
	v3 =	vld [tilespmem:s18+$0x10]  }
0x2c: {  	s30 =	sand.u32 $0x1, s11;
	v2 =	vld [tilespmem:s18+$0xFFFFFFF0]  }
0x2d: {  	s15 =	smul.u32 $0x8100, s30;
	s14 =	sshrl.u32 s14, $0x2;
	v0 =	vld [tilespmem:s18+$0x0]  }
0x2e: {  	v1 =	vld [tilespmem:s18+$0xFFFFFFE0];
	s16 =	sor.u32 $0x4000, s14  }
0x2f: {  	s31 =	sshrl.u32 s15, $0x2;
	s15 =	sadd.s32 $0x0, s16  }
0x30: {  	s17 =	simm.s32 $0x4;
	s18 =	sadd.s32 $0x40, s18;
	s14 =	sor.u32 $0x4000, s31;
	[tilespmem:s15+$0x1830 ss:$0x81] =	vst.msk $0xffff, v3  }
.LBB1_3:
0x31: {  	v3 =	vld [tilespmem:s18+$0x10];
	p1 =	sne.s32 s17, $0x1FC;
	[tilespmem:s15+$0x810 ss:$0x81] =	vst.msk $0xffff, v2;
	s19 =	smov.u32 s17;
	s17 =	sadd.s32 $0x4, s17  }
.Ltmp3:
0x32: {  	v2 =	vld [tilespmem:s18+$0xFFFFFFF0];
	[tilespmem:s15+$0x1020 ss:$0x81] =	vst.msk $0xffff, v0;
	(pc) =	sbr.rel @p1 .LBB1_3-.Ltmp3, $4  }
0x33: {  	v0 =	vld [tilespmem:s18+$0x0];
	[tilespmem:s15+$0x0 ss:$0x81] =	vst.msk $0xffff, v1  }
0x34: {  	s15 =	sshra.s32 s19, $0x2;
	v1 =	vld [tilespmem:s18+$0xFFFFFFE0]  }
0x35: {  	s15 =	sadd.s32 s15, s16  }
0x36: {  	s18 =	sadd.s32 $0x40, s18;
	[tilespmem:s15+$0x1830 ss:$0x81] =	vst.msk $0xffff, v3  }
.Ltmp4:
0x37: {  	_ = 	snop;
	(pc) =	sbr.rel .LBB1_4-.Ltmp4, $1  }
0x38: {  	_ =	sdelay $0x3  }
.LBB1_6:
0x39: {  	_ =	sfence.sel $0x180000  }
0x3a: {  	s2 =	simm.s32 $0x1;
	[bflag:$0x0] =	sbarrier.arrive $0xFFFF  }
0x3b: {  	s31 =	simm.s32 $0x2;
	[sflag:s2] =	ssyncpa.u1 $0x1  }
0x3c: {  	[sflag:s31] =	ssyncpa.u1 $0x1  }
0x3d: {  	p0 =	sne.s32 s0, $0x0;
	_ =	strace $0x9000004A  }
0x3e: {  	s0 =	sadd.s32 @!p0 $0x100000, s1;
	[bflag:$0x2] =	sbarrier.arrive $0xFFFF  }
0x3f: {  	[sflag:s0] =	ssyncadd.tile.s32 @!p0 $0x1;
	_ =	shalt  }
.Lfunc_end1:
_tile_overlayer_lowered:
.L_overlay_start_2:
0x40: {  	(tag) =	ssettag $0x2  }
0x41: {  	s0 =	rddreg [dreg:$0x0];
	s2 =	stileid.u32  }
0x42: {  	s1 =	rddreg [dreg:$0x1];
	p0 =	sne.s32 s2, $0x0  }
0x43: {  	s3 =	rddreg [dreg:$0x2];
	[bflag:$0x3] =	sbarrier.arrive $0xFFFF;
	s2 =	simm.s32 @!p0 $0x1C01  }
0x44: {  	[timem:s3], [sflag:s2] =	dma.local @!p0 [hbm:s0], s1  }
0x45: {  	s0 =	simm.s32 @!p0 $0x1  }
0x46: {  	_ =	swait.ge @!p0 [sflag:s0], s1  }
0x47: {  	s1 =	ssub.s32 @!p0 $0x0, s1;
	[sflag:s0] =	ssyncset.done @!p0 $0x0  }
0x48: {  	[sflag:s0] =	ssyncadd.s32 @!p0 s1  }
0x49: {  	[bflag:$0x3] =	sbarrier.arrive $0xFFFF  }
0x4a: {  	_ =	shalt  }

</sc_bundles>
